<compile_context>
chip_gen: v7x
topology: tpu7x:2x2x1
jax: 0.10.2.dev20260603
libtpu: 0.0.44.dev20260713+nightly
codegen_flags: <defaults>
</compile_context>

<pallas_src>
import functools

import jax
import jax.numpy as jnp
from jax import lax
from jax.experimental import pallas as pl
from jax.experimental.pallas import tpu as pltpu
from jax.experimental.pallas import tpu_sc as plsc

TOP_K = 2
NUM_EXPERTS = 16
N_TOK = 8192
D_MODEL = 2048

TBLK = 1024
NBLK = N_TOK // TBLK

NC, NS, LANES = 2, 16, 16
NW = NC * NS
TOK_PER_W = N_TOK // NW
CH = 16
NCHUNK = TOK_PER_W // CH
STRIP = 2048
NSTRIP = N_TOK * TOP_K // STRIP


def _tc_route_body(logits_ref, clean_ref, nstd_ref,
                   gates_ref, load_ref, part_ref, hist_ref, start_ref,
                   rlo_ref, rhi_ref, elo_ref, ehi_ref, glo_ref, ghi_ref,
                   triu_ref):
    i = pl.program_id(0)

    @pl.when(i == 0)
    def _init():
        load_ref[...] = jnp.zeros((NUM_EXPERTS,), jnp.float32)
        part_ref[...] = jnp.zeros((NUM_EXPERTS,), jnp.int32)
        hist_ref[...] = jnp.zeros((NUM_EXPERTS, 1), jnp.int32)
        rowi = lax.broadcasted_iota(jnp.int32, (TBLK, TBLK), 0)
        colj = lax.broadcasted_iota(jnp.int32, (TBLK, TBLK), 1)
        triu_ref[...] = (rowi < colj).astype(jnp.bfloat16)

    lgT = logits_ref[...].T
    iota_e = lax.broadcasted_iota(jnp.int32, (NUM_EXPERTS, TBLK), 0)
    neginf = jnp.float32(-jnp.inf)

    m1 = jnp.max(lgT, axis=0, keepdims=True)
    i1 = jnp.min(jnp.where(lgT == m1, iota_e, NUM_EXPERTS),
                 axis=0, keepdims=True)
    l2 = jnp.where(iota_e == i1, neginf, lgT)
    m2 = jnp.max(l2, axis=0, keepdims=True)
    i2 = jnp.min(jnp.where(l2 == m2, iota_e, NUM_EXPERTS),
                 axis=0, keepdims=True)
    l3 = jnp.where(iota_e == i2, neginf, l2)
    m3 = jnp.max(l3, axis=0, keepdims=True)

    e2v = jnp.exp(m2 - m1)
    g1 = 1.0 / (1.0 + e2v)
    g2 = e2v / (1.0 + e2v)

    cleanT = clean_ref[...].T
    nstdT = nstd_ref[...].T
    inv_sqrt2 = jnp.float32(0.7071067811865476)
    th = jnp.where(lgT > m3, m3, m2)
    prob = 0.5 * (1.0 + lax.erf((cleanT - th) / nstdT * inv_sqrt2))
    load_ref[...] += prob.sum(axis=1)

    e_lo = jnp.minimum(i1, i2)
    e_hi = jnp.maximum(i1, i2)
    swap = i1 < i2
    g_lo = jnp.where(swap, g1, g2)
    g_hi = jnp.where(swap, g2, g1)
    ohlo = (iota_e == e_lo).astype(jnp.float32)
    ohhi = (iota_e == e_hi).astype(jnp.float32)
    pair_oh = ohlo + ohhi
    gates_ref[...] = (g_lo * ohlo + g_hi * ohhi).T
    part_blk = ((g_lo > 0).astype(jnp.float32) * ohlo
                + (g_hi > 0).astype(jnp.float32) * ohhi).sum(axis=1)
    part_ref[...] += part_blk.astype(jnp.int32)

    excl = jax.lax.dot(pair_oh.astype(jnp.bfloat16), triu_ref[...],
                       preferred_element_type=jnp.float32)

    carry = hist_ref[...].astype(jnp.float32)
    ec = excl + carry
    rank_lo = (ohlo * ec).sum(axis=0)
    rank_hi = (ohhi * ec).sum(axis=0)
    hist_ref[...] += pair_oh.sum(axis=1, keepdims=True).astype(jnp.int32)

    rlo_ref[...] = rank_lo.astype(jnp.int32)
    rhi_ref[...] = rank_hi.astype(jnp.int32)
    elo_ref[...] = e_lo[0, :]
    ehi_ref[...] = e_hi[0, :]
    glo_ref[...] = g_lo[0, :]
    ghi_ref[...] = g_hi[0, :]

    @pl.when(i == NBLK - 1)
    def _start():
        h = hist_ref[...]
        zc = jnp.zeros((NUM_EXPERTS, 1), jnp.int32)
        c = h
        for s in (1, 2, 4, 8):
            shifted = jnp.concatenate([zc[:s, :], c[:-s, :]], axis=0)
            c = c + shifted
        start_ref[...] = (c - h)[:, 0]


def _tc_route(logits, clean_logits, noise_std):
    out_shape = (
        jax.ShapeDtypeStruct((N_TOK, NUM_EXPERTS), jnp.float32),
        jax.ShapeDtypeStruct((NUM_EXPERTS,), jnp.float32),
        jax.ShapeDtypeStruct((NUM_EXPERTS,), jnp.int32),
        jax.ShapeDtypeStruct((NUM_EXPERTS, 1), jnp.int32),
        jax.ShapeDtypeStruct((NUM_EXPERTS,), jnp.int32),
        jax.ShapeDtypeStruct((N_TOK,), jnp.int32),
        jax.ShapeDtypeStruct((N_TOK,), jnp.int32),
        jax.ShapeDtypeStruct((N_TOK,), jnp.int32),
        jax.ShapeDtypeStruct((N_TOK,), jnp.int32),
        jax.ShapeDtypeStruct((N_TOK,), jnp.float32),
        jax.ShapeDtypeStruct((N_TOK,), jnp.float32),
    )
    blk_tok = pl.BlockSpec((TBLK, NUM_EXPERTS), lambda i: (i, 0))
    blk_one = pl.BlockSpec((NUM_EXPERTS, 1), lambda i: (0, 0))
    blk_sm = pl.BlockSpec((NUM_EXPERTS,), lambda i: (0,))
    blk_vec = pl.BlockSpec((TBLK,), lambda i: (i,))
    return pl.pallas_call(
        _tc_route_body,
        grid=(NBLK,),
        in_specs=[blk_tok, blk_tok, blk_tok],
        out_specs=(blk_tok, blk_sm, blk_sm, blk_one, blk_sm,
                   blk_vec, blk_vec, blk_vec, blk_vec, blk_vec, blk_vec),
        out_shape=out_shape,
        scratch_shapes=[pltpu.VMEM((TBLK, TBLK), jnp.bfloat16)],
    )(logits, clean_logits, noise_std)


def _sc_dispatch_body(net_hbm, start_hbm, rlo_hbm, rhi_hbm, elo_hbm, ehi_hbm,
                      glo_hbm, ghi_hbm,
                      ei_hbm, bi_hbm, gg_hbm,
                      start_v, rlo_v, rhi_v, elo_v, ehi_v,
                      posrow_v, rows_v, strip_r, strip_e, strip_g,
                      dest_bi_v, dest_gg_v,
                      semr0, semr1, sema0, sema1, semb0, semb1):
    wid = lax.axis_index("s") * NC + lax.axis_index("c")
    base = wid * TOK_PER_W
    iota16 = lax.iota(jnp.int32, LANES)

    pltpu.sync_copy(start_hbm, start_v)

    pltpu.sync_copy(rlo_hbm.at[pl.ds(base, TOK_PER_W)], rlo_v)
    pltpu.sync_copy(rhi_hbm.at[pl.ds(base, TOK_PER_W)], rhi_v)
    pltpu.sync_copy(elo_hbm.at[pl.ds(base, TOK_PER_W)], elo_v)
    pltpu.sync_copy(ehi_hbm.at[pl.ds(base, TOK_PER_W)], ehi_v)

    for j in range(NCHUNK):
        off = j * CH
        rk = rlo_v[pl.ds(off, LANES)]
        ee = elo_v[pl.ds(off, LANES)]
        posrow_v[2 * j, :] = plsc.load_gather(start_v, [ee]) + rk
        rk = rhi_v[pl.ds(off, LANES)]
        ee = ehi_v[pl.ds(off, LANES)]
        posrow_v[2 * j + 1, :] = plsc.load_gather(start_v, [ee]) + rk

    def do_strip(s, is_bi):
        lo_half = s < NSTRIP // 2
        src_r = rlo_hbm if lo_half else rhi_hbm
        src_e = elo_hbm if lo_half else ehi_hbm
        src_g = glo_hbm if lo_half else ghi_hbm
        tok0 = (s % (NSTRIP // 2)) * STRIP
        pltpu.sync_copy(src_r.at[pl.ds(tok0, STRIP)], strip_r)
        pltpu.sync_copy(src_e.at[pl.ds(tok0, STRIP)], strip_e)
        if not is_bi:
            pltpu.sync_copy(src_g.at[pl.ds(tok0, STRIP)], strip_g)

        def body(k, carry):
            off = pl.multiple_of(k * LANES, 8)
            pos = plsc.load_gather(start_v, [strip_e[pl.ds(off, LANES)]]) \
                + strip_r[pl.ds(off, LANES)]
            if is_bi:
                plsc.store_scatter(dest_bi_v, [pos],
                                   iota16 + (tok0 + k * LANES))
            else:
                plsc.store_scatter(dest_gg_v, [pos],
                                   strip_g[pl.ds(off, LANES)])
            return carry

        lax.fori_loop(0, STRIP // LANES, body, 0)

    read_sems = (semr0, semr1)
    scat_sems = ((sema0, semb0), (sema1, semb1))

    def start_read(j, b):
        return pltpu.async_copy(
            net_hbm.at[pl.ds(base + j * CH, CH)], rows_v.at[b], read_sems[b])

    pending_read = {0: start_read(0, 0)}
    pending_scat = {}
    for j in range(NCHUNK):
        b = j % 2
        if j + 1 < NCHUNK:
            if j >= 1:
                for h in pending_scat.pop(j - 1):
                    h.wait()
            pending_read[j + 1] = start_read(j + 1, 1 - b)
        pending_read.pop(j).wait()
        s0, s1 = scat_sems[b]
        pending_scat[j] = (
            pltpu.async_copy(rows_v.at[b], ei_hbm.at[posrow_v.at[2 * j]], s0),
            pltpu.async_copy(rows_v.at[b],
                             ei_hbm.at[posrow_v.at[2 * j + 1]], s1),
        )
        if 2 <= j < 2 + NSTRIP:
            strip_idx = j - 2

            @pl.when(wid == 0)
            def _bi_strip():
                do_strip(strip_idx, True)

            @pl.when(wid == 1)
            def _gg_strip():
                do_strip(strip_idx, False)

    for j in sorted(pending_scat):
        for h in pending_scat[j]:
            h.wait()

    @pl.when(wid == 0)
    def _bi_out():
        pltpu.sync_copy(dest_bi_v, bi_hbm)

    @pl.when(wid == 1)
    def _gg_out():
        pltpu.sync_copy(dest_gg_v, gg_hbm)


def _sc_dispatch(net, start, rlo, rhi, elo, ehi, glo, ghi):
    mesh = plsc.VectorSubcoreMesh(core_axis_name="c", subcore_axis_name="s")
    fn = functools.partial(
        pl.kernel,
        out_type=(
            jax.ShapeDtypeStruct((N_TOK * TOP_K, D_MODEL), jnp.float32),
            jax.ShapeDtypeStruct((N_TOK * TOP_K,), jnp.int32),
            jax.ShapeDtypeStruct((N_TOK * TOP_K,), jnp.float32),
        ),
        mesh=mesh,
        compiler_params=pltpu.CompilerParams(needs_layout_passes=False),
        scratch_types=[
            pltpu.VMEM((NUM_EXPERTS,), jnp.int32),
            pltpu.VMEM((TOK_PER_W,), jnp.int32),
            pltpu.VMEM((TOK_PER_W,), jnp.int32),
            pltpu.VMEM((TOK_PER_W,), jnp.int32),
            pltpu.VMEM((TOK_PER_W,), jnp.int32),
            pltpu.VMEM((2 * NCHUNK, CH), jnp.int32),
            pltpu.VMEM((2, CH, D_MODEL), jnp.float32),
            pltpu.VMEM((STRIP,), jnp.int32),
            pltpu.VMEM((STRIP,), jnp.int32),
            pltpu.VMEM((STRIP,), jnp.float32),
            pltpu.VMEM((N_TOK * TOP_K,), jnp.int32),
            pltpu.VMEM((N_TOK * TOP_K,), jnp.float32),
            pltpu.SemaphoreType.DMA,
            pltpu.SemaphoreType.DMA,
            pltpu.SemaphoreType.DMA,
            pltpu.SemaphoreType.DMA,
            pltpu.SemaphoreType.DMA,
            pltpu.SemaphoreType.DMA,
        ],
    )(_sc_dispatch_body)
    return fn(net, start, rlo, rhi, elo, ehi, glo, ghi)


def kernel(net, logits, clean_logits, noise_std):
    (gates, load, part, hist, start,
     rlo, rhi, elo, ehi, glo, ghi) = _tc_route(logits, clean_logits,
                                               noise_std)
    del hist
    ei, bi, gg = _sc_dispatch(net, start, rlo, rhi, elo, ehi, glo, ghi)
    return gates, ei, bi, gg[:, None], load, part

# --- scband reference (transcript-rebuilt; emitter-appended) ---
"""Pipeline reference for scband-mo-edispatcher-19731079758695 (READ-ONLY COPY).

The authoritative reference and input builder live on the scoring server;
editing this copy changes nothing except your own understanding.
"""

import jax, jax.numpy as jnp
import numpy as np
from jax.scipy.stats import norm

TOP_K = 2
NUM_EXPERTS = 16
N_TOK = 8192
D_MODEL = 2048

def setup_inputs(seed: int = 0) -> dict:
    key = jax.random.key(seed)
    k1, k2, k3, k4 = jax.random.split(key, 4)
    net = jax.random.normal(k1, (N_TOK, D_MODEL), dtype=jnp.float32)
    clean_logits = jax.random.normal(k2, (N_TOK, NUM_EXPERTS), dtype=jnp.float32)
    # noise_std must be strictly positive (it divides clean_logits shifts)
    noise_std = jax.random.uniform(k3, (N_TOK, NUM_EXPERTS), dtype=jnp.float32) * 0.5 + 0.5
    noise = jax.random.normal(k4, (N_TOK, NUM_EXPERTS), dtype=jnp.float32)
    logits = clean_logits + noise * noise_std
    return {"net": net, "logits": logits, "clean_logits": clean_logits, "noise_std": noise_std}

def reference(net, logits, clean_logits, noise_std):
    k = TOP_K
    N, E = logits.shape
    # top-(k+1) for noisy-load thresholds
    top_logits, top_indices = jax.lax.top_k(logits, min(k + 1, E))
    top_k_logits = top_logits[:, :k]
    top_k_indices = top_indices[:, :k]
    top_k_gates = jax.nn.softmax(top_k_logits, axis=1)
    # scatter-overwrite gates into dense [N, E]
    gates = jnp.zeros((N, E), dtype=net.dtype).at[jnp.arange(N)[:, None], top_k_indices].set(top_k_gates)
    part_sizes = (gates > 0).sum(0)
    # noisy load estimate (training path: noise_std given, k < num_experts)
    in_threshold = top_logits[:, k:k + 1]
    out_threshold = top_logits[:, k - 1:k]
    prob_if_in = norm.cdf((clean_logits - in_threshold) / noise_std)
    prob_if_out = norm.cdf((clean_logits - out_threshold) / noise_std)
    prob = jnp.where(logits > in_threshold, prob_if_in, prob_if_out)
    load = prob.sum(0)
    # torch.nonzero(gates) is row-major: (token, expert) pairs with per-row experts ascending
    row_ids = jnp.repeat(jnp.arange(N), k)
    expert_ids = jnp.sort(top_k_indices, axis=1).reshape(-1)
    # group tokens by expert (stable sort on expert column)
    order = jnp.argsort(expert_ids)
    batch_indices = row_ids[order]
    sorted_expert_ids = expert_ids[order]
    # gather dispatched token features (concatenation of per-expert splits)
    expert_inputs = jnp.take(net, batch_indices, axis=0)
    gates_expand = jnp.take(gates, batch_indices, axis=0)
    gates_gathered = jnp.take_along_axis(gates_expand, sorted_expert_ids[:, None], axis=1)
    return gates, expert_inputs, batch_indices, gates_gathered, load, part_sizes

if __name__ == "__main__":
    import jax
    _d = setup_inputs()
    print(jax.jit(kernel)(*tuple(_d.values())))

</pallas_src>

<mosaic_0001>
#map = affine_map<(d0, d1) -> (0, 0)>
#map1 = affine_map<(d0, d1) -> (0)>
module attributes {stable_mosaic.version = 14 : i64} {
  func.func @_sc_dispatch_body(%arg0: i32, %arg1: i32, %arg2: memref<8192x2048xf32, #tpu.memory_space<hbm>>, %arg3: memref<16xi32, #tpu.memory_space<hbm>>, %arg4: memref<8192xi32, #tpu.memory_space<hbm>>, %arg5: memref<8192xi32, #tpu.memory_space<hbm>>, %arg6: memref<8192xi32, #tpu.memory_space<hbm>>, %arg7: memref<8192xi32, #tpu.memory_space<hbm>>, %arg8: memref<8192xf32, #tpu.memory_space<hbm>>, %arg9: memref<8192xf32, #tpu.memory_space<hbm>>, %arg10: memref<16384x2048xf32, #tpu.memory_space<hbm>>, %arg11: memref<16384xi32, #tpu.memory_space<hbm>>, %arg12: memref<16384xf32, #tpu.memory_space<hbm>>, %arg13: memref<16xi32, #tpu.memory_space<vmem>>, %arg14: memref<256xi32, #tpu.memory_space<vmem>>, %arg15: memref<256xi32, #tpu.memory_space<vmem>>, %arg16: memref<256xi32, #tpu.memory_space<vmem>>, %arg17: memref<256xi32, #tpu.memory_space<vmem>>, %arg18: memref<32x16xi32, #tpu.memory_space<vmem>>, %arg19: memref<2x16x2048xf32, #tpu.memory_space<vmem>>, %arg20: memref<2048xi32, #tpu.memory_space<vmem>>, %arg21: memref<2048xi32, #tpu.memory_space<vmem>>, %arg22: memref<2048xf32, #tpu.memory_space<vmem>>, %arg23: memref<16384xi32, #tpu.memory_space<vmem>>, %arg24: memref<16384xf32, #tpu.memory_space<vmem>>, %arg25: memref<!tpu.dma_semaphore, #tpu.memory_space<semaphore_mem>>, %arg26: memref<!tpu.dma_semaphore, #tpu.memory_space<semaphore_mem>>, %arg27: memref<!tpu.dma_semaphore, #tpu.memory_space<semaphore_mem>>, %arg28: memref<!tpu.dma_semaphore, #tpu.memory_space<semaphore_mem>>, %arg29: memref<!tpu.dma_semaphore, #tpu.memory_space<semaphore_mem>>, %arg30: memref<!tpu.dma_semaphore, #tpu.memory_space<semaphore_mem>>) attributes {dimension_semantics = [#tpu.dimension_semantics<core_parallel>, #tpu.dimension_semantics<subcore_parallel>], iteration_bounds = array<i64: 2, 16>, scalar_prefetch = 0 : i64, scratch_operands = 18 : i64, tpu.core_type = #tpu.core_type<sc_vector_subcore>, window_params = [{transform_indices = #map}, {transform_indices = #map1}, {transform_indices = #map1}, {transform_indices = #map1}, {transform_indices = #map1}, {transform_indices = #map1}, {transform_indices = #map1}, {transform_indices = #map1}, {transform_indices = #map}, {transform_indices = #map1}, {transform_indices = #map1}]} {
    %mul3A = arith.constant 2 : i32
    %mul3A_0 = arith.muli %arg1, %mul3A : i32
    %add3A = arith.addi %mul3A_0, %arg0 : i32
    %mul3A_1 = arith.constant 256 : i32
    %mul3A_2 = arith.muli %add3A, %mul3A_1 : i32
    %iota3A = tpu.iota {dimensions = array<i32: 0>} : vector<16xi32>
    "tpu.region"() ({
      %run_scoped3A = tpu.sem_alloc : memref<!tpu.dma_semaphore, #tpu.memory_space<semaphore_mem>>
      tpu.enqueue_dma source(%arg3 : memref<16xi32, #tpu.memory_space<hbm>>) target(%arg13 : memref<16xi32, #tpu.memory_space<vmem>>) target_semaphore(%run_scoped3A : memref<!tpu.dma_semaphore, #tpu.memory_space<semaphore_mem>>)
      tpu.wait_dma2 semaphore(%run_scoped3A : memref<!tpu.dma_semaphore, #tpu.memory_space<semaphore_mem>>) src(%arg3 : memref<16xi32, #tpu.memory_space<hbm>>) dst(%arg13 : memref<16xi32, #tpu.memory_space<vmem>>)
      tpu.yield
    }) : () -> ()
    "tpu.region"() ({
      %run_scoped3A = tpu.sem_alloc : memref<!tpu.dma_semaphore, #tpu.memory_space<semaphore_mem>>
      %dma_start3A_1621 = tpu.memref_slice %arg4[%mul3A_2] : memref<8192xi32, #tpu.memory_space<hbm>> -> memref<256xi32, #tpu.memory_space<hbm>>
      %dma_start3A_1622 = tpu.memref_slice %arg4[%mul3A_2] : memref<8192xi32, #tpu.memory_space<hbm>> -> memref<256xi32, #tpu.memory_space<hbm>>
      tpu.enqueue_dma source(%dma_start3A_1622 : memref<256xi32, #tpu.memory_space<hbm>>) target(%arg14 : memref<256xi32, #tpu.memory_space<vmem>>) target_semaphore(%run_scoped3A : memref<!tpu.dma_semaphore, #tpu.memory_space<semaphore_mem>>)
      %dma_wait3A_1623 = tpu.memref_slice %arg4[%mul3A_2] : memref<8192xi32, #tpu.memory_space<hbm>> -> memref<256xi32, #tpu.memory_space<hbm>>
      %dma_wait3A_1624 = tpu.memref_slice %arg4[%mul3A_2] : memref<8192xi32, #tpu.memory_space<hbm>> -> memref<256xi32, #tpu.memory_space<hbm>>
      tpu.wait_dma2 semaphore(%run_scoped3A : memref<!tpu.dma_semaphore, #tpu.memory_space<semaphore_mem>>) src(%dma_wait3A_1624 : memref<256xi32, #tpu.memory_space<hbm>>) dst(%arg14 : memref<256xi32, #tpu.memory_space<vmem>>)
      tpu.yield
    }) : () -> ()
    "tpu.region"() ({
      %run_scoped3A = tpu.sem_alloc : memref<!tpu.dma_semaphore, #tpu.memory_space<semaphore_mem>>
      %dma_start3A_1621 = tpu.memref_slice %arg5[%mul3A_2] : memref<8192xi32, #tpu.memory_space<hbm>> -> memref<256xi32, #tpu.memory_space<hbm>>
      %dma_start3A_1622 = tpu.memref_slice %arg5[%mul3A_2] : memref<8192xi32, #tpu.memory_space<hbm>> -> memref<256xi32, #tpu.memory_space<hbm>>
      tpu.enqueue_dma source(%dma_start3A_1622 : memref<256xi32, #tpu.memory_space<hbm>>) target(%arg15 : memref<256xi32, #tpu.memory_space<vmem>>) target_semaphore(%run_scoped3A : memref<!tpu.dma_semaphore, #tpu.memory_space<semaphore_mem>>)
      %dma_wait3A_1623 = tpu.memref_slice %arg5[%mul3A_2] : memref<8192xi32, #tpu.memory_space<hbm>> -> memref<256xi32, #tpu.memory_space<hbm>>
      %dma_wait3A_1624 = tpu.memref_slice %arg5[%mul3A_2] : memref<8192xi32, #tpu.memory_space<hbm>> -> memref<256xi32, #tpu.memory_space<hbm>>
      tpu.wait_dma2 semaphore(%run_scoped3A : memref<!tpu.dma_semaphore, #tpu.memory_space<semaphore_mem>>) src(%dma_wait3A_1624 : memref<256xi32, #tpu.memory_space<hbm>>) dst(%arg15 : memref<256xi32, #tpu.memory_space<vmem>>)
      tpu.yield
    }) : () -> ()
    "tpu.region"() ({
      %run_scoped3A = tpu.sem_alloc : memref<!tpu.dma_semaphore, #tpu.memory_space<semaphore_mem>>
      %dma_start3A_1621 = tpu.memref_slice %arg6[%mul3A_2] : memref<8192xi32, #tpu.memory_space<hbm>> -> memref<256xi32, #tpu.memory_space<hbm>>
      %dma_start3A_1622 = tpu.memref_slice %arg6[%mul3A_2] : memref<8192xi32, #tpu.memory_space<hbm>> -> memref<256xi32, #tpu.memory_space<hbm>>
      tpu.enqueue_dma source(%dma_start3A_1622 : memref<256xi32, #tpu.memory_space<hbm>>) target(%arg16 : memref<256xi32, #tpu.memory_space<vmem>>) target_semaphore(%run_scoped3A : memref<!tpu.dma_semaphore, #tpu.memory_space<semaphore_mem>>)
      %dma_wait3A_1623 = tpu.memref_slice %arg6[%mul3A_2] : memref<8192xi32, #tpu.memory_space<hbm>> -> memref<256xi32, #tpu.memory_space<hbm>>
      %dma_wait3A_1624 = tpu.memref_slice %arg6[%mul3A_2] : memref<8192xi32, #tpu.memory_space<hbm>> -> memref<256xi32, #tpu.memory_space<hbm>>
      tpu.wait_dma2 semaphore(%run_scoped3A : memref<!tpu.dma_semaphore, #tpu.memory_space<semaphore_mem>>) src(%dma_wait3A_1624 : memref<256xi32, #tpu.memory_space<hbm>>) dst(%arg16 : memref<256xi32, #tpu.memory_space<vmem>>)
      tpu.yield
    }) : () -> ()
    "tpu.region"() ({
      %run_scoped3A = tpu.sem_alloc : memref<!tpu.dma_semaphore, #tpu.memory_space<semaphore_mem>>
      %dma_start3A_1621 = tpu.memref_slice %arg7[%mul3A_2] : memref<8192xi32, #tpu.memory_space<hbm>> -> memref<256xi32, #tpu.memory_space<hbm>>
      %dma_start3A_1622 = tpu.memref_slice %arg7[%mul3A_2] : memref<8192xi32, #tpu.memory_space<hbm>> -> memref<256xi32, #tpu.memory_space<hbm>>
      tpu.enqueue_dma source(%dma_start3A_1622 : memref<256xi32, #tpu.memory_space<hbm>>) target(%arg17 : memref<256xi32, #tpu.memory_space<vmem>>) target_semaphore(%run_scoped3A : memref<!tpu.dma_semaphore, #tpu.memory_space<semaphore_mem>>)
      %dma_wait3A_1623 = tpu.memref_slice %arg7[%mul3A_2] : memref<8192xi32, #tpu.memory_space<hbm>> -> memref<256xi32, #tpu.memory_space<hbm>>
      %dma_wait3A_1624 = tpu.memref_slice %arg7[%mul3A_2] : memref<8192xi32, #tpu.memory_space<hbm>> -> memref<256xi32, #tpu.memory_space<hbm>>
      tpu.wait_dma2 semaphore(%run_scoped3A : memref<!tpu.dma_semaphore, #tpu.memory_space<semaphore_mem>>) src(%dma_wait3A_1624 : memref<256xi32, #tpu.memory_space<hbm>>) dst(%arg17 : memref<256xi32, #tpu.memory_space<vmem>>)
      tpu.yield
    }) : () -> ()
    %get3A = arith.constant 0 : index
    %get3A_3 = tpu.vector_load %arg14[%get3A] {strides = array<i32>} : memref<256xi32, #tpu.memory_space<vmem>>, vector<16xi32>,
    %get3A_4 = arith.constant 0 : index
    %get3A_5 = tpu.vector_load %arg16[%get3A_4] {strides = array<i32>} : memref<256xi32, #tpu.memory_space<vmem>>, vector<16xi32>,
    %gather3A = tpu.vector_load_idx %arg13[%get3A_5] : memref<16xi32, #tpu.memory_space<vmem>>[vector<16xi32>], vector<16xi32>,
    %add3A_6 = arith.addi %gather3A, %get3A_3 : vector<16xi32>
    %swap3A = arith.constant 0 : i32
    %swap3A_7 = arith.index_cast %swap3A : i32 to index
    %swap3A_8 = arith.constant 0 : index
    %swap3A_9 = tpu.vector_load %arg18[%swap3A_7, %swap3A_8] {strides = array<i32>} : memref<32x16xi32, #tpu.memory_space<vmem>>, vector<16xi32>,
    tpu.vector_store %arg18[%swap3A_7, %swap3A_8], %add3A_6 {strides = array<i32>} : memref<32x16xi32, #tpu.memory_space<vmem>>, vector<16xi32>,
    %get3A_10 = arith.constant 0 : index
    %get3A_11 = tpu.vector_load %arg15[%get3A_10] {strides = array<i32>} : memref<256xi32, #tpu.memory_space<vmem>>, vector<16xi32>,
    %get3A_12 = arith.constant 0 : index
    %get3A_13 = tpu.vector_load %arg17[%get3A_12] {strides = array<i32>} : memref<256xi32, #tpu.memory_space<vmem>>, vector<16xi32>,
    %gather3A_14 = tpu.vector_load_idx %arg13[%get3A_13] : memref<16xi32, #tpu.memory_space<vmem>>[vector<16xi32>], vector<16xi32>,
    %add3A_15 = arith.addi %gather3A_14, %get3A_11 : vector<16xi32>
    %swap3A_16 = arith.constant 1 : i32
    %swap3A_17 = arith.index_cast %swap3A_16 : i32 to index
    %swap3A_18 = arith.constant 0 : index
    %swap3A_19 = tpu.vector_load %arg18[%swap3A_17, %swap3A_18] {strides = array<i32>} : memref<32x16xi32, #tpu.memory_space<vmem>>, vector<16xi32>,
    tpu.vector_store %arg18[%swap3A_17, %swap3A_18], %add3A_15 {strides = array<i32>} : memref<32x16xi32, #tpu.memory_space<vmem>>, vector<16xi32>,
    %get3A_20 = arith.constant 16 : index
    %get3A_21 = tpu.vector_load %arg14[%get3A_20] {strides = array<i32>} : memref<256xi32, #tpu.memory_space<vmem>>, vector<16xi32>,
    %get3A_22 = arith.constant 16 : index
    %get3A_23 = tpu.vector_load %arg16[%get3A_22] {strides = array<i32>} : memref<256xi32, #tpu.memory_space<vmem>>, vector<16xi32>,
    %gather3A_24 = tpu.vector_load_idx %arg13[%get3A_23] : memref<16xi32, #tpu.memory_space<vmem>>[vector<16xi32>], vector<16xi32>,
    %add3A_25 = arith.addi %gather3A_24, %get3A_21 : vector<16xi32>
    %swap3A_26 = arith.constant 2 : i32
    %swap3A_27 = arith.index_cast %swap3A_26 : i32 to index
    %swap3A_28 = arith.constant 0 : index
    %swap3A_29 = tpu.vector_load %arg18[%swap3A_27, %swap3A_28] {strides = array<i32>} : memref<32x16xi32, #tpu.memory_space<vmem>>, vector<16xi32>,
    tpu.vector_store %arg18[%swap3A_27, %swap3A_28], %add3A_25 {strides = array<i32>} : memref<32x16xi32, #tpu.memory_space<vmem>>, vector<16xi32>,
    %get3A_30 = arith.constant 16 : index
    %get3A_31 = tpu.vector_load %arg15[%get3A_30] {strides = array<i32>} : memref<256xi32, #tpu.memory_space<vmem>>, vector<16xi32>,
    %get3A_32 = arith.constant 16 : index
    %get3A_33 = tpu.vector_load %arg17[%get3A_32] {strides = array<i32>} : memref<256xi32, #tpu.memory_space<vmem>>, vector<16xi32>,
    %gather3A_34 = tpu.vector_load_idx %arg13[%get3A_33] : memref<16xi32, #tpu.memory_space<vmem>>[vector<16xi32>], vector<16xi32>,
    %add3A_35 = arith.addi %gather3A_34, %get3A_31 : vector<16xi32>
    %swap3A_36 = arith.constant 3 : i32
    %swap3A_37 = arith.index_cast %swap3A_36 : i32 to index
    %swap3A_38 = arith.constant 0 : index
    %swap3A_39 = tpu.vector_load %arg18[%swap3A_37, %swap3A_38] {strides = array<i32>} : memref<32x16xi32, #tpu.memory_space<vmem>>, vector<16xi32>,
    tpu.vector_store %arg18[%swap3A_37, %swap3A_38], %add3A_35 {strides = array<i32>} : memref<32x16xi32, #tpu.memory_space<vmem>>, vector<16xi32>,
    %get3A_40 = arith.constant 32 : index
    %get3A_41 = tpu.vector_load %arg14[%get3A_40] {strides = array<i32>} : memref<256xi32, #tpu.memory_space<vmem>>, vector<16xi32>,
    %get3A_42 = arith.constant 32 : index
    %get3A_43 = tpu.vector_load %arg16[%get3A_42] {strides = array<i32>} : memref<256xi32, #tpu.memory_space<vmem>>, vector<16xi32>,
    %gather3A_44 = tpu.vector_load_idx %arg13[%get3A_43] : memref<16xi32, #tpu.memory_space<vmem>>[vector<16xi32>], vector<16xi32>,
    %add3A_45 = arith.addi %gather3A_44, %get3A_41 : vector<16xi32>
    %swap3A_46 = arith.constant 4 : i32
    %swap3A_47 = arith.index_cast %swap3A_46 : i32 to index
    %swap3A_48 = arith.constant 0 : index
    %swap3A_49 = tpu.vector_load %arg18[%swap3A_47, %swap3A_48] {strides = array<i32>} : memref<32x16xi32, #tpu.memory_space<vmem>>, vector<16xi32>,
    tpu.vector_store %arg18[%swap3A_47, %swap3A_48], %add3A_45 {strides = array<i32>} : memref<32x16xi32, #tpu.memory_space<vmem>>, vector<16xi32>,
    %get3A_50 = arith.constant 32 : index
    %get3A_51 = tpu.vector_load %arg15[%get3A_50] {strides = array<i32>} : memref<256xi32, #tpu.memory_space<vmem>>, vector<16xi32>,
    %get3A_52 = arith.constant 32 : index
    %get3A_53 = tpu.vector_load %arg17[%get3A_52] {strides = array<i32>} : memref<256xi32, #tpu.memory_space<vmem>>, vector<16xi32>,
    %gather3A_54 = tpu.vector_load_idx %arg13[%get3A_53] : memref<16xi32, #tpu.memory_space<vmem>>[vector<16xi32>], vector<16xi32>,
    %add3A_55 = arith.addi %gather3A_54, %get3A_51 : vector<16xi32>
    %swap3A_56 = arith.constant 5 : i32
    %swap3A_57 = arith.index_cast %swap3A_56 : i32 to index
    %swap3A_58 = arith.constant 0 : index
    %swap3A_59 = tpu.vector_load %arg18[%swap3A_57, %swap3A_58] {strides = array<i32>} : memref<32x16xi32, #tpu.memory_space<vmem>>, vector<16xi32>,
    tpu.vector_store %arg18[%swap3A_57, %swap3A_58], %add3A_55 {strides = array<i32>} : memref<32x16xi32, #tpu.memory_space<vmem>>, vector<16xi32>,
    %get3A_60 = arith.constant 48 : index
    %get3A_61 = tpu.vector_load %arg14[%get3A_60] {strides = array<i32>} : memref<256xi32, #tpu.memory_space<vmem>>, vector<16xi32>,
    %get3A_62 = arith.constant 48 : index
    %get3A_63 = tpu.vector_load %arg16[%get3A_62] {strides = array<i32>} : memref<256xi32, #tpu.memory_space<vmem>>, vector<16xi32>,
    %gather3A_64 = tpu.vector_load_idx %arg13[%get3A_63] : memref<16xi32, #tpu.memory_space<vmem>>[vector<16xi32>], vector<16xi32>,
    %add3A_65 = arith.addi %gather3A_64, %get3A_61 : vector<16xi32>
    %swap3A_66 = arith.constant 6 : i32
    %swap3A_67 = arith.index_cast %swap3A_66 : i32 to index
    %swap3A_68 = arith.constant 0 : index
    %swap3A_69 = tpu.vector_load %arg18[%swap3A_67, %swap3A_68] {strides = array<i32>} : memref<32x16xi32, #tpu.memory_space<vmem>>, vector<16xi32>,
    tpu.vector_store %arg18[%swap3A_67, %swap3A_68], %add3A_65 {strides = array<i32>} : memref<32x16xi32, #tpu.memory_space<vmem>>, vector<16xi32>,
    %get3A_70 = arith.constant 48 : index
    %get3A_71 = tpu.vector_load %arg15[%get3A_70] {strides = array<i32>} : memref<256xi32, #tpu.memory_space<vmem>>, vector<16xi32>,
    %get3A_72 = arith.constant 48 : index
    %get3A_73 = tpu.vector_load %arg17[%get3A_72] {strides = array<i32>} : memref<256xi32, #tpu.memory_space<vmem>>, vector<16xi32>,
    %gather3A_74 = tpu.vector_load_idx %arg13[%get3A_73] : memref<16xi32, #tpu.memory_space<vmem>>[vector<16xi32>], vector<16xi32>,
    %add3A_75 = arith.addi %gather3A_74, %get3A_71 : vector<16xi32>
    %swap3A_76 = arith.constant 7 : i32
    %swap3A_77 = arith.index_cast %swap3A_76 : i32 to index
    %swap3A_78 = arith.constant 0 : index
    %swap3A_79 = tpu.vector_load %arg18[%swap3A_77, %swap3A_78] {strides = array<i32>} : memref<32x16xi32, #tpu.memory_space<vmem>>, vector<16xi32>,
    tpu.vector_store %arg18[%swap3A_77, %swap3A_78], %add3A_75 {strides = array<i32>} : memref<32x16xi32, #tpu.memory_space<vmem>>, vector<16xi32>,
    %get3A_80 = arith.constant 64 : index
    %get3A_81 = tpu.vector_load %arg14[%get3A_80] {strides = array<i32>} : memref<256xi32, #tpu.memory_space<vmem>>, vector<16xi32>,
    %get3A_82 = arith.constant 64 : index
    %get3A_83 = tpu.vector_load %arg16[%get3A_82] {strides = array<i32>} : memref<256xi32, #tpu.memory_space<vmem>>, vector<16xi32>,
    %gather3A_84 = tpu.vector_load_idx %arg13[%get3A_83] : memref<16xi32, #tpu.memory_space<vmem>>[vector<16xi32>], vector<16xi32>,
    %add3A_85 = arith.addi %gather3A_84, %get3A_81 : vector<16xi32>
    %swap3A_86 = arith.constant 8 : i32
    %swap3A_87 = arith.index_cast %swap3A_86 : i32 to index
    %swap3A_88 = arith.constant 0 : index
    %swap3A_89 = tpu.vector_load %arg18[%swap3A_87, %swap3A_88] {strides = array<i32>} : memref<32x16xi32, #tpu.memory_space<vmem>>, vector<16xi32>,
    tpu.vector_store %arg18[%swap3A_87, %swap3A_88], %add3A_85 {strides = array<i32>} : memref<32x16xi32, #tpu.memory_space<vmem>>, vector<16xi32>,
    %get3A_90 = arith.constant 64 : index
    %get3A_91 = tpu.vector_load %arg15[%get3A_90] {strides = array<i32>} : memref<256xi32, #tpu.memory_space<vmem>>, vector<16xi32>,
    %get3A_92 = arith.constant 64 : index
    %get3A_93 = tpu.vector_load %arg17[%get3A_92] {strides = array<i32>} : memref<256xi32, #tpu.memory_space<vmem>>, vector<16xi32>,
    %gather3A_94 = tpu.vector_load_idx %arg13[%get3A_93] : memref<16xi32, #tpu.memory_space<vmem>>[vector<16xi32>], vector<16xi32>,
    %add3A_95 = arith.addi %gather3A_94, %get3A_91 : vector<16xi32>
    %swap3A_96 = arith.constant 9 : i32
    %swap3A_97 = arith.index_cast %swap3A_96 : i32 to index
    %swap3A_98 = arith.constant 0 : index
    %swap3A_99 = tpu.vector_load %arg18[%swap3A_97, %swap3A_98] {strides = array<i32>} : memref<32x16xi32, #tpu.memory_space<vmem>>, vector<16xi32>,
    tpu.vector_store %arg18[%swap3A_97, %swap3A_98], %add3A_95 {strides = array<i32>} : memref<32x16xi32, #tpu.memory_space<vmem>>, vector<16xi32>,
    %get3A_100 = arith.constant 80 : index
    %get3A_101 = tpu.vector_load %arg14[%get3A_100] {strides = array<i32>} : memref<256xi32, #tpu.memory_space<vmem>>, vector<16xi32>,
    %get3A_102 = arith.constant 80 : index
    %get3A_103 = tpu.vector_load %arg16[%get3A_102] {strides = array<i32>} : memref<256xi32, #tpu.memory_space<vmem>>, vector<16xi32>,
    %gather3A_104 = tpu.vector_load_idx %arg13[%get3A_103] : memref<16xi32, #tpu.memory_space<vmem>>[vector<16xi32>], vector<16xi32>,
    %add3A_105 = arith.addi %gather3A_104, %get3A_101 : vector<16xi32>
    %swap3A_106 = arith.constant 10 : i32
    %swap3A_107 = arith.index_cast %swap3A_106 : i32 to index
    %swap3A_108 = arith.constant 0 : index
    %swap3A_109 = tpu.vector_load %arg18[%swap3A_107, %swap3A_108] {strides = array<i32>} : memref<32x16xi32, #tpu.memory_space<vmem>>, vector<16xi32>,
    tpu.vector_store %arg18[%swap3A_107, %swap3A_108], %add3A_105 {strides = array<i32>} : memref<32x16xi32, #tpu.memory_space<vmem>>, vector<16xi32>,
    %get3A_110 = arith.constant 80 : index
    %get3A_111 = tpu.vector_load %arg15[%get3A_110] {strides = array<i32>} : memref<256xi32, #tpu.memory_space<vmem>>, vector<16xi32>,
    %get3A_112 = arith.constant 80 : index
    %get3A_113 = tpu.vector_load %arg17[%get3A_112] {strides = array<i32>} : memref<256xi32, #tpu.memory_space<vmem>>, vector<16xi32>,
    %gather3A_114 = tpu.vector_load_idx %arg13[%get3A_113] : memref<16xi32, #tpu.memory_space<vmem>>[vector<16xi32>], vector<16xi32>,
    %add3A_115 = arith.addi %gather3A_114, %get3A_111 : vector<16xi32>
    %swap3A_116 = arith.constant 11 : i32
    %swap3A_117 = arith.index_cast %swap3A_116 : i32 to index
    %swap3A_118 = arith.constant 0 : index
    %swap3A_119 = tpu.vector_load %arg18[%swap3A_117, %swap3A_118] {strides = array<i32>} : memref<32x16xi32, #tpu.memory_space<vmem>>, vector<16xi32>,
    tpu.vector_store %arg18[%swap3A_117, %swap3A_118], %add3A_115 {strides = array<i32>} : memref<32x16xi32, #tpu.memory_space<vmem>>, vector<16xi32>,
    %get3A_120 = arith.constant 96 : index
    %get3A_121 = tpu.vector_load %arg14[%get3A_120] {strides = array<i32>} : memref<256xi32, #tpu.memory_space<vmem>>, vector<16xi32>,
    %get3A_122 = arith.constant 96 : index
    %get3A_123 = tpu.vector_load %arg16[%get3A_122] {strides = array<i32>} : memref<256xi32, #tpu.memory_space<vmem>>, vector<16xi32>,
    %gather3A_124 = tpu.vector_load_idx %arg13[%get3A_123] : memref<16xi32, #tpu.memory_space<vmem>>[vector<16xi32>], vector<16xi32>,
    %add3A_125 = arith.addi %gather3A_124, %get3A_121 : vector<16xi32>
    %swap3A_126 = arith.constant 12 : i32
    %swap3A_127 = arith.index_cast %swap3A_126 : i32 to index
    %swap3A_128 = arith.constant 0 : index
    %swap3A_129 = tpu.vector_load %arg18[%swap3A_127, %swap3A_128] {strides = array<i32>} : memref<32x16xi32, #tpu.memory_space<vmem>>, vector<16xi32>,
    tpu.vector_store %arg18[%swap3A_127, %swap3A_128], %add3A_125 {strides = array<i32>} : memref<32x16xi32, #tpu.memory_space<vmem>>, vector<16xi32>,
    %get3A_130 = arith.constant 96 : index
    %get3A_131 = tpu.vector_load %arg15[%get3A_130] {strides = array<i32>} : memref<256xi32, #tpu.memory_space<vmem>>, vector<16xi32>,
    %get3A_132 = arith.constant 96 : index
    %get3A_133 = tpu.vector_load %arg17[%get3A_132] {strides = array<i32>} : memref<256xi32, #tpu.memory_space<vmem>>, vector<16xi32>,
    %gather3A_134 = tpu.vector_load_idx %arg13[%get3A_133] : memref<16xi32, #tpu.memory_space<vmem>>[vector<16xi32>], vector<16xi32>,
    %add3A_135 = arith.addi %gather3A_134, %get3A_131 : vector<16xi32>
    %swap3A_136 = arith.constant 13 : i32
    %swap3A_137 = arith.index_cast %swap3A_136 : i32 to index
    %swap3A_138 = arith.constant 0 : index
    %swap3A_139 = tpu.vector_load %arg18[%swap3A_137, %swap3A_138] {strides = array<i32>} : memref<32x16xi32, #tpu.memory_space<vmem>>, vector<16xi32>,
    tpu.vector_store %arg18[%swap3A_137, %swap3A_138], %add3A_135 {strides = array<i32>} : memref<32x16xi32, #tpu.memory_space<vmem>>, vector<16xi32>,
    %get3A_140 = arith.constant 112 : index
    %get3A_141 = tpu.vector_load %arg14[%get3A_140] {strides = array<i32>} : memref<256xi32, #tpu.memory_space<vmem>>, vector<16xi32>,
    %get3A_142 = arith.constant 112 : index
    %get3A_143 = tpu.vector_load %arg16[%get3A_142] {strides = array<i32>} : memref<256xi32, #tpu.memory_space<vmem>>, vector<16xi32>,
    %gather3A_144 = tpu.vector_load_idx %arg13[%get3A_143] : memref<16xi32, #tpu.memory_space<vmem>>[vector<16xi32>], vector<16xi32>,
    %add3A_145 = arith.addi %gather3A_144, %get3A_141 : vector<16xi32>
    %swap3A_146 = arith.constant 14 : i32
    %swap3A_147 = arith.index_cast %swap3A_146 : i32 to index
    %swap3A_148 = arith.constant 0 : index
    %swap3A_149 = tpu.vector_load %arg18[%swap3A_147, %swap3A_148] {strides = array<i32>} : memref<32x16xi32, #tpu.memory_space<vmem>>, vector<16xi32>,
    tpu.vector_store %arg18[%swap3A_147, %swap3A_148], %add3A_145 {strides = array<i32>} : memref<32x16xi32, #tpu.memory_space<vmem>>, vector<16xi32>,
    %get3A_150 = arith.constant 112 : index
    %get3A_151 = tpu.vector_load %arg15[%get3A_150] {strides = array<i32>} : memref<256xi32, #tpu.memory_space<vmem>>, vector<16xi32>,
    %get3A_152 = arith.constant 112 : index
    %get3A_153 = tpu.vector_load %arg17[%get3A_152] {strides = array<i32>} : memref<256xi32, #tpu.memory_space<vmem>>, vector<16xi32>,
    %gather3A_154 = tpu.vector_load_idx %arg13[%get3A_153] : memref<16xi32, #tpu.memory_space<vmem>>[vector<16xi32>], vector<16xi32>,
    %add3A_155 = arith.addi %gather3A_154, %get3A_151 : vector<16xi32>
    %swap3A_156 = arith.constant 15 : i32
    %swap3A_157 = arith.index_cast %swap3A_156 : i32 to index
    %swap3A_158 = arith.constant 0 : index
    %swap3A_159 = tpu.vector_load %arg18[%swap3A_157, %swap3A_158] {strides = array<i32>} : memref<32x16xi32, #tpu.memory_space<vmem>>, vector<16xi32>,
    tpu.vector_store %arg18[%swap3A_157, %swap3A_158], %add3A_155 {strides = array<i32>} : memref<32x16xi32, #tpu.memory_space<vmem>>, vector<16xi32>,
    %get3A_160 = arith.constant 128 : index
    %get3A_161 = tpu.vector_load %arg14[%get3A_160] {strides = array<i32>} : memref<256xi32, #tpu.memory_space<vmem>>, vector<16xi32>,
    %get3A_162 = arith.constant 128 : index
    %get3A_163 = tpu.vector_load %arg16[%get3A_162] {strides = array<i32>} : memref<256xi32, #tpu.memory_space<vmem>>, vector<16xi32>,
    %gather3A_164 = tpu.vector_load_idx %arg13[%get3A_163] : memref<16xi32, #tpu.memory_space<vmem>>[vector<16xi32>], vector<16xi32>,
    %add3A_165 = arith.addi %gather3A_164, %get3A_161 : vector<16xi32>
    %swap3A_166 = arith.constant 16 : i32
    %swap3A_167 = arith.index_cast %swap3A_166 : i32 to index
    %swap3A_168 = arith.constant 0 : index
    %swap3A_169 = tpu.vector_load %arg18[%swap3A_167, %swap3A_168] {strides = array<i32>} : memref<32x16xi32, #tpu.memory_space<vmem>>, vector<16xi32>,
    tpu.vector_store %arg18[%swap3A_167, %swap3A_168], %add3A_165 {strides = array<i32>} : memref<32x16xi32, #tpu.memory_space<vmem>>, vector<16xi32>,
    %get3A_170 = arith.constant 128 : index
    %get3A_171 = tpu.vector_load %arg15[%get3A_170] {strides = array<i32>} : memref<256xi32, #tpu.memory_space<vmem>>, vector<16xi32>,
    %get3A_172 = arith.constant 128 : index
    %get3A_173 = tpu.vector_load %arg17[%get3A_172] {strides = array<i32>} : memref<256xi32, #tpu.memory_space<vmem>>, vector<16xi32>,
    %gather3A_174 = tpu.vector_load_idx %arg13[%get3A_173] : memref<16xi32, #tpu.memory_space<vmem>>[vector<16xi32>], vector<16xi32>,
    %add3A_175 = arith.addi %gather3A_174, %get3A_171 : vector<16xi32>
    %swap3A_176 = arith.constant 17 : i32
    %swap3A_177 = arith.index_cast %swap3A_176 : i32 to index
    %swap3A_178 = arith.constant 0 : index
    %swap3A_179 = tpu.vector_load %arg18[%swap3A_177, %swap3A_178] {strides = array<i32>} : memref<32x16xi32, #tpu.memory_space<vmem>>, vector<16xi32>,
    tpu.vector_store %arg18[%swap3A_177, %swap3A_178], %add3A_175 {strides = array<i32>} : memref<32x16xi32, #tpu.memory_space<vmem>>, vector<16xi32>,
    %get3A_180 = arith.constant 144 : index
    %get3A_181 = tpu.vector_load %arg14[%get3A_180] {strides = array<i32>} : memref<256xi32, #tpu.memory_space<vmem>>, vector<16xi32>,
    %get3A_182 = arith.constant 144 : index
    %get3A_183 = tpu.vector_load %arg16[%get3A_182] {strides = array<i32>} : memref<256xi32, #tpu.memory_space<vmem>>, vector<16xi32>,
    %gather3A_184 = tpu.vector_load_idx %arg13[%get3A_183] : memref<16xi32, #tpu.memory_space<vmem>>[vector<16xi32>], vector<16xi32>,
    %add3A_185 = arith.addi %gather3A_184, %get3A_181 : vector<16xi32>
    %swap3A_186 = arith.constant 18 : i32
    %swap3A_187 = arith.index_cast %swap3A_186 : i32 to index
    %swap3A_188 = arith.constant 0 : index
    %swap3A_189 = tpu.vector_load %arg18[%swap3A_187, %swap3A_188] {strides = array<i32>} : memref<32x16xi32, #tpu.memory_space<vmem>>, vector<16xi32>,
    tpu.vector_store %arg18[%swap3A_187, %swap3A_188], %add3A_185 {strides = array<i32>} : memref<32x16xi32, #tpu.memory_space<vmem>>, vector<16xi32>,
    %get3A_190 = arith.constant 144 : index
    %get3A_191 = tpu.vector_load %arg15[%get3A_190] {strides = array<i32>} : memref<256xi32, #tpu.memory_space<vmem>>, vector<16xi32>,
    %get3A_192 = arith.constant 144 : index
    %get3A_193 = tpu.vector_load %arg17[%get3A_192] {strides = array<i32>} : memref<256xi32, #tpu.memory_space<vmem>>, vector<16xi32>,
    %gather3A_194 = tpu.vector_load_idx %arg13[%get3A_193] : memref<16xi32, #tpu.memory_space<vmem>>[vector<16xi32>], vector<16xi32>,
    %add3A_195 = arith.addi %gather3A_194, %get3A_191 : vector<16xi32>
    %swap3A_196 = arith.constant 19 : i32
    %swap3A_197 = arith.index_cast %swap3A_196 : i32 to index
    %swap3A_198 = arith.constant 0 : index
    %swap3A_199 = tpu.vector_load %arg18[%swap3A_197, %swap3A_198] {strides = array<i32>} : memref<32x16xi32, #tpu.memory_space<vmem>>, vector<16xi32>,
    tpu.vector_store %arg18[%swap3A_197, %swap3A_198], %add3A_195 {strides = array<i32>} : memref<32x16xi32, #tpu.memory_space<vmem>>, vector<16xi32>,
    %get3A_200 = arith.constant 160 : index
    %get3A_201 = tpu.vector_load %arg14[%get3A_200] {strides = array<i32>} : memref<256xi32, #tpu.memory_space<vmem>>, vector<16xi32>,
    %get3A_202 = arith.constant 160 : index
    %get3A_203 = tpu.vector_load %arg16[%get3A_202] {strides = array<i32>} : memref<256xi32, #tpu.memory_space<vmem>>, vector<16xi32>,
    %gather3A_204 = tpu.vector_load_idx %arg13[%get3A_203] : memref<16xi32, #tpu.memory_space<vmem>>[vector<16xi32>], vector<16xi32>,
    %add3A_205 = arith.addi %gather3A_204, %get3A_201 : vector<16xi32>
    %swap3A_206 = arith.constant 20 : i32
    %swap3A_207 = arith.index_cast %swap3A_206 : i32 to index
    %swap3A_208 = arith.constant 0 : index
    %swap3A_209 = tpu.vector_load %arg18[%swap3A_207, %swap3A_208] {strides = array<i32>} : memref<32x16xi32, #tpu.memory_space<vmem>>, vector<16xi32>,
    tpu.vector_store %arg18[%swap3A_207, %swap3A_208], %add3A_205 {strides = array<i32>} : memref<32x16xi32, #tpu.memory_space<vmem>>, vector<16xi32>,
    %get3A_210 = arith.constant 160 : index
    %get3A_211 = tpu.vector_load %arg15[%get3A_210] {strides = array<i32>} : memref<256xi32, #tpu.memory_space<vmem>>, vector<16xi32>,
    %get3A_212 = arith.constant 160 : index
    %get3A_213 = tpu.vector_load %arg17[%get3A_212] {strides = array<i32>} : memref<256xi32, #tpu.memory_space<vmem>>, vector<16xi32>,
    %gather3A_214 = tpu.vector_load_idx %arg13[%get3A_213] : memref<16xi32, #tpu.memory_space<vmem>>[vector<16xi32>], vector<16xi32>,
    %add3A_215 = arith.addi %gather3A_214, %get3A_211 : vector<16xi32>
    %swap3A_216 = arith.constant 21 : i32
    %swap3A_217 = arith.index_cast %swap3A_216 : i32 to index
    %swap3A_218 = arith.constant 0 : index
    %swap3A_219 = tpu.vector_load %arg18[%swap3A_217, %swap3A_218] {strides = array<i32>} : memref<32x16xi32, #tpu.memory_space<vmem>>, vector<16xi32>,
    tpu.vector_store %arg18[%swap3A_217, %swap3A_218], %add3A_215 {strides = array<i32>} : memref<32x16xi32, #tpu.memory_space<vmem>>, vector<16xi32>,
    %get3A_220 = arith.constant 176 : index
    %get3A_221 = tpu.vector_load %arg14[%get3A_220] {strides = array<i32>} : memref<256xi32, #tpu.memory_space<vmem>>, vector<16xi32>,
    %get3A_222 = arith.constant 176 : index
    %get3A_223 = tpu.vector_load %arg16[%get3A_222] {strides = array<i32>} : memref<256xi32, #tpu.memory_space<vmem>>, vector<16xi32>,
    %gather3A_224 = tpu.vector_load_idx %arg13[%get3A_223] : memref<16xi32, #tpu.memory_space<vmem>>[vector<16xi32>], vector<16xi32>,
    %add3A_225 = arith.addi %gather3A_224, %get3A_221 : vector<16xi32>
    %swap3A_226 = arith.constant 22 : i32
    %swap3A_227 = arith.index_cast %swap3A_226 : i32 to index
    %swap3A_228 = arith.constant 0 : index
    %swap3A_229 = tpu.vector_load %arg18[%swap3A_227, %swap3A_228] {strides = array<i32>} : memref<32x16xi32, #tpu.memory_space<vmem>>, vector<16xi32>,
    tpu.vector_store %arg18[%swap3A_227, %swap3A_228], %add3A_225 {strides = array<i32>} : memref<32x16xi32, #tpu.memory_space<vmem>>, vector<16xi32>,
    %get3A_230 = arith.constant 176 : index
    %get3A_231 = tpu.vector_load %arg15[%get3A_230] {strides = array<i32>} : memref<256xi32, #tpu.memory_space<vmem>>, vector<16xi32>,
    %get3A_232 = arith.constant 176 : index
    %get3A_233 = tpu.vector_load %arg17[%get3A_232] {strides = array<i32>} : memref<256xi32, #tpu.memory_space<vmem>>, vector<16xi32>,
    %gather3A_234 = tpu.vector_load_idx %arg13[%get3A_233] : memref<16xi32, #tpu.memory_space<vmem>>[vector<16xi32>], vector<16xi32>,
    %add3A_235 = arith.addi %gather3A_234, %get3A_231 : vector<16xi32>
    %swap3A_236 = arith.constant 23 : i32
    %swap3A_237 = arith.index_cast %swap3A_236 : i32 to index
    %swap3A_238 = arith.constant 0 : index
    %swap3A_239 = tpu.vector_load %arg18[%swap3A_237, %swap3A_238] {strides = array<i32>} : memref<32x16xi32, #tpu.memory_space<vmem>>, vector<16xi32>,
    tpu.vector_store %arg18[%swap3A_237, %swap3A_238], %add3A_235 {strides = array<i32>} : memref<32x16xi32, #tpu.memory_space<vmem>>, vector<16xi32>,
    %get3A_240 = arith.constant 192 : index
    %get3A_241 = tpu.vector_load %arg14[%get3A_240] {strides = array<i32>} : memref<256xi32, #tpu.memory_space<vmem>>, vector<16xi32>,
    %get3A_242 = arith.constant 192 : index
    %get3A_243 = tpu.vector_load %arg16[%get3A_242] {strides = array<i32>} : memref<256xi32, #tpu.memory_space<vmem>>, vector<16xi32>,
    %gather3A_244 = tpu.vector_load_idx %arg13[%get3A_243] : memref<16xi32, #tpu.memory_space<vmem>>[vector<16xi32>], vector<16xi32>,
    %add3A_245 = arith.addi %gather3A_244, %get3A_241 : vector<16xi32>
    %swap3A_246 = arith.constant 24 : i32
    %swap3A_247 = arith.index_cast %swap3A_246 : i32 to index
    %swap3A_248 = arith.constant 0 : index
    %swap3A_249 = tpu.vector_load %arg18[%swap3A_247, %swap3A_248] {strides = array<i32>} : memref<32x16xi32, #tpu.memory_space<vmem>>, vector<16xi32>,
    tpu.vector_store %arg18[%swap3A_247, %swap3A_248], %add3A_245 {strides = array<i32>} : memref<32x16xi32, #tpu.memory_space<vmem>>, vector<16xi32>,
    %get3A_250 = arith.constant 192 : index
    %get3A_251 = tpu.vector_load %arg15[%get3A_250] {strides = array<i32>} : memref<256xi32, #tpu.memory_space<vmem>>, vector<16xi32>,
    %get3A_252 = arith.constant 192 : index
    %get3A_253 = tpu.vector_load %arg17[%get3A_252] {strides = array<i32>} : memref<256xi32, #tpu.memory_space<vmem>>, vector<16xi32>,
    %gather3A_254 = tpu.vector_load_idx %arg13[%get3A_253] : memref<16xi32, #tpu.memory_space<vmem>>[vector<16xi32>], vector<16xi32>,
    %add3A_255 = arith.addi %gather3A_254, %get3A_251 : vector<16xi32>
    %swap3A_256 = arith.constant 25 : i32
    %swap3A_257 = arith.index_cast %swap3A_256 : i32 to index
    %swap3A_258 = arith.constant 0 : index
    %swap3A_259 = tpu.vector_load %arg18[%swap3A_257, %swap3A_258] {strides = array<i32>} : memref<32x16xi32, #tpu.memory_space<vmem>>, vector<16xi32>,
    tpu.vector_store %arg18[%swap3A_257, %swap3A_258], %add3A_255 {strides = array<i32>} : memref<32x16xi32, #tpu.memory_space<vmem>>, vector<16xi32>,
    %get3A_260 = arith.constant 208 : index
    %get3A_261 = tpu.vector_load %arg14[%get3A_260] {strides = array<i32>} : memref<256xi32, #tpu.memory_space<vmem>>, vector<16xi32>,
    %get3A_262 = arith.constant 208 : index
    %get3A_263 = tpu.vector_load %arg16[%get3A_262] {strides = array<i32>} : memref<256xi32, #tpu.memory_space<vmem>>, vector<16xi32>,
    %gather3A_264 = tpu.vector_load_idx %arg13[%get3A_263] : memref<16xi32, #tpu.memory_space<vmem>>[vector<16xi32>], vector<16xi32>,
    %add3A_265 = arith.addi %gather3A_264, %get3A_261 : vector<16xi32>
    %swap3A_266 = arith.constant 26 : i32
    %swap3A_267 = arith.index_cast %swap3A_266 : i32 to index
    %swap3A_268 = arith.constant 0 : index
    %swap3A_269 = tpu.vector_load %arg18[%swap3A_267, %swap3A_268] {strides = array<i32>} : memref<32x16xi32, #tpu.memory_space<vmem>>, vector<16xi32>,
    tpu.vector_store %arg18[%swap3A_267, %swap3A_268], %add3A_265 {strides = array<i32>} : memref<32x16xi32, #tpu.memory_space<vmem>>, vector<16xi32>,
    %get3A_270 = arith.constant 208 : index
    %get3A_271 = tpu.vector_load %arg15[%get3A_270] {strides = array<i32>} : memref<256xi32, #tpu.memory_space<vmem>>, vector<16xi32>,
    %get3A_272 = arith.constant 208 : index
    %get3A_273 = tpu.vector_load %arg17[%get3A_272] {strides = array<i32>} : memref<256xi32, #tpu.memory_space<vmem>>, vector<16xi32>,
    %gather3A_274 = tpu.vector_load_idx %arg13[%get3A_273] : memref<16xi32, #tpu.memory_space<vmem>>[vector<16xi32>], vector<16xi32>,
    %add3A_275 = arith.addi %gather3A_274, %get3A_271 : vector<16xi32>
    %swap3A_276 = arith.constant 27 : i32
    %swap3A_277 = arith.index_cast %swap3A_276 : i32 to index
    %swap3A_278 = arith.constant 0 : index
    %swap3A_279 = tpu.vector_load %arg18[%swap3A_277, %swap3A_278] {strides = array<i32>} : memref<32x16xi32, #tpu.memory_space<vmem>>, vector<16xi32>,
    tpu.vector_store %arg18[%swap3A_277, %swap3A_278], %add3A_275 {strides = array<i32>} : memref<32x16xi32, #tpu.memory_space<vmem>>, vector<16xi32>,
    %get3A_280 = arith.constant 224 : index
    %get3A_281 = tpu.vector_load %arg14[%get3A_280] {strides = array<i32>} : memref<256xi32, #tpu.memory_space<vmem>>, vector<16xi32>,
    %get3A_282 = arith.constant 224 : index
    %get3A_283 = tpu.vector_load %arg16[%get3A_282] {strides = array<i32>} : memref<256xi32, #tpu.memory_space<vmem>>, vector<16xi32>,
    %gather3A_284 = tpu.vector_load_idx %arg13[%get3A_283] : memref<16xi32, #tpu.memory_space<vmem>>[vector<16xi32>], vector<16xi32>,
    %add3A_285 = arith.addi %gather3A_284, %get3A_281 : vector<16xi32>
    %swap3A_286 = arith.constant 28 : i32
    %swap3A_287 = arith.index_cast %swap3A_286 : i32 to index
    %swap3A_288 = arith.constant 0 : index
    %swap3A_289 = tpu.vector_load %arg18[%swap3A_287, %swap3A_288] {strides = array<i32>} : memref<32x16xi32, #tpu.memory_space<vmem>>, vector<16xi32>,
    tpu.vector_store %arg18[%swap3A_287, %swap3A_288], %add3A_285 {strides = array<i32>} : memref<32x16xi32, #tpu.memory_space<vmem>>, vector<16xi32>,
    %get3A_290 = arith.constant 224 : index
    %get3A_291 = tpu.vector_load %arg15[%get3A_290] {strides = array<i32>} : memref<256xi32, #tpu.memory_space<vmem>>, vector<16xi32>,
    %get3A_292 = arith.constant 224 : index
    %get3A_293 = tpu.vector_load %arg17[%get3A_292] {strides = array<i32>} : memref<256xi32, #tpu.memory_space<vmem>>, vector<16xi32>,
    %gather3A_294 = tpu.vector_load_idx %arg13[%get3A_293] : memref<16xi32, #tpu.memory_space<vmem>>[vector<16xi32>], vector<16xi32>,
    %add3A_295 = arith.addi %gather3A_294, %get3A_291 : vector<16xi32>
    %swap3A_296 = arith.constant 29 : i32
    %swap3A_297 = arith.index_cast %swap3A_296 : i32 to index
    %swap3A_298 = arith.constant 0 : index
    %swap3A_299 = tpu.vector_load %arg18[%swap3A_297, %swap3A_298] {strides = array<i32>} : memref<32x16xi32, #tpu.memory_space<vmem>>, vector<16xi32>,
    tpu.vector_store %arg18[%swap3A_297, %swap3A_298], %add3A_295 {strides = array<i32>} : memref<32x16xi32, #tpu.memory_space<vmem>>, vector<16xi32>,
    %get3A_300 = arith.constant 240 : index
    %get3A_301 = tpu.vector_load %arg14[%get3A_300] {strides = array<i32>} : memref<256xi32, #tpu.memory_space<vmem>>, vector<16xi32>,
    %get3A_302 = arith.constant 240 : index
    %get3A_303 = tpu.vector_load %arg16[%get3A_302] {strides = array<i32>} : memref<256xi32, #tpu.memory_space<vmem>>, vector<16xi32>,
    %gather3A_304 = tpu.vector_load_idx %arg13[%get3A_303] : memref<16xi32, #tpu.memory_space<vmem>>[vector<16xi32>], vector<16xi32>,
    %add3A_305 = arith.addi %gather3A_304, %get3A_301 : vector<16xi32>
    %swap3A_306 = arith.constant 30 : i32
    %swap3A_307 = arith.index_cast %swap3A_306 : i32 to index
    %swap3A_308 = arith.constant 0 : index
    %swap3A_309 = tpu.vector_load %arg18[%swap3A_307, %swap3A_308] {strides = array<i32>} : memref<32x16xi32, #tpu.memory_space<vmem>>, vector<16xi32>,
    tpu.vector_store %arg18[%swap3A_307, %swap3A_308], %add3A_305 {strides = array<i32>} : memref<32x16xi32, #tpu.memory_space<vmem>>, vector<16xi32>,
    %get3A_310 = arith.constant 240 : index
    %get3A_311 = tpu.vector_load %arg15[%get3A_310] {strides = array<i32>} : memref<256xi32, #tpu.memory_space<vmem>>, vector<16xi32>,
    %get3A_312 = arith.constant 240 : index
    %get3A_313 = tpu.vector_load %arg17[%get3A_312] {strides = array<i32>} : memref<256xi32, #tpu.memory_space<vmem>>, vector<16xi32>,
    %gather3A_314 = tpu.vector_load_idx %arg13[%get3A_313] : memref<16xi32, #tpu.memory_space<vmem>>[vector<16xi32>], vector<16xi32>,
    %add3A_315 = arith.addi %gather3A_314, %get3A_311 : vector<16xi32>
    %swap3A_316 = arith.constant 31 : i32
    %swap3A_317 = arith.index_cast %swap3A_316 : i32 to index
    %swap3A_318 = arith.constant 0 : index
    %swap3A_319 = tpu.vector_load %arg18[%swap3A_317, %swap3A_318] {strides = array<i32>} : memref<32x16xi32, #tpu.memory_space<vmem>>, vector<16xi32>,
    tpu.vector_store %arg18[%swap3A_317, %swap3A_318], %add3A_315 {strides = array<i32>} : memref<32x16xi32, #tpu.memory_space<vmem>>, vector<16xi32>,
    %add3A_320 = arith.constant 0 : i32
    %add3A_321 = arith.addi %mul3A_2, %add3A_320 : i32
    %dma_start3A = arith.constant 0 : i32
    %dma_start3A_322 = arith.constant 0 : i32
    %dma_start3A_323 = arith.constant 0 : i32
    %dma_start3A_324 = tpu.memref_slice %arg19[%dma_start3A, %dma_start3A_322, %dma_start3A_323] : memref<2x16x2048xf32, #tpu.memory_space<vmem>> -> memref<1x16x2048xf32, #tpu.memory_space<vmem>>
    %dma_start3A_325 = tpu.memref_squeeze %dma_start3A_324 : memref<1x16x2048xf32, #tpu.memory_space<vmem>> -> memref<16x2048xf32, #tpu.memory_space<vmem>>
    %dma_start3A_326 = arith.constant 0 : i32
    %dma_start3A_327 = tpu.memref_slice %arg2[%add3A_321, %dma_start3A_326] : memref<8192x2048xf32, #tpu.memory_space<hbm>> -> memref<16x2048xf32, #tpu.memory_space<hbm>>
    %dma_start3A_328 = arith.constant 0 : i32
    %dma_start3A_329 = arith.constant 0 : i32
    %dma_start3A_330 = tpu.memref_slice %arg19[%dma_start3A, %dma_start3A_328, %dma_start3A_329] : memref<2x16x2048xf32, #tpu.memory_space<vmem>> -> memref<1x16x2048xf32, #tpu.memory_space<vmem>>
    %dma_start3A_331 = tpu.memref_squeeze %dma_start3A_330 : memref<1x16x2048xf32, #tpu.memory_space<vmem>> -> memref<16x2048xf32, #tpu.memory_space<vmem>>
    %dma_start3A_332 = arith.constant 0 : i32
    %dma_start3A_333 = tpu.memref_slice %arg2[%add3A_321, %dma_start3A_332] : memref<8192x2048xf32, #tpu.memory_space<hbm>> -> memref<16x2048xf32, #tpu.memory_space<hbm>>
    tpu.enqueue_dma source(%dma_start3A_333 : memref<16x2048xf32, #tpu.memory_space<hbm>>) target(%dma_start3A_331 : memref<16x2048xf32, #tpu.memory_space<vmem>>) target_semaphore(%arg25 : memref<!tpu.dma_semaphore, #tpu.memory_space<semaphore_mem>>)
    %add3A_334 = arith.constant 16 : i32
    %add3A_335 = arith.addi %mul3A_2, %add3A_334 : i32
    %dma_start3A_336 = arith.constant 1 : i32
    %dma_start3A_337 = arith.constant 0 : i32
    %dma_start3A_338 = arith.constant 0 : i32
    %dma_start3A_339 = tpu.memref_slice %arg19[%dma_start3A_336, %dma_start3A_337, %dma_start3A_338] : memref<2x16x2048xf32, #tpu.memory_space<vmem>> -> memref<1x16x2048xf32, #tpu.memory_space<vmem>>
    %dma_start3A_340 = tpu.memref_squeeze %dma_start3A_339 : memref<1x16x2048xf32, #tpu.memory_space<vmem>> -> memref<16x2048xf32, #tpu.memory_space<vmem>>
    %dma_start3A_341 = arith.constant 0 : i32
    %dma_start3A_342 = tpu.memref_slice %arg2[%add3A_335, %dma_start3A_341] : memref<8192x2048xf32, #tpu.memory_space<hbm>> -> memref<16x2048xf32, #tpu.memory_space<hbm>>
    %dma_start3A_343 = arith.constant 0 : i32
    %dma_start3A_344 = arith.constant 0 : i32
    %dma_start3A_345 = tpu.memref_slice %arg19[%dma_start3A_336, %dma_start3A_343, %dma_start3A_344] : memref<2x16x2048xf32, #tpu.memory_space<vmem>> -> memref<1x16x2048xf32, #tpu.memory_space<vmem>>
    %dma_start3A_346 = tpu.memref_squeeze %dma_start3A_345 : memref<1x16x2048xf32, #tpu.memory_space<vmem>> -> memref<16x2048xf32, #tpu.memory_space<vmem>>
    %dma_start3A_347 = arith.constant 0 : i32
    %dma_start3A_348 = tpu.memref_slice %arg2[%add3A_335, %dma_start3A_347] : memref<8192x2048xf32, #tpu.memory_space<hbm>> -> memref<16x2048xf32, #tpu.memory_space<hbm>>
    tpu.enqueue_dma source(%dma_start3A_348 : memref<16x2048xf32, #tpu.memory_space<hbm>>) target(%dma_start3A_346 : memref<16x2048xf32, #tpu.memory_space<vmem>>) target_semaphore(%arg26 : memref<!tpu.dma_semaphore, #tpu.memory_space<semaphore_mem>>)
    %dma_wait3A = arith.constant 0 : i32
    %dma_wait3A_349 = arith.constant 0 : i32
    %dma_wait3A_350 = arith.constant 0 : i32
    %dma_wait3A_351 = tpu.memref_slice %arg19[%dma_wait3A, %dma_wait3A_349, %dma_wait3A_350] : memref<2x16x2048xf32, #tpu.memory_space<vmem>> -> memref<1x16x2048xf32, #tpu.memory_space<vmem>>
    %dma_wait3A_352 = tpu.memref_squeeze %dma_wait3A_351 : memref<1x16x2048xf32, #tpu.memory_space<vmem>> -> memref<16x2048xf32, #tpu.memory_space<vmem>>
    %dma_wait3A_353 = arith.constant 0 : i32
    %dma_wait3A_354 = tpu.memref_slice %arg2[%add3A_321, %dma_wait3A_353] : memref<8192x2048xf32, #tpu.memory_space<hbm>> -> memref<16x2048xf32, #tpu.memory_space<hbm>>
    %dma_wait3A_355 = arith.constant 0 : i32
    %dma_wait3A_356 = arith.constant 0 : i32
    %dma_wait3A_357 = tpu.memref_slice %arg19[%dma_wait3A, %dma_wait3A_355, %dma_wait3A_356] : memref<2x16x2048xf32, #tpu.memory_space<vmem>> -> memref<1x16x2048xf32, #tpu.memory_space<vmem>>
    %dma_wait3A_358 = tpu.memref_squeeze %dma_wait3A_357 : memref<1x16x2048xf32, #tpu.memory_space<vmem>> -> memref<16x2048xf32, #tpu.memory_space<vmem>>
    %dma_wait3A_359 = arith.constant 0 : i32
    %dma_wait3A_360 = tpu.memref_slice %arg2[%add3A_321, %dma_wait3A_359] : memref<8192x2048xf32, #tpu.memory_space<hbm>> -> memref<16x2048xf32, #tpu.memory_space<hbm>>
    tpu.wait_dma2 semaphore(%arg25 : memref<!tpu.dma_semaphore, #tpu.memory_space<semaphore_mem>>) src(%dma_wait3A_360 : memref<16x2048xf32, #tpu.memory_space<hbm>>) dst(%dma_wait3A_358 : memref<16x2048xf32, #tpu.memory_space<vmem>>)
    %dma_start3A_361 = arith.constant 0 : i32
    %dma_start3A_362 = arith.constant 0 : i32
    %dma_start3A_363 = arith.constant 0 : i32
    %dma_start3A_364 = arith.constant 0 : i32
    %dma_start3A_365 = tpu.memref_slice %arg19[%dma_start3A_361, %dma_start3A_363, %dma_start3A_364] : memref<2x16x2048xf32, #tpu.memory_space<vmem>> -> memref<1x16x2048xf32, #tpu.memory_space<vmem>>
    %dma_start3A_366 = tpu.memref_squeeze %dma_start3A_365 : memref<1x16x2048xf32, #tpu.memory_space<vmem>> -> memref<16x2048xf32, #tpu.memory_space<vmem>>
    %dma_start3A_367 = arith.constant 0 : i32
    %dma_start3A_368 = tpu.memref_slice %arg18[%dma_start3A_362, %dma_start3A_367] : memref<32x16xi32, #tpu.memory_space<vmem>> -> memref<1x16xi32, #tpu.memory_space<vmem>>
    %dma_start3A_369 = tpu.memref_squeeze %dma_start3A_368 : memref<1x16xi32, #tpu.memory_space<vmem>> -> memref<16xi32, #tpu.memory_space<vmem>>
    %dma_start3A_370 = arith.constant 0 : i32
    %dma_start3A_371 = arith.constant 0 : i32
    %dma_start3A_372 = tpu.memref_slice %arg10[%dma_start3A_370, %dma_start3A_371] : memref<16384x2048xf32, #tpu.memory_space<hbm>> -> memref<16384x2048xf32, #tpu.memory_space<hbm>>
    tpu.enqueue_indirect_dma source(%dma_start3A_366 : memref<16x2048xf32, #tpu.memory_space<vmem>>) target(%dma_start3A_372 : memref<16384x2048xf32, #tpu.memory_space<hbm>>) offsets(%dma_start3A_369 : memref<16xi32, #tpu.memory_space<vmem>>) semaphore(%arg27 : memref<!tpu.dma_semaphore, #tpu.memory_space<semaphore_mem>>)
    %dma_start3A_373 = arith.constant 0 : i32
    %dma_start3A_374 = arith.constant 1 : i32
    %dma_start3A_375 = arith.constant 0 : i32
    %dma_start3A_376 = arith.constant 0 : i32
    %dma_start3A_377 = tpu.memref_slice %arg19[%dma_start3A_373, %dma_start3A_375, %dma_start3A_376] : memref<2x16x2048xf32, #tpu.memory_space<vmem>> -> memref<1x16x2048xf32, #tpu.memory_space<vmem>>
    %dma_start3A_378 = tpu.memref_squeeze %dma_start3A_377 : memref<1x16x2048xf32, #tpu.memory_space<vmem>> -> memref<16x2048xf32, #tpu.memory_space<vmem>>
    %dma_start3A_379 = arith.constant 0 : i32
    %dma_start3A_380 = tpu.memref_slice %arg18[%dma_start3A_374, %dma_start3A_379] : memref<32x16xi32, #tpu.memory_space<vmem>> -> memref<1x16xi32, #tpu.memory_space<vmem>>
    %dma_start3A_381 = tpu.memref_squeeze %dma_start3A_380 : memref<1x16xi32, #tpu.memory_space<vmem>> -> memref<16xi32, #tpu.memory_space<vmem>>
    %dma_start3A_382 = arith.constant 0 : i32
    %dma_start3A_383 = arith.constant 0 : i32
    %dma_start3A_384 = tpu.memref_slice %arg10[%dma_start3A_382, %dma_start3A_383] : memref<16384x2048xf32, #tpu.memory_space<hbm>> -> memref<16384x2048xf32, #tpu.memory_space<hbm>>
    tpu.enqueue_indirect_dma source(%dma_start3A_378 : memref<16x2048xf32, #tpu.memory_space<vmem>>) target(%dma_start3A_384 : memref<16384x2048xf32, #tpu.memory_space<hbm>>) offsets(%dma_start3A_381 : memref<16xi32, #tpu.memory_space<vmem>>) semaphore(%arg29 : memref<!tpu.dma_semaphore, #tpu.memory_space<semaphore_mem>>)
    %dma_wait3A_385 = arith.constant 0 : i32
    %dma_wait3A_386 = arith.constant 0 : i32
    %dma_wait3A_387 = arith.constant 0 : i32
    %dma_wait3A_388 = arith.constant 0 : i32
    %dma_wait3A_389 = tpu.memref_slice %arg19[%dma_wait3A_385, %dma_wait3A_387, %dma_wait3A_388] : memref<2x16x2048xf32, #tpu.memory_space<vmem>> -> memref<1x16x2048xf32, #tpu.memory_space<vmem>>
    %dma_wait3A_390 = tpu.memref_squeeze %dma_wait3A_389 : memref<1x16x2048xf32, #tpu.memory_space<vmem>> -> memref<16x2048xf32, #tpu.memory_space<vmem>>
    %dma_wait3A_391 = arith.constant 0 : i32
    %dma_wait3A_392 = tpu.memref_slice %arg18[%dma_wait3A_386, %dma_wait3A_391] : memref<32x16xi32, #tpu.memory_space<vmem>> -> memref<1x16xi32, #tpu.memory_space<vmem>>
    %dma_wait3A_393 = tpu.memref_squeeze %dma_wait3A_392 : memref<1x16xi32, #tpu.memory_space<vmem>> -> memref<16xi32, #tpu.memory_space<vmem>>
    %dma_wait3A_394 = arith.constant 0 : i32
    %dma_wait3A_395 = arith.constant 0 : i32
    %dma_wait3A_396 = tpu.memref_slice %arg10[%dma_wait3A_394, %dma_wait3A_395] : memref<16384x2048xf32, #tpu.memory_space<hbm>> -> memref<16384x2048xf32, #tpu.memory_space<hbm>>
    tpu.wait_indirect_dma semaphore(%arg27 : memref<!tpu.dma_semaphore, #tpu.memory_space<semaphore_mem>>) src(%dma_wait3A_390 : memref<16x2048xf32, #tpu.memory_space<vmem>>) dst(%dma_wait3A_396 : memref<16384x2048xf32, #tpu.memory_space<hbm>>)
    %dma_wait3A_397 = arith.constant 0 : i32
    %dma_wait3A_398 = arith.constant 1 : i32
    %dma_wait3A_399 = arith.constant 0 : i32
    %dma_wait3A_400 = arith.constant 0 : i32
    %dma_wait3A_401 = tpu.memref_slice %arg19[%dma_wait3A_397, %dma_wait3A_399, %dma_wait3A_400] : memref<2x16x2048xf32, #tpu.memory_space<vmem>> -> memref<1x16x2048xf32, #tpu.memory_space<vmem>>
    %dma_wait3A_402 = tpu.memref_squeeze %dma_wait3A_401 : memref<1x16x2048xf32, #tpu.memory_space<vmem>> -> memref<16x2048xf32, #tpu.memory_space<vmem>>
    %dma_wait3A_403 = arith.constant 0 : i32
    %dma_wait3A_404 = tpu.memref_slice %arg18[%dma_wait3A_398, %dma_wait3A_403] : memref<32x16xi32, #tpu.memory_space<vmem>> -> memref<1x16xi32, #tpu.memory_space<vmem>>
    %dma_wait3A_405 = tpu.memref_squeeze %dma_wait3A_404 : memref<1x16xi32, #tpu.memory_space<vmem>> -> memref<16xi32, #tpu.memory_space<vmem>>
    %dma_wait3A_406 = arith.constant 0 : i32
    %dma_wait3A_407 = arith.constant 0 : i32
    %dma_wait3A_408 = tpu.memref_slice %arg10[%dma_wait3A_406, %dma_wait3A_407] : memref<16384x2048xf32, #tpu.memory_space<hbm>> -> memref<16384x2048xf32, #tpu.memory_space<hbm>>
    tpu.wait_indirect_dma semaphore(%arg29 : memref<!tpu.dma_semaphore, #tpu.memory_space<semaphore_mem>>) src(%dma_wait3A_402 : memref<16x2048xf32, #tpu.memory_space<vmem>>) dst(%dma_wait3A_408 : memref<16384x2048xf32, #tpu.memory_space<hbm>>)
    %add3A_409 = arith.constant 32 : i32
    %add3A_410 = arith.addi %mul3A_2, %add3A_409 : i32
    %dma_start3A_411 = arith.constant 0 : i32
    %dma_start3A_412 = arith.constant 0 : i32
    %dma_start3A_413 = arith.constant 0 : i32
    %dma_start3A_414 = tpu.memref_slice %arg19[%dma_start3A_411, %dma_start3A_412, %dma_start3A_413] : memref<2x16x2048xf32, #tpu.memory_space<vmem>> -> memref<1x16x2048xf32, #tpu.memory_space<vmem>>
    %dma_start3A_415 = tpu.memref_squeeze %dma_start3A_414 : memref<1x16x2048xf32, #tpu.memory_space<vmem>> -> memref<16x2048xf32, #tpu.memory_space<vmem>>
    %dma_start3A_416 = arith.constant 0 : i32
    %dma_start3A_417 = tpu.memref_slice %arg2[%add3A_410, %dma_start3A_416] : memref<8192x2048xf32, #tpu.memory_space<hbm>> -> memref<16x2048xf32, #tpu.memory_space<hbm>>
    %dma_start3A_418 = arith.constant 0 : i32
    %dma_start3A_419 = arith.constant 0 : i32
    %dma_start3A_420 = tpu.memref_slice %arg19[%dma_start3A_411, %dma_start3A_418, %dma_start3A_419] : memref<2x16x2048xf32, #tpu.memory_space<vmem>> -> memref<1x16x2048xf32, #tpu.memory_space<vmem>>
    %dma_start3A_421 = tpu.memref_squeeze %dma_start3A_420 : memref<1x16x2048xf32, #tpu.memory_space<vmem>> -> memref<16x2048xf32, #tpu.memory_space<vmem>>
    %dma_start3A_422 = arith.constant 0 : i32
    %dma_start3A_423 = tpu.memref_slice %arg2[%add3A_410, %dma_start3A_422] : memref<8192x2048xf32, #tpu.memory_space<hbm>> -> memref<16x2048xf32, #tpu.memory_space<hbm>>
    tpu.enqueue_dma source(%dma_start3A_423 : memref<16x2048xf32, #tpu.memory_space<hbm>>) target(%dma_start3A_421 : memref<16x2048xf32, #tpu.memory_space<vmem>>) target_semaphore(%arg25 : memref<!tpu.dma_semaphore, #tpu.memory_space<semaphore_mem>>)
    %dma_wait3A_424 = arith.constant 1 : i32
    %dma_wait3A_425 = arith.constant 0 : i32
    %dma_wait3A_426 = arith.constant 0 : i32
    %dma_wait3A_427 = tpu.memref_slice %arg19[%dma_wait3A_424, %dma_wait3A_425, %dma_wait3A_426] : memref<2x16x2048xf32, #tpu.memory_space<vmem>> -> memref<1x16x2048xf32, #tpu.memory_space<vmem>>
    %dma_wait3A_428 = tpu.memref_squeeze %dma_wait3A_427 : memref<1x16x2048xf32, #tpu.memory_space<vmem>> -> memref<16x2048xf32, #tpu.memory_space<vmem>>
    %dma_wait3A_429 = arith.constant 0 : i32
    %dma_wait3A_430 = tpu.memref_slice %arg2[%add3A_335, %dma_wait3A_429] : memref<8192x2048xf32, #tpu.memory_space<hbm>> -> memref<16x2048xf32, #tpu.memory_space<hbm>>
    %dma_wait3A_431 = arith.constant 0 : i32
    %dma_wait3A_432 = arith.constant 0 : i32
    %dma_wait3A_433 = tpu.memref_slice %arg19[%dma_wait3A_424, %dma_wait3A_431, %dma_wait3A_432] : memref<2x16x2048xf32, #tpu.memory_space<vmem>> -> memref<1x16x2048xf32, #tpu.memory_space<vmem>>
    %dma_wait3A_434 = tpu.memref_squeeze %dma_wait3A_433 : memref<1x16x2048xf32, #tpu.memory_space<vmem>> -> memref<16x2048xf32, #tpu.memory_space<vmem>>
    %dma_wait3A_435 = arith.constant 0 : i32
    %dma_wait3A_436 = tpu.memref_slice %arg2[%add3A_335, %dma_wait3A_435] : memref<8192x2048xf32, #tpu.memory_space<hbm>> -> memref<16x2048xf32, #tpu.memory_space<hbm>>
    tpu.wait_dma2 semaphore(%arg26 : memref<!tpu.dma_semaphore, #tpu.memory_space<semaphore_mem>>) src(%dma_wait3A_436 : memref<16x2048xf32, #tpu.memory_space<hbm>>) dst(%dma_wait3A_434 : memref<16x2048xf32, #tpu.memory_space<vmem>>)
    %dma_start3A_437 = arith.constant 1 : i32
    %dma_start3A_438 = arith.constant 2 : i32
    %dma_start3A_439 = arith.constant 0 : i32
    %dma_start3A_440 = arith.constant 0 : i32
    %dma_start3A_441 = tpu.memref_slice %arg19[%dma_start3A_437, %dma_start3A_439, %dma_start3A_440] : memref<2x16x2048xf32, #tpu.memory_space<vmem>> -> memref<1x16x2048xf32, #tpu.memory_space<vmem>>
    %dma_start3A_442 = tpu.memref_squeeze %dma_start3A_441 : memref<1x16x2048xf32, #tpu.memory_space<vmem>> -> memref<16x2048xf32, #tpu.memory_space<vmem>>
    %dma_start3A_443 = arith.constant 0 : i32
    %dma_start3A_444 = tpu.memref_slice %arg18[%dma_start3A_438, %dma_start3A_443] : memref<32x16xi32, #tpu.memory_space<vmem>> -> memref<1x16xi32, #tpu.memory_space<vmem>>
    %dma_start3A_445 = tpu.memref_squeeze %dma_start3A_444 : memref<1x16xi32, #tpu.memory_space<vmem>> -> memref<16xi32, #tpu.memory_space<vmem>>
    %dma_start3A_446 = arith.constant 0 : i32
    %dma_start3A_447 = arith.constant 0 : i32
    %dma_start3A_448 = tpu.memref_slice %arg10[%dma_start3A_446, %dma_start3A_447] : memref<16384x2048xf32, #tpu.memory_space<hbm>> -> memref<16384x2048xf32, #tpu.memory_space<hbm>>
    tpu.enqueue_indirect_dma source(%dma_start3A_442 : memref<16x2048xf32, #tpu.memory_space<vmem>>) target(%dma_start3A_448 : memref<16384x2048xf32, #tpu.memory_space<hbm>>) offsets(%dma_start3A_445 : memref<16xi32, #tpu.memory_space<vmem>>) semaphore(%arg28 : memref<!tpu.dma_semaphore, #tpu.memory_space<semaphore_mem>>)
    %dma_start3A_449 = arith.constant 1 : i32
    %dma_start3A_450 = arith.constant 3 : i32
    %dma_start3A_451 = arith.constant 0 : i32
    %dma_start3A_452 = arith.constant 0 : i32
    %dma_start3A_453 = tpu.memref_slice %arg19[%dma_start3A_449, %dma_start3A_451, %dma_start3A_452] : memref<2x16x2048xf32, #tpu.memory_space<vmem>> -> memref<1x16x2048xf32, #tpu.memory_space<vmem>>
    %dma_start3A_454 = tpu.memref_squeeze %dma_start3A_453 : memref<1x16x2048xf32, #tpu.memory_space<vmem>> -> memref<16x2048xf32, #tpu.memory_space<vmem>>
    %dma_start3A_455 = arith.constant 0 : i32
    %dma_start3A_456 = tpu.memref_slice %arg18[%dma_start3A_450, %dma_start3A_455] : memref<32x16xi32, #tpu.memory_space<vmem>> -> memref<1x16xi32, #tpu.memory_space<vmem>>
    %dma_start3A_457 = tpu.memref_squeeze %dma_start3A_456 : memref<1x16xi32, #tpu.memory_space<vmem>> -> memref<16xi32, #tpu.memory_space<vmem>>
    %dma_start3A_458 = arith.constant 0 : i32
    %dma_start3A_459 = arith.constant 0 : i32
    %dma_start3A_460 = tpu.memref_slice %arg10[%dma_start3A_458, %dma_start3A_459] : memref<16384x2048xf32, #tpu.memory_space<hbm>> -> memref<16384x2048xf32, #tpu.memory_space<hbm>>
    tpu.enqueue_indirect_dma source(%dma_start3A_454 : memref<16x2048xf32, #tpu.memory_space<vmem>>) target(%dma_start3A_460 : memref<16384x2048xf32, #tpu.memory_space<hbm>>) offsets(%dma_start3A_457 : memref<16xi32, #tpu.memory_space<vmem>>) semaphore(%arg30 : memref<!tpu.dma_semaphore, #tpu.memory_space<semaphore_mem>>)
    %dma_wait3A_461 = arith.constant 1 : i32
    %dma_wait3A_462 = arith.constant 2 : i32
    %dma_wait3A_463 = arith.constant 0 : i32
    %dma_wait3A_464 = arith.constant 0 : i32
    %dma_wait3A_465 = tpu.memref_slice %arg19[%dma_wait3A_461, %dma_wait3A_463, %dma_wait3A_464] : memref<2x16x2048xf32, #tpu.memory_space<vmem>> -> memref<1x16x2048xf32, #tpu.memory_space<vmem>>
    %dma_wait3A_466 = tpu.memref_squeeze %dma_wait3A_465 : memref<1x16x2048xf32, #tpu.memory_space<vmem>> -> memref<16x2048xf32, #tpu.memory_space<vmem>>
    %dma_wait3A_467 = arith.constant 0 : i32
    %dma_wait3A_468 = tpu.memref_slice %arg18[%dma_wait3A_462, %dma_wait3A_467] : memref<32x16xi32, #tpu.memory_space<vmem>> -> memref<1x16xi32, #tpu.memory_space<vmem>>
    %dma_wait3A_469 = tpu.memref_squeeze %dma_wait3A_468 : memref<1x16xi32, #tpu.memory_space<vmem>> -> memref<16xi32, #tpu.memory_space<vmem>>
    %dma_wait3A_470 = arith.constant 0 : i32
    %dma_wait3A_471 = arith.constant 0 : i32
    %dma_wait3A_472 = tpu.memref_slice %arg10[%dma_wait3A_470, %dma_wait3A_471] : memref<16384x2048xf32, #tpu.memory_space<hbm>> -> memref<16384x2048xf32, #tpu.memory_space<hbm>>
    tpu.wait_indirect_dma semaphore(%arg28 : memref<!tpu.dma_semaphore, #tpu.memory_space<semaphore_mem>>) src(%dma_wait3A_466 : memref<16x2048xf32, #tpu.memory_space<vmem>>) dst(%dma_wait3A_472 : memref<16384x2048xf32, #tpu.memory_space<hbm>>)
    %dma_wait3A_473 = arith.constant 1 : i32
    %dma_wait3A_474 = arith.constant 3 : i32
    %dma_wait3A_475 = arith.constant 0 : i32
    %dma_wait3A_476 = arith.constant 0 : i32
    %dma_wait3A_477 = tpu.memref_slice %arg19[%dma_wait3A_473, %dma_wait3A_475, %dma_wait3A_476] : memref<2x16x2048xf32, #tpu.memory_space<vmem>> -> memref<1x16x2048xf32, #tpu.memory_space<vmem>>
    %dma_wait3A_478 = tpu.memref_squeeze %dma_wait3A_477 : memref<1x16x2048xf32, #tpu.memory_space<vmem>> -> memref<16x2048xf32, #tpu.memory_space<vmem>>
    %dma_wait3A_479 = arith.constant 0 : i32
    %dma_wait3A_480 = tpu.memref_slice %arg18[%dma_wait3A_474, %dma_wait3A_479] : memref<32x16xi32, #tpu.memory_space<vmem>> -> memref<1x16xi32, #tpu.memory_space<vmem>>
    %dma_wait3A_481 = tpu.memref_squeeze %dma_wait3A_480 : memref<1x16xi32, #tpu.memory_space<vmem>> -> memref<16xi32, #tpu.memory_space<vmem>>
    %dma_wait3A_482 = arith.constant 0 : i32
    %dma_wait3A_483 = arith.constant 0 : i32
    %dma_wait3A_484 = tpu.memref_slice %arg10[%dma_wait3A_482, %dma_wait3A_483] : memref<16384x2048xf32, #tpu.memory_space<hbm>> -> memref<16384x2048xf32, #tpu.memory_space<hbm>>
    tpu.wait_indirect_dma semaphore(%arg30 : memref<!tpu.dma_semaphore, #tpu.memory_space<semaphore_mem>>) src(%dma_wait3A_478 : memref<16x2048xf32, #tpu.memory_space<vmem>>) dst(%dma_wait3A_484 : memref<16384x2048xf32, #tpu.memory_space<hbm>>)
    %add3A_485 = arith.constant 48 : i32
    %add3A_486 = arith.addi %mul3A_2, %add3A_485 : i32
    %dma_start3A_487 = arith.constant 1 : i32
    %dma_start3A_488 = arith.constant 0 : i32
    %dma_start3A_489 = arith.constant 0 : i32
    %dma_start3A_490 = tpu.memref_slice %arg19[%dma_start3A_487, %dma_start3A_488, %dma_start3A_489] : memref<2x16x2048xf32, #tpu.memory_space<vmem>> -> memref<1x16x2048xf32, #tpu.memory_space<vmem>>
    %dma_start3A_491 = tpu.memref_squeeze %dma_start3A_490 : memref<1x16x2048xf32, #tpu.memory_space<vmem>> -> memref<16x2048xf32, #tpu.memory_space<vmem>>
    %dma_start3A_492 = arith.constant 0 : i32
    %dma_start3A_493 = tpu.memref_slice %arg2[%add3A_486, %dma_start3A_492] : memref<8192x2048xf32, #tpu.memory_space<hbm>> -> memref<16x2048xf32, #tpu.memory_space<hbm>>
    %dma_start3A_494 = arith.constant 0 : i32
    %dma_start3A_495 = arith.constant 0 : i32
    %dma_start3A_496 = tpu.memref_slice %arg19[%dma_start3A_487, %dma_start3A_494, %dma_start3A_495] : memref<2x16x2048xf32, #tpu.memory_space<vmem>> -> memref<1x16x2048xf32, #tpu.memory_space<vmem>>
    %dma_start3A_497 = tpu.memref_squeeze %dma_start3A_496 : memref<1x16x2048xf32, #tpu.memory_space<vmem>> -> memref<16x2048xf32, #tpu.memory_space<vmem>>
    %dma_start3A_498 = arith.constant 0 : i32
    %dma_start3A_499 = tpu.memref_slice %arg2[%add3A_486, %dma_start3A_498] : memref<8192x2048xf32, #tpu.memory_space<hbm>> -> memref<16x2048xf32, #tpu.memory_space<hbm>>
    tpu.enqueue_dma source(%dma_start3A_499 : memref<16x2048xf32, #tpu.memory_space<hbm>>) target(%dma_start3A_497 : memref<16x2048xf32, #tpu.memory_space<vmem>>) target_semaphore(%arg26 : memref<!tpu.dma_semaphore, #tpu.memory_space<semaphore_mem>>)
    %dma_wait3A_500 = arith.constant 0 : i32
    %dma_wait3A_501 = arith.constant 0 : i32
    %dma_wait3A_502 = arith.constant 0 : i32
    %dma_wait3A_503 = tpu.memref_slice %arg19[%dma_wait3A_500, %dma_wait3A_501, %dma_wait3A_502] : memref<2x16x2048xf32, #tpu.memory_space<vmem>> -> memref<1x16x2048xf32, #tpu.memory_space<vmem>>
    %dma_wait3A_504 = tpu.memref_squeeze %dma_wait3A_503 : memref<1x16x2048xf32, #tpu.memory_space<vmem>> -> memref<16x2048xf32, #tpu.memory_space<vmem>>
    %dma_wait3A_505 = arith.constant 0 : i32
    %dma_wait3A_506 = tpu.memref_slice %arg2[%add3A_410, %dma_wait3A_505] : memref<8192x2048xf32, #tpu.memory_space<hbm>> -> memref<16x2048xf32, #tpu.memory_space<hbm>>
    %dma_wait3A_507 = arith.constant 0 : i32
    %dma_wait3A_508 = arith.constant 0 : i32
    %dma_wait3A_509 = tpu.memref_slice %arg19[%dma_wait3A_500, %dma_wait3A_507, %dma_wait3A_508] : memref<2x16x2048xf32, #tpu.memory_space<vmem>> -> memref<1x16x2048xf32, #tpu.memory_space<vmem>>
    %dma_wait3A_510 = tpu.memref_squeeze %dma_wait3A_509 : memref<1x16x2048xf32, #tpu.memory_space<vmem>> -> memref<16x2048xf32, #tpu.memory_space<vmem>>
    %dma_wait3A_511 = arith.constant 0 : i32
    %dma_wait3A_512 = tpu.memref_slice %arg2[%add3A_410, %dma_wait3A_511] : memref<8192x2048xf32, #tpu.memory_space<hbm>> -> memref<16x2048xf32, #tpu.memory_space<hbm>>
    tpu.wait_dma2 semaphore(%arg25 : memref<!tpu.dma_semaphore, #tpu.memory_space<semaphore_mem>>) src(%dma_wait3A_512 : memref<16x2048xf32, #tpu.memory_space<hbm>>) dst(%dma_wait3A_510 : memref<16x2048xf32, #tpu.memory_space<vmem>>)
    %dma_start3A_513 = arith.constant 0 : i32
    %dma_start3A_514 = arith.constant 4 : i32
    %dma_start3A_515 = arith.constant 0 : i32
    %dma_start3A_516 = arith.constant 0 : i32
    %dma_start3A_517 = tpu.memref_slice %arg19[%dma_start3A_513, %dma_start3A_515, %dma_start3A_516] : memref<2x16x2048xf32, #tpu.memory_space<vmem>> -> memref<1x16x2048xf32, #tpu.memory_space<vmem>>
    %dma_start3A_518 = tpu.memref_squeeze %dma_start3A_517 : memref<1x16x2048xf32, #tpu.memory_space<vmem>> -> memref<16x2048xf32, #tpu.memory_space<vmem>>
    %dma_start3A_519 = arith.constant 0 : i32
    %dma_start3A_520 = tpu.memref_slice %arg18[%dma_start3A_514, %dma_start3A_519] : memref<32x16xi32, #tpu.memory_space<vmem>> -> memref<1x16xi32, #tpu.memory_space<vmem>>
    %dma_start3A_521 = tpu.memref_squeeze %dma_start3A_520 : memref<1x16xi32, #tpu.memory_space<vmem>> -> memref<16xi32, #tpu.memory_space<vmem>>
    %dma_start3A_522 = arith.constant 0 : i32
    %dma_start3A_523 = arith.constant 0 : i32
    %dma_start3A_524 = tpu.memref_slice %arg10[%dma_start3A_522, %dma_start3A_523] : memref<16384x2048xf32, #tpu.memory_space<hbm>> -> memref<16384x2048xf32, #tpu.memory_space<hbm>>
    tpu.enqueue_indirect_dma source(%dma_start3A_518 : memref<16x2048xf32, #tpu.memory_space<vmem>>) target(%dma_start3A_524 : memref<16384x2048xf32, #tpu.memory_space<hbm>>) offsets(%dma_start3A_521 : memref<16xi32, #tpu.memory_space<vmem>>) semaphore(%arg27 : memref<!tpu.dma_semaphore, #tpu.memory_space<semaphore_mem>>)
    %dma_start3A_525 = arith.constant 0 : i32
    %dma_start3A_526 = arith.constant 5 : i32
    %dma_start3A_527 = arith.constant 0 : i32
    %dma_start3A_528 = arith.constant 0 : i32
    %dma_start3A_529 = tpu.memref_slice %arg19[%dma_start3A_525, %dma_start3A_527, %dma_start3A_528] : memref<2x16x2048xf32, #tpu.memory_space<vmem>> -> memref<1x16x2048xf32, #tpu.memory_space<vmem>>
    %dma_start3A_530 = tpu.memref_squeeze %dma_start3A_529 : memref<1x16x2048xf32, #tpu.memory_space<vmem>> -> memref<16x2048xf32, #tpu.memory_space<vmem>>
    %dma_start3A_531 = arith.constant 0 : i32
    %dma_start3A_532 = tpu.memref_slice %arg18[%dma_start3A_526, %dma_start3A_531] : memref<32x16xi32, #tpu.memory_space<vmem>> -> memref<1x16xi32, #tpu.memory_space<vmem>>
    %dma_start3A_533 = tpu.memref_squeeze %dma_start3A_532 : memref<1x16xi32, #tpu.memory_space<vmem>> -> memref<16xi32, #tpu.memory_space<vmem>>
    %dma_start3A_534 = arith.constant 0 : i32
    %dma_start3A_535 = arith.constant 0 : i32
    %dma_start3A_536 = tpu.memref_slice %arg10[%dma_start3A_534, %dma_start3A_535] : memref<16384x2048xf32, #tpu.memory_space<hbm>> -> memref<16384x2048xf32, #tpu.memory_space<hbm>>
    tpu.enqueue_indirect_dma source(%dma_start3A_530 : memref<16x2048xf32, #tpu.memory_space<vmem>>) target(%dma_start3A_536 : memref<16384x2048xf32, #tpu.memory_space<hbm>>) offsets(%dma_start3A_533 : memref<16xi32, #tpu.memory_space<vmem>>) semaphore(%arg29 : memref<!tpu.dma_semaphore, #tpu.memory_space<semaphore_mem>>)
    %eq3A = arith.constant 0 : i32
    %eq3A_537 = arith.cmpi eq, %add3A, %eq3A : i32
    %convert_element_type3A = arith.extui %eq3A_537 : i1 to i32
    %cond3A = arith.constant 0 : i32
    %cond3A_538 = arith.cmpi ne, %convert_element_type3A, %cond3A : i32
    scf.if %cond3A_538 {
      "tpu.region"() ({
        %run_scoped3A = tpu.sem_alloc : memref<!tpu.dma_semaphore, #tpu.memory_space<semaphore_mem>>
        %dma_start3A_1626 = arith.constant 0 : i32
        %dma_start3A_1627 = tpu.memref_slice %arg4[%dma_start3A_1626] : memref<8192xi32, #tpu.memory_space<hbm>> -> memref<2048xi32, #tpu.memory_space<hbm>>
        %dma_start3A_1628 = arith.constant 0 : i32
        %dma_start3A_1629 = tpu.memref_slice %arg4[%dma_start3A_1628] : memref<8192xi32, #tpu.memory_space<hbm>> -> memref<2048xi32, #tpu.memory_space<hbm>>
        tpu.enqueue_dma source(%dma_start3A_1629 : memref<2048xi32, #tpu.memory_space<hbm>>) target(%arg20 : memref<2048xi32, #tpu.memory_space<vmem>>) target_semaphore(%run_scoped3A : memref<!tpu.dma_semaphore, #tpu.memory_space<semaphore_mem>>)
        %dma_wait3A_1630 = arith.constant 0 : i32
        %dma_wait3A_1631 = tpu.memref_slice %arg4[%dma_wait3A_1630] : memref<8192xi32, #tpu.memory_space<hbm>> -> memref<2048xi32, #tpu.memory_space<hbm>>
        %dma_wait3A_1632 = arith.constant 0 : i32
        %dma_wait3A_1633 = tpu.memref_slice %arg4[%dma_wait3A_1632] : memref<8192xi32, #tpu.memory_space<hbm>> -> memref<2048xi32, #tpu.memory_space<hbm>>
        tpu.wait_dma2 semaphore(%run_scoped3A : memref<!tpu.dma_semaphore, #tpu.memory_space<semaphore_mem>>) src(%dma_wait3A_1633 : memref<2048xi32, #tpu.memory_space<hbm>>) dst(%arg20 : memref<2048xi32, #tpu.memory_space<vmem>>)
        tpu.yield
      }) : () -> ()
      "tpu.region"() ({
        %run_scoped3A = tpu.sem_alloc : memref<!tpu.dma_semaphore, #tpu.memory_space<semaphore_mem>>
        %dma_start3A_1626 = arith.constant 0 : i32
        %dma_start3A_1627 = tpu.memref_slice %arg6[%dma_start3A_1626] : memref<8192xi32, #tpu.memory_space<hbm>> -> memref<2048xi32, #tpu.memory_space<hbm>>
        %dma_start3A_1628 = arith.constant 0 : i32
        %dma_start3A_1629 = tpu.memref_slice %arg6[%dma_start3A_1628] : memref<8192xi32, #tpu.memory_space<hbm>> -> memref<2048xi32, #tpu.memory_space<hbm>>
        tpu.enqueue_dma source(%dma_start3A_1629 : memref<2048xi32, #tpu.memory_space<hbm>>) target(%arg21 : memref<2048xi32, #tpu.memory_space<vmem>>) target_semaphore(%run_scoped3A : memref<!tpu.dma_semaphore, #tpu.memory_space<semaphore_mem>>)
        %dma_wait3A_1630 = arith.constant 0 : i32
        %dma_wait3A_1631 = tpu.memref_slice %arg6[%dma_wait3A_1630] : memref<8192xi32, #tpu.memory_space<hbm>> -> memref<2048xi32, #tpu.memory_space<hbm>>
        %dma_wait3A_1632 = arith.constant 0 : i32
        %dma_wait3A_1633 = tpu.memref_slice %arg6[%dma_wait3A_1632] : memref<8192xi32, #tpu.memory_space<hbm>> -> memref<2048xi32, #tpu.memory_space<hbm>>
        tpu.wait_dma2 semaphore(%run_scoped3A : memref<!tpu.dma_semaphore, #tpu.memory_space<semaphore_mem>>) src(%dma_wait3A_1633 : memref<2048xi32, #tpu.memory_space<hbm>>) dst(%arg21 : memref<2048xi32, #tpu.memory_space<vmem>>)
        tpu.yield
      }) : () -> ()
      %scan3A = arith.constant 0 : i32
      %scan3A_1621 = arith.constant 0 : i32
      %scan3A_1622 = arith.constant 128 : i32
      %scan3A_1623 = arith.addi %scan3A_1621, %scan3A_1622 : i32
      %scan3A_1624 = arith.constant 1 : i32
      scf.for %scan3A_1626 = %scan3A_1621 to %scan3A_1623 step %scan3A_1624  : i32 {
        %mul3A_1627 = arith.constant 16 : i32
        %mul3A_1628 = arith.muli %scan3A_1626, %mul3A_1627 : i32
        %multiple_of3A = tpu.assume_multiple %mul3A_1628, 8 : i32
        %get3A_1629 = arith.index_cast %multiple_of3A : i32 to index
        %get3A_1630 = tpu.vector_load %arg21[%get3A_1629] {strides = array<i32>} : memref<2048xi32, #tpu.memory_space<vmem>>, vector<16xi32>,
        %gather3A_1631 = tpu.vector_load_idx %arg13[%get3A_1630] : memref<16xi32, #tpu.memory_space<vmem>>[vector<16xi32>], vector<16xi32>,
        %get3A_1632 = arith.index_cast %multiple_of3A : i32 to index
        %get3A_1633 = tpu.vector_load %arg20[%get3A_1632] {strides = array<i32>} : memref<2048xi32, #tpu.memory_space<vmem>>, vector<16xi32>,
        %add3A_1634 = arith.addi %gather3A_1631, %get3A_1633 : vector<16xi32>
        %mul3A_1635 = arith.constant 16 : i32
        %mul3A_1636 = arith.muli %scan3A_1626, %mul3A_1635 : i32
        %add3A_1637 = arith.constant 0 : i32
        %add3A_1638 = arith.addi %add3A_1637, %mul3A_1636 : i32
        %add3A_1639 = vector.broadcast %add3A_1638 : i32 to vector<16xi32>
        %add3A_1640 = arith.addi %iota3A, %add3A_1639 : vector<16xi32>
        tpu.vector_store_idx %arg23[%add3A_1634], %add3A_1640 : memref<16384xi32, #tpu.memory_space<vmem>>[vector<16xi32>], vector<16xi32>,
      }
      %scan3A_1625 = arith.constant 128 : i32
    } else {
    }
    %eq3A_539 = arith.constant 1 : i32
    %eq3A_540 = arith.cmpi eq, %add3A, %eq3A_539 : i32
    %convert_element_type3A_541 = arith.extui %eq3A_540 : i1 to i32
    %cond3A_542 = arith.constant 0 : i32
    %cond3A_543 = arith.cmpi ne, %convert_element_type3A_541, %cond3A_542 : i32
    scf.if %cond3A_543 {
      "tpu.region"() ({
        %run_scoped3A = tpu.sem_alloc : memref<!tpu.dma_semaphore, #tpu.memory_space<semaphore_mem>>
        %dma_start3A_1626 = arith.constant 0 : i32
        %dma_start3A_1627 = tpu.memref_slice %arg4[%dma_start3A_1626] : memref<8192xi32, #tpu.memory_space<hbm>> -> memref<2048xi32, #tpu.memory_space<hbm>>
        %dma_start3A_1628 = arith.constant 0 : i32
        %dma_start3A_1629 = tpu.memref_slice %arg4[%dma_start3A_1628] : memref<8192xi32, #tpu.memory_space<hbm>> -> memref<2048xi32, #tpu.memory_space<hbm>>
        tpu.enqueue_dma source(%dma_start3A_1629 : memref<2048xi32, #tpu.memory_space<hbm>>) target(%arg20 : memref<2048xi32, #tpu.memory_space<vmem>>) target_semaphore(%run_scoped3A : memref<!tpu.dma_semaphore, #tpu.memory_space<semaphore_mem>>)
        %dma_wait3A_1630 = arith.constant 0 : i32
        %dma_wait3A_1631 = tpu.memref_slice %arg4[%dma_wait3A_1630] : memref<8192xi32, #tpu.memory_space<hbm>> -> memref<2048xi32, #tpu.memory_space<hbm>>
        %dma_wait3A_1632 = arith.constant 0 : i32
        %dma_wait3A_1633 = tpu.memref_slice %arg4[%dma_wait3A_1632] : memref<8192xi32, #tpu.memory_space<hbm>> -> memref<2048xi32, #tpu.memory_space<hbm>>
        tpu.wait_dma2 semaphore(%run_scoped3A : memref<!tpu.dma_semaphore, #tpu.memory_space<semaphore_mem>>) src(%dma_wait3A_1633 : memref<2048xi32, #tpu.memory_space<hbm>>) dst(%arg20 : memref<2048xi32, #tpu.memory_space<vmem>>)
        tpu.yield
      }) : () -> ()
      "tpu.region"() ({
        %run_scoped3A = tpu.sem_alloc : memref<!tpu.dma_semaphore, #tpu.memory_space<semaphore_mem>>
        %dma_start3A_1626 = arith.constant 0 : i32
        %dma_start3A_1627 = tpu.memref_slice %arg6[%dma_start3A_1626] : memref<8192xi32, #tpu.memory_space<hbm>> -> memref<2048xi32, #tpu.memory_space<hbm>>
        %dma_start3A_1628 = arith.constant 0 : i32
        %dma_start3A_1629 = tpu.memref_slice %arg6[%dma_start3A_1628] : memref<8192xi32, #tpu.memory_space<hbm>> -> memref<2048xi32, #tpu.memory_space<hbm>>
        tpu.enqueue_dma source(%dma_start3A_1629 : memref<2048xi32, #tpu.memory_space<hbm>>) target(%arg21 : memref<2048xi32, #tpu.memory_space<vmem>>) target_semaphore(%run_scoped3A : memref<!tpu.dma_semaphore, #tpu.memory_space<semaphore_mem>>)
        %dma_wait3A_1630 = arith.constant 0 : i32
        %dma_wait3A_1631 = tpu.memref_slice %arg6[%dma_wait3A_1630] : memref<8192xi32, #tpu.memory_space<hbm>> -> memref<2048xi32, #tpu.memory_space<hbm>>
        %dma_wait3A_1632 = arith.constant 0 : i32
        %dma_wait3A_1633 = tpu.memref_slice %arg6[%dma_wait3A_1632] : memref<8192xi32, #tpu.memory_space<hbm>> -> memref<2048xi32, #tpu.memory_space<hbm>>
        tpu.wait_dma2 semaphore(%run_scoped3A : memref<!tpu.dma_semaphore, #tpu.memory_space<semaphore_mem>>) src(%dma_wait3A_1633 : memref<2048xi32, #tpu.memory_space<hbm>>) dst(%arg21 : memref<2048xi32, #tpu.memory_space<vmem>>)
        tpu.yield
      }) : () -> ()
      "tpu.region"() ({
        %run_scoped3A = tpu.sem_alloc : memref<!tpu.dma_semaphore, #tpu.memory_space<semaphore_mem>>
        %dma_start3A_1626 = arith.constant 0 : i32
        %dma_start3A_1627 = tpu.memref_slice %arg8[%dma_start3A_1626] : memref<8192xf32, #tpu.memory_space<hbm>> -> memref<2048xf32, #tpu.memory_space<hbm>>
        %dma_start3A_1628 = arith.constant 0 : i32
        %dma_start3A_1629 = tpu.memref_slice %arg8[%dma_start3A_1628] : memref<8192xf32, #tpu.memory_space<hbm>> -> memref<2048xf32, #tpu.memory_space<hbm>>
        tpu.enqueue_dma source(%dma_start3A_1629 : memref<2048xf32, #tpu.memory_space<hbm>>) target(%arg22 : memref<2048xf32, #tpu.memory_space<vmem>>) target_semaphore(%run_scoped3A : memref<!tpu.dma_semaphore, #tpu.memory_space<semaphore_mem>>)
        %dma_wait3A_1630 = arith.constant 0 : i32
        %dma_wait3A_1631 = tpu.memref_slice %arg8[%dma_wait3A_1630] : memref<8192xf32, #tpu.memory_space<hbm>> -> memref<2048xf32, #tpu.memory_space<hbm>>
        %dma_wait3A_1632 = arith.constant 0 : i32
        %dma_wait3A_1633 = tpu.memref_slice %arg8[%dma_wait3A_1632] : memref<8192xf32, #tpu.memory_space<hbm>> -> memref<2048xf32, #tpu.memory_space<hbm>>
        tpu.wait_dma2 semaphore(%run_scoped3A : memref<!tpu.dma_semaphore, #tpu.memory_space<semaphore_mem>>) src(%dma_wait3A_1633 : memref<2048xf32, #tpu.memory_space<hbm>>) dst(%arg22 : memref<2048xf32, #tpu.memory_space<vmem>>)
        tpu.yield
      }) : () -> ()
      %scan3A = arith.constant 0 : i32
      %scan3A_1621 = arith.constant 0 : i32
      %scan3A_1622 = arith.constant 128 : i32
      %scan3A_1623 = arith.addi %scan3A_1621, %scan3A_1622 : i32
      %scan3A_1624 = arith.constant 1 : i32
      scf.for %scan3A_1626 = %scan3A_1621 to %scan3A_1623 step %scan3A_1624  : i32 {
        %mul3A_1627 = arith.constant 16 : i32
        %mul3A_1628 = arith.muli %scan3A_1626, %mul3A_1627 : i32
        %multiple_of3A = tpu.assume_multiple %mul3A_1628, 8 : i32
        %get3A_1629 = arith.index_cast %multiple_of3A : i32 to index
        %get3A_1630 = tpu.vector_load %arg21[%get3A_1629] {strides = array<i32>} : memref<2048xi32, #tpu.memory_space<vmem>>, vector<16xi32>,
        %gather3A_1631 = tpu.vector_load_idx %arg13[%get3A_1630] : memref<16xi32, #tpu.memory_space<vmem>>[vector<16xi32>], vector<16xi32>,
        %get3A_1632 = arith.index_cast %multiple_of3A : i32 to index
        %get3A_1633 = tpu.vector_load %arg20[%get3A_1632] {strides = array<i32>} : memref<2048xi32, #tpu.memory_space<vmem>>, vector<16xi32>,
        %add3A_1634 = arith.addi %gather3A_1631, %get3A_1633 : vector<16xi32>
        %get3A_1635 = arith.index_cast %multiple_of3A : i32 to index
        %get3A_1636 = tpu.vector_load %arg22[%get3A_1635] {strides = array<i32>} : memref<2048xf32, #tpu.memory_space<vmem>>, vector<16xf32>,
        tpu.vector_store_idx %arg24[%add3A_1634], %get3A_1636 : memref<16384xf32, #tpu.memory_space<vmem>>[vector<16xi32>], vector<16xf32>,
      }
      %scan3A_1625 = arith.constant 128 : i32
    } else {
    }
    %dma_wait3A_544 = arith.constant 0 : i32
    %dma_wait3A_545 = arith.constant 4 : i32
    %dma_wait3A_546 = arith.constant 0 : i32
    %dma_wait3A_547 = arith.constant 0 : i32
    %dma_wait3A_548 = tpu.memref_slice %arg19[%dma_wait3A_544, %dma_wait3A_546, %dma_wait3A_547] : memref<2x16x2048xf32, #tpu.memory_space<vmem>> -> memref<1x16x2048xf32, #tpu.memory_space<vmem>>
    %dma_wait3A_549 = tpu.memref_squeeze %dma_wait3A_548 : memref<1x16x2048xf32, #tpu.memory_space<vmem>> -> memref<16x2048xf32, #tpu.memory_space<vmem>>
    %dma_wait3A_550 = arith.constant 0 : i32
    %dma_wait3A_551 = tpu.memref_slice %arg18[%dma_wait3A_545, %dma_wait3A_550] : memref<32x16xi32, #tpu.memory_space<vmem>> -> memref<1x16xi32, #tpu.memory_space<vmem>>
    %dma_wait3A_552 = tpu.memref_squeeze %dma_wait3A_551 : memref<1x16xi32, #tpu.memory_space<vmem>> -> memref<16xi32, #tpu.memory_space<vmem>>
    %dma_wait3A_553 = arith.constant 0 : i32
    %dma_wait3A_554 = arith.constant 0 : i32
    %dma_wait3A_555 = tpu.memref_slice %arg10[%dma_wait3A_553, %dma_wait3A_554] : memref<16384x2048xf32, #tpu.memory_space<hbm>> -> memref<16384x2048xf32, #tpu.memory_space<hbm>>
    tpu.wait_indirect_dma semaphore(%arg27 : memref<!tpu.dma_semaphore, #tpu.memory_space<semaphore_mem>>) src(%dma_wait3A_549 : memref<16x2048xf32, #tpu.memory_space<vmem>>) dst(%dma_wait3A_555 : memref<16384x2048xf32, #tpu.memory_space<hbm>>)
    %dma_wait3A_556 = arith.constant 0 : i32
    %dma_wait3A_557 = arith.constant 5 : i32
    %dma_wait3A_558 = arith.constant 0 : i32
    %dma_wait3A_559 = arith.constant 0 : i32
    %dma_wait3A_560 = tpu.memref_slice %arg19[%dma_wait3A_556, %dma_wait3A_558, %dma_wait3A_559] : memref<2x16x2048xf32, #tpu.memory_space<vmem>> -> memref<1x16x2048xf32, #tpu.memory_space<vmem>>
    %dma_wait3A_561 = tpu.memref_squeeze %dma_wait3A_560 : memref<1x16x2048xf32, #tpu.memory_space<vmem>> -> memref<16x2048xf32, #tpu.memory_space<vmem>>
    %dma_wait3A_562 = arith.constant 0 : i32
    %dma_wait3A_563 = tpu.memref_slice %arg18[%dma_wait3A_557, %dma_wait3A_562] : memref<32x16xi32, #tpu.memory_space<vmem>> -> memref<1x16xi32, #tpu.memory_space<vmem>>
    %dma_wait3A_564 = tpu.memref_squeeze %dma_wait3A_563 : memref<1x16xi32, #tpu.memory_space<vmem>> -> memref<16xi32, #tpu.memory_space<vmem>>
    %dma_wait3A_565 = arith.constant 0 : i32
    %dma_wait3A_566 = arith.constant 0 : i32
    %dma_wait3A_567 = tpu.memref_slice %arg10[%dma_wait3A_565, %dma_wait3A_566] : memref<16384x2048xf32, #tpu.memory_space<hbm>> -> memref<16384x2048xf32, #tpu.memory_space<hbm>>
    tpu.wait_indirect_dma semaphore(%arg29 : memref<!tpu.dma_semaphore, #tpu.memory_space<semaphore_mem>>) src(%dma_wait3A_561 : memref<16x2048xf32, #tpu.memory_space<vmem>>) dst(%dma_wait3A_567 : memref<16384x2048xf32, #tpu.memory_space<hbm>>)
    %add3A_568 = arith.constant 64 : i32
    %add3A_569 = arith.addi %mul3A_2, %add3A_568 : i32
    %dma_start3A_570 = arith.constant 0 : i32
    %dma_start3A_571 = arith.constant 0 : i32
    %dma_start3A_572 = arith.constant 0 : i32
    %dma_start3A_573 = tpu.memref_slice %arg19[%dma_start3A_570, %dma_start3A_571, %dma_start3A_572] : memref<2x16x2048xf32, #tpu.memory_space<vmem>> -> memref<1x16x2048xf32, #tpu.memory_space<vmem>>
    %dma_start3A_574 = tpu.memref_squeeze %dma_start3A_573 : memref<1x16x2048xf32, #tpu.memory_space<vmem>> -> memref<16x2048xf32, #tpu.memory_space<vmem>>
    %dma_start3A_575 = arith.constant 0 : i32
    %dma_start3A_576 = tpu.memref_slice %arg2[%add3A_569, %dma_start3A_575] : memref<8192x2048xf32, #tpu.memory_space<hbm>> -> memref<16x2048xf32, #tpu.memory_space<hbm>>
    %dma_start3A_577 = arith.constant 0 : i32
    %dma_start3A_578 = arith.constant 0 : i32
    %dma_start3A_579 = tpu.memref_slice %arg19[%dma_start3A_570, %dma_start3A_577, %dma_start3A_578] : memref<2x16x2048xf32, #tpu.memory_space<vmem>> -> memref<1x16x2048xf32, #tpu.memory_space<vmem>>
    %dma_start3A_580 = tpu.memref_squeeze %dma_start3A_579 : memref<1x16x2048xf32, #tpu.memory_space<vmem>> -> memref<16x2048xf32, #tpu.memory_space<vmem>>
    %dma_start3A_581 = arith.constant 0 : i32
    %dma_start3A_582 = tpu.memref_slice %arg2[%add3A_569, %dma_start3A_581] : memref<8192x2048xf32, #tpu.memory_space<hbm>> -> memref<16x2048xf32, #tpu.memory_space<hbm>>
    tpu.enqueue_dma source(%dma_start3A_582 : memref<16x2048xf32, #tpu.memory_space<hbm>>) target(%dma_start3A_580 : memref<16x2048xf32, #tpu.memory_space<vmem>>) target_semaphore(%arg25 : memref<!tpu.dma_semaphore, #tpu.memory_space<semaphore_mem>>)
    %dma_wait3A_583 = arith.constant 1 : i32
    %dma_wait3A_584 = arith.constant 0 : i32
    %dma_wait3A_585 = arith.constant 0 : i32
    %dma_wait3A_586 = tpu.memref_slice %arg19[%dma_wait3A_583, %dma_wait3A_584, %dma_wait3A_585] : memref<2x16x2048xf32, #tpu.memory_space<vmem>> -> memref<1x16x2048xf32, #tpu.memory_space<vmem>>
    %dma_wait3A_587 = tpu.memref_squeeze %dma_wait3A_586 : memref<1x16x2048xf32, #tpu.memory_space<vmem>> -> memref<16x2048xf32, #tpu.memory_space<vmem>>
    %dma_wait3A_588 = arith.constant 0 : i32
    %dma_wait3A_589 = tpu.memref_slice %arg2[%add3A_486, %dma_wait3A_588] : memref<8192x2048xf32, #tpu.memory_space<hbm>> -> memref<16x2048xf32, #tpu.memory_space<hbm>>
    %dma_wait3A_590 = arith.constant 0 : i32
    %dma_wait3A_591 = arith.constant 0 : i32
    %dma_wait3A_592 = tpu.memref_slice %arg19[%dma_wait3A_583, %dma_wait3A_590, %dma_wait3A_591] : memref<2x16x2048xf32, #tpu.memory_space<vmem>> -> memref<1x16x2048xf32, #tpu.memory_space<vmem>>
    %dma_wait3A_593 = tpu.memref_squeeze %dma_wait3A_592 : memref<1x16x2048xf32, #tpu.memory_space<vmem>> -> memref<16x2048xf32, #tpu.memory_space<vmem>>
    %dma_wait3A_594 = arith.constant 0 : i32
    %dma_wait3A_595 = tpu.memref_slice %arg2[%add3A_486, %dma_wait3A_594] : memref<8192x2048xf32, #tpu.memory_space<hbm>> -> memref<16x2048xf32, #tpu.memory_space<hbm>>
    tpu.wait_dma2 semaphore(%arg26 : memref<!tpu.dma_semaphore, #tpu.memory_space<semaphore_mem>>) src(%dma_wait3A_595 : memref<16x2048xf32, #tpu.memory_space<hbm>>) dst(%dma_wait3A_593 : memref<16x2048xf32, #tpu.memory_space<vmem>>)
    %dma_start3A_596 = arith.constant 1 : i32
    %dma_start3A_597 = arith.constant 6 : i32
    %dma_start3A_598 = arith.constant 0 : i32
    %dma_start3A_599 = arith.constant 0 : i32
    %dma_start3A_600 = tpu.memref_slice %arg19[%dma_start3A_596, %dma_start3A_598, %dma_start3A_599] : memref<2x16x2048xf32, #tpu.memory_space<vmem>> -> memref<1x16x2048xf32, #tpu.memory_space<vmem>>
    %dma_start3A_601 = tpu.memref_squeeze %dma_start3A_600 : memref<1x16x2048xf32, #tpu.memory_space<vmem>> -> memref<16x2048xf32, #tpu.memory_space<vmem>>
    %dma_start3A_602 = arith.constant 0 : i32
    %dma_start3A_603 = tpu.memref_slice %arg18[%dma_start3A_597, %dma_start3A_602] : memref<32x16xi32, #tpu.memory_space<vmem>> -> memref<1x16xi32, #tpu.memory_space<vmem>>
    %dma_start3A_604 = tpu.memref_squeeze %dma_start3A_603 : memref<1x16xi32, #tpu.memory_space<vmem>> -> memref<16xi32, #tpu.memory_space<vmem>>
    %dma_start3A_605 = arith.constant 0 : i32
    %dma_start3A_606 = arith.constant 0 : i32
    %dma_start3A_607 = tpu.memref_slice %arg10[%dma_start3A_605, %dma_start3A_606] : memref<16384x2048xf32, #tpu.memory_space<hbm>> -> memref<16384x2048xf32, #tpu.memory_space<hbm>>
    tpu.enqueue_indirect_dma source(%dma_start3A_601 : memref<16x2048xf32, #tpu.memory_space<vmem>>) target(%dma_start3A_607 : memref<16384x2048xf32, #tpu.memory_space<hbm>>) offsets(%dma_start3A_604 : memref<16xi32, #tpu.memory_space<vmem>>) semaphore(%arg28 : memref<!tpu.dma_semaphore, #tpu.memory_space<semaphore_mem>>)
    %dma_start3A_608 = arith.constant 1 : i32
    %dma_start3A_609 = arith.constant 7 : i32
    %dma_start3A_610 = arith.constant 0 : i32
    %dma_start3A_611 = arith.constant 0 : i32
    %dma_start3A_612 = tpu.memref_slice %arg19[%dma_start3A_608, %dma_start3A_610, %dma_start3A_611] : memref<2x16x2048xf32, #tpu.memory_space<vmem>> -> memref<1x16x2048xf32, #tpu.memory_space<vmem>>
    %dma_start3A_613 = tpu.memref_squeeze %dma_start3A_612 : memref<1x16x2048xf32, #tpu.memory_space<vmem>> -> memref<16x2048xf32, #tpu.memory_space<vmem>>
    %dma_start3A_614 = arith.constant 0 : i32
    %dma_start3A_615 = tpu.memref_slice %arg18[%dma_start3A_609, %dma_start3A_614] : memref<32x16xi32, #tpu.memory_space<vmem>> -> memref<1x16xi32, #tpu.memory_space<vmem>>
    %dma_start3A_616 = tpu.memref_squeeze %dma_start3A_615 : memref<1x16xi32, #tpu.memory_space<vmem>> -> memref<16xi32, #tpu.memory_space<vmem>>
    %dma_start3A_617 = arith.constant 0 : i32
    %dma_start3A_618 = arith.constant 0 : i32
    %dma_start3A_619 = tpu.memref_slice %arg10[%dma_start3A_617, %dma_start3A_618] : memref<16384x2048xf32, #tpu.memory_space<hbm>> -> memref<16384x2048xf32, #tpu.memory_space<hbm>>
    tpu.enqueue_indirect_dma source(%dma_start3A_613 : memref<16x2048xf32, #tpu.memory_space<vmem>>) target(%dma_start3A_619 : memref<16384x2048xf32, #tpu.memory_space<hbm>>) offsets(%dma_start3A_616 : memref<16xi32, #tpu.memory_space<vmem>>) semaphore(%arg30 : memref<!tpu.dma_semaphore, #tpu.memory_space<semaphore_mem>>)
    %eq3A_620 = arith.constant 0 : i32
    %eq3A_621 = arith.cmpi eq, %add3A, %eq3A_620 : i32
    %convert_element_type3A_622 = arith.extui %eq3A_621 : i1 to i32
    %cond3A_623 = arith.constant 0 : i32
    %cond3A_624 = arith.cmpi ne, %convert_element_type3A_622, %cond3A_623 : i32
    scf.if %cond3A_624 {
      "tpu.region"() ({
        %run_scoped3A = tpu.sem_alloc : memref<!tpu.dma_semaphore, #tpu.memory_space<semaphore_mem>>
        %dma_start3A_1626 = arith.constant 2048 : i32
        %dma_start3A_1627 = tpu.memref_slice %arg4[%dma_start3A_1626] : memref<8192xi32, #tpu.memory_space<hbm>> -> memref<2048xi32, #tpu.memory_space<hbm>>
        %dma_start3A_1628 = arith.constant 2048 : i32
        %dma_start3A_1629 = tpu.memref_slice %arg4[%dma_start3A_1628] : memref<8192xi32, #tpu.memory_space<hbm>> -> memref<2048xi32, #tpu.memory_space<hbm>>
        tpu.enqueue_dma source(%dma_start3A_1629 : memref<2048xi32, #tpu.memory_space<hbm>>) target(%arg20 : memref<2048xi32, #tpu.memory_space<vmem>>) target_semaphore(%run_scoped3A : memref<!tpu.dma_semaphore, #tpu.memory_space<semaphore_mem>>)
        %dma_wait3A_1630 = arith.constant 2048 : i32
        %dma_wait3A_1631 = tpu.memref_slice %arg4[%dma_wait3A_1630] : memref<8192xi32, #tpu.memory_space<hbm>> -> memref<2048xi32, #tpu.memory_space<hbm>>
        %dma_wait3A_1632 = arith.constant 2048 : i32
        %dma_wait3A_1633 = tpu.memref_slice %arg4[%dma_wait3A_1632] : memref<8192xi32, #tpu.memory_space<hbm>> -> memref<2048xi32, #tpu.memory_space<hbm>>
        tpu.wait_dma2 semaphore(%run_scoped3A : memref<!tpu.dma_semaphore, #tpu.memory_space<semaphore_mem>>) src(%dma_wait3A_1633 : memref<2048xi32, #tpu.memory_space<hbm>>) dst(%arg20 : memref<2048xi32, #tpu.memory_space<vmem>>)
        tpu.yield
      }) : () -> ()
      "tpu.region"() ({
        %run_scoped3A = tpu.sem_alloc : memref<!tpu.dma_semaphore, #tpu.memory_space<semaphore_mem>>
        %dma_start3A_1626 = arith.constant 2048 : i32
        %dma_start3A_1627 = tpu.memref_slice %arg6[%dma_start3A_1626] : memref<8192xi32, #tpu.memory_space<hbm>> -> memref<2048xi32, #tpu.memory_space<hbm>>
        %dma_start3A_1628 = arith.constant 2048 : i32
        %dma_start3A_1629 = tpu.memref_slice %arg6[%dma_start3A_1628] : memref<8192xi32, #tpu.memory_space<hbm>> -> memref<2048xi32, #tpu.memory_space<hbm>>
        tpu.enqueue_dma source(%dma_start3A_1629 : memref<2048xi32, #tpu.memory_space<hbm>>) target(%arg21 : memref<2048xi32, #tpu.memory_space<vmem>>) target_semaphore(%run_scoped3A : memref<!tpu.dma_semaphore, #tpu.memory_space<semaphore_mem>>)
        %dma_wait3A_1630 = arith.constant 2048 : i32
        %dma_wait3A_1631 = tpu.memref_slice %arg6[%dma_wait3A_1630] : memref<8192xi32, #tpu.memory_space<hbm>> -> memref<2048xi32, #tpu.memory_space<hbm>>
        %dma_wait3A_1632 = arith.constant 2048 : i32
        %dma_wait3A_1633 = tpu.memref_slice %arg6[%dma_wait3A_1632] : memref<8192xi32, #tpu.memory_space<hbm>> -> memref<2048xi32, #tpu.memory_space<hbm>>
        tpu.wait_dma2 semaphore(%run_scoped3A : memref<!tpu.dma_semaphore, #tpu.memory_space<semaphore_mem>>) src(%dma_wait3A_1633 : memref<2048xi32, #tpu.memory_space<hbm>>) dst(%arg21 : memref<2048xi32, #tpu.memory_space<vmem>>)
        tpu.yield
      }) : () -> ()
      %scan3A = arith.constant 0 : i32
      %scan3A_1621 = arith.constant 0 : i32
      %scan3A_1622 = arith.constant 128 : i32
      %scan3A_1623 = arith.addi %scan3A_1621, %scan3A_1622 : i32
      %scan3A_1624 = arith.constant 1 : i32
      scf.for %scan3A_1626 = %scan3A_1621 to %scan3A_1623 step %scan3A_1624  : i32 {
        %mul3A_1627 = arith.constant 16 : i32
        %mul3A_1628 = arith.muli %scan3A_1626, %mul3A_1627 : i32
        %multiple_of3A = tpu.assume_multiple %mul3A_1628, 8 : i32
        %get3A_1629 = arith.index_cast %multiple_of3A : i32 to index
        %get3A_1630 = tpu.vector_load %arg21[%get3A_1629] {strides = array<i32>} : memref<2048xi32, #tpu.memory_space<vmem>>, vector<16xi32>,
        %gather3A_1631 = tpu.vector_load_idx %arg13[%get3A_1630] : memref<16xi32, #tpu.memory_space<vmem>>[vector<16xi32>], vector<16xi32>,
        %get3A_1632 = arith.index_cast %multiple_of3A : i32 to index
        %get3A_1633 = tpu.vector_load %arg20[%get3A_1632] {strides = array<i32>} : memref<2048xi32, #tpu.memory_space<vmem>>, vector<16xi32>,
        %add3A_1634 = arith.addi %gather3A_1631, %get3A_1633 : vector<16xi32>
        %mul3A_1635 = arith.constant 16 : i32
        %mul3A_1636 = arith.muli %scan3A_1626, %mul3A_1635 : i32
        %add3A_1637 = arith.constant 2048 : i32
        %add3A_1638 = arith.addi %add3A_1637, %mul3A_1636 : i32
        %add3A_1639 = vector.broadcast %add3A_1638 : i32 to vector<16xi32>
        %add3A_1640 = arith.addi %iota3A, %add3A_1639 : vector<16xi32>
        tpu.vector_store_idx %arg23[%add3A_1634], %add3A_1640 : memref<16384xi32, #tpu.memory_space<vmem>>[vector<16xi32>], vector<16xi32>,
      }
      %scan3A_1625 = arith.constant 128 : i32
    } else {
    }
    %eq3A_625 = arith.constant 1 : i32
    %eq3A_626 = arith.cmpi eq, %add3A, %eq3A_625 : i32
    %convert_element_type3A_627 = arith.extui %eq3A_626 : i1 to i32
    %cond3A_628 = arith.constant 0 : i32
    %cond3A_629 = arith.cmpi ne, %convert_element_type3A_627, %cond3A_628 : i32
    scf.if %cond3A_629 {
      "tpu.region"() ({
        %run_scoped3A = tpu.sem_alloc : memref<!tpu.dma_semaphore, #tpu.memory_space<semaphore_mem>>
        %dma_start3A_1626 = arith.constant 2048 : i32
        %dma_start3A_1627 = tpu.memref_slice %arg4[%dma_start3A_1626] : memref<8192xi32, #tpu.memory_space<hbm>> -> memref<2048xi32, #tpu.memory_space<hbm>>
        %dma_start3A_1628 = arith.constant 2048 : i32
        %dma_start3A_1629 = tpu.memref_slice %arg4[%dma_start3A_1628] : memref<8192xi32, #tpu.memory_space<hbm>> -> memref<2048xi32, #tpu.memory_space<hbm>>
        tpu.enqueue_dma source(%dma_start3A_1629 : memref<2048xi32, #tpu.memory_space<hbm>>) target(%arg20 : memref<2048xi32, #tpu.memory_space<vmem>>) target_semaphore(%run_scoped3A : memref<!tpu.dma_semaphore, #tpu.memory_space<semaphore_mem>>)
        %dma_wait3A_1630 = arith.constant 2048 : i32
        %dma_wait3A_1631 = tpu.memref_slice %arg4[%dma_wait3A_1630] : memref<8192xi32, #tpu.memory_space<hbm>> -> memref<2048xi32, #tpu.memory_space<hbm>>
        %dma_wait3A_1632 = arith.constant 2048 : i32
        %dma_wait3A_1633 = tpu.memref_slice %arg4[%dma_wait3A_1632] : memref<8192xi32, #tpu.memory_space<hbm>> -> memref<2048xi32, #tpu.memory_space<hbm>>
        tpu.wait_dma2 semaphore(%run_scoped3A : memref<!tpu.dma_semaphore, #tpu.memory_space<semaphore_mem>>) src(%dma_wait3A_1633 : memref<2048xi32, #tpu.memory_space<hbm>>) dst(%arg20 : memref<2048xi32, #tpu.memory_space<vmem>>)
        tpu.yield
      }) : () -> ()
      "tpu.region"() ({
        %run_scoped3A = tpu.sem_alloc : memref<!tpu.dma_semaphore, #tpu.memory_space<semaphore_mem>>
        %dma_start3A_1626 = arith.constant 2048 : i32
        %dma_start3A_1627 = tpu.memref_slice %arg6[%dma_start3A_1626] : memref<8192xi32, #tpu.memory_space<hbm>> -> memref<2048xi32, #tpu.memory_space<hbm>>
        %dma_start3A_1628 = arith.constant 2048 : i32
        %dma_start3A_1629 = tpu.memref_slice %arg6[%dma_start3A_1628] : memref<8192xi32, #tpu.memory_space<hbm>> -> memref<2048xi32, #tpu.memory_space<hbm>>
        tpu.enqueue_dma source(%dma_start3A_1629 : memref<2048xi32, #tpu.memory_space<hbm>>) target(%arg21 : memref<2048xi32, #tpu.memory_space<vmem>>) target_semaphore(%run_scoped3A : memref<!tpu.dma_semaphore, #tpu.memory_space<semaphore_mem>>)
        %dma_wait3A_1630 = arith.constant 2048 : i32
        %dma_wait3A_1631 = tpu.memref_slice %arg6[%dma_wait3A_1630] : memref<8192xi32, #tpu.memory_space<hbm>> -> memref<2048xi32, #tpu.memory_space<hbm>>
        %dma_wait3A_1632 = arith.constant 2048 : i32
        %dma_wait3A_1633 = tpu.memref_slice %arg6[%dma_wait3A_1632] : memref<8192xi32, #tpu.memory_space<hbm>> -> memref<2048xi32, #tpu.memory_space<hbm>>
        tpu.wait_dma2 semaphore(%run_scoped3A : memref<!tpu.dma_semaphore, #tpu.memory_space<semaphore_mem>>) src(%dma_wait3A_1633 : memref<2048xi32, #tpu.memory_space<hbm>>) dst(%arg21 : memref<2048xi32, #tpu.memory_space<vmem>>)
        tpu.yield
      }) : () -> ()
      "tpu.region"() ({
        %run_scoped3A = tpu.sem_alloc : memref<!tpu.dma_semaphore, #tpu.memory_space<semaphore_mem>>
        %dma_start3A_1626 = arith.constant 2048 : i32
        %dma_start3A_1627 = tpu.memref_slice %arg8[%dma_start3A_1626] : memref<8192xf32, #tpu.memory_space<hbm>> -> memref<2048xf32, #tpu.memory_space<hbm>>
        %dma_start3A_1628 = arith.constant 2048 : i32
        %dma_start3A_1629 = tpu.memref_slice %arg8[%dma_start3A_1628] : memref<8192xf32, #tpu.memory_space<hbm>> -> memref<2048xf32, #tpu.memory_space<hbm>>
        tpu.enqueue_dma source(%dma_start3A_1629 : memref<2048xf32, #tpu.memory_space<hbm>>) target(%arg22 : memref<2048xf32, #tpu.memory_space<vmem>>) target_semaphore(%run_scoped3A : memref<!tpu.dma_semaphore, #tpu.memory_space<semaphore_mem>>)
        %dma_wait3A_1630 = arith.constant 2048 : i32
        %dma_wait3A_1631 = tpu.memref_slice %arg8[%dma_wait3A_1630] : memref<8192xf32, #tpu.memory_space<hbm>> -> memref<2048xf32, #tpu.memory_space<hbm>>
        %dma_wait3A_1632 = arith.constant 2048 : i32
        %dma_wait3A_1633 = tpu.memref_slice %arg8[%dma_wait3A_1632] : memref<8192xf32, #tpu.memory_space<hbm>> -> memref<2048xf32, #tpu.memory_space<hbm>>
        tpu.wait_dma2 semaphore(%run_scoped3A : memref<!tpu.dma_semaphore, #tpu.memory_space<semaphore_mem>>) src(%dma_wait3A_1633 : memref<2048xf32, #tpu.memory_space<hbm>>) dst(%arg22 : memref<2048xf32, #tpu.memory_space<vmem>>)
        tpu.yield
      }) : () -> ()
      %scan3A = arith.constant 0 : i32
      %scan3A_1621 = arith.constant 0 : i32
      %scan3A_1622 = arith.constant 128 : i32
      %scan3A_1623 = arith.addi %scan3A_1621, %scan3A_1622 : i32
      %scan3A_1624 = arith.constant 1 : i32
      scf.for %scan3A_1626 = %scan3A_1621 to %scan3A_1623 step %scan3A_1624  : i32 {
        %mul3A_1627 = arith.constant 16 : i32
        %mul3A_1628 = arith.muli %scan3A_1626, %mul3A_1627 : i32
        %multiple_of3A = tpu.assume_multiple %mul3A_1628, 8 : i32
        %get3A_1629 = arith.index_cast %multiple_of3A : i32 to index
        %get3A_1630 = tpu.vector_load %arg21[%get3A_1629] {strides = array<i32>} : memref<2048xi32, #tpu.memory_space<vmem>>, vector<16xi32>,
        %gather3A_1631 = tpu.vector_load_idx %arg13[%get3A_1630] : memref<16xi32, #tpu.memory_space<vmem>>[vector<16xi32>], vector<16xi32>,
        %get3A_1632 = arith.index_cast %multiple_of3A : i32 to index
        %get3A_1633 = tpu.vector_load %arg20[%get3A_1632] {strides = array<i32>} : memref<2048xi32, #tpu.memory_space<vmem>>, vector<16xi32>,
        %add3A_1634 = arith.addi %gather3A_1631, %get3A_1633 : vector<16xi32>
        %get3A_1635 = arith.index_cast %multiple_of3A : i32 to index
        %get3A_1636 = tpu.vector_load %arg22[%get3A_1635] {strides = array<i32>} : memref<2048xf32, #tpu.memory_space<vmem>>, vector<16xf32>,
        tpu.vector_store_idx %arg24[%add3A_1634], %get3A_1636 : memref<16384xf32, #tpu.memory_space<vmem>>[vector<16xi32>], vector<16xf32>,
      }
      %scan3A_1625 = arith.constant 128 : i32
    } else {
    }
    %dma_wait3A_630 = arith.constant 1 : i32
    %dma_wait3A_631 = arith.constant 6 : i32
    %dma_wait3A_632 = arith.constant 0 : i32
    %dma_wait3A_633 = arith.constant 0 : i32
    %dma_wait3A_634 = tpu.memref_slice %arg19[%dma_wait3A_630, %dma_wait3A_632, %dma_wait3A_633] : memref<2x16x2048xf32, #tpu.memory_space<vmem>> -> memref<1x16x2048xf32, #tpu.memory_space<vmem>>
    %dma_wait3A_635 = tpu.memref_squeeze %dma_wait3A_634 : memref<1x16x2048xf32, #tpu.memory_space<vmem>> -> memref<16x2048xf32, #tpu.memory_space<vmem>>
    %dma_wait3A_636 = arith.constant 0 : i32
    %dma_wait3A_637 = tpu.memref_slice %arg18[%dma_wait3A_631, %dma_wait3A_636] : memref<32x16xi32, #tpu.memory_space<vmem>> -> memref<1x16xi32, #tpu.memory_space<vmem>>
    %dma_wait3A_638 = tpu.memref_squeeze %dma_wait3A_637 : memref<1x16xi32, #tpu.memory_space<vmem>> -> memref<16xi32, #tpu.memory_space<vmem>>
    %dma_wait3A_639 = arith.constant 0 : i32
    %dma_wait3A_640 = arith.constant 0 : i32
    %dma_wait3A_641 = tpu.memref_slice %arg10[%dma_wait3A_639, %dma_wait3A_640] : memref<16384x2048xf32, #tpu.memory_space<hbm>> -> memref<16384x2048xf32, #tpu.memory_space<hbm>>
    tpu.wait_indirect_dma semaphore(%arg28 : memref<!tpu.dma_semaphore, #tpu.memory_space<semaphore_mem>>) src(%dma_wait3A_635 : memref<16x2048xf32, #tpu.memory_space<vmem>>) dst(%dma_wait3A_641 : memref<16384x2048xf32, #tpu.memory_space<hbm>>)
    %dma_wait3A_642 = arith.constant 1 : i32
    %dma_wait3A_643 = arith.constant 7 : i32
    %dma_wait3A_644 = arith.constant 0 : i32
    %dma_wait3A_645 = arith.constant 0 : i32
    %dma_wait3A_646 = tpu.memref_slice %arg19[%dma_wait3A_642, %dma_wait3A_644, %dma_wait3A_645] : memref<2x16x2048xf32, #tpu.memory_space<vmem>> -> memref<1x16x2048xf32, #tpu.memory_space<vmem>>
    %dma_wait3A_647 = tpu.memref_squeeze %dma_wait3A_646 : memref<1x16x2048xf32, #tpu.memory_space<vmem>> -> memref<16x2048xf32, #tpu.memory_space<vmem>>
    %dma_wait3A_648 = arith.constant 0 : i32
    %dma_wait3A_649 = tpu.memref_slice %arg18[%dma_wait3A_643, %dma_wait3A_648] : memref<32x16xi32, #tpu.memory_space<vmem>> -> memref<1x16xi32, #tpu.memory_space<vmem>>
    %dma_wait3A_650 = tpu.memref_squeeze %dma_wait3A_649 : memref<1x16xi32, #tpu.memory_space<vmem>> -> memref<16xi32, #tpu.memory_space<vmem>>
    %dma_wait3A_651 = arith.constant 0 : i32
    %dma_wait3A_652 = arith.constant 0 : i32
    %dma_wait3A_653 = tpu.memref_slice %arg10[%dma_wait3A_651, %dma_wait3A_652] : memref<16384x2048xf32, #tpu.memory_space<hbm>> -> memref<16384x2048xf32, #tpu.memory_space<hbm>>
    tpu.wait_indirect_dma semaphore(%arg30 : memref<!tpu.dma_semaphore, #tpu.memory_space<semaphore_mem>>) src(%dma_wait3A_647 : memref<16x2048xf32, #tpu.memory_space<vmem>>) dst(%dma_wait3A_653 : memref<16384x2048xf32, #tpu.memory_space<hbm>>)
    %add3A_654 = arith.constant 80 : i32
    %add3A_655 = arith.addi %mul3A_2, %add3A_654 : i32
    %dma_start3A_656 = arith.constant 1 : i32
    %dma_start3A_657 = arith.constant 0 : i32
    %dma_start3A_658 = arith.constant 0 : i32
    %dma_start3A_659 = tpu.memref_slice %arg19[%dma_start3A_656, %dma_start3A_657, %dma_start3A_658] : memref<2x16x2048xf32, #tpu.memory_space<vmem>> -> memref<1x16x2048xf32, #tpu.memory_space<vmem>>
    %dma_start3A_660 = tpu.memref_squeeze %dma_start3A_659 : memref<1x16x2048xf32, #tpu.memory_space<vmem>> -> memref<16x2048xf32, #tpu.memory_space<vmem>>
    %dma_start3A_661 = arith.constant 0 : i32
    %dma_start3A_662 = tpu.memref_slice %arg2[%add3A_655, %dma_start3A_661] : memref<8192x2048xf32, #tpu.memory_space<hbm>> -> memref<16x2048xf32, #tpu.memory_space<hbm>>
    %dma_start3A_663 = arith.constant 0 : i32
    %dma_start3A_664 = arith.constant 0 : i32
    %dma_start3A_665 = tpu.memref_slice %arg19[%dma_start3A_656, %dma_start3A_663, %dma_start3A_664] : memref<2x16x2048xf32, #tpu.memory_space<vmem>> -> memref<1x16x2048xf32, #tpu.memory_space<vmem>>
    %dma_start3A_666 = tpu.memref_squeeze %dma_start3A_665 : memref<1x16x2048xf32, #tpu.memory_space<vmem>> -> memref<16x2048xf32, #tpu.memory_space<vmem>>
    %dma_start3A_667 = arith.constant 0 : i32
    %dma_start3A_668 = tpu.memref_slice %arg2[%add3A_655, %dma_start3A_667] : memref<8192x2048xf32, #tpu.memory_space<hbm>> -> memref<16x2048xf32, #tpu.memory_space<hbm>>
    tpu.enqueue_dma source(%dma_start3A_668 : memref<16x2048xf32, #tpu.memory_space<hbm>>) target(%dma_start3A_666 : memref<16x2048xf32, #tpu.memory_space<vmem>>) target_semaphore(%arg26 : memref<!tpu.dma_semaphore, #tpu.memory_space<semaphore_mem>>)
    %dma_wait3A_669 = arith.constant 0 : i32
    %dma_wait3A_670 = arith.constant 0 : i32
    %dma_wait3A_671 = arith.constant 0 : i32
    %dma_wait3A_672 = tpu.memref_slice %arg19[%dma_wait3A_669, %dma_wait3A_670, %dma_wait3A_671] : memref<2x16x2048xf32, #tpu.memory_space<vmem>> -> memref<1x16x2048xf32, #tpu.memory_space<vmem>>
    %dma_wait3A_673 = tpu.memref_squeeze %dma_wait3A_672 : memref<1x16x2048xf32, #tpu.memory_space<vmem>> -> memref<16x2048xf32, #tpu.memory_space<vmem>>
    %dma_wait3A_674 = arith.constant 0 : i32
    %dma_wait3A_675 = tpu.memref_slice %arg2[%add3A_569, %dma_wait3A_674] : memref<8192x2048xf32, #tpu.memory_space<hbm>> -> memref<16x2048xf32, #tpu.memory_space<hbm>>
    %dma_wait3A_676 = arith.constant 0 : i32
    %dma_wait3A_677 = arith.constant 0 : i32
    %dma_wait3A_678 = tpu.memref_slice %arg19[%dma_wait3A_669, %dma_wait3A_676, %dma_wait3A_677] : memref<2x16x2048xf32, #tpu.memory_space<vmem>> -> memref<1x16x2048xf32, #tpu.memory_space<vmem>>
    %dma_wait3A_679 = tpu.memref_squeeze %dma_wait3A_678 : memref<1x16x2048xf32, #tpu.memory_space<vmem>> -> memref<16x2048xf32, #tpu.memory_space<vmem>>
    %dma_wait3A_680 = arith.constant 0 : i32
    %dma_wait3A_681 = tpu.memref_slice %arg2[%add3A_569, %dma_wait3A_680] : memref<8192x2048xf32, #tpu.memory_space<hbm>> -> memref<16x2048xf32, #tpu.memory_space<hbm>>
    tpu.wait_dma2 semaphore(%arg25 : memref<!tpu.dma_semaphore, #tpu.memory_space<semaphore_mem>>) src(%dma_wait3A_681 : memref<16x2048xf32, #tpu.memory_space<hbm>>) dst(%dma_wait3A_679 : memref<16x2048xf32, #tpu.memory_space<vmem>>)
    %dma_start3A_682 = arith.constant 0 : i32
    %dma_start3A_683 = arith.constant 8 : i32
    %dma_start3A_684 = arith.constant 0 : i32
    %dma_start3A_685 = arith.constant 0 : i32
    %dma_start3A_686 = tpu.memref_slice %arg19[%dma_start3A_682, %dma_start3A_684, %dma_start3A_685] : memref<2x16x2048xf32, #tpu.memory_space<vmem>> -> memref<1x16x2048xf32, #tpu.memory_space<vmem>>
    %dma_start3A_687 = tpu.memref_squeeze %dma_start3A_686 : memref<1x16x2048xf32, #tpu.memory_space<vmem>> -> memref<16x2048xf32, #tpu.memory_space<vmem>>
    %dma_start3A_688 = arith.constant 0 : i32
    %dma_start3A_689 = tpu.memref_slice %arg18[%dma_start3A_683, %dma_start3A_688] : memref<32x16xi32, #tpu.memory_space<vmem>> -> memref<1x16xi32, #tpu.memory_space<vmem>>
    %dma_start3A_690 = tpu.memref_squeeze %dma_start3A_689 : memref<1x16xi32, #tpu.memory_space<vmem>> -> memref<16xi32, #tpu.memory_space<vmem>>
    %dma_start3A_691 = arith.constant 0 : i32
    %dma_start3A_692 = arith.constant 0 : i32
    %dma_start3A_693 = tpu.memref_slice %arg10[%dma_start3A_691, %dma_start3A_692] : memref<16384x2048xf32, #tpu.memory_space<hbm>> -> memref<16384x2048xf32, #tpu.memory_space<hbm>>
    tpu.enqueue_indirect_dma source(%dma_start3A_687 : memref<16x2048xf32, #tpu.memory_space<vmem>>) target(%dma_start3A_693 : memref<16384x2048xf32, #tpu.memory_space<hbm>>) offsets(%dma_start3A_690 : memref<16xi32, #tpu.memory_space<vmem>>) semaphore(%arg27 : memref<!tpu.dma_semaphore, #tpu.memory_space<semaphore_mem>>)
    %dma_start3A_694 = arith.constant 0 : i32
    %dma_start3A_695 = arith.constant 9 : i32
    %dma_start3A_696 = arith.constant 0 : i32
    %dma_start3A_697 = arith.constant 0 : i32
    %dma_start3A_698 = tpu.memref_slice %arg19[%dma_start3A_694, %dma_start3A_696, %dma_start3A_697] : memref<2x16x2048xf32, #tpu.memory_space<vmem>> -> memref<1x16x2048xf32, #tpu.memory_space<vmem>>
    %dma_start3A_699 = tpu.memref_squeeze %dma_start3A_698 : memref<1x16x2048xf32, #tpu.memory_space<vmem>> -> memref<16x2048xf32, #tpu.memory_space<vmem>>
    %dma_start3A_700 = arith.constant 0 : i32
    %dma_start3A_701 = tpu.memref_slice %arg18[%dma_start3A_695, %dma_start3A_700] : memref<32x16xi32, #tpu.memory_space<vmem>> -> memref<1x16xi32, #tpu.memory_space<vmem>>
    %dma_start3A_702 = tpu.memref_squeeze %dma_start3A_701 : memref<1x16xi32, #tpu.memory_space<vmem>> -> memref<16xi32, #tpu.memory_space<vmem>>
    %dma_start3A_703 = arith.constant 0 : i32
    %dma_start3A_704 = arith.constant 0 : i32
    %dma_start3A_705 = tpu.memref_slice %arg10[%dma_start3A_703, %dma_start3A_704] : memref<16384x2048xf32, #tpu.memory_space<hbm>> -> memref<16384x2048xf32, #tpu.memory_space<hbm>>
    tpu.enqueue_indirect_dma source(%dma_start3A_699 : memref<16x2048xf32, #tpu.memory_space<vmem>>) target(%dma_start3A_705 : memref<16384x2048xf32, #tpu.memory_space<hbm>>) offsets(%dma_start3A_702 : memref<16xi32, #tpu.memory_space<vmem>>) semaphore(%arg29 : memref<!tpu.dma_semaphore, #tpu.memory_space<semaphore_mem>>)
    %eq3A_706 = arith.constant 0 : i32
    %eq3A_707 = arith.cmpi eq, %add3A, %eq3A_706 : i32
    %convert_element_type3A_708 = arith.extui %eq3A_707 : i1 to i32
    %cond3A_709 = arith.constant 0 : i32
    %cond3A_710 = arith.cmpi ne, %convert_element_type3A_708, %cond3A_709 : i32
    scf.if %cond3A_710 {
      "tpu.region"() ({
        %run_scoped3A = tpu.sem_alloc : memref<!tpu.dma_semaphore, #tpu.memory_space<semaphore_mem>>
        %dma_start3A_1626 = arith.constant 4096 : i32
        %dma_start3A_1627 = tpu.memref_slice %arg4[%dma_start3A_1626] : memref<8192xi32, #tpu.memory_space<hbm>> -> memref<2048xi32, #tpu.memory_space<hbm>>
        %dma_start3A_1628 = arith.constant 4096 : i32
        %dma_start3A_1629 = tpu.memref_slice %arg4[%dma_start3A_1628] : memref<8192xi32, #tpu.memory_space<hbm>> -> memref<2048xi32, #tpu.memory_space<hbm>>
        tpu.enqueue_dma source(%dma_start3A_1629 : memref<2048xi32, #tpu.memory_space<hbm>>) target(%arg20 : memref<2048xi32, #tpu.memory_space<vmem>>) target_semaphore(%run_scoped3A : memref<!tpu.dma_semaphore, #tpu.memory_space<semaphore_mem>>)
        %dma_wait3A_1630 = arith.constant 4096 : i32
        %dma_wait3A_1631 = tpu.memref_slice %arg4[%dma_wait3A_1630] : memref<8192xi32, #tpu.memory_space<hbm>> -> memref<2048xi32, #tpu.memory_space<hbm>>
        %dma_wait3A_1632 = arith.constant 4096 : i32
        %dma_wait3A_1633 = tpu.memref_slice %arg4[%dma_wait3A_1632] : memref<8192xi32, #tpu.memory_space<hbm>> -> memref<2048xi32, #tpu.memory_space<hbm>>
        tpu.wait_dma2 semaphore(%run_scoped3A : memref<!tpu.dma_semaphore, #tpu.memory_space<semaphore_mem>>) src(%dma_wait3A_1633 : memref<2048xi32, #tpu.memory_space<hbm>>) dst(%arg20 : memref<2048xi32, #tpu.memory_space<vmem>>)
        tpu.yield
      }) : () -> ()
      "tpu.region"() ({
        %run_scoped3A = tpu.sem_alloc : memref<!tpu.dma_semaphore, #tpu.memory_space<semaphore_mem>>
        %dma_start3A_1626 = arith.constant 4096 : i32
        %dma_start3A_1627 = tpu.memref_slice %arg6[%dma_start3A_1626] : memref<8192xi32, #tpu.memory_space<hbm>> -> memref<2048xi32, #tpu.memory_space<hbm>>
        %dma_start3A_1628 = arith.constant 4096 : i32
        %dma_start3A_1629 = tpu.memref_slice %arg6[%dma_start3A_1628] : memref<8192xi32, #tpu.memory_space<hbm>> -> memref<2048xi32, #tpu.memory_space<hbm>>
        tpu.enqueue_dma source(%dma_start3A_1629 : memref<2048xi32, #tpu.memory_space<hbm>>) target(%arg21 : memref<2048xi32, #tpu.memory_space<vmem>>) target_semaphore(%run_scoped3A : memref<!tpu.dma_semaphore, #tpu.memory_space<semaphore_mem>>)
        %dma_wait3A_1630 = arith.constant 4096 : i32
        %dma_wait3A_1631 = tpu.memref_slice %arg6[%dma_wait3A_1630] : memref<8192xi32, #tpu.memory_space<hbm>> -> memref<2048xi32, #tpu.memory_space<hbm>>
        %dma_wait3A_1632 = arith.constant 4096 : i32
        %dma_wait3A_1633 = tpu.memref_slice %arg6[%dma_wait3A_1632] : memref<8192xi32, #tpu.memory_space<hbm>> -> memref<2048xi32, #tpu.memory_space<hbm>>
        tpu.wait_dma2 semaphore(%run_scoped3A : memref<!tpu.dma_semaphore, #tpu.memory_space<semaphore_mem>>) src(%dma_wait3A_1633 : memref<2048xi32, #tpu.memory_space<hbm>>) dst(%arg21 : memref<2048xi32, #tpu.memory_space<vmem>>)
        tpu.yield
      }) : () -> ()
      %scan3A = arith.constant 0 : i32
      %scan3A_1621 = arith.constant 0 : i32
      %scan3A_1622 = arith.constant 128 : i32
      %scan3A_1623 = arith.addi %scan3A_1621, %scan3A_1622 : i32
      %scan3A_1624 = arith.constant 1 : i32
      scf.for %scan3A_1626 = %scan3A_1621 to %scan3A_1623 step %scan3A_1624  : i32 {
        %mul3A_1627 = arith.constant 16 : i32
        %mul3A_1628 = arith.muli %scan3A_1626, %mul3A_1627 : i32
        %multiple_of3A = tpu.assume_multiple %mul3A_1628, 8 : i32
        %get3A_1629 = arith.index_cast %multiple_of3A : i32 to index
        %get3A_1630 = tpu.vector_load %arg21[%get3A_1629] {strides = array<i32>} : memref<2048xi32, #tpu.memory_space<vmem>>, vector<16xi32>,
        %gather3A_1631 = tpu.vector_load_idx %arg13[%get3A_1630] : memref<16xi32, #tpu.memory_space<vmem>>[vector<16xi32>], vector<16xi32>,
        %get3A_1632 = arith.index_cast %multiple_of3A : i32 to index
        %get3A_1633 = tpu.vector_load %arg20[%get3A_1632] {strides = array<i32>} : memref<2048xi32, #tpu.memory_space<vmem>>, vector<16xi32>,
        %add3A_1634 = arith.addi %gather3A_1631, %get3A_1633 : vector<16xi32>
        %mul3A_1635 = arith.constant 16 : i32
        %mul3A_1636 = arith.muli %scan3A_1626, %mul3A_1635 : i32
        %add3A_1637 = arith.constant 4096 : i32
        %add3A_1638 = arith.addi %add3A_1637, %mul3A_1636 : i32
        %add3A_1639 = vector.broadcast %add3A_1638 : i32 to vector<16xi32>
        %add3A_1640 = arith.addi %iota3A, %add3A_1639 : vector<16xi32>
        tpu.vector_store_idx %arg23[%add3A_1634], %add3A_1640 : memref<16384xi32, #tpu.memory_space<vmem>>[vector<16xi32>], vector<16xi32>,
      }
      %scan3A_1625 = arith.constant 128 : i32
    } else {
    }
    %eq3A_711 = arith.constant 1 : i32
    %eq3A_712 = arith.cmpi eq, %add3A, %eq3A_711 : i32
    %convert_element_type3A_713 = arith.extui %eq3A_712 : i1 to i32
    %cond3A_714 = arith.constant 0 : i32
    %cond3A_715 = arith.cmpi ne, %convert_element_type3A_713, %cond3A_714 : i32
    scf.if %cond3A_715 {
      "tpu.region"() ({
        %run_scoped3A = tpu.sem_alloc : memref<!tpu.dma_semaphore, #tpu.memory_space<semaphore_mem>>
        %dma_start3A_1626 = arith.constant 4096 : i32
        %dma_start3A_1627 = tpu.memref_slice %arg4[%dma_start3A_1626] : memref<8192xi32, #tpu.memory_space<hbm>> -> memref<2048xi32, #tpu.memory_space<hbm>>
        %dma_start3A_1628 = arith.constant 4096 : i32
        %dma_start3A_1629 = tpu.memref_slice %arg4[%dma_start3A_1628] : memref<8192xi32, #tpu.memory_space<hbm>> -> memref<2048xi32, #tpu.memory_space<hbm>>
        tpu.enqueue_dma source(%dma_start3A_1629 : memref<2048xi32, #tpu.memory_space<hbm>>) target(%arg20 : memref<2048xi32, #tpu.memory_space<vmem>>) target_semaphore(%run_scoped3A : memref<!tpu.dma_semaphore, #tpu.memory_space<semaphore_mem>>)
        %dma_wait3A_1630 = arith.constant 4096 : i32
        %dma_wait3A_1631 = tpu.memref_slice %arg4[%dma_wait3A_1630] : memref<8192xi32, #tpu.memory_space<hbm>> -> memref<2048xi32, #tpu.memory_space<hbm>>
        %dma_wait3A_1632 = arith.constant 4096 : i32
        %dma_wait3A_1633 = tpu.memref_slice %arg4[%dma_wait3A_1632] : memref<8192xi32, #tpu.memory_space<hbm>> -> memref<2048xi32, #tpu.memory_space<hbm>>
        tpu.wait_dma2 semaphore(%run_scoped3A : memref<!tpu.dma_semaphore, #tpu.memory_space<semaphore_mem>>) src(%dma_wait3A_1633 : memref<2048xi32, #tpu.memory_space<hbm>>) dst(%arg20 : memref<2048xi32, #tpu.memory_space<vmem>>)
        tpu.yield
      }) : () -> ()
      "tpu.region"() ({
        %run_scoped3A = tpu.sem_alloc : memref<!tpu.dma_semaphore, #tpu.memory_space<semaphore_mem>>
        %dma_start3A_1626 = arith.constant 4096 : i32
        %dma_start3A_1627 = tpu.memref_slice %arg6[%dma_start3A_1626] : memref<8192xi32, #tpu.memory_space<hbm>> -> memref<2048xi32, #tpu.memory_space<hbm>>
        %dma_start3A_1628 = arith.constant 4096 : i32
        %dma_start3A_1629 = tpu.memref_slice %arg6[%dma_start3A_1628] : memref<8192xi32, #tpu.memory_space<hbm>> -> memref<2048xi32, #tpu.memory_space<hbm>>
        tpu.enqueue_dma source(%dma_start3A_1629 : memref<2048xi32, #tpu.memory_space<hbm>>) target(%arg21 : memref<2048xi32, #tpu.memory_space<vmem>>) target_semaphore(%run_scoped3A : memref<!tpu.dma_semaphore, #tpu.memory_space<semaphore_mem>>)
        %dma_wait3A_1630 = arith.constant 4096 : i32
        %dma_wait3A_1631 = tpu.memref_slice %arg6[%dma_wait3A_1630] : memref<8192xi32, #tpu.memory_space<hbm>> -> memref<2048xi32, #tpu.memory_space<hbm>>
        %dma_wait3A_1632 = arith.constant 4096 : i32
        %dma_wait3A_1633 = tpu.memref_slice %arg6[%dma_wait3A_1632] : memref<8192xi32, #tpu.memory_space<hbm>> -> memref<2048xi32, #tpu.memory_space<hbm>>
        tpu.wait_dma2 semaphore(%run_scoped3A : memref<!tpu.dma_semaphore, #tpu.memory_space<semaphore_mem>>) src(%dma_wait3A_1633 : memref<2048xi32, #tpu.memory_space<hbm>>) dst(%arg21 : memref<2048xi32, #tpu.memory_space<vmem>>)
        tpu.yield
      }) : () -> ()
      "tpu.region"() ({
        %run_scoped3A = tpu.sem_alloc : memref<!tpu.dma_semaphore, #tpu.memory_space<semaphore_mem>>
        %dma_start3A_1626 = arith.constant 4096 : i32
        %dma_start3A_1627 = tpu.memref_slice %arg8[%dma_start3A_1626] : memref<8192xf32, #tpu.memory_space<hbm>> -> memref<2048xf32, #tpu.memory_space<hbm>>
        %dma_start3A_1628 = arith.constant 4096 : i32
        %dma_start3A_1629 = tpu.memref_slice %arg8[%dma_start3A_1628] : memref<8192xf32, #tpu.memory_space<hbm>> -> memref<2048xf32, #tpu.memory_space<hbm>>
        tpu.enqueue_dma source(%dma_start3A_1629 : memref<2048xf32, #tpu.memory_space<hbm>>) target(%arg22 : memref<2048xf32, #tpu.memory_space<vmem>>) target_semaphore(%run_scoped3A : memref<!tpu.dma_semaphore, #tpu.memory_space<semaphore_mem>>)
        %dma_wait3A_1630 = arith.constant 4096 : i32
        %dma_wait3A_1631 = tpu.memref_slice %arg8[%dma_wait3A_1630] : memref<8192xf32, #tpu.memory_space<hbm>> -> memref<2048xf32, #tpu.memory_space<hbm>>
        %dma_wait3A_1632 = arith.constant 4096 : i32
        %dma_wait3A_1633 = tpu.memref_slice %arg8[%dma_wait3A_1632] : memref<8192xf32, #tpu.memory_space<hbm>> -> memref<2048xf32, #tpu.memory_space<hbm>>
        tpu.wait_dma2 semaphore(%run_scoped3A : memref<!tpu.dma_semaphore, #tpu.memory_space<semaphore_mem>>) src(%dma_wait3A_1633 : memref<2048xf32, #tpu.memory_space<hbm>>) dst(%arg22 : memref<2048xf32, #tpu.memory_space<vmem>>)
        tpu.yield
      }) : () -> ()
      %scan3A = arith.constant 0 : i32
      %scan3A_1621 = arith.constant 0 : i32
      %scan3A_1622 = arith.constant 128 : i32
      %scan3A_1623 = arith.addi %scan3A_1621, %scan3A_1622 : i32
      %scan3A_1624 = arith.constant 1 : i32
      scf.for %scan3A_1626 = %scan3A_1621 to %scan3A_1623 step %scan3A_1624  : i32 {
        %mul3A_1627 = arith.constant 16 : i32
        %mul3A_1628 = arith.muli %scan3A_1626, %mul3A_1627 : i32
        %multiple_of3A = tpu.assume_multiple %mul3A_1628, 8 : i32
        %get3A_1629 = arith.index_cast %multiple_of3A : i32 to index
        %get3A_1630 = tpu.vector_load %arg21[%get3A_1629] {strides = array<i32>} : memref<2048xi32, #tpu.memory_space<vmem>>, vector<16xi32>,
        %gather3A_1631 = tpu.vector_load_idx %arg13[%get3A_1630] : memref<16xi32, #tpu.memory_space<vmem>>[vector<16xi32>], vector<16xi32>,
        %get3A_1632 = arith.index_cast %multiple_of3A : i32 to index
        %get3A_1633 = tpu.vector_load %arg20[%get3A_1632] {strides = array<i32>} : memref<2048xi32, #tpu.memory_space<vmem>>, vector<16xi32>,
        %add3A_1634 = arith.addi %gather3A_1631, %get3A_1633 : vector<16xi32>
        %get3A_1635 = arith.index_cast %multiple_of3A : i32 to index
        %get3A_1636 = tpu.vector_load %arg22[%get3A_1635] {strides = array<i32>} : memref<2048xf32, #tpu.memory_space<vmem>>, vector<16xf32>,
        tpu.vector_store_idx %arg24[%add3A_1634], %get3A_1636 : memref<16384xf32, #tpu.memory_space<vmem>>[vector<16xi32>], vector<16xf32>,
      }
      %scan3A_1625 = arith.constant 128 : i32
    } else {
    }
    %dma_wait3A_716 = arith.constant 0 : i32
    %dma_wait3A_717 = arith.constant 8 : i32
    %dma_wait3A_718 = arith.constant 0 : i32
    %dma_wait3A_719 = arith.constant 0 : i32
    %dma_wait3A_720 = tpu.memref_slice %arg19[%dma_wait3A_716, %dma_wait3A_718, %dma_wait3A_719] : memref<2x16x2048xf32, #tpu.memory_space<vmem>> -> memref<1x16x2048xf32, #tpu.memory_space<vmem>>
    %dma_wait3A_721 = tpu.memref_squeeze %dma_wait3A_720 : memref<1x16x2048xf32, #tpu.memory_space<vmem>> -> memref<16x2048xf32, #tpu.memory_space<vmem>>
    %dma_wait3A_722 = arith.constant 0 : i32
    %dma_wait3A_723 = tpu.memref_slice %arg18[%dma_wait3A_717, %dma_wait3A_722] : memref<32x16xi32, #tpu.memory_space<vmem>> -> memref<1x16xi32, #tpu.memory_space<vmem>>
    %dma_wait3A_724 = tpu.memref_squeeze %dma_wait3A_723 : memref<1x16xi32, #tpu.memory_space<vmem>> -> memref<16xi32, #tpu.memory_space<vmem>>
    %dma_wait3A_725 = arith.constant 0 : i32
    %dma_wait3A_726 = arith.constant 0 : i32
    %dma_wait3A_727 = tpu.memref_slice %arg10[%dma_wait3A_725, %dma_wait3A_726] : memref<16384x2048xf32, #tpu.memory_space<hbm>> -> memref<16384x2048xf32, #tpu.memory_space<hbm>>
    tpu.wait_indirect_dma semaphore(%arg27 : memref<!tpu.dma_semaphore, #tpu.memory_space<semaphore_mem>>) src(%dma_wait3A_721 : memref<16x2048xf32, #tpu.memory_space<vmem>>) dst(%dma_wait3A_727 : memref<16384x2048xf32, #tpu.memory_space<hbm>>)
    %dma_wait3A_728 = arith.constant 0 : i32
    %dma_wait3A_729 = arith.constant 9 : i32
    %dma_wait3A_730 = arith.constant 0 : i32
    %dma_wait3A_731 = arith.constant 0 : i32
    %dma_wait3A_732 = tpu.memref_slice %arg19[%dma_wait3A_728, %dma_wait3A_730, %dma_wait3A_731] : memref<2x16x2048xf32, #tpu.memory_space<vmem>> -> memref<1x16x2048xf32, #tpu.memory_space<vmem>>
    %dma_wait3A_733 = tpu.memref_squeeze %dma_wait3A_732 : memref<1x16x2048xf32, #tpu.memory_space<vmem>> -> memref<16x2048xf32, #tpu.memory_space<vmem>>
    %dma_wait3A_734 = arith.constant 0 : i32
    %dma_wait3A_735 = tpu.memref_slice %arg18[%dma_wait3A_729, %dma_wait3A_734] : memref<32x16xi32, #tpu.memory_space<vmem>> -> memref<1x16xi32, #tpu.memory_space<vmem>>
    %dma_wait3A_736 = tpu.memref_squeeze %dma_wait3A_735 : memref<1x16xi32, #tpu.memory_space<vmem>> -> memref<16xi32, #tpu.memory_space<vmem>>
    %dma_wait3A_737 = arith.constant 0 : i32
    %dma_wait3A_738 = arith.constant 0 : i32
    %dma_wait3A_739 = tpu.memref_slice %arg10[%dma_wait3A_737, %dma_wait3A_738] : memref<16384x2048xf32, #tpu.memory_space<hbm>> -> memref<16384x2048xf32, #tpu.memory_space<hbm>>
    tpu.wait_indirect_dma semaphore(%arg29 : memref<!tpu.dma_semaphore, #tpu.memory_space<semaphore_mem>>) src(%dma_wait3A_733 : memref<16x2048xf32, #tpu.memory_space<vmem>>) dst(%dma_wait3A_739 : memref<16384x2048xf32, #tpu.memory_space<hbm>>)
    %add3A_740 = arith.constant 96 : i32
    %add3A_741 = arith.addi %mul3A_2, %add3A_740 : i32
    %dma_start3A_742 = arith.constant 0 : i32
    %dma_start3A_743 = arith.constant 0 : i32
    %dma_start3A_744 = arith.constant 0 : i32
    %dma_start3A_745 = tpu.memref_slice %arg19[%dma_start3A_742, %dma_start3A_743, %dma_start3A_744] : memref<2x16x2048xf32, #tpu.memory_space<vmem>> -> memref<1x16x2048xf32, #tpu.memory_space<vmem>>
    %dma_start3A_746 = tpu.memref_squeeze %dma_start3A_745 : memref<1x16x2048xf32, #tpu.memory_space<vmem>> -> memref<16x2048xf32, #tpu.memory_space<vmem>>
    %dma_start3A_747 = arith.constant 0 : i32
    %dma_start3A_748 = tpu.memref_slice %arg2[%add3A_741, %dma_start3A_747] : memref<8192x2048xf32, #tpu.memory_space<hbm>> -> memref<16x2048xf32, #tpu.memory_space<hbm>>
    %dma_start3A_749 = arith.constant 0 : i32
    %dma_start3A_750 = arith.constant 0 : i32
    %dma_start3A_751 = tpu.memref_slice %arg19[%dma_start3A_742, %dma_start3A_749, %dma_start3A_750] : memref<2x16x2048xf32, #tpu.memory_space<vmem>> -> memref<1x16x2048xf32, #tpu.memory_space<vmem>>
    %dma_start3A_752 = tpu.memref_squeeze %dma_start3A_751 : memref<1x16x2048xf32, #tpu.memory_space<vmem>> -> memref<16x2048xf32, #tpu.memory_space<vmem>>
    %dma_start3A_753 = arith.constant 0 : i32
    %dma_start3A_754 = tpu.memref_slice %arg2[%add3A_741, %dma_start3A_753] : memref<8192x2048xf32, #tpu.memory_space<hbm>> -> memref<16x2048xf32, #tpu.memory_space<hbm>>
    tpu.enqueue_dma source(%dma_start3A_754 : memref<16x2048xf32, #tpu.memory_space<hbm>>) target(%dma_start3A_752 : memref<16x2048xf32, #tpu.memory_space<vmem>>) target_semaphore(%arg25 : memref<!tpu.dma_semaphore, #tpu.memory_space<semaphore_mem>>)
    %dma_wait3A_755 = arith.constant 1 : i32
    %dma_wait3A_756 = arith.constant 0 : i32
    %dma_wait3A_757 = arith.constant 0 : i32
    %dma_wait3A_758 = tpu.memref_slice %arg19[%dma_wait3A_755, %dma_wait3A_756, %dma_wait3A_757] : memref<2x16x2048xf32, #tpu.memory_space<vmem>> -> memref<1x16x2048xf32, #tpu.memory_space<vmem>>
    %dma_wait3A_759 = tpu.memref_squeeze %dma_wait3A_758 : memref<1x16x2048xf32, #tpu.memory_space<vmem>> -> memref<16x2048xf32, #tpu.memory_space<vmem>>
    %dma_wait3A_760 = arith.constant 0 : i32
    %dma_wait3A_761 = tpu.memref_slice %arg2[%add3A_655, %dma_wait3A_760] : memref<8192x2048xf32, #tpu.memory_space<hbm>> -> memref<16x2048xf32, #tpu.memory_space<hbm>>
    %dma_wait3A_762 = arith.constant 0 : i32
    %dma_wait3A_763 = arith.constant 0 : i32
    %dma_wait3A_764 = tpu.memref_slice %arg19[%dma_wait3A_755, %dma_wait3A_762, %dma_wait3A_763] : memref<2x16x2048xf32, #tpu.memory_space<vmem>> -> memref<1x16x2048xf32, #tpu.memory_space<vmem>>
    %dma_wait3A_765 = tpu.memref_squeeze %dma_wait3A_764 : memref<1x16x2048xf32, #tpu.memory_space<vmem>> -> memref<16x2048xf32, #tpu.memory_space<vmem>>
    %dma_wait3A_766 = arith.constant 0 : i32
    %dma_wait3A_767 = tpu.memref_slice %arg2[%add3A_655, %dma_wait3A_766] : memref<8192x2048xf32, #tpu.memory_space<hbm>> -> memref<16x2048xf32, #tpu.memory_space<hbm>>
    tpu.wait_dma2 semaphore(%arg26 : memref<!tpu.dma_semaphore, #tpu.memory_space<semaphore_mem>>) src(%dma_wait3A_767 : memref<16x2048xf32, #tpu.memory_space<hbm>>) dst(%dma_wait3A_765 : memref<16x2048xf32, #tpu.memory_space<vmem>>)
    %dma_start3A_768 = arith.constant 1 : i32
    %dma_start3A_769 = arith.constant 10 : i32
    %dma_start3A_770 = arith.constant 0 : i32
    %dma_start3A_771 = arith.constant 0 : i32
    %dma_start3A_772 = tpu.memref_slice %arg19[%dma_start3A_768, %dma_start3A_770, %dma_start3A_771] : memref<2x16x2048xf32, #tpu.memory_space<vmem>> -> memref<1x16x2048xf32, #tpu.memory_space<vmem>>
    %dma_start3A_773 = tpu.memref_squeeze %dma_start3A_772 : memref<1x16x2048xf32, #tpu.memory_space<vmem>> -> memref<16x2048xf32, #tpu.memory_space<vmem>>
    %dma_start3A_774 = arith.constant 0 : i32
    %dma_start3A_775 = tpu.memref_slice %arg18[%dma_start3A_769, %dma_start3A_774] : memref<32x16xi32, #tpu.memory_space<vmem>> -> memref<1x16xi32, #tpu.memory_space<vmem>>
    %dma_start3A_776 = tpu.memref_squeeze %dma_start3A_775 : memref<1x16xi32, #tpu.memory_space<vmem>> -> memref<16xi32, #tpu.memory_space<vmem>>
    %dma_start3A_777 = arith.constant 0 : i32
    %dma_start3A_778 = arith.constant 0 : i32
    %dma_start3A_779 = tpu.memref_slice %arg10[%dma_start3A_777, %dma_start3A_778] : memref<16384x2048xf32, #tpu.memory_space<hbm>> -> memref<16384x2048xf32, #tpu.memory_space<hbm>>
    tpu.enqueue_indirect_dma source(%dma_start3A_773 : memref<16x2048xf32, #tpu.memory_space<vmem>>) target(%dma_start3A_779 : memref<16384x2048xf32, #tpu.memory_space<hbm>>) offsets(%dma_start3A_776 : memref<16xi32, #tpu.memory_space<vmem>>) semaphore(%arg28 : memref<!tpu.dma_semaphore, #tpu.memory_space<semaphore_mem>>)
    %dma_start3A_780 = arith.constant 1 : i32
    %dma_start3A_781 = arith.constant 11 : i32
    %dma_start3A_782 = arith.constant 0 : i32
    %dma_start3A_783 = arith.constant 0 : i32
    %dma_start3A_784 = tpu.memref_slice %arg19[%dma_start3A_780, %dma_start3A_782, %dma_start3A_783] : memref<2x16x2048xf32, #tpu.memory_space<vmem>> -> memref<1x16x2048xf32, #tpu.memory_space<vmem>>
    %dma_start3A_785 = tpu.memref_squeeze %dma_start3A_784 : memref<1x16x2048xf32, #tpu.memory_space<vmem>> -> memref<16x2048xf32, #tpu.memory_space<vmem>>
    %dma_start3A_786 = arith.constant 0 : i32
    %dma_start3A_787 = tpu.memref_slice %arg18[%dma_start3A_781, %dma_start3A_786] : memref<32x16xi32, #tpu.memory_space<vmem>> -> memref<1x16xi32, #tpu.memory_space<vmem>>
    %dma_start3A_788 = tpu.memref_squeeze %dma_start3A_787 : memref<1x16xi32, #tpu.memory_space<vmem>> -> memref<16xi32, #tpu.memory_space<vmem>>
    %dma_start3A_789 = arith.constant 0 : i32
    %dma_start3A_790 = arith.constant 0 : i32
    %dma_start3A_791 = tpu.memref_slice %arg10[%dma_start3A_789, %dma_start3A_790] : memref<16384x2048xf32, #tpu.memory_space<hbm>> -> memref<16384x2048xf32, #tpu.memory_space<hbm>>
    tpu.enqueue_indirect_dma source(%dma_start3A_785 : memref<16x2048xf32, #tpu.memory_space<vmem>>) target(%dma_start3A_791 : memref<16384x2048xf32, #tpu.memory_space<hbm>>) offsets(%dma_start3A_788 : memref<16xi32, #tpu.memory_space<vmem>>) semaphore(%arg30 : memref<!tpu.dma_semaphore, #tpu.memory_space<semaphore_mem>>)
    %eq3A_792 = arith.constant 0 : i32
    %eq3A_793 = arith.cmpi eq, %add3A, %eq3A_792 : i32
    %convert_element_type3A_794 = arith.extui %eq3A_793 : i1 to i32
    %cond3A_795 = arith.constant 0 : i32
    %cond3A_796 = arith.cmpi ne, %convert_element_type3A_794, %cond3A_795 : i32
    scf.if %cond3A_796 {
      "tpu.region"() ({
        %run_scoped3A = tpu.sem_alloc : memref<!tpu.dma_semaphore, #tpu.memory_space<semaphore_mem>>
        %dma_start3A_1626 = arith.constant 6144 : i32
        %dma_start3A_1627 = tpu.memref_slice %arg4[%dma_start3A_1626] : memref<8192xi32, #tpu.memory_space<hbm>> -> memref<2048xi32, #tpu.memory_space<hbm>>
        %dma_start3A_1628 = arith.constant 6144 : i32
        %dma_start3A_1629 = tpu.memref_slice %arg4[%dma_start3A_1628] : memref<8192xi32, #tpu.memory_space<hbm>> -> memref<2048xi32, #tpu.memory_space<hbm>>
        tpu.enqueue_dma source(%dma_start3A_1629 : memref<2048xi32, #tpu.memory_space<hbm>>) target(%arg20 : memref<2048xi32, #tpu.memory_space<vmem>>) target_semaphore(%run_scoped3A : memref<!tpu.dma_semaphore, #tpu.memory_space<semaphore_mem>>)
        %dma_wait3A_1630 = arith.constant 6144 : i32
        %dma_wait3A_1631 = tpu.memref_slice %arg4[%dma_wait3A_1630] : memref<8192xi32, #tpu.memory_space<hbm>> -> memref<2048xi32, #tpu.memory_space<hbm>>
        %dma_wait3A_1632 = arith.constant 6144 : i32
        %dma_wait3A_1633 = tpu.memref_slice %arg4[%dma_wait3A_1632] : memref<8192xi32, #tpu.memory_space<hbm>> -> memref<2048xi32, #tpu.memory_space<hbm>>
        tpu.wait_dma2 semaphore(%run_scoped3A : memref<!tpu.dma_semaphore, #tpu.memory_space<semaphore_mem>>) src(%dma_wait3A_1633 : memref<2048xi32, #tpu.memory_space<hbm>>) dst(%arg20 : memref<2048xi32, #tpu.memory_space<vmem>>)
        tpu.yield
      }) : () -> ()
      "tpu.region"() ({
        %run_scoped3A = tpu.sem_alloc : memref<!tpu.dma_semaphore, #tpu.memory_space<semaphore_mem>>
        %dma_start3A_1626 = arith.constant 6144 : i32
        %dma_start3A_1627 = tpu.memref_slice %arg6[%dma_start3A_1626] : memref<8192xi32, #tpu.memory_space<hbm>> -> memref<2048xi32, #tpu.memory_space<hbm>>
        %dma_start3A_1628 = arith.constant 6144 : i32
        %dma_start3A_1629 = tpu.memref_slice %arg6[%dma_start3A_1628] : memref<8192xi32, #tpu.memory_space<hbm>> -> memref<2048xi32, #tpu.memory_space<hbm>>
        tpu.enqueue_dma source(%dma_start3A_1629 : memref<2048xi32, #tpu.memory_space<hbm>>) target(%arg21 : memref<2048xi32, #tpu.memory_space<vmem>>) target_semaphore(%run_scoped3A : memref<!tpu.dma_semaphore, #tpu.memory_space<semaphore_mem>>)
        %dma_wait3A_1630 = arith.constant 6144 : i32
        %dma_wait3A_1631 = tpu.memref_slice %arg6[%dma_wait3A_1630] : memref<8192xi32, #tpu.memory_space<hbm>> -> memref<2048xi32, #tpu.memory_space<hbm>>
        %dma_wait3A_1632 = arith.constant 6144 : i32
        %dma_wait3A_1633 = tpu.memref_slice %arg6[%dma_wait3A_1632] : memref<8192xi32, #tpu.memory_space<hbm>> -> memref<2048xi32, #tpu.memory_space<hbm>>
        tpu.wait_dma2 semaphore(%run_scoped3A : memref<!tpu.dma_semaphore, #tpu.memory_space<semaphore_mem>>) src(%dma_wait3A_1633 : memref<2048xi32, #tpu.memory_space<hbm>>) dst(%arg21 : memref<2048xi32, #tpu.memory_space<vmem>>)
        tpu.yield
      }) : () -> ()
      %scan3A = arith.constant 0 : i32
      %scan3A_1621 = arith.constant 0 : i32
      %scan3A_1622 = arith.constant 128 : i32
      %scan3A_1623 = arith.addi %scan3A_1621, %scan3A_1622 : i32
      %scan3A_1624 = arith.constant 1 : i32
      scf.for %scan3A_1626 = %scan3A_1621 to %scan3A_1623 step %scan3A_1624  : i32 {
        %mul3A_1627 = arith.constant 16 : i32
        %mul3A_1628 = arith.muli %scan3A_1626, %mul3A_1627 : i32
        %multiple_of3A = tpu.assume_multiple %mul3A_1628, 8 : i32
        %get3A_1629 = arith.index_cast %multiple_of3A : i32 to index
        %get3A_1630 = tpu.vector_load %arg21[%get3A_1629] {strides = array<i32>} : memref<2048xi32, #tpu.memory_space<vmem>>, vector<16xi32>,
        %gather3A_1631 = tpu.vector_load_idx %arg13[%get3A_1630] : memref<16xi32, #tpu.memory_space<vmem>>[vector<16xi32>], vector<16xi32>,
        %get3A_1632 = arith.index_cast %multiple_of3A : i32 to index
        %get3A_1633 = tpu.vector_load %arg20[%get3A_1632] {strides = array<i32>} : memref<2048xi32, #tpu.memory_space<vmem>>, vector<16xi32>,
        %add3A_1634 = arith.addi %gather3A_1631, %get3A_1633 : vector<16xi32>
        %mul3A_1635 = arith.constant 16 : i32
        %mul3A_1636 = arith.muli %scan3A_1626, %mul3A_1635 : i32
        %add3A_1637 = arith.constant 6144 : i32
        %add3A_1638 = arith.addi %add3A_1637, %mul3A_1636 : i32
        %add3A_1639 = vector.broadcast %add3A_1638 : i32 to vector<16xi32>
        %add3A_1640 = arith.addi %iota3A, %add3A_1639 : vector<16xi32>
        tpu.vector_store_idx %arg23[%add3A_1634], %add3A_1640 : memref<16384xi32, #tpu.memory_space<vmem>>[vector<16xi32>], vector<16xi32>,
      }
      %scan3A_1625 = arith.constant 128 : i32
    } else {
    }
    %eq3A_797 = arith.constant 1 : i32
    %eq3A_798 = arith.cmpi eq, %add3A, %eq3A_797 : i32
    %convert_element_type3A_799 = arith.extui %eq3A_798 : i1 to i32
    %cond3A_800 = arith.constant 0 : i32
    %cond3A_801 = arith.cmpi ne, %convert_element_type3A_799, %cond3A_800 : i32
    scf.if %cond3A_801 {
      "tpu.region"() ({
        %run_scoped3A = tpu.sem_alloc : memref<!tpu.dma_semaphore, #tpu.memory_space<semaphore_mem>>
        %dma_start3A_1626 = arith.constant 6144 : i32
        %dma_start3A_1627 = tpu.memref_slice %arg4[%dma_start3A_1626] : memref<8192xi32, #tpu.memory_space<hbm>> -> memref<2048xi32, #tpu.memory_space<hbm>>
        %dma_start3A_1628 = arith.constant 6144 : i32
        %dma_start3A_1629 = tpu.memref_slice %arg4[%dma_start3A_1628] : memref<8192xi32, #tpu.memory_space<hbm>> -> memref<2048xi32, #tpu.memory_space<hbm>>
        tpu.enqueue_dma source(%dma_start3A_1629 : memref<2048xi32, #tpu.memory_space<hbm>>) target(%arg20 : memref<2048xi32, #tpu.memory_space<vmem>>) target_semaphore(%run_scoped3A : memref<!tpu.dma_semaphore, #tpu.memory_space<semaphore_mem>>)
        %dma_wait3A_1630 = arith.constant 6144 : i32
        %dma_wait3A_1631 = tpu.memref_slice %arg4[%dma_wait3A_1630] : memref<8192xi32, #tpu.memory_space<hbm>> -> memref<2048xi32, #tpu.memory_space<hbm>>
        %dma_wait3A_1632 = arith.constant 6144 : i32
        %dma_wait3A_1633 = tpu.memref_slice %arg4[%dma_wait3A_1632] : memref<8192xi32, #tpu.memory_space<hbm>> -> memref<2048xi32, #tpu.memory_space<hbm>>
        tpu.wait_dma2 semaphore(%run_scoped3A : memref<!tpu.dma_semaphore, #tpu.memory_space<semaphore_mem>>) src(%dma_wait3A_1633 : memref<2048xi32, #tpu.memory_space<hbm>>) dst(%arg20 : memref<2048xi32, #tpu.memory_space<vmem>>)
        tpu.yield
      }) : () -> ()
      "tpu.region"() ({
        %run_scoped3A = tpu.sem_alloc : memref<!tpu.dma_semaphore, #tpu.memory_space<semaphore_mem>>
        %dma_start3A_1626 = arith.constant 6144 : i32
        %dma_start3A_1627 = tpu.memref_slice %arg6[%dma_start3A_1626] : memref<8192xi32, #tpu.memory_space<hbm>> -> memref<2048xi32, #tpu.memory_space<hbm>>
        %dma_start3A_1628 = arith.constant 6144 : i32
        %dma_start3A_1629 = tpu.memref_slice %arg6[%dma_start3A_1628] : memref<8192xi32, #tpu.memory_space<hbm>> -> memref<2048xi32, #tpu.memory_space<hbm>>
        tpu.enqueue_dma source(%dma_start3A_1629 : memref<2048xi32, #tpu.memory_space<hbm>>) target(%arg21 : memref<2048xi32, #tpu.memory_space<vmem>>) target_semaphore(%run_scoped3A : memref<!tpu.dma_semaphore, #tpu.memory_space<semaphore_mem>>)
        %dma_wait3A_1630 = arith.constant 6144 : i32
        %dma_wait3A_1631 = tpu.memref_slice %arg6[%dma_wait3A_1630] : memref<8192xi32, #tpu.memory_space<hbm>> -> memref<2048xi32, #tpu.memory_space<hbm>>
        %dma_wait3A_1632 = arith.constant 6144 : i32
        %dma_wait3A_1633 = tpu.memref_slice %arg6[%dma_wait3A_1632] : memref<8192xi32, #tpu.memory_space<hbm>> -> memref<2048xi32, #tpu.memory_space<hbm>>
        tpu.wait_dma2 semaphore(%run_scoped3A : memref<!tpu.dma_semaphore, #tpu.memory_space<semaphore_mem>>) src(%dma_wait3A_1633 : memref<2048xi32, #tpu.memory_space<hbm>>) dst(%arg21 : memref<2048xi32, #tpu.memory_space<vmem>>)
        tpu.yield
      }) : () -> ()
      "tpu.region"() ({
        %run_scoped3A = tpu.sem_alloc : memref<!tpu.dma_semaphore, #tpu.memory_space<semaphore_mem>>
        %dma_start3A_1626 = arith.constant 6144 : i32
        %dma_start3A_1627 = tpu.memref_slice %arg8[%dma_start3A_1626] : memref<8192xf32, #tpu.memory_space<hbm>> -> memref<2048xf32, #tpu.memory_space<hbm>>
        %dma_start3A_1628 = arith.constant 6144 : i32
        %dma_start3A_1629 = tpu.memref_slice %arg8[%dma_start3A_1628] : memref<8192xf32, #tpu.memory_space<hbm>> -> memref<2048xf32, #tpu.memory_space<hbm>>
        tpu.enqueue_dma source(%dma_start3A_1629 : memref<2048xf32, #tpu.memory_space<hbm>>) target(%arg22 : memref<2048xf32, #tpu.memory_space<vmem>>) target_semaphore(%run_scoped3A : memref<!tpu.dma_semaphore, #tpu.memory_space<semaphore_mem>>)
        %dma_wait3A_1630 = arith.constant 6144 : i32
        %dma_wait3A_1631 = tpu.memref_slice %arg8[%dma_wait3A_1630] : memref<8192xf32, #tpu.memory_space<hbm>> -> memref<2048xf32, #tpu.memory_space<hbm>>
        %dma_wait3A_1632 = arith.constant 6144 : i32
        %dma_wait3A_1633 = tpu.memref_slice %arg8[%dma_wait3A_1632] : memref<8192xf32, #tpu.memory_space<hbm>> -> memref<2048xf32, #tpu.memory_space<hbm>>
        tpu.wait_dma2 semaphore(%run_scoped3A : memref<!tpu.dma_semaphore, #tpu.memory_space<semaphore_mem>>) src(%dma_wait3A_1633 : memref<2048xf32, #tpu.memory_space<hbm>>) dst(%arg22 : memref<2048xf32, #tpu.memory_space<vmem>>)
        tpu.yield
      }) : () -> ()
      %scan3A = arith.constant 0 : i32
      %scan3A_1621 = arith.constant 0 : i32
      %scan3A_1622 = arith.constant 128 : i32
      %scan3A_1623 = arith.addi %scan3A_1621, %scan3A_1622 : i32
      %scan3A_1624 = arith.constant 1 : i32
      scf.for %scan3A_1626 = %scan3A_1621 to %scan3A_1623 step %scan3A_1624  : i32 {
        %mul3A_1627 = arith.constant 16 : i32
        %mul3A_1628 = arith.muli %scan3A_1626, %mul3A_1627 : i32
        %multiple_of3A = tpu.assume_multiple %mul3A_1628, 8 : i32
        %get3A_1629 = arith.index_cast %multiple_of3A : i32 to index
        %get3A_1630 = tpu.vector_load %arg21[%get3A_1629] {strides = array<i32>} : memref<2048xi32, #tpu.memory_space<vmem>>, vector<16xi32>,
        %gather3A_1631 = tpu.vector_load_idx %arg13[%get3A_1630] : memref<16xi32, #tpu.memory_space<vmem>>[vector<16xi32>], vector<16xi32>,
        %get3A_1632 = arith.index_cast %multiple_of3A : i32 to index
        %get3A_1633 = tpu.vector_load %arg20[%get3A_1632] {strides = array<i32>} : memref<2048xi32, #tpu.memory_space<vmem>>, vector<16xi32>,
        %add3A_1634 = arith.addi %gather3A_1631, %get3A_1633 : vector<16xi32>
        %get3A_1635 = arith.index_cast %multiple_of3A : i32 to index
        %get3A_1636 = tpu.vector_load %arg22[%get3A_1635] {strides = array<i32>} : memref<2048xf32, #tpu.memory_space<vmem>>, vector<16xf32>,
        tpu.vector_store_idx %arg24[%add3A_1634], %get3A_1636 : memref<16384xf32, #tpu.memory_space<vmem>>[vector<16xi32>], vector<16xf32>,
      }
      %scan3A_1625 = arith.constant 128 : i32
    } else {
    }
    %dma_wait3A_802 = arith.constant 1 : i32
    %dma_wait3A_803 = arith.constant 10 : i32
    %dma_wait3A_804 = arith.constant 0 : i32
    %dma_wait3A_805 = arith.constant 0 : i32
    %dma_wait3A_806 = tpu.memref_slice %arg19[%dma_wait3A_802, %dma_wait3A_804, %dma_wait3A_805] : memref<2x16x2048xf32, #tpu.memory_space<vmem>> -> memref<1x16x2048xf32, #tpu.memory_space<vmem>>
    %dma_wait3A_807 = tpu.memref_squeeze %dma_wait3A_806 : memref<1x16x2048xf32, #tpu.memory_space<vmem>> -> memref<16x2048xf32, #tpu.memory_space<vmem>>
    %dma_wait3A_808 = arith.constant 0 : i32
    %dma_wait3A_809 = tpu.memref_slice %arg18[%dma_wait3A_803, %dma_wait3A_808] : memref<32x16xi32, #tpu.memory_space<vmem>> -> memref<1x16xi32, #tpu.memory_space<vmem>>
    %dma_wait3A_810 = tpu.memref_squeeze %dma_wait3A_809 : memref<1x16xi32, #tpu.memory_space<vmem>> -> memref<16xi32, #tpu.memory_space<vmem>>
    %dma_wait3A_811 = arith.constant 0 : i32
    %dma_wait3A_812 = arith.constant 0 : i32
    %dma_wait3A_813 = tpu.memref_slice %arg10[%dma_wait3A_811, %dma_wait3A_812] : memref<16384x2048xf32, #tpu.memory_space<hbm>> -> memref<16384x2048xf32, #tpu.memory_space<hbm>>
    tpu.wait_indirect_dma semaphore(%arg28 : memref<!tpu.dma_semaphore, #tpu.memory_space<semaphore_mem>>) src(%dma_wait3A_807 : memref<16x2048xf32, #tpu.memory_space<vmem>>) dst(%dma_wait3A_813 : memref<16384x2048xf32, #tpu.memory_space<hbm>>)
    %dma_wait3A_814 = arith.constant 1 : i32
    %dma_wait3A_815 = arith.constant 11 : i32
    %dma_wait3A_816 = arith.constant 0 : i32
    %dma_wait3A_817 = arith.constant 0 : i32
    %dma_wait3A_818 = tpu.memref_slice %arg19[%dma_wait3A_814, %dma_wait3A_816, %dma_wait3A_817] : memref<2x16x2048xf32, #tpu.memory_space<vmem>> -> memref<1x16x2048xf32, #tpu.memory_space<vmem>>
    %dma_wait3A_819 = tpu.memref_squeeze %dma_wait3A_818 : memref<1x16x2048xf32, #tpu.memory_space<vmem>> -> memref<16x2048xf32, #tpu.memory_space<vmem>>
    %dma_wait3A_820 = arith.constant 0 : i32
    %dma_wait3A_821 = tpu.memref_slice %arg18[%dma_wait3A_815, %dma_wait3A_820] : memref<32x16xi32, #tpu.memory_space<vmem>> -> memref<1x16xi32, #tpu.memory_space<vmem>>
    %dma_wait3A_822 = tpu.memref_squeeze %dma_wait3A_821 : memref<1x16xi32, #tpu.memory_space<vmem>> -> memref<16xi32, #tpu.memory_space<vmem>>
    %dma_wait3A_823 = arith.constant 0 : i32
    %dma_wait3A_824 = arith.constant 0 : i32
    %dma_wait3A_825 = tpu.memref_slice %arg10[%dma_wait3A_823, %dma_wait3A_824] : memref<16384x2048xf32, #tpu.memory_space<hbm>> -> memref<16384x2048xf32, #tpu.memory_space<hbm>>
    tpu.wait_indirect_dma semaphore(%arg30 : memref<!tpu.dma_semaphore, #tpu.memory_space<semaphore_mem>>) src(%dma_wait3A_819 : memref<16x2048xf32, #tpu.memory_space<vmem>>) dst(%dma_wait3A_825 : memref<16384x2048xf32, #tpu.memory_space<hbm>>)
    %add3A_826 = arith.constant 112 : i32
    %add3A_827 = arith.addi %mul3A_2, %add3A_826 : i32
    %dma_start3A_828 = arith.constant 1 : i32
    %dma_start3A_829 = arith.constant 0 : i32
    %dma_start3A_830 = arith.constant 0 : i32
    %dma_start3A_831 = tpu.memref_slice %arg19[%dma_start3A_828, %dma_start3A_829, %dma_start3A_830] : memref<2x16x2048xf32, #tpu.memory_space<vmem>> -> memref<1x16x2048xf32, #tpu.memory_space<vmem>>
    %dma_start3A_832 = tpu.memref_squeeze %dma_start3A_831 : memref<1x16x2048xf32, #tpu.memory_space<vmem>> -> memref<16x2048xf32, #tpu.memory_space<vmem>>
    %dma_start3A_833 = arith.constant 0 : i32
    %dma_start3A_834 = tpu.memref_slice %arg2[%add3A_827, %dma_start3A_833] : memref<8192x2048xf32, #tpu.memory_space<hbm>> -> memref<16x2048xf32, #tpu.memory_space<hbm>>
    %dma_start3A_835 = arith.constant 0 : i32
    %dma_start3A_836 = arith.constant 0 : i32
    %dma_start3A_837 = tpu.memref_slice %arg19[%dma_start3A_828, %dma_start3A_835, %dma_start3A_836] : memref<2x16x2048xf32, #tpu.memory_space<vmem>> -> memref<1x16x2048xf32, #tpu.memory_space<vmem>>
    %dma_start3A_838 = tpu.memref_squeeze %dma_start3A_837 : memref<1x16x2048xf32, #tpu.memory_space<vmem>> -> memref<16x2048xf32, #tpu.memory_space<vmem>>
    %dma_start3A_839 = arith.constant 0 : i32
    %dma_start3A_840 = tpu.memref_slice %arg2[%add3A_827, %dma_start3A_839] : memref<8192x2048xf32, #tpu.memory_space<hbm>> -> memref<16x2048xf32, #tpu.memory_space<hbm>>
    tpu.enqueue_dma source(%dma_start3A_840 : memref<16x2048xf32, #tpu.memory_space<hbm>>) target(%dma_start3A_838 : memref<16x2048xf32, #tpu.memory_space<vmem>>) target_semaphore(%arg26 : memref<!tpu.dma_semaphore, #tpu.memory_space<semaphore_mem>>)
    %dma_wait3A_841 = arith.constant 0 : i32
    %dma_wait3A_842 = arith.constant 0 : i32
    %dma_wait3A_843 = arith.constant 0 : i32
    %dma_wait3A_844 = tpu.memref_slice %arg19[%dma_wait3A_841, %dma_wait3A_842, %dma_wait3A_843] : memref<2x16x2048xf32, #tpu.memory_space<vmem>> -> memref<1x16x2048xf32, #tpu.memory_space<vmem>>
    %dma_wait3A_845 = tpu.memref_squeeze %dma_wait3A_844 : memref<1x16x2048xf32, #tpu.memory_space<vmem>> -> memref<16x2048xf32, #tpu.memory_space<vmem>>
    %dma_wait3A_846 = arith.constant 0 : i32
    %dma_wait3A_847 = tpu.memref_slice %arg2[%add3A_741, %dma_wait3A_846] : memref<8192x2048xf32, #tpu.memory_space<hbm>> -> memref<16x2048xf32, #tpu.memory_space<hbm>>
    %dma_wait3A_848 = arith.constant 0 : i32
    %dma_wait3A_849 = arith.constant 0 : i32
    %dma_wait3A_850 = tpu.memref_slice %arg19[%dma_wait3A_841, %dma_wait3A_848, %dma_wait3A_849] : memref<2x16x2048xf32, #tpu.memory_space<vmem>> -> memref<1x16x2048xf32, #tpu.memory_space<vmem>>
    %dma_wait3A_851 = tpu.memref_squeeze %dma_wait3A_850 : memref<1x16x2048xf32, #tpu.memory_space<vmem>> -> memref<16x2048xf32, #tpu.memory_space<vmem>>
    %dma_wait3A_852 = arith.constant 0 : i32
    %dma_wait3A_853 = tpu.memref_slice %arg2[%add3A_741, %dma_wait3A_852] : memref<8192x2048xf32, #tpu.memory_space<hbm>> -> memref<16x2048xf32, #tpu.memory_space<hbm>>
    tpu.wait_dma2 semaphore(%arg25 : memref<!tpu.dma_semaphore, #tpu.memory_space<semaphore_mem>>) src(%dma_wait3A_853 : memref<16x2048xf32, #tpu.memory_space<hbm>>) dst(%dma_wait3A_851 : memref<16x2048xf32, #tpu.memory_space<vmem>>)
    %dma_start3A_854 = arith.constant 0 : i32
    %dma_start3A_855 = arith.constant 12 : i32
    %dma_start3A_856 = arith.constant 0 : i32
    %dma_start3A_857 = arith.constant 0 : i32
    %dma_start3A_858 = tpu.memref_slice %arg19[%dma_start3A_854, %dma_start3A_856, %dma_start3A_857] : memref<2x16x2048xf32, #tpu.memory_space<vmem>> -> memref<1x16x2048xf32, #tpu.memory_space<vmem>>
    %dma_start3A_859 = tpu.memref_squeeze %dma_start3A_858 : memref<1x16x2048xf32, #tpu.memory_space<vmem>> -> memref<16x2048xf32, #tpu.memory_space<vmem>>
    %dma_start3A_860 = arith.constant 0 : i32
    %dma_start3A_861 = tpu.memref_slice %arg18[%dma_start3A_855, %dma_start3A_860] : memref<32x16xi32, #tpu.memory_space<vmem>> -> memref<1x16xi32, #tpu.memory_space<vmem>>
    %dma_start3A_862 = tpu.memref_squeeze %dma_start3A_861 : memref<1x16xi32, #tpu.memory_space<vmem>> -> memref<16xi32, #tpu.memory_space<vmem>>
    %dma_start3A_863 = arith.constant 0 : i32
    %dma_start3A_864 = arith.constant 0 : i32
    %dma_start3A_865 = tpu.memref_slice %arg10[%dma_start3A_863, %dma_start3A_864] : memref<16384x2048xf32, #tpu.memory_space<hbm>> -> memref<16384x2048xf32, #tpu.memory_space<hbm>>
    tpu.enqueue_indirect_dma source(%dma_start3A_859 : memref<16x2048xf32, #tpu.memory_space<vmem>>) target(%dma_start3A_865 : memref<16384x2048xf32, #tpu.memory_space<hbm>>) offsets(%dma_start3A_862 : memref<16xi32, #tpu.memory_space<vmem>>) semaphore(%arg27 : memref<!tpu.dma_semaphore, #tpu.memory_space<semaphore_mem>>)
    %dma_start3A_866 = arith.constant 0 : i32
    %dma_start3A_867 = arith.constant 13 : i32
    %dma_start3A_868 = arith.constant 0 : i32
    %dma_start3A_869 = arith.constant 0 : i32
    %dma_start3A_870 = tpu.memref_slice %arg19[%dma_start3A_866, %dma_start3A_868, %dma_start3A_869] : memref<2x16x2048xf32, #tpu.memory_space<vmem>> -> memref<1x16x2048xf32, #tpu.memory_space<vmem>>
    %dma_start3A_871 = tpu.memref_squeeze %dma_start3A_870 : memref<1x16x2048xf32, #tpu.memory_space<vmem>> -> memref<16x2048xf32, #tpu.memory_space<vmem>>
    %dma_start3A_872 = arith.constant 0 : i32
    %dma_start3A_873 = tpu.memref_slice %arg18[%dma_start3A_867, %dma_start3A_872] : memref<32x16xi32, #tpu.memory_space<vmem>> -> memref<1x16xi32, #tpu.memory_space<vmem>>
    %dma_start3A_874 = tpu.memref_squeeze %dma_start3A_873 : memref<1x16xi32, #tpu.memory_space<vmem>> -> memref<16xi32, #tpu.memory_space<vmem>>
    %dma_start3A_875 = arith.constant 0 : i32
    %dma_start3A_876 = arith.constant 0 : i32
    %dma_start3A_877 = tpu.memref_slice %arg10[%dma_start3A_875, %dma_start3A_876] : memref<16384x2048xf32, #tpu.memory_space<hbm>> -> memref<16384x2048xf32, #tpu.memory_space<hbm>>
    tpu.enqueue_indirect_dma source(%dma_start3A_871 : memref<16x2048xf32, #tpu.memory_space<vmem>>) target(%dma_start3A_877 : memref<16384x2048xf32, #tpu.memory_space<hbm>>) offsets(%dma_start3A_874 : memref<16xi32, #tpu.memory_space<vmem>>) semaphore(%arg29 : memref<!tpu.dma_semaphore, #tpu.memory_space<semaphore_mem>>)
    %eq3A_878 = arith.constant 0 : i32
    %eq3A_879 = arith.cmpi eq, %add3A, %eq3A_878 : i32
    %convert_element_type3A_880 = arith.extui %eq3A_879 : i1 to i32
    %cond3A_881 = arith.constant 0 : i32
    %cond3A_882 = arith.cmpi ne, %convert_element_type3A_880, %cond3A_881 : i32
    scf.if %cond3A_882 {
      "tpu.region"() ({
        %run_scoped3A = tpu.sem_alloc : memref<!tpu.dma_semaphore, #tpu.memory_space<semaphore_mem>>
        %dma_start3A_1626 = arith.constant 0 : i32
        %dma_start3A_1627 = tpu.memref_slice %arg5[%dma_start3A_1626] : memref<8192xi32, #tpu.memory_space<hbm>> -> memref<2048xi32, #tpu.memory_space<hbm>>
        %dma_start3A_1628 = arith.constant 0 : i32
        %dma_start3A_1629 = tpu.memref_slice %arg5[%dma_start3A_1628] : memref<8192xi32, #tpu.memory_space<hbm>> -> memref<2048xi32, #tpu.memory_space<hbm>>
        tpu.enqueue_dma source(%dma_start3A_1629 : memref<2048xi32, #tpu.memory_space<hbm>>) target(%arg20 : memref<2048xi32, #tpu.memory_space<vmem>>) target_semaphore(%run_scoped3A : memref<!tpu.dma_semaphore, #tpu.memory_space<semaphore_mem>>)
        %dma_wait3A_1630 = arith.constant 0 : i32
        %dma_wait3A_1631 = tpu.memref_slice %arg5[%dma_wait3A_1630] : memref<8192xi32, #tpu.memory_space<hbm>> -> memref<2048xi32, #tpu.memory_space<hbm>>
        %dma_wait3A_1632 = arith.constant 0 : i32
        %dma_wait3A_1633 = tpu.memref_slice %arg5[%dma_wait3A_1632] : memref<8192xi32, #tpu.memory_space<hbm>> -> memref<2048xi32, #tpu.memory_space<hbm>>
        tpu.wait_dma2 semaphore(%run_scoped3A : memref<!tpu.dma_semaphore, #tpu.memory_space<semaphore_mem>>) src(%dma_wait3A_1633 : memref<2048xi32, #tpu.memory_space<hbm>>) dst(%arg20 : memref<2048xi32, #tpu.memory_space<vmem>>)
        tpu.yield
      }) : () -> ()
      "tpu.region"() ({
        %run_scoped3A = tpu.sem_alloc : memref<!tpu.dma_semaphore, #tpu.memory_space<semaphore_mem>>
        %dma_start3A_1626 = arith.constant 0 : i32
        %dma_start3A_1627 = tpu.memref_slice %arg7[%dma_start3A_1626] : memref<8192xi32, #tpu.memory_space<hbm>> -> memref<2048xi32, #tpu.memory_space<hbm>>
        %dma_start3A_1628 = arith.constant 0 : i32
        %dma_start3A_1629 = tpu.memref_slice %arg7[%dma_start3A_1628] : memref<8192xi32, #tpu.memory_space<hbm>> -> memref<2048xi32, #tpu.memory_space<hbm>>
        tpu.enqueue_dma source(%dma_start3A_1629 : memref<2048xi32, #tpu.memory_space<hbm>>) target(%arg21 : memref<2048xi32, #tpu.memory_space<vmem>>) target_semaphore(%run_scoped3A : memref<!tpu.dma_semaphore, #tpu.memory_space<semaphore_mem>>)
        %dma_wait3A_1630 = arith.constant 0 : i32
        %dma_wait3A_1631 = tpu.memref_slice %arg7[%dma_wait3A_1630] : memref<8192xi32, #tpu.memory_space<hbm>> -> memref<2048xi32, #tpu.memory_space<hbm>>
        %dma_wait3A_1632 = arith.constant 0 : i32
        %dma_wait3A_1633 = tpu.memref_slice %arg7[%dma_wait3A_1632] : memref<8192xi32, #tpu.memory_space<hbm>> -> memref<2048xi32, #tpu.memory_space<hbm>>
        tpu.wait_dma2 semaphore(%run_scoped3A : memref<!tpu.dma_semaphore, #tpu.memory_space<semaphore_mem>>) src(%dma_wait3A_1633 : memref<2048xi32, #tpu.memory_space<hbm>>) dst(%arg21 : memref<2048xi32, #tpu.memory_space<vmem>>)
        tpu.yield
      }) : () -> ()
      %scan3A = arith.constant 0 : i32
      %scan3A_1621 = arith.constant 0 : i32
      %scan3A_1622 = arith.constant 128 : i32
      %scan3A_1623 = arith.addi %scan3A_1621, %scan3A_1622 : i32
      %scan3A_1624 = arith.constant 1 : i32
      scf.for %scan3A_1626 = %scan3A_1621 to %scan3A_1623 step %scan3A_1624  : i32 {
        %mul3A_1627 = arith.constant 16 : i32
        %mul3A_1628 = arith.muli %scan3A_1626, %mul3A_1627 : i32
        %multiple_of3A = tpu.assume_multiple %mul3A_1628, 8 : i32
        %get3A_1629 = arith.index_cast %multiple_of3A : i32 to index
        %get3A_1630 = tpu.vector_load %arg21[%get3A_1629] {strides = array<i32>} : memref<2048xi32, #tpu.memory_space<vmem>>, vector<16xi32>,
        %gather3A_1631 = tpu.vector_load_idx %arg13[%get3A_1630] : memref<16xi32, #tpu.memory_space<vmem>>[vector<16xi32>], vector<16xi32>,
        %get3A_1632 = arith.index_cast %multiple_of3A : i32 to index
        %get3A_1633 = tpu.vector_load %arg20[%get3A_1632] {strides = array<i32>} : memref<2048xi32, #tpu.memory_space<vmem>>, vector<16xi32>,
        %add3A_1634 = arith.addi %gather3A_1631, %get3A_1633 : vector<16xi32>
        %mul3A_1635 = arith.constant 16 : i32
        %mul3A_1636 = arith.muli %scan3A_1626, %mul3A_1635 : i32
        %add3A_1637 = arith.constant 0 : i32
        %add3A_1638 = arith.addi %add3A_1637, %mul3A_1636 : i32
        %add3A_1639 = vector.broadcast %add3A_1638 : i32 to vector<16xi32>
        %add3A_1640 = arith.addi %iota3A, %add3A_1639 : vector<16xi32>
        tpu.vector_store_idx %arg23[%add3A_1634], %add3A_1640 : memref<16384xi32, #tpu.memory_space<vmem>>[vector<16xi32>], vector<16xi32>,
      }
      %scan3A_1625 = arith.constant 128 : i32
    } else {
    }
    %eq3A_883 = arith.constant 1 : i32
    %eq3A_884 = arith.cmpi eq, %add3A, %eq3A_883 : i32
    %convert_element_type3A_885 = arith.extui %eq3A_884 : i1 to i32
    %cond3A_886 = arith.constant 0 : i32
    %cond3A_887 = arith.cmpi ne, %convert_element_type3A_885, %cond3A_886 : i32
    scf.if %cond3A_887 {
      "tpu.region"() ({
        %run_scoped3A = tpu.sem_alloc : memref<!tpu.dma_semaphore, #tpu.memory_space<semaphore_mem>>
        %dma_start3A_1626 = arith.constant 0 : i32
        %dma_start3A_1627 = tpu.memref_slice %arg5[%dma_start3A_1626] : memref<8192xi32, #tpu.memory_space<hbm>> -> memref<2048xi32, #tpu.memory_space<hbm>>
        %dma_start3A_1628 = arith.constant 0 : i32
        %dma_start3A_1629 = tpu.memref_slice %arg5[%dma_start3A_1628] : memref<8192xi32, #tpu.memory_space<hbm>> -> memref<2048xi32, #tpu.memory_space<hbm>>
        tpu.enqueue_dma source(%dma_start3A_1629 : memref<2048xi32, #tpu.memory_space<hbm>>) target(%arg20 : memref<2048xi32, #tpu.memory_space<vmem>>) target_semaphore(%run_scoped3A : memref<!tpu.dma_semaphore, #tpu.memory_space<semaphore_mem>>)
        %dma_wait3A_1630 = arith.constant 0 : i32
        %dma_wait3A_1631 = tpu.memref_slice %arg5[%dma_wait3A_1630] : memref<8192xi32, #tpu.memory_space<hbm>> -> memref<2048xi32, #tpu.memory_space<hbm>>
        %dma_wait3A_1632 = arith.constant 0 : i32
        %dma_wait3A_1633 = tpu.memref_slice %arg5[%dma_wait3A_1632] : memref<8192xi32, #tpu.memory_space<hbm>> -> memref<2048xi32, #tpu.memory_space<hbm>>
        tpu.wait_dma2 semaphore(%run_scoped3A : memref<!tpu.dma_semaphore, #tpu.memory_space<semaphore_mem>>) src(%dma_wait3A_1633 : memref<2048xi32, #tpu.memory_space<hbm>>) dst(%arg20 : memref<2048xi32, #tpu.memory_space<vmem>>)
        tpu.yield
      }) : () -> ()
      "tpu.region"() ({
        %run_scoped3A = tpu.sem_alloc : memref<!tpu.dma_semaphore, #tpu.memory_space<semaphore_mem>>
        %dma_start3A_1626 = arith.constant 0 : i32
        %dma_start3A_1627 = tpu.memref_slice %arg7[%dma_start3A_1626] : memref<8192xi32, #tpu.memory_space<hbm>> -> memref<2048xi32, #tpu.memory_space<hbm>>
        %dma_start3A_1628 = arith.constant 0 : i32
        %dma_start3A_1629 = tpu.memref_slice %arg7[%dma_start3A_1628] : memref<8192xi32, #tpu.memory_space<hbm>> -> memref<2048xi32, #tpu.memory_space<hbm>>
        tpu.enqueue_dma source(%dma_start3A_1629 : memref<2048xi32, #tpu.memory_space<hbm>>) target(%arg21 : memref<2048xi32, #tpu.memory_space<vmem>>) target_semaphore(%run_scoped3A : memref<!tpu.dma_semaphore, #tpu.memory_space<semaphore_mem>>)
        %dma_wait3A_1630 = arith.constant 0 : i32
        %dma_wait3A_1631 = tpu.memref_slice %arg7[%dma_wait3A_1630] : memref<8192xi32, #tpu.memory_space<hbm>> -> memref<2048xi32, #tpu.memory_space<hbm>>
        %dma_wait3A_1632 = arith.constant 0 : i32
        %dma_wait3A_1633 = tpu.memref_slice %arg7[%dma_wait3A_1632] : memref<8192xi32, #tpu.memory_space<hbm>> -> memref<2048xi32, #tpu.memory_space<hbm>>
        tpu.wait_dma2 semaphore(%run_scoped3A : memref<!tpu.dma_semaphore, #tpu.memory_space<semaphore_mem>>) src(%dma_wait3A_1633 : memref<2048xi32, #tpu.memory_space<hbm>>) dst(%arg21 : memref<2048xi32, #tpu.memory_space<vmem>>)
        tpu.yield
      }) : () -> ()
      "tpu.region"() ({
        %run_scoped3A = tpu.sem_alloc : memref<!tpu.dma_semaphore, #tpu.memory_space<semaphore_mem>>
        %dma_start3A_1626 = arith.constant 0 : i32
        %dma_start3A_1627 = tpu.memref_slice %arg9[%dma_start3A_1626] : memref<8192xf32, #tpu.memory_space<hbm>> -> memref<2048xf32, #tpu.memory_space<hbm>>
        %dma_start3A_1628 = arith.constant 0 : i32
        %dma_start3A_1629 = tpu.memref_slice %arg9[%dma_start3A_1628] : memref<8192xf32, #tpu.memory_space<hbm>> -> memref<2048xf32, #tpu.memory_space<hbm>>
        tpu.enqueue_dma source(%dma_start3A_1629 : memref<2048xf32, #tpu.memory_space<hbm>>) target(%arg22 : memref<2048xf32, #tpu.memory_space<vmem>>) target_semaphore(%run_scoped3A : memref<!tpu.dma_semaphore, #tpu.memory_space<semaphore_mem>>)
        %dma_wait3A_1630 = arith.constant 0 : i32
        %dma_wait3A_1631 = tpu.memref_slice %arg9[%dma_wait3A_1630] : memref<8192xf32, #tpu.memory_space<hbm>> -> memref<2048xf32, #tpu.memory_space<hbm>>
        %dma_wait3A_1632 = arith.constant 0 : i32
        %dma_wait3A_1633 = tpu.memref_slice %arg9[%dma_wait3A_1632] : memref<8192xf32, #tpu.memory_space<hbm>> -> memref<2048xf32, #tpu.memory_space<hbm>>
        tpu.wait_dma2 semaphore(%run_scoped3A : memref<!tpu.dma_semaphore, #tpu.memory_space<semaphore_mem>>) src(%dma_wait3A_1633 : memref<2048xf32, #tpu.memory_space<hbm>>) dst(%arg22 : memref<2048xf32, #tpu.memory_space<vmem>>)
        tpu.yield
      }) : () -> ()
      %scan3A = arith.constant 0 : i32
      %scan3A_1621 = arith.constant 0 : i32
      %scan3A_1622 = arith.constant 128 : i32
      %scan3A_1623 = arith.addi %scan3A_1621, %scan3A_1622 : i32
      %scan3A_1624 = arith.constant 1 : i32
      scf.for %scan3A_1626 = %scan3A_1621 to %scan3A_1623 step %scan3A_1624  : i32 {
        %mul3A_1627 = arith.constant 16 : i32
        %mul3A_1628 = arith.muli %scan3A_1626, %mul3A_1627 : i32
        %multiple_of3A = tpu.assume_multiple %mul3A_1628, 8 : i32
        %get3A_1629 = arith.index_cast %multiple_of3A : i32 to index
        %get3A_1630 = tpu.vector_load %arg21[%get3A_1629] {strides = array<i32>} : memref<2048xi32, #tpu.memory_space<vmem>>, vector<16xi32>,
        %gather3A_1631 = tpu.vector_load_idx %arg13[%get3A_1630] : memref<16xi32, #tpu.memory_space<vmem>>[vector<16xi32>], vector<16xi32>,
        %get3A_1632 = arith.index_cast %multiple_of3A : i32 to index
        %get3A_1633 = tpu.vector_load %arg20[%get3A_1632] {strides = array<i32>} : memref<2048xi32, #tpu.memory_space<vmem>>, vector<16xi32>,
        %add3A_1634 = arith.addi %gather3A_1631, %get3A_1633 : vector<16xi32>
        %get3A_1635 = arith.index_cast %multiple_of3A : i32 to index
        %get3A_1636 = tpu.vector_load %arg22[%get3A_1635] {strides = array<i32>} : memref<2048xf32, #tpu.memory_space<vmem>>, vector<16xf32>,
        tpu.vector_store_idx %arg24[%add3A_1634], %get3A_1636 : memref<16384xf32, #tpu.memory_space<vmem>>[vector<16xi32>], vector<16xf32>,
      }
      %scan3A_1625 = arith.constant 128 : i32
    } else {
    }
    %dma_wait3A_888 = arith.constant 0 : i32
    %dma_wait3A_889 = arith.constant 12 : i32
    %dma_wait3A_890 = arith.constant 0 : i32
    %dma_wait3A_891 = arith.constant 0 : i32
    %dma_wait3A_892 = tpu.memref_slice %arg19[%dma_wait3A_888, %dma_wait3A_890, %dma_wait3A_891] : memref<2x16x2048xf32, #tpu.memory_space<vmem>> -> memref<1x16x2048xf32, #tpu.memory_space<vmem>>
    %dma_wait3A_893 = tpu.memref_squeeze %dma_wait3A_892 : memref<1x16x2048xf32, #tpu.memory_space<vmem>> -> memref<16x2048xf32, #tpu.memory_space<vmem>>
    %dma_wait3A_894 = arith.constant 0 : i32
    %dma_wait3A_895 = tpu.memref_slice %arg18[%dma_wait3A_889, %dma_wait3A_894] : memref<32x16xi32, #tpu.memory_space<vmem>> -> memref<1x16xi32, #tpu.memory_space<vmem>>
    %dma_wait3A_896 = tpu.memref_squeeze %dma_wait3A_895 : memref<1x16xi32, #tpu.memory_space<vmem>> -> memref<16xi32, #tpu.memory_space<vmem>>
    %dma_wait3A_897 = arith.constant 0 : i32
    %dma_wait3A_898 = arith.constant 0 : i32
    %dma_wait3A_899 = tpu.memref_slice %arg10[%dma_wait3A_897, %dma_wait3A_898] : memref<16384x2048xf32, #tpu.memory_space<hbm>> -> memref<16384x2048xf32, #tpu.memory_space<hbm>>
    tpu.wait_indirect_dma semaphore(%arg27 : memref<!tpu.dma_semaphore, #tpu.memory_space<semaphore_mem>>) src(%dma_wait3A_893 : memref<16x2048xf32, #tpu.memory_space<vmem>>) dst(%dma_wait3A_899 : memref<16384x2048xf32, #tpu.memory_space<hbm>>)
    %dma_wait3A_900 = arith.constant 0 : i32
    %dma_wait3A_901 = arith.constant 13 : i32
    %dma_wait3A_902 = arith.constant 0 : i32
    %dma_wait3A_903 = arith.constant 0 : i32
    %dma_wait3A_904 = tpu.memref_slice %arg19[%dma_wait3A_900, %dma_wait3A_902, %dma_wait3A_903] : memref<2x16x2048xf32, #tpu.memory_space<vmem>> -> memref<1x16x2048xf32, #tpu.memory_space<vmem>>
    %dma_wait3A_905 = tpu.memref_squeeze %dma_wait3A_904 : memref<1x16x2048xf32, #tpu.memory_space<vmem>> -> memref<16x2048xf32, #tpu.memory_space<vmem>>
    %dma_wait3A_906 = arith.constant 0 : i32
    %dma_wait3A_907 = tpu.memref_slice %arg18[%dma_wait3A_901, %dma_wait3A_906] : memref<32x16xi32, #tpu.memory_space<vmem>> -> memref<1x16xi32, #tpu.memory_space<vmem>>
    %dma_wait3A_908 = tpu.memref_squeeze %dma_wait3A_907 : memref<1x16xi32, #tpu.memory_space<vmem>> -> memref<16xi32, #tpu.memory_space<vmem>>
    %dma_wait3A_909 = arith.constant 0 : i32
    %dma_wait3A_910 = arith.constant 0 : i32
    %dma_wait3A_911 = tpu.memref_slice %arg10[%dma_wait3A_909, %dma_wait3A_910] : memref<16384x2048xf32, #tpu.memory_space<hbm>> -> memref<16384x2048xf32, #tpu.memory_space<hbm>>
    tpu.wait_indirect_dma semaphore(%arg29 : memref<!tpu.dma_semaphore, #tpu.memory_space<semaphore_mem>>) src(%dma_wait3A_905 : memref<16x2048xf32, #tpu.memory_space<vmem>>) dst(%dma_wait3A_911 : memref<16384x2048xf32, #tpu.memory_space<hbm>>)
    %add3A_912 = arith.constant 128 : i32
    %add3A_913 = arith.addi %mul3A_2, %add3A_912 : i32
    %dma_start3A_914 = arith.constant 0 : i32
    %dma_start3A_915 = arith.constant 0 : i32
    %dma_start3A_916 = arith.constant 0 : i32
    %dma_start3A_917 = tpu.memref_slice %arg19[%dma_start3A_914, %dma_start3A_915, %dma_start3A_916] : memref<2x16x2048xf32, #tpu.memory_space<vmem>> -> memref<1x16x2048xf32, #tpu.memory_space<vmem>>
    %dma_start3A_918 = tpu.memref_squeeze %dma_start3A_917 : memref<1x16x2048xf32, #tpu.memory_space<vmem>> -> memref<16x2048xf32, #tpu.memory_space<vmem>>
    %dma_start3A_919 = arith.constant 0 : i32
    %dma_start3A_920 = tpu.memref_slice %arg2[%add3A_913, %dma_start3A_919] : memref<8192x2048xf32, #tpu.memory_space<hbm>> -> memref<16x2048xf32, #tpu.memory_space<hbm>>
    %dma_start3A_921 = arith.constant 0 : i32
    %dma_start3A_922 = arith.constant 0 : i32
    %dma_start3A_923 = tpu.memref_slice %arg19[%dma_start3A_914, %dma_start3A_921, %dma_start3A_922] : memref<2x16x2048xf32, #tpu.memory_space<vmem>> -> memref<1x16x2048xf32, #tpu.memory_space<vmem>>
    %dma_start3A_924 = tpu.memref_squeeze %dma_start3A_923 : memref<1x16x2048xf32, #tpu.memory_space<vmem>> -> memref<16x2048xf32, #tpu.memory_space<vmem>>
    %dma_start3A_925 = arith.constant 0 : i32
    %dma_start3A_926 = tpu.memref_slice %arg2[%add3A_913, %dma_start3A_925] : memref<8192x2048xf32, #tpu.memory_space<hbm>> -> memref<16x2048xf32, #tpu.memory_space<hbm>>
    tpu.enqueue_dma source(%dma_start3A_926 : memref<16x2048xf32, #tpu.memory_space<hbm>>) target(%dma_start3A_924 : memref<16x2048xf32, #tpu.memory_space<vmem>>) target_semaphore(%arg25 : memref<!tpu.dma_semaphore, #tpu.memory_space<semaphore_mem>>)
    %dma_wait3A_927 = arith.constant 1 : i32
    %dma_wait3A_928 = arith.constant 0 : i32
    %dma_wait3A_929 = arith.constant 0 : i32
    %dma_wait3A_930 = tpu.memref_slice %arg19[%dma_wait3A_927, %dma_wait3A_928, %dma_wait3A_929] : memref<2x16x2048xf32, #tpu.memory_space<vmem>> -> memref<1x16x2048xf32, #tpu.memory_space<vmem>>
    %dma_wait3A_931 = tpu.memref_squeeze %dma_wait3A_930 : memref<1x16x2048xf32, #tpu.memory_space<vmem>> -> memref<16x2048xf32, #tpu.memory_space<vmem>>
    %dma_wait3A_932 = arith.constant 0 : i32
    %dma_wait3A_933 = tpu.memref_slice %arg2[%add3A_827, %dma_wait3A_932] : memref<8192x2048xf32, #tpu.memory_space<hbm>> -> memref<16x2048xf32, #tpu.memory_space<hbm>>
    %dma_wait3A_934 = arith.constant 0 : i32
    %dma_wait3A_935 = arith.constant 0 : i32
    %dma_wait3A_936 = tpu.memref_slice %arg19[%dma_wait3A_927, %dma_wait3A_934, %dma_wait3A_935] : memref<2x16x2048xf32, #tpu.memory_space<vmem>> -> memref<1x16x2048xf32, #tpu.memory_space<vmem>>
    %dma_wait3A_937 = tpu.memref_squeeze %dma_wait3A_936 : memref<1x16x2048xf32, #tpu.memory_space<vmem>> -> memref<16x2048xf32, #tpu.memory_space<vmem>>
    %dma_wait3A_938 = arith.constant 0 : i32
    %dma_wait3A_939 = tpu.memref_slice %arg2[%add3A_827, %dma_wait3A_938] : memref<8192x2048xf32, #tpu.memory_space<hbm>> -> memref<16x2048xf32, #tpu.memory_space<hbm>>
    tpu.wait_dma2 semaphore(%arg26 : memref<!tpu.dma_semaphore, #tpu.memory_space<semaphore_mem>>) src(%dma_wait3A_939 : memref<16x2048xf32, #tpu.memory_space<hbm>>) dst(%dma_wait3A_937 : memref<16x2048xf32, #tpu.memory_space<vmem>>)
    %dma_start3A_940 = arith.constant 1 : i32
    %dma_start3A_941 = arith.constant 14 : i32
    %dma_start3A_942 = arith.constant 0 : i32
    %dma_start3A_943 = arith.constant 0 : i32
    %dma_start3A_944 = tpu.memref_slice %arg19[%dma_start3A_940, %dma_start3A_942, %dma_start3A_943] : memref<2x16x2048xf32, #tpu.memory_space<vmem>> -> memref<1x16x2048xf32, #tpu.memory_space<vmem>>
    %dma_start3A_945 = tpu.memref_squeeze %dma_start3A_944 : memref<1x16x2048xf32, #tpu.memory_space<vmem>> -> memref<16x2048xf32, #tpu.memory_space<vmem>>
    %dma_start3A_946 = arith.constant 0 : i32
    %dma_start3A_947 = tpu.memref_slice %arg18[%dma_start3A_941, %dma_start3A_946] : memref<32x16xi32, #tpu.memory_space<vmem>> -> memref<1x16xi32, #tpu.memory_space<vmem>>
    %dma_start3A_948 = tpu.memref_squeeze %dma_start3A_947 : memref<1x16xi32, #tpu.memory_space<vmem>> -> memref<16xi32, #tpu.memory_space<vmem>>
    %dma_start3A_949 = arith.constant 0 : i32
    %dma_start3A_950 = arith.constant 0 : i32
    %dma_start3A_951 = tpu.memref_slice %arg10[%dma_start3A_949, %dma_start3A_950] : memref<16384x2048xf32, #tpu.memory_space<hbm>> -> memref<16384x2048xf32, #tpu.memory_space<hbm>>
    tpu.enqueue_indirect_dma source(%dma_start3A_945 : memref<16x2048xf32, #tpu.memory_space<vmem>>) target(%dma_start3A_951 : memref<16384x2048xf32, #tpu.memory_space<hbm>>) offsets(%dma_start3A_948 : memref<16xi32, #tpu.memory_space<vmem>>) semaphore(%arg28 : memref<!tpu.dma_semaphore, #tpu.memory_space<semaphore_mem>>)
    %dma_start3A_952 = arith.constant 1 : i32
    %dma_start3A_953 = arith.constant 15 : i32
    %dma_start3A_954 = arith.constant 0 : i32
    %dma_start3A_955 = arith.constant 0 : i32
    %dma_start3A_956 = tpu.memref_slice %arg19[%dma_start3A_952, %dma_start3A_954, %dma_start3A_955] : memref<2x16x2048xf32, #tpu.memory_space<vmem>> -> memref<1x16x2048xf32, #tpu.memory_space<vmem>>
    %dma_start3A_957 = tpu.memref_squeeze %dma_start3A_956 : memref<1x16x2048xf32, #tpu.memory_space<vmem>> -> memref<16x2048xf32, #tpu.memory_space<vmem>>
    %dma_start3A_958 = arith.constant 0 : i32
    %dma_start3A_959 = tpu.memref_slice %arg18[%dma_start3A_953, %dma_start3A_958] : memref<32x16xi32, #tpu.memory_space<vmem>> -> memref<1x16xi32, #tpu.memory_space<vmem>>
    %dma_start3A_960 = tpu.memref_squeeze %dma_start3A_959 : memref<1x16xi32, #tpu.memory_space<vmem>> -> memref<16xi32, #tpu.memory_space<vmem>>
    %dma_start3A_961 = arith.constant 0 : i32
    %dma_start3A_962 = arith.constant 0 : i32
    %dma_start3A_963 = tpu.memref_slice %arg10[%dma_start3A_961, %dma_start3A_962] : memref<16384x2048xf32, #tpu.memory_space<hbm>> -> memref<16384x2048xf32, #tpu.memory_space<hbm>>
    tpu.enqueue_indirect_dma source(%dma_start3A_957 : memref<16x2048xf32, #tpu.memory_space<vmem>>) target(%dma_start3A_963 : memref<16384x2048xf32, #tpu.memory_space<hbm>>) offsets(%dma_start3A_960 : memref<16xi32, #tpu.memory_space<vmem>>) semaphore(%arg30 : memref<!tpu.dma_semaphore, #tpu.memory_space<semaphore_mem>>)
    %eq3A_964 = arith.constant 0 : i32
    %eq3A_965 = arith.cmpi eq, %add3A, %eq3A_964 : i32
    %convert_element_type3A_966 = arith.extui %eq3A_965 : i1 to i32
    %cond3A_967 = arith.constant 0 : i32
    %cond3A_968 = arith.cmpi ne, %convert_element_type3A_966, %cond3A_967 : i32
    scf.if %cond3A_968 {
      "tpu.region"() ({
        %run_scoped3A = tpu.sem_alloc : memref<!tpu.dma_semaphore, #tpu.memory_space<semaphore_mem>>
        %dma_start3A_1626 = arith.constant 2048 : i32
        %dma_start3A_1627 = tpu.memref_slice %arg5[%dma_start3A_1626] : memref<8192xi32, #tpu.memory_space<hbm>> -> memref<2048xi32, #tpu.memory_space<hbm>>
        %dma_start3A_1628 = arith.constant 2048 : i32
        %dma_start3A_1629 = tpu.memref_slice %arg5[%dma_start3A_1628] : memref<8192xi32, #tpu.memory_space<hbm>> -> memref<2048xi32, #tpu.memory_space<hbm>>
        tpu.enqueue_dma source(%dma_start3A_1629 : memref<2048xi32, #tpu.memory_space<hbm>>) target(%arg20 : memref<2048xi32, #tpu.memory_space<vmem>>) target_semaphore(%run_scoped3A : memref<!tpu.dma_semaphore, #tpu.memory_space<semaphore_mem>>)
        %dma_wait3A_1630 = arith.constant 2048 : i32
        %dma_wait3A_1631 = tpu.memref_slice %arg5[%dma_wait3A_1630] : memref<8192xi32, #tpu.memory_space<hbm>> -> memref<2048xi32, #tpu.memory_space<hbm>>
        %dma_wait3A_1632 = arith.constant 2048 : i32
        %dma_wait3A_1633 = tpu.memref_slice %arg5[%dma_wait3A_1632] : memref<8192xi32, #tpu.memory_space<hbm>> -> memref<2048xi32, #tpu.memory_space<hbm>>
        tpu.wait_dma2 semaphore(%run_scoped3A : memref<!tpu.dma_semaphore, #tpu.memory_space<semaphore_mem>>) src(%dma_wait3A_1633 : memref<2048xi32, #tpu.memory_space<hbm>>) dst(%arg20 : memref<2048xi32, #tpu.memory_space<vmem>>)
        tpu.yield
      }) : () -> ()
      "tpu.region"() ({
        %run_scoped3A = tpu.sem_alloc : memref<!tpu.dma_semaphore, #tpu.memory_space<semaphore_mem>>
        %dma_start3A_1626 = arith.constant 2048 : i32
        %dma_start3A_1627 = tpu.memref_slice %arg7[%dma_start3A_1626] : memref<8192xi32, #tpu.memory_space<hbm>> -> memref<2048xi32, #tpu.memory_space<hbm>>
        %dma_start3A_1628 = arith.constant 2048 : i32
        %dma_start3A_1629 = tpu.memref_slice %arg7[%dma_start3A_1628] : memref<8192xi32, #tpu.memory_space<hbm>> -> memref<2048xi32, #tpu.memory_space<hbm>>
        tpu.enqueue_dma source(%dma_start3A_1629 : memref<2048xi32, #tpu.memory_space<hbm>>) target(%arg21 : memref<2048xi32, #tpu.memory_space<vmem>>) target_semaphore(%run_scoped3A : memref<!tpu.dma_semaphore, #tpu.memory_space<semaphore_mem>>)
        %dma_wait3A_1630 = arith.constant 2048 : i32
        %dma_wait3A_1631 = tpu.memref_slice %arg7[%dma_wait3A_1630] : memref<8192xi32, #tpu.memory_space<hbm>> -> memref<2048xi32, #tpu.memory_space<hbm>>
        %dma_wait3A_1632 = arith.constant 2048 : i32
        %dma_wait3A_1633 = tpu.memref_slice %arg7[%dma_wait3A_1632] : memref<8192xi32, #tpu.memory_space<hbm>> -> memref<2048xi32, #tpu.memory_space<hbm>>
        tpu.wait_dma2 semaphore(%run_scoped3A : memref<!tpu.dma_semaphore, #tpu.memory_space<semaphore_mem>>) src(%dma_wait3A_1633 : memref<2048xi32, #tpu.memory_space<hbm>>) dst(%arg21 : memref<2048xi32, #tpu.memory_space<vmem>>)
        tpu.yield
      }) : () -> ()
      %scan3A = arith.constant 0 : i32
      %scan3A_1621 = arith.constant 0 : i32
      %scan3A_1622 = arith.constant 128 : i32
      %scan3A_1623 = arith.addi %scan3A_1621, %scan3A_1622 : i32
      %scan3A_1624 = arith.constant 1 : i32
      scf.for %scan3A_1626 = %scan3A_1621 to %scan3A_1623 step %scan3A_1624  : i32 {
        %mul3A_1627 = arith.constant 16 : i32
        %mul3A_1628 = arith.muli %scan3A_1626, %mul3A_1627 : i32
        %multiple_of3A = tpu.assume_multiple %mul3A_1628, 8 : i32
        %get3A_1629 = arith.index_cast %multiple_of3A : i32 to index
        %get3A_1630 = tpu.vector_load %arg21[%get3A_1629] {strides = array<i32>} : memref<2048xi32, #tpu.memory_space<vmem>>, vector<16xi32>,
        %gather3A_1631 = tpu.vector_load_idx %arg13[%get3A_1630] : memref<16xi32, #tpu.memory_space<vmem>>[vector<16xi32>], vector<16xi32>,
        %get3A_1632 = arith.index_cast %multiple_of3A : i32 to index
        %get3A_1633 = tpu.vector_load %arg20[%get3A_1632] {strides = array<i32>} : memref<2048xi32, #tpu.memory_space<vmem>>, vector<16xi32>,
        %add3A_1634 = arith.addi %gather3A_1631, %get3A_1633 : vector<16xi32>
        %mul3A_1635 = arith.constant 16 : i32
        %mul3A_1636 = arith.muli %scan3A_1626, %mul3A_1635 : i32
        %add3A_1637 = arith.constant 2048 : i32
        %add3A_1638 = arith.addi %add3A_1637, %mul3A_1636 : i32
        %add3A_1639 = vector.broadcast %add3A_1638 : i32 to vector<16xi32>
        %add3A_1640 = arith.addi %iota3A, %add3A_1639 : vector<16xi32>
        tpu.vector_store_idx %arg23[%add3A_1634], %add3A_1640 : memref<16384xi32, #tpu.memory_space<vmem>>[vector<16xi32>], vector<16xi32>,
      }
      %scan3A_1625 = arith.constant 128 : i32
    } else {
    }
    %eq3A_969 = arith.constant 1 : i32
    %eq3A_970 = arith.cmpi eq, %add3A, %eq3A_969 : i32
    %convert_element_type3A_971 = arith.extui %eq3A_970 : i1 to i32
    %cond3A_972 = arith.constant 0 : i32
    %cond3A_973 = arith.cmpi ne, %convert_element_type3A_971, %cond3A_972 : i32
    scf.if %cond3A_973 {
      "tpu.region"() ({
        %run_scoped3A = tpu.sem_alloc : memref<!tpu.dma_semaphore, #tpu.memory_space<semaphore_mem>>
        %dma_start3A_1626 = arith.constant 2048 : i32
        %dma_start3A_1627 = tpu.memref_slice %arg5[%dma_start3A_1626] : memref<8192xi32, #tpu.memory_space<hbm>> -> memref<2048xi32, #tpu.memory_space<hbm>>
        %dma_start3A_1628 = arith.constant 2048 : i32
        %dma_start3A_1629 = tpu.memref_slice %arg5[%dma_start3A_1628] : memref<8192xi32, #tpu.memory_space<hbm>> -> memref<2048xi32, #tpu.memory_space<hbm>>
        tpu.enqueue_dma source(%dma_start3A_1629 : memref<2048xi32, #tpu.memory_space<hbm>>) target(%arg20 : memref<2048xi32, #tpu.memory_space<vmem>>) target_semaphore(%run_scoped3A : memref<!tpu.dma_semaphore, #tpu.memory_space<semaphore_mem>>)
        %dma_wait3A_1630 = arith.constant 2048 : i32
        %dma_wait3A_1631 = tpu.memref_slice %arg5[%dma_wait3A_1630] : memref<8192xi32, #tpu.memory_space<hbm>> -> memref<2048xi32, #tpu.memory_space<hbm>>
        %dma_wait3A_1632 = arith.constant 2048 : i32
        %dma_wait3A_1633 = tpu.memref_slice %arg5[%dma_wait3A_1632] : memref<8192xi32, #tpu.memory_space<hbm>> -> memref<2048xi32, #tpu.memory_space<hbm>>
        tpu.wait_dma2 semaphore(%run_scoped3A : memref<!tpu.dma_semaphore, #tpu.memory_space<semaphore_mem>>) src(%dma_wait3A_1633 : memref<2048xi32, #tpu.memory_space<hbm>>) dst(%arg20 : memref<2048xi32, #tpu.memory_space<vmem>>)
        tpu.yield
      }) : () -> ()
      "tpu.region"() ({
        %run_scoped3A = tpu.sem_alloc : memref<!tpu.dma_semaphore, #tpu.memory_space<semaphore_mem>>
        %dma_start3A_1626 = arith.constant 2048 : i32
        %dma_start3A_1627 = tpu.memref_slice %arg7[%dma_start3A_1626] : memref<8192xi32, #tpu.memory_space<hbm>> -> memref<2048xi32, #tpu.memory_space<hbm>>
        %dma_start3A_1628 = arith.constant 2048 : i32
        %dma_start3A_1629 = tpu.memref_slice %arg7[%dma_start3A_1628] : memref<8192xi32, #tpu.memory_space<hbm>> -> memref<2048xi32, #tpu.memory_space<hbm>>
        tpu.enqueue_dma source(%dma_start3A_1629 : memref<2048xi32, #tpu.memory_space<hbm>>) target(%arg21 : memref<2048xi32, #tpu.memory_space<vmem>>) target_semaphore(%run_scoped3A : memref<!tpu.dma_semaphore, #tpu.memory_space<semaphore_mem>>)
        %dma_wait3A_1630 = arith.constant 2048 : i32
        %dma_wait3A_1631 = tpu.memref_slice %arg7[%dma_wait3A_1630] : memref<8192xi32, #tpu.memory_space<hbm>> -> memref<2048xi32, #tpu.memory_space<hbm>>
        %dma_wait3A_1632 = arith.constant 2048 : i32
        %dma_wait3A_1633 = tpu.memref_slice %arg7[%dma_wait3A_1632] : memref<8192xi32, #tpu.memory_space<hbm>> -> memref<2048xi32, #tpu.memory_space<hbm>>
        tpu.wait_dma2 semaphore(%run_scoped3A : memref<!tpu.dma_semaphore, #tpu.memory_space<semaphore_mem>>) src(%dma_wait3A_1633 : memref<2048xi32, #tpu.memory_space<hbm>>) dst(%arg21 : memref<2048xi32, #tpu.memory_space<vmem>>)
        tpu.yield
      }) : () -> ()
      "tpu.region"() ({
        %run_scoped3A = tpu.sem_alloc : memref<!tpu.dma_semaphore, #tpu.memory_space<semaphore_mem>>
        %dma_start3A_1626 = arith.constant 2048 : i32
        %dma_start3A_1627 = tpu.memref_slice %arg9[%dma_start3A_1626] : memref<8192xf32, #tpu.memory_space<hbm>> -> memref<2048xf32, #tpu.memory_space<hbm>>
        %dma_start3A_1628 = arith.constant 2048 : i32
        %dma_start3A_1629 = tpu.memref_slice %arg9[%dma_start3A_1628] : memref<8192xf32, #tpu.memory_space<hbm>> -> memref<2048xf32, #tpu.memory_space<hbm>>
        tpu.enqueue_dma source(%dma_start3A_1629 : memref<2048xf32, #tpu.memory_space<hbm>>) target(%arg22 : memref<2048xf32, #tpu.memory_space<vmem>>) target_semaphore(%run_scoped3A : memref<!tpu.dma_semaphore, #tpu.memory_space<semaphore_mem>>)
        %dma_wait3A_1630 = arith.constant 2048 : i32
        %dma_wait3A_1631 = tpu.memref_slice %arg9[%dma_wait3A_1630] : memref<8192xf32, #tpu.memory_space<hbm>> -> memref<2048xf32, #tpu.memory_space<hbm>>
        %dma_wait3A_1632 = arith.constant 2048 : i32
        %dma_wait3A_1633 = tpu.memref_slice %arg9[%dma_wait3A_1632] : memref<8192xf32, #tpu.memory_space<hbm>> -> memref<2048xf32, #tpu.memory_space<hbm>>
        tpu.wait_dma2 semaphore(%run_scoped3A : memref<!tpu.dma_semaphore, #tpu.memory_space<semaphore_mem>>) src(%dma_wait3A_1633 : memref<2048xf32, #tpu.memory_space<hbm>>) dst(%arg22 : memref<2048xf32, #tpu.memory_space<vmem>>)
        tpu.yield
      }) : () -> ()
      %scan3A = arith.constant 0 : i32
      %scan3A_1621 = arith.constant 0 : i32
      %scan3A_1622 = arith.constant 128 : i32
      %scan3A_1623 = arith.addi %scan3A_1621, %scan3A_1622 : i32
      %scan3A_1624 = arith.constant 1 : i32
      scf.for %scan3A_1626 = %scan3A_1621 to %scan3A_1623 step %scan3A_1624  : i32 {
        %mul3A_1627 = arith.constant 16 : i32
        %mul3A_1628 = arith.muli %scan3A_1626, %mul3A_1627 : i32
        %multiple_of3A = tpu.assume_multiple %mul3A_1628, 8 : i32
        %get3A_1629 = arith.index_cast %multiple_of3A : i32 to index
        %get3A_1630 = tpu.vector_load %arg21[%get3A_1629] {strides = array<i32>} : memref<2048xi32, #tpu.memory_space<vmem>>, vector<16xi32>,
        %gather3A_1631 = tpu.vector_load_idx %arg13[%get3A_1630] : memref<16xi32, #tpu.memory_space<vmem>>[vector<16xi32>], vector<16xi32>,
        %get3A_1632 = arith.index_cast %multiple_of3A : i32 to index
        %get3A_1633 = tpu.vector_load %arg20[%get3A_1632] {strides = array<i32>} : memref<2048xi32, #tpu.memory_space<vmem>>, vector<16xi32>,
        %add3A_1634 = arith.addi %gather3A_1631, %get3A_1633 : vector<16xi32>
        %get3A_1635 = arith.index_cast %multiple_of3A : i32 to index
        %get3A_1636 = tpu.vector_load %arg22[%get3A_1635] {strides = array<i32>} : memref<2048xf32, #tpu.memory_space<vmem>>, vector<16xf32>,
        tpu.vector_store_idx %arg24[%add3A_1634], %get3A_1636 : memref<16384xf32, #tpu.memory_space<vmem>>[vector<16xi32>], vector<16xf32>,
      }
      %scan3A_1625 = arith.constant 128 : i32
    } else {
    }
    %dma_wait3A_974 = arith.constant 1 : i32
    %dma_wait3A_975 = arith.constant 14 : i32
    %dma_wait3A_976 = arith.constant 0 : i32
    %dma_wait3A_977 = arith.constant 0 : i32
    %dma_wait3A_978 = tpu.memref_slice %arg19[%dma_wait3A_974, %dma_wait3A_976, %dma_wait3A_977] : memref<2x16x2048xf32, #tpu.memory_space<vmem>> -> memref<1x16x2048xf32, #tpu.memory_space<vmem>>
    %dma_wait3A_979 = tpu.memref_squeeze %dma_wait3A_978 : memref<1x16x2048xf32, #tpu.memory_space<vmem>> -> memref<16x2048xf32, #tpu.memory_space<vmem>>
    %dma_wait3A_980 = arith.constant 0 : i32
    %dma_wait3A_981 = tpu.memref_slice %arg18[%dma_wait3A_975, %dma_wait3A_980] : memref<32x16xi32, #tpu.memory_space<vmem>> -> memref<1x16xi32, #tpu.memory_space<vmem>>
    %dma_wait3A_982 = tpu.memref_squeeze %dma_wait3A_981 : memref<1x16xi32, #tpu.memory_space<vmem>> -> memref<16xi32, #tpu.memory_space<vmem>>
    %dma_wait3A_983 = arith.constant 0 : i32
    %dma_wait3A_984 = arith.constant 0 : i32
    %dma_wait3A_985 = tpu.memref_slice %arg10[%dma_wait3A_983, %dma_wait3A_984] : memref<16384x2048xf32, #tpu.memory_space<hbm>> -> memref<16384x2048xf32, #tpu.memory_space<hbm>>
    tpu.wait_indirect_dma semaphore(%arg28 : memref<!tpu.dma_semaphore, #tpu.memory_space<semaphore_mem>>) src(%dma_wait3A_979 : memref<16x2048xf32, #tpu.memory_space<vmem>>) dst(%dma_wait3A_985 : memref<16384x2048xf32, #tpu.memory_space<hbm>>)
    %dma_wait3A_986 = arith.constant 1 : i32
    %dma_wait3A_987 = arith.constant 15 : i32
    %dma_wait3A_988 = arith.constant 0 : i32
    %dma_wait3A_989 = arith.constant 0 : i32
    %dma_wait3A_990 = tpu.memref_slice %arg19[%dma_wait3A_986, %dma_wait3A_988, %dma_wait3A_989] : memref<2x16x2048xf32, #tpu.memory_space<vmem>> -> memref<1x16x2048xf32, #tpu.memory_space<vmem>>
    %dma_wait3A_991 = tpu.memref_squeeze %dma_wait3A_990 : memref<1x16x2048xf32, #tpu.memory_space<vmem>> -> memref<16x2048xf32, #tpu.memory_space<vmem>>
    %dma_wait3A_992 = arith.constant 0 : i32
    %dma_wait3A_993 = tpu.memref_slice %arg18[%dma_wait3A_987, %dma_wait3A_992] : memref<32x16xi32, #tpu.memory_space<vmem>> -> memref<1x16xi32, #tpu.memory_space<vmem>>
    %dma_wait3A_994 = tpu.memref_squeeze %dma_wait3A_993 : memref<1x16xi32, #tpu.memory_space<vmem>> -> memref<16xi32, #tpu.memory_space<vmem>>
    %dma_wait3A_995 = arith.constant 0 : i32
    %dma_wait3A_996 = arith.constant 0 : i32
    %dma_wait3A_997 = tpu.memref_slice %arg10[%dma_wait3A_995, %dma_wait3A_996] : memref<16384x2048xf32, #tpu.memory_space<hbm>> -> memref<16384x2048xf32, #tpu.memory_space<hbm>>
    tpu.wait_indirect_dma semaphore(%arg30 : memref<!tpu.dma_semaphore, #tpu.memory_space<semaphore_mem>>) src(%dma_wait3A_991 : memref<16x2048xf32, #tpu.memory_space<vmem>>) dst(%dma_wait3A_997 : memref<16384x2048xf32, #tpu.memory_space<hbm>>)
    %add3A_998 = arith.constant 144 : i32
    %add3A_999 = arith.addi %mul3A_2, %add3A_998 : i32
    %dma_start3A_1000 = arith.constant 1 : i32
    %dma_start3A_1001 = arith.constant 0 : i32
    %dma_start3A_1002 = arith.constant 0 : i32
    %dma_start3A_1003 = tpu.memref_slice %arg19[%dma_start3A_1000, %dma_start3A_1001, %dma_start3A_1002] : memref<2x16x2048xf32, #tpu.memory_space<vmem>> -> memref<1x16x2048xf32, #tpu.memory_space<vmem>>
    %dma_start3A_1004 = tpu.memref_squeeze %dma_start3A_1003 : memref<1x16x2048xf32, #tpu.memory_space<vmem>> -> memref<16x2048xf32, #tpu.memory_space<vmem>>
    %dma_start3A_1005 = arith.constant 0 : i32
    %dma_start3A_1006 = tpu.memref_slice %arg2[%add3A_999, %dma_start3A_1005] : memref<8192x2048xf32, #tpu.memory_space<hbm>> -> memref<16x2048xf32, #tpu.memory_space<hbm>>
    %dma_start3A_1007 = arith.constant 0 : i32
    %dma_start3A_1008 = arith.constant 0 : i32
    %dma_start3A_1009 = tpu.memref_slice %arg19[%dma_start3A_1000, %dma_start3A_1007, %dma_start3A_1008] : memref<2x16x2048xf32, #tpu.memory_space<vmem>> -> memref<1x16x2048xf32, #tpu.memory_space<vmem>>
    %dma_start3A_1010 = tpu.memref_squeeze %dma_start3A_1009 : memref<1x16x2048xf32, #tpu.memory_space<vmem>> -> memref<16x2048xf32, #tpu.memory_space<vmem>>
    %dma_start3A_1011 = arith.constant 0 : i32
    %dma_start3A_1012 = tpu.memref_slice %arg2[%add3A_999, %dma_start3A_1011] : memref<8192x2048xf32, #tpu.memory_space<hbm>> -> memref<16x2048xf32, #tpu.memory_space<hbm>>
    tpu.enqueue_dma source(%dma_start3A_1012 : memref<16x2048xf32, #tpu.memory_space<hbm>>) target(%dma_start3A_1010 : memref<16x2048xf32, #tpu.memory_space<vmem>>) target_semaphore(%arg26 : memref<!tpu.dma_semaphore, #tpu.memory_space<semaphore_mem>>)
    %dma_wait3A_1013 = arith.constant 0 : i32
    %dma_wait3A_1014 = arith.constant 0 : i32
    %dma_wait3A_1015 = arith.constant 0 : i32
    %dma_wait3A_1016 = tpu.memref_slice %arg19[%dma_wait3A_1013, %dma_wait3A_1014, %dma_wait3A_1015] : memref<2x16x2048xf32, #tpu.memory_space<vmem>> -> memref<1x16x2048xf32, #tpu.memory_space<vmem>>
    %dma_wait3A_1017 = tpu.memref_squeeze %dma_wait3A_1016 : memref<1x16x2048xf32, #tpu.memory_space<vmem>> -> memref<16x2048xf32, #tpu.memory_space<vmem>>
    %dma_wait3A_1018 = arith.constant 0 : i32
    %dma_wait3A_1019 = tpu.memref_slice %arg2[%add3A_913, %dma_wait3A_1018] : memref<8192x2048xf32, #tpu.memory_space<hbm>> -> memref<16x2048xf32, #tpu.memory_space<hbm>>
    %dma_wait3A_1020 = arith.constant 0 : i32
    %dma_wait3A_1021 = arith.constant 0 : i32
    %dma_wait3A_1022 = tpu.memref_slice %arg19[%dma_wait3A_1013, %dma_wait3A_1020, %dma_wait3A_1021] : memref<2x16x2048xf32, #tpu.memory_space<vmem>> -> memref<1x16x2048xf32, #tpu.memory_space<vmem>>
    %dma_wait3A_1023 = tpu.memref_squeeze %dma_wait3A_1022 : memref<1x16x2048xf32, #tpu.memory_space<vmem>> -> memref<16x2048xf32, #tpu.memory_space<vmem>>
    %dma_wait3A_1024 = arith.constant 0 : i32
    %dma_wait3A_1025 = tpu.memref_slice %arg2[%add3A_913, %dma_wait3A_1024] : memref<8192x2048xf32, #tpu.memory_space<hbm>> -> memref<16x2048xf32, #tpu.memory_space<hbm>>
    tpu.wait_dma2 semaphore(%arg25 : memref<!tpu.dma_semaphore, #tpu.memory_space<semaphore_mem>>) src(%dma_wait3A_1025 : memref<16x2048xf32, #tpu.memory_space<hbm>>) dst(%dma_wait3A_1023 : memref<16x2048xf32, #tpu.memory_space<vmem>>)
    %dma_start3A_1026 = arith.constant 0 : i32
    %dma_start3A_1027 = arith.constant 16 : i32
    %dma_start3A_1028 = arith.constant 0 : i32
    %dma_start3A_1029 = arith.constant 0 : i32
    %dma_start3A_1030 = tpu.memref_slice %arg19[%dma_start3A_1026, %dma_start3A_1028, %dma_start3A_1029] : memref<2x16x2048xf32, #tpu.memory_space<vmem>> -> memref<1x16x2048xf32, #tpu.memory_space<vmem>>
    %dma_start3A_1031 = tpu.memref_squeeze %dma_start3A_1030 : memref<1x16x2048xf32, #tpu.memory_space<vmem>> -> memref<16x2048xf32, #tpu.memory_space<vmem>>
    %dma_start3A_1032 = arith.constant 0 : i32
    %dma_start3A_1033 = tpu.memref_slice %arg18[%dma_start3A_1027, %dma_start3A_1032] : memref<32x16xi32, #tpu.memory_space<vmem>> -> memref<1x16xi32, #tpu.memory_space<vmem>>
    %dma_start3A_1034 = tpu.memref_squeeze %dma_start3A_1033 : memref<1x16xi32, #tpu.memory_space<vmem>> -> memref<16xi32, #tpu.memory_space<vmem>>
    %dma_start3A_1035 = arith.constant 0 : i32
    %dma_start3A_1036 = arith.constant 0 : i32
    %dma_start3A_1037 = tpu.memref_slice %arg10[%dma_start3A_1035, %dma_start3A_1036] : memref<16384x2048xf32, #tpu.memory_space<hbm>> -> memref<16384x2048xf32, #tpu.memory_space<hbm>>
    tpu.enqueue_indirect_dma source(%dma_start3A_1031 : memref<16x2048xf32, #tpu.memory_space<vmem>>) target(%dma_start3A_1037 : memref<16384x2048xf32, #tpu.memory_space<hbm>>) offsets(%dma_start3A_1034 : memref<16xi32, #tpu.memory_space<vmem>>) semaphore(%arg27 : memref<!tpu.dma_semaphore, #tpu.memory_space<semaphore_mem>>)
    %dma_start3A_1038 = arith.constant 0 : i32
    %dma_start3A_1039 = arith.constant 17 : i32
    %dma_start3A_1040 = arith.constant 0 : i32
    %dma_start3A_1041 = arith.constant 0 : i32
    %dma_start3A_1042 = tpu.memref_slice %arg19[%dma_start3A_1038, %dma_start3A_1040, %dma_start3A_1041] : memref<2x16x2048xf32, #tpu.memory_space<vmem>> -> memref<1x16x2048xf32, #tpu.memory_space<vmem>>
    %dma_start3A_1043 = tpu.memref_squeeze %dma_start3A_1042 : memref<1x16x2048xf32, #tpu.memory_space<vmem>> -> memref<16x2048xf32, #tpu.memory_space<vmem>>
    %dma_start3A_1044 = arith.constant 0 : i32
    %dma_start3A_1045 = tpu.memref_slice %arg18[%dma_start3A_1039, %dma_start3A_1044] : memref<32x16xi32, #tpu.memory_space<vmem>> -> memref<1x16xi32, #tpu.memory_space<vmem>>
    %dma_start3A_1046 = tpu.memref_squeeze %dma_start3A_1045 : memref<1x16xi32, #tpu.memory_space<vmem>> -> memref<16xi32, #tpu.memory_space<vmem>>
    %dma_start3A_1047 = arith.constant 0 : i32
    %dma_start3A_1048 = arith.constant 0 : i32
    %dma_start3A_1049 = tpu.memref_slice %arg10[%dma_start3A_1047, %dma_start3A_1048] : memref<16384x2048xf32, #tpu.memory_space<hbm>> -> memref<16384x2048xf32, #tpu.memory_space<hbm>>
    tpu.enqueue_indirect_dma source(%dma_start3A_1043 : memref<16x2048xf32, #tpu.memory_space<vmem>>) target(%dma_start3A_1049 : memref<16384x2048xf32, #tpu.memory_space<hbm>>) offsets(%dma_start3A_1046 : memref<16xi32, #tpu.memory_space<vmem>>) semaphore(%arg29 : memref<!tpu.dma_semaphore, #tpu.memory_space<semaphore_mem>>)
    %eq3A_1050 = arith.constant 0 : i32
    %eq3A_1051 = arith.cmpi eq, %add3A, %eq3A_1050 : i32
    %convert_element_type3A_1052 = arith.extui %eq3A_1051 : i1 to i32
    %cond3A_1053 = arith.constant 0 : i32
    %cond3A_1054 = arith.cmpi ne, %convert_element_type3A_1052, %cond3A_1053 : i32
    scf.if %cond3A_1054 {
      "tpu.region"() ({
        %run_scoped3A = tpu.sem_alloc : memref<!tpu.dma_semaphore, #tpu.memory_space<semaphore_mem>>
        %dma_start3A_1626 = arith.constant 4096 : i32
        %dma_start3A_1627 = tpu.memref_slice %arg5[%dma_start3A_1626] : memref<8192xi32, #tpu.memory_space<hbm>> -> memref<2048xi32, #tpu.memory_space<hbm>>
        %dma_start3A_1628 = arith.constant 4096 : i32
        %dma_start3A_1629 = tpu.memref_slice %arg5[%dma_start3A_1628] : memref<8192xi32, #tpu.memory_space<hbm>> -> memref<2048xi32, #tpu.memory_space<hbm>>
        tpu.enqueue_dma source(%dma_start3A_1629 : memref<2048xi32, #tpu.memory_space<hbm>>) target(%arg20 : memref<2048xi32, #tpu.memory_space<vmem>>) target_semaphore(%run_scoped3A : memref<!tpu.dma_semaphore, #tpu.memory_space<semaphore_mem>>)
        %dma_wait3A_1630 = arith.constant 4096 : i32
        %dma_wait3A_1631 = tpu.memref_slice %arg5[%dma_wait3A_1630] : memref<8192xi32, #tpu.memory_space<hbm>> -> memref<2048xi32, #tpu.memory_space<hbm>>
        %dma_wait3A_1632 = arith.constant 4096 : i32
        %dma_wait3A_1633 = tpu.memref_slice %arg5[%dma_wait3A_1632] : memref<8192xi32, #tpu.memory_space<hbm>> -> memref<2048xi32, #tpu.memory_space<hbm>>
        tpu.wait_dma2 semaphore(%run_scoped3A : memref<!tpu.dma_semaphore, #tpu.memory_space<semaphore_mem>>) src(%dma_wait3A_1633 : memref<2048xi32, #tpu.memory_space<hbm>>) dst(%arg20 : memref<2048xi32, #tpu.memory_space<vmem>>)
        tpu.yield
      }) : () -> ()
      "tpu.region"() ({
        %run_scoped3A = tpu.sem_alloc : memref<!tpu.dma_semaphore, #tpu.memory_space<semaphore_mem>>
        %dma_start3A_1626 = arith.constant 4096 : i32
        %dma_start3A_1627 = tpu.memref_slice %arg7[%dma_start3A_1626] : memref<8192xi32, #tpu.memory_space<hbm>> -> memref<2048xi32, #tpu.memory_space<hbm>>
        %dma_start3A_1628 = arith.constant 4096 : i32
        %dma_start3A_1629 = tpu.memref_slice %arg7[%dma_start3A_1628] : memref<8192xi32, #tpu.memory_space<hbm>> -> memref<2048xi32, #tpu.memory_space<hbm>>
        tpu.enqueue_dma source(%dma_start3A_1629 : memref<2048xi32, #tpu.memory_space<hbm>>) target(%arg21 : memref<2048xi32, #tpu.memory_space<vmem>>) target_semaphore(%run_scoped3A : memref<!tpu.dma_semaphore, #tpu.memory_space<semaphore_mem>>)
        %dma_wait3A_1630 = arith.constant 4096 : i32
        %dma_wait3A_1631 = tpu.memref_slice %arg7[%dma_wait3A_1630] : memref<8192xi32, #tpu.memory_space<hbm>> -> memref<2048xi32, #tpu.memory_space<hbm>>
        %dma_wait3A_1632 = arith.constant 4096 : i32
        %dma_wait3A_1633 = tpu.memref_slice %arg7[%dma_wait3A_1632] : memref<8192xi32, #tpu.memory_space<hbm>> -> memref<2048xi32, #tpu.memory_space<hbm>>
        tpu.wait_dma2 semaphore(%run_scoped3A : memref<!tpu.dma_semaphore, #tpu.memory_space<semaphore_mem>>) src(%dma_wait3A_1633 : memref<2048xi32, #tpu.memory_space<hbm>>) dst(%arg21 : memref<2048xi32, #tpu.memory_space<vmem>>)
        tpu.yield
      }) : () -> ()
      %scan3A = arith.constant 0 : i32
      %scan3A_1621 = arith.constant 0 : i32
      %scan3A_1622 = arith.constant 128 : i32
      %scan3A_1623 = arith.addi %scan3A_1621, %scan3A_1622 : i32
      %scan3A_1624 = arith.constant 1 : i32
      scf.for %scan3A_1626 = %scan3A_1621 to %scan3A_1623 step %scan3A_1624  : i32 {
        %mul3A_1627 = arith.constant 16 : i32
        %mul3A_1628 = arith.muli %scan3A_1626, %mul3A_1627 : i32
        %multiple_of3A = tpu.assume_multiple %mul3A_1628, 8 : i32
        %get3A_1629 = arith.index_cast %multiple_of3A : i32 to index
        %get3A_1630 = tpu.vector_load %arg21[%get3A_1629] {strides = array<i32>} : memref<2048xi32, #tpu.memory_space<vmem>>, vector<16xi32>,
        %gather3A_1631 = tpu.vector_load_idx %arg13[%get3A_1630] : memref<16xi32, #tpu.memory_space<vmem>>[vector<16xi32>], vector<16xi32>,
        %get3A_1632 = arith.index_cast %multiple_of3A : i32 to index
        %get3A_1633 = tpu.vector_load %arg20[%get3A_1632] {strides = array<i32>} : memref<2048xi32, #tpu.memory_space<vmem>>, vector<16xi32>,
        %add3A_1634 = arith.addi %gather3A_1631, %get3A_1633 : vector<16xi32>
        %mul3A_1635 = arith.constant 16 : i32
        %mul3A_1636 = arith.muli %scan3A_1626, %mul3A_1635 : i32
        %add3A_1637 = arith.constant 4096 : i32
        %add3A_1638 = arith.addi %add3A_1637, %mul3A_1636 : i32
        %add3A_1639 = vector.broadcast %add3A_1638 : i32 to vector<16xi32>
        %add3A_1640 = arith.addi %iota3A, %add3A_1639 : vector<16xi32>
        tpu.vector_store_idx %arg23[%add3A_1634], %add3A_1640 : memref<16384xi32, #tpu.memory_space<vmem>>[vector<16xi32>], vector<16xi32>,
      }
      %scan3A_1625 = arith.constant 128 : i32
    } else {
    }
    %eq3A_1055 = arith.constant 1 : i32
    %eq3A_1056 = arith.cmpi eq, %add3A, %eq3A_1055 : i32
    %convert_element_type3A_1057 = arith.extui %eq3A_1056 : i1 to i32
    %cond3A_1058 = arith.constant 0 : i32
    %cond3A_1059 = arith.cmpi ne, %convert_element_type3A_1057, %cond3A_1058 : i32
    scf.if %cond3A_1059 {
      "tpu.region"() ({
        %run_scoped3A = tpu.sem_alloc : memref<!tpu.dma_semaphore, #tpu.memory_space<semaphore_mem>>
        %dma_start3A_1626 = arith.constant 4096 : i32
        %dma_start3A_1627 = tpu.memref_slice %arg5[%dma_start3A_1626] : memref<8192xi32, #tpu.memory_space<hbm>> -> memref<2048xi32, #tpu.memory_space<hbm>>
        %dma_start3A_1628 = arith.constant 4096 : i32
        %dma_start3A_1629 = tpu.memref_slice %arg5[%dma_start3A_1628] : memref<8192xi32, #tpu.memory_space<hbm>> -> memref<2048xi32, #tpu.memory_space<hbm>>
        tpu.enqueue_dma source(%dma_start3A_1629 : memref<2048xi32, #tpu.memory_space<hbm>>) target(%arg20 : memref<2048xi32, #tpu.memory_space<vmem>>) target_semaphore(%run_scoped3A : memref<!tpu.dma_semaphore, #tpu.memory_space<semaphore_mem>>)
        %dma_wait3A_1630 = arith.constant 4096 : i32
        %dma_wait3A_1631 = tpu.memref_slice %arg5[%dma_wait3A_1630] : memref<8192xi32, #tpu.memory_space<hbm>> -> memref<2048xi32, #tpu.memory_space<hbm>>
        %dma_wait3A_1632 = arith.constant 4096 : i32
        %dma_wait3A_1633 = tpu.memref_slice %arg5[%dma_wait3A_1632] : memref<8192xi32, #tpu.memory_space<hbm>> -> memref<2048xi32, #tpu.memory_space<hbm>>
        tpu.wait_dma2 semaphore(%run_scoped3A : memref<!tpu.dma_semaphore, #tpu.memory_space<semaphore_mem>>) src(%dma_wait3A_1633 : memref<2048xi32, #tpu.memory_space<hbm>>) dst(%arg20 : memref<2048xi32, #tpu.memory_space<vmem>>)
        tpu.yield
      }) : () -> ()
      "tpu.region"() ({
        %run_scoped3A = tpu.sem_alloc : memref<!tpu.dma_semaphore, #tpu.memory_space<semaphore_mem>>
        %dma_start3A_1626 = arith.constant 4096 : i32
        %dma_start3A_1627 = tpu.memref_slice %arg7[%dma_start3A_1626] : memref<8192xi32, #tpu.memory_space<hbm>> -> memref<2048xi32, #tpu.memory_space<hbm>>
        %dma_start3A_1628 = arith.constant 4096 : i32
        %dma_start3A_1629 = tpu.memref_slice %arg7[%dma_start3A_1628] : memref<8192xi32, #tpu.memory_space<hbm>> -> memref<2048xi32, #tpu.memory_space<hbm>>
        tpu.enqueue_dma source(%dma_start3A_1629 : memref<2048xi32, #tpu.memory_space<hbm>>) target(%arg21 : memref<2048xi32, #tpu.memory_space<vmem>>) target_semaphore(%run_scoped3A : memref<!tpu.dma_semaphore, #tpu.memory_space<semaphore_mem>>)
        %dma_wait3A_1630 = arith.constant 4096 : i32
        %dma_wait3A_1631 = tpu.memref_slice %arg7[%dma_wait3A_1630] : memref<8192xi32, #tpu.memory_space<hbm>> -> memref<2048xi32, #tpu.memory_space<hbm>>
        %dma_wait3A_1632 = arith.constant 4096 : i32
        %dma_wait3A_1633 = tpu.memref_slice %arg7[%dma_wait3A_1632] : memref<8192xi32, #tpu.memory_space<hbm>> -> memref<2048xi32, #tpu.memory_space<hbm>>
        tpu.wait_dma2 semaphore(%run_scoped3A : memref<!tpu.dma_semaphore, #tpu.memory_space<semaphore_mem>>) src(%dma_wait3A_1633 : memref<2048xi32, #tpu.memory_space<hbm>>) dst(%arg21 : memref<2048xi32, #tpu.memory_space<vmem>>)
        tpu.yield
      }) : () -> ()
      "tpu.region"() ({
        %run_scoped3A = tpu.sem_alloc : memref<!tpu.dma_semaphore, #tpu.memory_space<semaphore_mem>>
        %dma_start3A_1626 = arith.constant 4096 : i32
        %dma_start3A_1627 = tpu.memref_slice %arg9[%dma_start3A_1626] : memref<8192xf32, #tpu.memory_space<hbm>> -> memref<2048xf32, #tpu.memory_space<hbm>>
        %dma_start3A_1628 = arith.constant 4096 : i32
        %dma_start3A_1629 = tpu.memref_slice %arg9[%dma_start3A_1628] : memref<8192xf32, #tpu.memory_space<hbm>> -> memref<2048xf32, #tpu.memory_space<hbm>>
        tpu.enqueue_dma source(%dma_start3A_1629 : memref<2048xf32, #tpu.memory_space<hbm>>) target(%arg22 : memref<2048xf32, #tpu.memory_space<vmem>>) target_semaphore(%run_scoped3A : memref<!tpu.dma_semaphore, #tpu.memory_space<semaphore_mem>>)
        %dma_wait3A_1630 = arith.constant 4096 : i32
        %dma_wait3A_1631 = tpu.memref_slice %arg9[%dma_wait3A_1630] : memref<8192xf32, #tpu.memory_space<hbm>> -> memref<2048xf32, #tpu.memory_space<hbm>>
        %dma_wait3A_1632 = arith.constant 4096 : i32
        %dma_wait3A_1633 = tpu.memref_slice %arg9[%dma_wait3A_1632] : memref<8192xf32, #tpu.memory_space<hbm>> -> memref<2048xf32, #tpu.memory_space<hbm>>
        tpu.wait_dma2 semaphore(%run_scoped3A : memref<!tpu.dma_semaphore, #tpu.memory_space<semaphore_mem>>) src(%dma_wait3A_1633 : memref<2048xf32, #tpu.memory_space<hbm>>) dst(%arg22 : memref<2048xf32, #tpu.memory_space<vmem>>)
        tpu.yield
      }) : () -> ()
      %scan3A = arith.constant 0 : i32
      %scan3A_1621 = arith.constant 0 : i32
      %scan3A_1622 = arith.constant 128 : i32
      %scan3A_1623 = arith.addi %scan3A_1621, %scan3A_1622 : i32
      %scan3A_1624 = arith.constant 1 : i32
      scf.for %scan3A_1626 = %scan3A_1621 to %scan3A_1623 step %scan3A_1624  : i32 {
        %mul3A_1627 = arith.constant 16 : i32
        %mul3A_1628 = arith.muli %scan3A_1626, %mul3A_1627 : i32
        %multiple_of3A = tpu.assume_multiple %mul3A_1628, 8 : i32
        %get3A_1629 = arith.index_cast %multiple_of3A : i32 to index
        %get3A_1630 = tpu.vector_load %arg21[%get3A_1629] {strides = array<i32>} : memref<2048xi32, #tpu.memory_space<vmem>>, vector<16xi32>,
        %gather3A_1631 = tpu.vector_load_idx %arg13[%get3A_1630] : memref<16xi32, #tpu.memory_space<vmem>>[vector<16xi32>], vector<16xi32>,
        %get3A_1632 = arith.index_cast %multiple_of3A : i32 to index
        %get3A_1633 = tpu.vector_load %arg20[%get3A_1632] {strides = array<i32>} : memref<2048xi32, #tpu.memory_space<vmem>>, vector<16xi32>,
        %add3A_1634 = arith.addi %gather3A_1631, %get3A_1633 : vector<16xi32>
        %get3A_1635 = arith.index_cast %multiple_of3A : i32 to index
        %get3A_1636 = tpu.vector_load %arg22[%get3A_1635] {strides = array<i32>} : memref<2048xf32, #tpu.memory_space<vmem>>, vector<16xf32>,
        tpu.vector_store_idx %arg24[%add3A_1634], %get3A_1636 : memref<16384xf32, #tpu.memory_space<vmem>>[vector<16xi32>], vector<16xf32>,
      }
      %scan3A_1625 = arith.constant 128 : i32
    } else {
    }
    %dma_wait3A_1060 = arith.constant 0 : i32
    %dma_wait3A_1061 = arith.constant 16 : i32
    %dma_wait3A_1062 = arith.constant 0 : i32
    %dma_wait3A_1063 = arith.constant 0 : i32
    %dma_wait3A_1064 = tpu.memref_slice %arg19[%dma_wait3A_1060, %dma_wait3A_1062, %dma_wait3A_1063] : memref<2x16x2048xf32, #tpu.memory_space<vmem>> -> memref<1x16x2048xf32, #tpu.memory_space<vmem>>
    %dma_wait3A_1065 = tpu.memref_squeeze %dma_wait3A_1064 : memref<1x16x2048xf32, #tpu.memory_space<vmem>> -> memref<16x2048xf32, #tpu.memory_space<vmem>>
    %dma_wait3A_1066 = arith.constant 0 : i32
    %dma_wait3A_1067 = tpu.memref_slice %arg18[%dma_wait3A_1061, %dma_wait3A_1066] : memref<32x16xi32, #tpu.memory_space<vmem>> -> memref<1x16xi32, #tpu.memory_space<vmem>>
    %dma_wait3A_1068 = tpu.memref_squeeze %dma_wait3A_1067 : memref<1x16xi32, #tpu.memory_space<vmem>> -> memref<16xi32, #tpu.memory_space<vmem>>
    %dma_wait3A_1069 = arith.constant 0 : i32
    %dma_wait3A_1070 = arith.constant 0 : i32
    %dma_wait3A_1071 = tpu.memref_slice %arg10[%dma_wait3A_1069, %dma_wait3A_1070] : memref<16384x2048xf32, #tpu.memory_space<hbm>> -> memref<16384x2048xf32, #tpu.memory_space<hbm>>
    tpu.wait_indirect_dma semaphore(%arg27 : memref<!tpu.dma_semaphore, #tpu.memory_space<semaphore_mem>>) src(%dma_wait3A_1065 : memref<16x2048xf32, #tpu.memory_space<vmem>>) dst(%dma_wait3A_1071 : memref<16384x2048xf32, #tpu.memory_space<hbm>>)
    %dma_wait3A_1072 = arith.constant 0 : i32
    %dma_wait3A_1073 = arith.constant 17 : i32
    %dma_wait3A_1074 = arith.constant 0 : i32
    %dma_wait3A_1075 = arith.constant 0 : i32
    %dma_wait3A_1076 = tpu.memref_slice %arg19[%dma_wait3A_1072, %dma_wait3A_1074, %dma_wait3A_1075] : memref<2x16x2048xf32, #tpu.memory_space<vmem>> -> memref<1x16x2048xf32, #tpu.memory_space<vmem>>
    %dma_wait3A_1077 = tpu.memref_squeeze %dma_wait3A_1076 : memref<1x16x2048xf32, #tpu.memory_space<vmem>> -> memref<16x2048xf32, #tpu.memory_space<vmem>>
    %dma_wait3A_1078 = arith.constant 0 : i32
    %dma_wait3A_1079 = tpu.memref_slice %arg18[%dma_wait3A_1073, %dma_wait3A_1078] : memref<32x16xi32, #tpu.memory_space<vmem>> -> memref<1x16xi32, #tpu.memory_space<vmem>>
    %dma_wait3A_1080 = tpu.memref_squeeze %dma_wait3A_1079 : memref<1x16xi32, #tpu.memory_space<vmem>> -> memref<16xi32, #tpu.memory_space<vmem>>
    %dma_wait3A_1081 = arith.constant 0 : i32
    %dma_wait3A_1082 = arith.constant 0 : i32
    %dma_wait3A_1083 = tpu.memref_slice %arg10[%dma_wait3A_1081, %dma_wait3A_1082] : memref<16384x2048xf32, #tpu.memory_space<hbm>> -> memref<16384x2048xf32, #tpu.memory_space<hbm>>
    tpu.wait_indirect_dma semaphore(%arg29 : memref<!tpu.dma_semaphore, #tpu.memory_space<semaphore_mem>>) src(%dma_wait3A_1077 : memref<16x2048xf32, #tpu.memory_space<vmem>>) dst(%dma_wait3A_1083 : memref<16384x2048xf32, #tpu.memory_space<hbm>>)
    %add3A_1084 = arith.constant 160 : i32
    %add3A_1085 = arith.addi %mul3A_2, %add3A_1084 : i32
    %dma_start3A_1086 = arith.constant 0 : i32
    %dma_start3A_1087 = arith.constant 0 : i32
    %dma_start3A_1088 = arith.constant 0 : i32
    %dma_start3A_1089 = tpu.memref_slice %arg19[%dma_start3A_1086, %dma_start3A_1087, %dma_start3A_1088] : memref<2x16x2048xf32, #tpu.memory_space<vmem>> -> memref<1x16x2048xf32, #tpu.memory_space<vmem>>
    %dma_start3A_1090 = tpu.memref_squeeze %dma_start3A_1089 : memref<1x16x2048xf32, #tpu.memory_space<vmem>> -> memref<16x2048xf32, #tpu.memory_space<vmem>>
    %dma_start3A_1091 = arith.constant 0 : i32
    %dma_start3A_1092 = tpu.memref_slice %arg2[%add3A_1085, %dma_start3A_1091] : memref<8192x2048xf32, #tpu.memory_space<hbm>> -> memref<16x2048xf32, #tpu.memory_space<hbm>>
    %dma_start3A_1093 = arith.constant 0 : i32
    %dma_start3A_1094 = arith.constant 0 : i32
    %dma_start3A_1095 = tpu.memref_slice %arg19[%dma_start3A_1086, %dma_start3A_1093, %dma_start3A_1094] : memref<2x16x2048xf32, #tpu.memory_space<vmem>> -> memref<1x16x2048xf32, #tpu.memory_space<vmem>>
    %dma_start3A_1096 = tpu.memref_squeeze %dma_start3A_1095 : memref<1x16x2048xf32, #tpu.memory_space<vmem>> -> memref<16x2048xf32, #tpu.memory_space<vmem>>
    %dma_start3A_1097 = arith.constant 0 : i32
    %dma_start3A_1098 = tpu.memref_slice %arg2[%add3A_1085, %dma_start3A_1097] : memref<8192x2048xf32, #tpu.memory_space<hbm>> -> memref<16x2048xf32, #tpu.memory_space<hbm>>
    tpu.enqueue_dma source(%dma_start3A_1098 : memref<16x2048xf32, #tpu.memory_space<hbm>>) target(%dma_start3A_1096 : memref<16x2048xf32, #tpu.memory_space<vmem>>) target_semaphore(%arg25 : memref<!tpu.dma_semaphore, #tpu.memory_space<semaphore_mem>>)
    %dma_wait3A_1099 = arith.constant 1 : i32
    %dma_wait3A_1100 = arith.constant 0 : i32
    %dma_wait3A_1101 = arith.constant 0 : i32
    %dma_wait3A_1102 = tpu.memref_slice %arg19[%dma_wait3A_1099, %dma_wait3A_1100, %dma_wait3A_1101] : memref<2x16x2048xf32, #tpu.memory_space<vmem>> -> memref<1x16x2048xf32, #tpu.memory_space<vmem>>
    %dma_wait3A_1103 = tpu.memref_squeeze %dma_wait3A_1102 : memref<1x16x2048xf32, #tpu.memory_space<vmem>> -> memref<16x2048xf32, #tpu.memory_space<vmem>>
    %dma_wait3A_1104 = arith.constant 0 : i32
    %dma_wait3A_1105 = tpu.memref_slice %arg2[%add3A_999, %dma_wait3A_1104] : memref<8192x2048xf32, #tpu.memory_space<hbm>> -> memref<16x2048xf32, #tpu.memory_space<hbm>>
    %dma_wait3A_1106 = arith.constant 0 : i32
    %dma_wait3A_1107 = arith.constant 0 : i32
    %dma_wait3A_1108 = tpu.memref_slice %arg19[%dma_wait3A_1099, %dma_wait3A_1106, %dma_wait3A_1107] : memref<2x16x2048xf32, #tpu.memory_space<vmem>> -> memref<1x16x2048xf32, #tpu.memory_space<vmem>>
    %dma_wait3A_1109 = tpu.memref_squeeze %dma_wait3A_1108 : memref<1x16x2048xf32, #tpu.memory_space<vmem>> -> memref<16x2048xf32, #tpu.memory_space<vmem>>
    %dma_wait3A_1110 = arith.constant 0 : i32
    %dma_wait3A_1111 = tpu.memref_slice %arg2[%add3A_999, %dma_wait3A_1110] : memref<8192x2048xf32, #tpu.memory_space<hbm>> -> memref<16x2048xf32, #tpu.memory_space<hbm>>
    tpu.wait_dma2 semaphore(%arg26 : memref<!tpu.dma_semaphore, #tpu.memory_space<semaphore_mem>>) src(%dma_wait3A_1111 : memref<16x2048xf32, #tpu.memory_space<hbm>>) dst(%dma_wait3A_1109 : memref<16x2048xf32, #tpu.memory_space<vmem>>)
    %dma_start3A_1112 = arith.constant 1 : i32
    %dma_start3A_1113 = arith.constant 18 : i32
    %dma_start3A_1114 = arith.constant 0 : i32
    %dma_start3A_1115 = arith.constant 0 : i32
    %dma_start3A_1116 = tpu.memref_slice %arg19[%dma_start3A_1112, %dma_start3A_1114, %dma_start3A_1115] : memref<2x16x2048xf32, #tpu.memory_space<vmem>> -> memref<1x16x2048xf32, #tpu.memory_space<vmem>>
    %dma_start3A_1117 = tpu.memref_squeeze %dma_start3A_1116 : memref<1x16x2048xf32, #tpu.memory_space<vmem>> -> memref<16x2048xf32, #tpu.memory_space<vmem>>
    %dma_start3A_1118 = arith.constant 0 : i32
    %dma_start3A_1119 = tpu.memref_slice %arg18[%dma_start3A_1113, %dma_start3A_1118] : memref<32x16xi32, #tpu.memory_space<vmem>> -> memref<1x16xi32, #tpu.memory_space<vmem>>
    %dma_start3A_1120 = tpu.memref_squeeze %dma_start3A_1119 : memref<1x16xi32, #tpu.memory_space<vmem>> -> memref<16xi32, #tpu.memory_space<vmem>>
    %dma_start3A_1121 = arith.constant 0 : i32
    %dma_start3A_1122 = arith.constant 0 : i32
    %dma_start3A_1123 = tpu.memref_slice %arg10[%dma_start3A_1121, %dma_start3A_1122] : memref<16384x2048xf32, #tpu.memory_space<hbm>> -> memref<16384x2048xf32, #tpu.memory_space<hbm>>
    tpu.enqueue_indirect_dma source(%dma_start3A_1117 : memref<16x2048xf32, #tpu.memory_space<vmem>>) target(%dma_start3A_1123 : memref<16384x2048xf32, #tpu.memory_space<hbm>>) offsets(%dma_start3A_1120 : memref<16xi32, #tpu.memory_space<vmem>>) semaphore(%arg28 : memref<!tpu.dma_semaphore, #tpu.memory_space<semaphore_mem>>)
    %dma_start3A_1124 = arith.constant 1 : i32
    %dma_start3A_1125 = arith.constant 19 : i32
    %dma_start3A_1126 = arith.constant 0 : i32
    %dma_start3A_1127 = arith.constant 0 : i32
    %dma_start3A_1128 = tpu.memref_slice %arg19[%dma_start3A_1124, %dma_start3A_1126, %dma_start3A_1127] : memref<2x16x2048xf32, #tpu.memory_space<vmem>> -> memref<1x16x2048xf32, #tpu.memory_space<vmem>>
    %dma_start3A_1129 = tpu.memref_squeeze %dma_start3A_1128 : memref<1x16x2048xf32, #tpu.memory_space<vmem>> -> memref<16x2048xf32, #tpu.memory_space<vmem>>
    %dma_start3A_1130 = arith.constant 0 : i32
    %dma_start3A_1131 = tpu.memref_slice %arg18[%dma_start3A_1125, %dma_start3A_1130] : memref<32x16xi32, #tpu.memory_space<vmem>> -> memref<1x16xi32, #tpu.memory_space<vmem>>
    %dma_start3A_1132 = tpu.memref_squeeze %dma_start3A_1131 : memref<1x16xi32, #tpu.memory_space<vmem>> -> memref<16xi32, #tpu.memory_space<vmem>>
    %dma_start3A_1133 = arith.constant 0 : i32
    %dma_start3A_1134 = arith.constant 0 : i32
    %dma_start3A_1135 = tpu.memref_slice %arg10[%dma_start3A_1133, %dma_start3A_1134] : memref<16384x2048xf32, #tpu.memory_space<hbm>> -> memref<16384x2048xf32, #tpu.memory_space<hbm>>
    tpu.enqueue_indirect_dma source(%dma_start3A_1129 : memref<16x2048xf32, #tpu.memory_space<vmem>>) target(%dma_start3A_1135 : memref<16384x2048xf32, #tpu.memory_space<hbm>>) offsets(%dma_start3A_1132 : memref<16xi32, #tpu.memory_space<vmem>>) semaphore(%arg30 : memref<!tpu.dma_semaphore, #tpu.memory_space<semaphore_mem>>)
    %eq3A_1136 = arith.constant 0 : i32
    %eq3A_1137 = arith.cmpi eq, %add3A, %eq3A_1136 : i32
    %convert_element_type3A_1138 = arith.extui %eq3A_1137 : i1 to i32
    %cond3A_1139 = arith.constant 0 : i32
    %cond3A_1140 = arith.cmpi ne, %convert_element_type3A_1138, %cond3A_1139 : i32
    scf.if %cond3A_1140 {
      "tpu.region"() ({
        %run_scoped3A = tpu.sem_alloc : memref<!tpu.dma_semaphore, #tpu.memory_space<semaphore_mem>>
        %dma_start3A_1626 = arith.constant 6144 : i32
        %dma_start3A_1627 = tpu.memref_slice %arg5[%dma_start3A_1626] : memref<8192xi32, #tpu.memory_space<hbm>> -> memref<2048xi32, #tpu.memory_space<hbm>>
        %dma_start3A_1628 = arith.constant 6144 : i32
        %dma_start3A_1629 = tpu.memref_slice %arg5[%dma_start3A_1628] : memref<8192xi32, #tpu.memory_space<hbm>> -> memref<2048xi32, #tpu.memory_space<hbm>>
        tpu.enqueue_dma source(%dma_start3A_1629 : memref<2048xi32, #tpu.memory_space<hbm>>) target(%arg20 : memref<2048xi32, #tpu.memory_space<vmem>>) target_semaphore(%run_scoped3A : memref<!tpu.dma_semaphore, #tpu.memory_space<semaphore_mem>>)
        %dma_wait3A_1630 = arith.constant 6144 : i32
        %dma_wait3A_1631 = tpu.memref_slice %arg5[%dma_wait3A_1630] : memref<8192xi32, #tpu.memory_space<hbm>> -> memref<2048xi32, #tpu.memory_space<hbm>>
        %dma_wait3A_1632 = arith.constant 6144 : i32
        %dma_wait3A_1633 = tpu.memref_slice %arg5[%dma_wait3A_1632] : memref<8192xi32, #tpu.memory_space<hbm>> -> memref<2048xi32, #tpu.memory_space<hbm>>
        tpu.wait_dma2 semaphore(%run_scoped3A : memref<!tpu.dma_semaphore, #tpu.memory_space<semaphore_mem>>) src(%dma_wait3A_1633 : memref<2048xi32, #tpu.memory_space<hbm>>) dst(%arg20 : memref<2048xi32, #tpu.memory_space<vmem>>)
        tpu.yield
      }) : () -> ()
      "tpu.region"() ({
        %run_scoped3A = tpu.sem_alloc : memref<!tpu.dma_semaphore, #tpu.memory_space<semaphore_mem>>
        %dma_start3A_1626 = arith.constant 6144 : i32
        %dma_start3A_1627 = tpu.memref_slice %arg7[%dma_start3A_1626] : memref<8192xi32, #tpu.memory_space<hbm>> -> memref<2048xi32, #tpu.memory_space<hbm>>
        %dma_start3A_1628 = arith.constant 6144 : i32
        %dma_start3A_1629 = tpu.memref_slice %arg7[%dma_start3A_1628] : memref<8192xi32, #tpu.memory_space<hbm>> -> memref<2048xi32, #tpu.memory_space<hbm>>
        tpu.enqueue_dma source(%dma_start3A_1629 : memref<2048xi32, #tpu.memory_space<hbm>>) target(%arg21 : memref<2048xi32, #tpu.memory_space<vmem>>) target_semaphore(%run_scoped3A : memref<!tpu.dma_semaphore, #tpu.memory_space<semaphore_mem>>)
        %dma_wait3A_1630 = arith.constant 6144 : i32
        %dma_wait3A_1631 = tpu.memref_slice %arg7[%dma_wait3A_1630] : memref<8192xi32, #tpu.memory_space<hbm>> -> memref<2048xi32, #tpu.memory_space<hbm>>
        %dma_wait3A_1632 = arith.constant 6144 : i32
        %dma_wait3A_1633 = tpu.memref_slice %arg7[%dma_wait3A_1632] : memref<8192xi32, #tpu.memory_space<hbm>> -> memref<2048xi32, #tpu.memory_space<hbm>>
        tpu.wait_dma2 semaphore(%run_scoped3A : memref<!tpu.dma_semaphore, #tpu.memory_space<semaphore_mem>>) src(%dma_wait3A_1633 : memref<2048xi32, #tpu.memory_space<hbm>>) dst(%arg21 : memref<2048xi32, #tpu.memory_space<vmem>>)
        tpu.yield
      }) : () -> ()
      %scan3A = arith.constant 0 : i32
      %scan3A_1621 = arith.constant 0 : i32
      %scan3A_1622 = arith.constant 128 : i32
      %scan3A_1623 = arith.addi %scan3A_1621, %scan3A_1622 : i32
      %scan3A_1624 = arith.constant 1 : i32
      scf.for %scan3A_1626 = %scan3A_1621 to %scan3A_1623 step %scan3A_1624  : i32 {
        %mul3A_1627 = arith.constant 16 : i32
        %mul3A_1628 = arith.muli %scan3A_1626, %mul3A_1627 : i32
        %multiple_of3A = tpu.assume_multiple %mul3A_1628, 8 : i32
        %get3A_1629 = arith.index_cast %multiple_of3A : i32 to index
        %get3A_1630 = tpu.vector_load %arg21[%get3A_1629] {strides = array<i32>} : memref<2048xi32, #tpu.memory_space<vmem>>, vector<16xi32>,
        %gather3A_1631 = tpu.vector_load_idx %arg13[%get3A_1630] : memref<16xi32, #tpu.memory_space<vmem>>[vector<16xi32>], vector<16xi32>,
        %get3A_1632 = arith.index_cast %multiple_of3A : i32 to index
        %get3A_1633 = tpu.vector_load %arg20[%get3A_1632] {strides = array<i32>} : memref<2048xi32, #tpu.memory_space<vmem>>, vector<16xi32>,
        %add3A_1634 = arith.addi %gather3A_1631, %get3A_1633 : vector<16xi32>
        %mul3A_1635 = arith.constant 16 : i32
        %mul3A_1636 = arith.muli %scan3A_1626, %mul3A_1635 : i32
        %add3A_1637 = arith.constant 6144 : i32
        %add3A_1638 = arith.addi %add3A_1637, %mul3A_1636 : i32
        %add3A_1639 = vector.broadcast %add3A_1638 : i32 to vector<16xi32>
        %add3A_1640 = arith.addi %iota3A, %add3A_1639 : vector<16xi32>
        tpu.vector_store_idx %arg23[%add3A_1634], %add3A_1640 : memref<16384xi32, #tpu.memory_space<vmem>>[vector<16xi32>], vector<16xi32>,
      }
      %scan3A_1625 = arith.constant 128 : i32
    } else {
    }
    %eq3A_1141 = arith.constant 1 : i32
    %eq3A_1142 = arith.cmpi eq, %add3A, %eq3A_1141 : i32
    %convert_element_type3A_1143 = arith.extui %eq3A_1142 : i1 to i32
    %cond3A_1144 = arith.constant 0 : i32
    %cond3A_1145 = arith.cmpi ne, %convert_element_type3A_1143, %cond3A_1144 : i32
    scf.if %cond3A_1145 {
      "tpu.region"() ({
        %run_scoped3A = tpu.sem_alloc : memref<!tpu.dma_semaphore, #tpu.memory_space<semaphore_mem>>
        %dma_start3A_1626 = arith.constant 6144 : i32
        %dma_start3A_1627 = tpu.memref_slice %arg5[%dma_start3A_1626] : memref<8192xi32, #tpu.memory_space<hbm>> -> memref<2048xi32, #tpu.memory_space<hbm>>
        %dma_start3A_1628 = arith.constant 6144 : i32
        %dma_start3A_1629 = tpu.memref_slice %arg5[%dma_start3A_1628] : memref<8192xi32, #tpu.memory_space<hbm>> -> memref<2048xi32, #tpu.memory_space<hbm>>
        tpu.enqueue_dma source(%dma_start3A_1629 : memref<2048xi32, #tpu.memory_space<hbm>>) target(%arg20 : memref<2048xi32, #tpu.memory_space<vmem>>) target_semaphore(%run_scoped3A : memref<!tpu.dma_semaphore, #tpu.memory_space<semaphore_mem>>)
        %dma_wait3A_1630 = arith.constant 6144 : i32
        %dma_wait3A_1631 = tpu.memref_slice %arg5[%dma_wait3A_1630] : memref<8192xi32, #tpu.memory_space<hbm>> -> memref<2048xi32, #tpu.memory_space<hbm>>
        %dma_wait3A_1632 = arith.constant 6144 : i32
        %dma_wait3A_1633 = tpu.memref_slice %arg5[%dma_wait3A_1632] : memref<8192xi32, #tpu.memory_space<hbm>> -> memref<2048xi32, #tpu.memory_space<hbm>>
        tpu.wait_dma2 semaphore(%run_scoped3A : memref<!tpu.dma_semaphore, #tpu.memory_space<semaphore_mem>>) src(%dma_wait3A_1633 : memref<2048xi32, #tpu.memory_space<hbm>>) dst(%arg20 : memref<2048xi32, #tpu.memory_space<vmem>>)
        tpu.yield
      }) : () -> ()
      "tpu.region"() ({
        %run_scoped3A = tpu.sem_alloc : memref<!tpu.dma_semaphore, #tpu.memory_space<semaphore_mem>>
        %dma_start3A_1626 = arith.constant 6144 : i32
        %dma_start3A_1627 = tpu.memref_slice %arg7[%dma_start3A_1626] : memref<8192xi32, #tpu.memory_space<hbm>> -> memref<2048xi32, #tpu.memory_space<hbm>>
        %dma_start3A_1628 = arith.constant 6144 : i32
        %dma_start3A_1629 = tpu.memref_slice %arg7[%dma_start3A_1628] : memref<8192xi32, #tpu.memory_space<hbm>> -> memref<2048xi32, #tpu.memory_space<hbm>>
        tpu.enqueue_dma source(%dma_start3A_1629 : memref<2048xi32, #tpu.memory_space<hbm>>) target(%arg21 : memref<2048xi32, #tpu.memory_space<vmem>>) target_semaphore(%run_scoped3A : memref<!tpu.dma_semaphore, #tpu.memory_space<semaphore_mem>>)
        %dma_wait3A_1630 = arith.constant 6144 : i32
        %dma_wait3A_1631 = tpu.memref_slice %arg7[%dma_wait3A_1630] : memref<8192xi32, #tpu.memory_space<hbm>> -> memref<2048xi32, #tpu.memory_space<hbm>>
        %dma_wait3A_1632 = arith.constant 6144 : i32
        %dma_wait3A_1633 = tpu.memref_slice %arg7[%dma_wait3A_1632] : memref<8192xi32, #tpu.memory_space<hbm>> -> memref<2048xi32, #tpu.memory_space<hbm>>
        tpu.wait_dma2 semaphore(%run_scoped3A : memref<!tpu.dma_semaphore, #tpu.memory_space<semaphore_mem>>) src(%dma_wait3A_1633 : memref<2048xi32, #tpu.memory_space<hbm>>) dst(%arg21 : memref<2048xi32, #tpu.memory_space<vmem>>)
        tpu.yield
      }) : () -> ()
      "tpu.region"() ({
        %run_scoped3A = tpu.sem_alloc : memref<!tpu.dma_semaphore, #tpu.memory_space<semaphore_mem>>
        %dma_start3A_1626 = arith.constant 6144 : i32
        %dma_start3A_1627 = tpu.memref_slice %arg9[%dma_start3A_1626] : memref<8192xf32, #tpu.memory_space<hbm>> -> memref<2048xf32, #tpu.memory_space<hbm>>
        %dma_start3A_1628 = arith.constant 6144 : i32
        %dma_start3A_1629 = tpu.memref_slice %arg9[%dma_start3A_1628] : memref<8192xf32, #tpu.memory_space<hbm>> -> memref<2048xf32, #tpu.memory_space<hbm>>
        tpu.enqueue_dma source(%dma_start3A_1629 : memref<2048xf32, #tpu.memory_space<hbm>>) target(%arg22 : memref<2048xf32, #tpu.memory_space<vmem>>) target_semaphore(%run_scoped3A : memref<!tpu.dma_semaphore, #tpu.memory_space<semaphore_mem>>)
        %dma_wait3A_1630 = arith.constant 6144 : i32
        %dma_wait3A_1631 = tpu.memref_slice %arg9[%dma_wait3A_1630] : memref<8192xf32, #tpu.memory_space<hbm>> -> memref<2048xf32, #tpu.memory_space<hbm>>
        %dma_wait3A_1632 = arith.constant 6144 : i32
        %dma_wait3A_1633 = tpu.memref_slice %arg9[%dma_wait3A_1632] : memref<8192xf32, #tpu.memory_space<hbm>> -> memref<2048xf32, #tpu.memory_space<hbm>>
        tpu.wait_dma2 semaphore(%run_scoped3A : memref<!tpu.dma_semaphore, #tpu.memory_space<semaphore_mem>>) src(%dma_wait3A_1633 : memref<2048xf32, #tpu.memory_space<hbm>>) dst(%arg22 : memref<2048xf32, #tpu.memory_space<vmem>>)
        tpu.yield
      }) : () -> ()
      %scan3A = arith.constant 0 : i32
      %scan3A_1621 = arith.constant 0 : i32
      %scan3A_1622 = arith.constant 128 : i32
      %scan3A_1623 = arith.addi %scan3A_1621, %scan3A_1622 : i32
      %scan3A_1624 = arith.constant 1 : i32
      scf.for %scan3A_1626 = %scan3A_1621 to %scan3A_1623 step %scan3A_1624  : i32 {
        %mul3A_1627 = arith.constant 16 : i32
        %mul3A_1628 = arith.muli %scan3A_1626, %mul3A_1627 : i32
        %multiple_of3A = tpu.assume_multiple %mul3A_1628, 8 : i32
        %get3A_1629 = arith.index_cast %multiple_of3A : i32 to index
        %get3A_1630 = tpu.vector_load %arg21[%get3A_1629] {strides = array<i32>} : memref<2048xi32, #tpu.memory_space<vmem>>, vector<16xi32>,
        %gather3A_1631 = tpu.vector_load_idx %arg13[%get3A_1630] : memref<16xi32, #tpu.memory_space<vmem>>[vector<16xi32>], vector<16xi32>,
        %get3A_1632 = arith.index_cast %multiple_of3A : i32 to index
        %get3A_1633 = tpu.vector_load %arg20[%get3A_1632] {strides = array<i32>} : memref<2048xi32, #tpu.memory_space<vmem>>, vector<16xi32>,
        %add3A_1634 = arith.addi %gather3A_1631, %get3A_1633 : vector<16xi32>
        %get3A_1635 = arith.index_cast %multiple_of3A : i32 to index
        %get3A_1636 = tpu.vector_load %arg22[%get3A_1635] {strides = array<i32>} : memref<2048xf32, #tpu.memory_space<vmem>>, vector<16xf32>,
        tpu.vector_store_idx %arg24[%add3A_1634], %get3A_1636 : memref<16384xf32, #tpu.memory_space<vmem>>[vector<16xi32>], vector<16xf32>,
      }
      %scan3A_1625 = arith.constant 128 : i32
    } else {
    }
    %dma_wait3A_1146 = arith.constant 1 : i32
    %dma_wait3A_1147 = arith.constant 18 : i32
    %dma_wait3A_1148 = arith.constant 0 : i32
    %dma_wait3A_1149 = arith.constant 0 : i32
    %dma_wait3A_1150 = tpu.memref_slice %arg19[%dma_wait3A_1146, %dma_wait3A_1148, %dma_wait3A_1149] : memref<2x16x2048xf32, #tpu.memory_space<vmem>> -> memref<1x16x2048xf32, #tpu.memory_space<vmem>>
    %dma_wait3A_1151 = tpu.memref_squeeze %dma_wait3A_1150 : memref<1x16x2048xf32, #tpu.memory_space<vmem>> -> memref<16x2048xf32, #tpu.memory_space<vmem>>
    %dma_wait3A_1152 = arith.constant 0 : i32
    %dma_wait3A_1153 = tpu.memref_slice %arg18[%dma_wait3A_1147, %dma_wait3A_1152] : memref<32x16xi32, #tpu.memory_space<vmem>> -> memref<1x16xi32, #tpu.memory_space<vmem>>
    %dma_wait3A_1154 = tpu.memref_squeeze %dma_wait3A_1153 : memref<1x16xi32, #tpu.memory_space<vmem>> -> memref<16xi32, #tpu.memory_space<vmem>>
    %dma_wait3A_1155 = arith.constant 0 : i32
    %dma_wait3A_1156 = arith.constant 0 : i32
    %dma_wait3A_1157 = tpu.memref_slice %arg10[%dma_wait3A_1155, %dma_wait3A_1156] : memref<16384x2048xf32, #tpu.memory_space<hbm>> -> memref<16384x2048xf32, #tpu.memory_space<hbm>>
    tpu.wait_indirect_dma semaphore(%arg28 : memref<!tpu.dma_semaphore, #tpu.memory_space<semaphore_mem>>) src(%dma_wait3A_1151 : memref<16x2048xf32, #tpu.memory_space<vmem>>) dst(%dma_wait3A_1157 : memref<16384x2048xf32, #tpu.memory_space<hbm>>)
    %dma_wait3A_1158 = arith.constant 1 : i32
    %dma_wait3A_1159 = arith.constant 19 : i32
    %dma_wait3A_1160 = arith.constant 0 : i32
    %dma_wait3A_1161 = arith.constant 0 : i32
    %dma_wait3A_1162 = tpu.memref_slice %arg19[%dma_wait3A_1158, %dma_wait3A_1160, %dma_wait3A_1161] : memref<2x16x2048xf32, #tpu.memory_space<vmem>> -> memref<1x16x2048xf32, #tpu.memory_space<vmem>>
    %dma_wait3A_1163 = tpu.memref_squeeze %dma_wait3A_1162 : memref<1x16x2048xf32, #tpu.memory_space<vmem>> -> memref<16x2048xf32, #tpu.memory_space<vmem>>
    %dma_wait3A_1164 = arith.constant 0 : i32
    %dma_wait3A_1165 = tpu.memref_slice %arg18[%dma_wait3A_1159, %dma_wait3A_1164] : memref<32x16xi32, #tpu.memory_space<vmem>> -> memref<1x16xi32, #tpu.memory_space<vmem>>
    %dma_wait3A_1166 = tpu.memref_squeeze %dma_wait3A_1165 : memref<1x16xi32, #tpu.memory_space<vmem>> -> memref<16xi32, #tpu.memory_space<vmem>>
    %dma_wait3A_1167 = arith.constant 0 : i32
    %dma_wait3A_1168 = arith.constant 0 : i32
    %dma_wait3A_1169 = tpu.memref_slice %arg10[%dma_wait3A_1167, %dma_wait3A_1168] : memref<16384x2048xf32, #tpu.memory_space<hbm>> -> memref<16384x2048xf32, #tpu.memory_space<hbm>>
    tpu.wait_indirect_dma semaphore(%arg30 : memref<!tpu.dma_semaphore, #tpu.memory_space<semaphore_mem>>) src(%dma_wait3A_1163 : memref<16x2048xf32, #tpu.memory_space<vmem>>) dst(%dma_wait3A_1169 : memref<16384x2048xf32, #tpu.memory_space<hbm>>)
    %add3A_1170 = arith.constant 176 : i32
    %add3A_1171 = arith.addi %mul3A_2, %add3A_1170 : i32
    %dma_start3A_1172 = arith.constant 1 : i32
    %dma_start3A_1173 = arith.constant 0 : i32
    %dma_start3A_1174 = arith.constant 0 : i32
    %dma_start3A_1175 = tpu.memref_slice %arg19[%dma_start3A_1172, %dma_start3A_1173, %dma_start3A_1174] : memref<2x16x2048xf32, #tpu.memory_space<vmem>> -> memref<1x16x2048xf32, #tpu.memory_space<vmem>>
    %dma_start3A_1176 = tpu.memref_squeeze %dma_start3A_1175 : memref<1x16x2048xf32, #tpu.memory_space<vmem>> -> memref<16x2048xf32, #tpu.memory_space<vmem>>
    %dma_start3A_1177 = arith.constant 0 : i32
    %dma_start3A_1178 = tpu.memref_slice %arg2[%add3A_1171, %dma_start3A_1177] : memref<8192x2048xf32, #tpu.memory_space<hbm>> -> memref<16x2048xf32, #tpu.memory_space<hbm>>
    %dma_start3A_1179 = arith.constant 0 : i32
    %dma_start3A_1180 = arith.constant 0 : i32
    %dma_start3A_1181 = tpu.memref_slice %arg19[%dma_start3A_1172, %dma_start3A_1179, %dma_start3A_1180] : memref<2x16x2048xf32, #tpu.memory_space<vmem>> -> memref<1x16x2048xf32, #tpu.memory_space<vmem>>
    %dma_start3A_1182 = tpu.memref_squeeze %dma_start3A_1181 : memref<1x16x2048xf32, #tpu.memory_space<vmem>> -> memref<16x2048xf32, #tpu.memory_space<vmem>>
    %dma_start3A_1183 = arith.constant 0 : i32
    %dma_start3A_1184 = tpu.memref_slice %arg2[%add3A_1171, %dma_start3A_1183] : memref<8192x2048xf32, #tpu.memory_space<hbm>> -> memref<16x2048xf32, #tpu.memory_space<hbm>>
    tpu.enqueue_dma source(%dma_start3A_1184 : memref<16x2048xf32, #tpu.memory_space<hbm>>) target(%dma_start3A_1182 : memref<16x2048xf32, #tpu.memory_space<vmem>>) target_semaphore(%arg26 : memref<!tpu.dma_semaphore, #tpu.memory_space<semaphore_mem>>)
    %dma_wait3A_1185 = arith.constant 0 : i32
    %dma_wait3A_1186 = arith.constant 0 : i32
    %dma_wait3A_1187 = arith.constant 0 : i32
    %dma_wait3A_1188 = tpu.memref_slice %arg19[%dma_wait3A_1185, %dma_wait3A_1186, %dma_wait3A_1187] : memref<2x16x2048xf32, #tpu.memory_space<vmem>> -> memref<1x16x2048xf32, #tpu.memory_space<vmem>>
    %dma_wait3A_1189 = tpu.memref_squeeze %dma_wait3A_1188 : memref<1x16x2048xf32, #tpu.memory_space<vmem>> -> memref<16x2048xf32, #tpu.memory_space<vmem>>
    %dma_wait3A_1190 = arith.constant 0 : i32
    %dma_wait3A_1191 = tpu.memref_slice %arg2[%add3A_1085, %dma_wait3A_1190] : memref<8192x2048xf32, #tpu.memory_space<hbm>> -> memref<16x2048xf32, #tpu.memory_space<hbm>>
    %dma_wait3A_1192 = arith.constant 0 : i32
    %dma_wait3A_1193 = arith.constant 0 : i32
    %dma_wait3A_1194 = tpu.memref_slice %arg19[%dma_wait3A_1185, %dma_wait3A_1192, %dma_wait3A_1193] : memref<2x16x2048xf32, #tpu.memory_space<vmem>> -> memref<1x16x2048xf32, #tpu.memory_space<vmem>>
    %dma_wait3A_1195 = tpu.memref_squeeze %dma_wait3A_1194 : memref<1x16x2048xf32, #tpu.memory_space<vmem>> -> memref<16x2048xf32, #tpu.memory_space<vmem>>
    %dma_wait3A_1196 = arith.constant 0 : i32
    %dma_wait3A_1197 = tpu.memref_slice %arg2[%add3A_1085, %dma_wait3A_1196] : memref<8192x2048xf32, #tpu.memory_space<hbm>> -> memref<16x2048xf32, #tpu.memory_space<hbm>>
    tpu.wait_dma2 semaphore(%arg25 : memref<!tpu.dma_semaphore, #tpu.memory_space<semaphore_mem>>) src(%dma_wait3A_1197 : memref<16x2048xf32, #tpu.memory_space<hbm>>) dst(%dma_wait3A_1195 : memref<16x2048xf32, #tpu.memory_space<vmem>>)
    %dma_start3A_1198 = arith.constant 0 : i32
    %dma_start3A_1199 = arith.constant 20 : i32
    %dma_start3A_1200 = arith.constant 0 : i32
    %dma_start3A_1201 = arith.constant 0 : i32
    %dma_start3A_1202 = tpu.memref_slice %arg19[%dma_start3A_1198, %dma_start3A_1200, %dma_start3A_1201] : memref<2x16x2048xf32, #tpu.memory_space<vmem>> -> memref<1x16x2048xf32, #tpu.memory_space<vmem>>
    %dma_start3A_1203 = tpu.memref_squeeze %dma_start3A_1202 : memref<1x16x2048xf32, #tpu.memory_space<vmem>> -> memref<16x2048xf32, #tpu.memory_space<vmem>>
    %dma_start3A_1204 = arith.constant 0 : i32
    %dma_start3A_1205 = tpu.memref_slice %arg18[%dma_start3A_1199, %dma_start3A_1204] : memref<32x16xi32, #tpu.memory_space<vmem>> -> memref<1x16xi32, #tpu.memory_space<vmem>>
    %dma_start3A_1206 = tpu.memref_squeeze %dma_start3A_1205 : memref<1x16xi32, #tpu.memory_space<vmem>> -> memref<16xi32, #tpu.memory_space<vmem>>
    %dma_start3A_1207 = arith.constant 0 : i32
    %dma_start3A_1208 = arith.constant 0 : i32
    %dma_start3A_1209 = tpu.memref_slice %arg10[%dma_start3A_1207, %dma_start3A_1208] : memref<16384x2048xf32, #tpu.memory_space<hbm>> -> memref<16384x2048xf32, #tpu.memory_space<hbm>>
    tpu.enqueue_indirect_dma source(%dma_start3A_1203 : memref<16x2048xf32, #tpu.memory_space<vmem>>) target(%dma_start3A_1209 : memref<16384x2048xf32, #tpu.memory_space<hbm>>) offsets(%dma_start3A_1206 : memref<16xi32, #tpu.memory_space<vmem>>) semaphore(%arg27 : memref<!tpu.dma_semaphore, #tpu.memory_space<semaphore_mem>>)
    %dma_start3A_1210 = arith.constant 0 : i32
    %dma_start3A_1211 = arith.constant 21 : i32
    %dma_start3A_1212 = arith.constant 0 : i32
    %dma_start3A_1213 = arith.constant 0 : i32
    %dma_start3A_1214 = tpu.memref_slice %arg19[%dma_start3A_1210, %dma_start3A_1212, %dma_start3A_1213] : memref<2x16x2048xf32, #tpu.memory_space<vmem>> -> memref<1x16x2048xf32, #tpu.memory_space<vmem>>
    %dma_start3A_1215 = tpu.memref_squeeze %dma_start3A_1214 : memref<1x16x2048xf32, #tpu.memory_space<vmem>> -> memref<16x2048xf32, #tpu.memory_space<vmem>>
    %dma_start3A_1216 = arith.constant 0 : i32
    %dma_start3A_1217 = tpu.memref_slice %arg18[%dma_start3A_1211, %dma_start3A_1216] : memref<32x16xi32, #tpu.memory_space<vmem>> -> memref<1x16xi32, #tpu.memory_space<vmem>>
    %dma_start3A_1218 = tpu.memref_squeeze %dma_start3A_1217 : memref<1x16xi32, #tpu.memory_space<vmem>> -> memref<16xi32, #tpu.memory_space<vmem>>
    %dma_start3A_1219 = arith.constant 0 : i32
    %dma_start3A_1220 = arith.constant 0 : i32
    %dma_start3A_1221 = tpu.memref_slice %arg10[%dma_start3A_1219, %dma_start3A_1220] : memref<16384x2048xf32, #tpu.memory_space<hbm>> -> memref<16384x2048xf32, #tpu.memory_space<hbm>>
    tpu.enqueue_indirect_dma source(%dma_start3A_1215 : memref<16x2048xf32, #tpu.memory_space<vmem>>) target(%dma_start3A_1221 : memref<16384x2048xf32, #tpu.memory_space<hbm>>) offsets(%dma_start3A_1218 : memref<16xi32, #tpu.memory_space<vmem>>) semaphore(%arg29 : memref<!tpu.dma_semaphore, #tpu.memory_space<semaphore_mem>>)
    %dma_wait3A_1222 = arith.constant 0 : i32
    %dma_wait3A_1223 = arith.constant 20 : i32
    %dma_wait3A_1224 = arith.constant 0 : i32
    %dma_wait3A_1225 = arith.constant 0 : i32
    %dma_wait3A_1226 = tpu.memref_slice %arg19[%dma_wait3A_1222, %dma_wait3A_1224, %dma_wait3A_1225] : memref<2x16x2048xf32, #tpu.memory_space<vmem>> -> memref<1x16x2048xf32, #tpu.memory_space<vmem>>
    %dma_wait3A_1227 = tpu.memref_squeeze %dma_wait3A_1226 : memref<1x16x2048xf32, #tpu.memory_space<vmem>> -> memref<16x2048xf32, #tpu.memory_space<vmem>>
    %dma_wait3A_1228 = arith.constant 0 : i32
    %dma_wait3A_1229 = tpu.memref_slice %arg18[%dma_wait3A_1223, %dma_wait3A_1228] : memref<32x16xi32, #tpu.memory_space<vmem>> -> memref<1x16xi32, #tpu.memory_space<vmem>>
    %dma_wait3A_1230 = tpu.memref_squeeze %dma_wait3A_1229 : memref<1x16xi32, #tpu.memory_space<vmem>> -> memref<16xi32, #tpu.memory_space<vmem>>
    %dma_wait3A_1231 = arith.constant 0 : i32
    %dma_wait3A_1232 = arith.constant 0 : i32
    %dma_wait3A_1233 = tpu.memref_slice %arg10[%dma_wait3A_1231, %dma_wait3A_1232] : memref<16384x2048xf32, #tpu.memory_space<hbm>> -> memref<16384x2048xf32, #tpu.memory_space<hbm>>
    tpu.wait_indirect_dma semaphore(%arg27 : memref<!tpu.dma_semaphore, #tpu.memory_space<semaphore_mem>>) src(%dma_wait3A_1227 : memref<16x2048xf32, #tpu.memory_space<vmem>>) dst(%dma_wait3A_1233 : memref<16384x2048xf32, #tpu.memory_space<hbm>>)
    %dma_wait3A_1234 = arith.constant 0 : i32
    %dma_wait3A_1235 = arith.constant 21 : i32
    %dma_wait3A_1236 = arith.constant 0 : i32
    %dma_wait3A_1237 = arith.constant 0 : i32
    %dma_wait3A_1238 = tpu.memref_slice %arg19[%dma_wait3A_1234, %dma_wait3A_1236, %dma_wait3A_1237] : memref<2x16x2048xf32, #tpu.memory_space<vmem>> -> memref<1x16x2048xf32, #tpu.memory_space<vmem>>
    %dma_wait3A_1239 = tpu.memref_squeeze %dma_wait3A_1238 : memref<1x16x2048xf32, #tpu.memory_space<vmem>> -> memref<16x2048xf32, #tpu.memory_space<vmem>>
    %dma_wait3A_1240 = arith.constant 0 : i32
    %dma_wait3A_1241 = tpu.memref_slice %arg18[%dma_wait3A_1235, %dma_wait3A_1240] : memref<32x16xi32, #tpu.memory_space<vmem>> -> memref<1x16xi32, #tpu.memory_space<vmem>>
    %dma_wait3A_1242 = tpu.memref_squeeze %dma_wait3A_1241 : memref<1x16xi32, #tpu.memory_space<vmem>> -> memref<16xi32, #tpu.memory_space<vmem>>
    %dma_wait3A_1243 = arith.constant 0 : i32
    %dma_wait3A_1244 = arith.constant 0 : i32
    %dma_wait3A_1245 = tpu.memref_slice %arg10[%dma_wait3A_1243, %dma_wait3A_1244] : memref<16384x2048xf32, #tpu.memory_space<hbm>> -> memref<16384x2048xf32, #tpu.memory_space<hbm>>
    tpu.wait_indirect_dma semaphore(%arg29 : memref<!tpu.dma_semaphore, #tpu.memory_space<semaphore_mem>>) src(%dma_wait3A_1239 : memref<16x2048xf32, #tpu.memory_space<vmem>>) dst(%dma_wait3A_1245 : memref<16384x2048xf32, #tpu.memory_space<hbm>>)
    %add3A_1246 = arith.constant 192 : i32
    %add3A_1247 = arith.addi %mul3A_2, %add3A_1246 : i32
    %dma_start3A_1248 = arith.constant 0 : i32
    %dma_start3A_1249 = arith.constant 0 : i32
    %dma_start3A_1250 = arith.constant 0 : i32
    %dma_start3A_1251 = tpu.memref_slice %arg19[%dma_start3A_1248, %dma_start3A_1249, %dma_start3A_1250] : memref<2x16x2048xf32, #tpu.memory_space<vmem>> -> memref<1x16x2048xf32, #tpu.memory_space<vmem>>
    %dma_start3A_1252 = tpu.memref_squeeze %dma_start3A_1251 : memref<1x16x2048xf32, #tpu.memory_space<vmem>> -> memref<16x2048xf32, #tpu.memory_space<vmem>>
    %dma_start3A_1253 = arith.constant 0 : i32
    %dma_start3A_1254 = tpu.memref_slice %arg2[%add3A_1247, %dma_start3A_1253] : memref<8192x2048xf32, #tpu.memory_space<hbm>> -> memref<16x2048xf32, #tpu.memory_space<hbm>>
    %dma_start3A_1255 = arith.constant 0 : i32
    %dma_start3A_1256 = arith.constant 0 : i32
    %dma_start3A_1257 = tpu.memref_slice %arg19[%dma_start3A_1248, %dma_start3A_1255, %dma_start3A_1256] : memref<2x16x2048xf32, #tpu.memory_space<vmem>> -> memref<1x16x2048xf32, #tpu.memory_space<vmem>>
    %dma_start3A_1258 = tpu.memref_squeeze %dma_start3A_1257 : memref<1x16x2048xf32, #tpu.memory_space<vmem>> -> memref<16x2048xf32, #tpu.memory_space<vmem>>
    %dma_start3A_1259 = arith.constant 0 : i32
    %dma_start3A_1260 = tpu.memref_slice %arg2[%add3A_1247, %dma_start3A_1259] : memref<8192x2048xf32, #tpu.memory_space<hbm>> -> memref<16x2048xf32, #tpu.memory_space<hbm>>
    tpu.enqueue_dma source(%dma_start3A_1260 : memref<16x2048xf32, #tpu.memory_space<hbm>>) target(%dma_start3A_1258 : memref<16x2048xf32, #tpu.memory_space<vmem>>) target_semaphore(%arg25 : memref<!tpu.dma_semaphore, #tpu.memory_space<semaphore_mem>>)
    %dma_wait3A_1261 = arith.constant 1 : i32
    %dma_wait3A_1262 = arith.constant 0 : i32
    %dma_wait3A_1263 = arith.constant 0 : i32
    %dma_wait3A_1264 = tpu.memref_slice %arg19[%dma_wait3A_1261, %dma_wait3A_1262, %dma_wait3A_1263] : memref<2x16x2048xf32, #tpu.memory_space<vmem>> -> memref<1x16x2048xf32, #tpu.memory_space<vmem>>
    %dma_wait3A_1265 = tpu.memref_squeeze %dma_wait3A_1264 : memref<1x16x2048xf32, #tpu.memory_space<vmem>> -> memref<16x2048xf32, #tpu.memory_space<vmem>>
    %dma_wait3A_1266 = arith.constant 0 : i32
    %dma_wait3A_1267 = tpu.memref_slice %arg2[%add3A_1171, %dma_wait3A_1266] : memref<8192x2048xf32, #tpu.memory_space<hbm>> -> memref<16x2048xf32, #tpu.memory_space<hbm>>
    %dma_wait3A_1268 = arith.constant 0 : i32
    %dma_wait3A_1269 = arith.constant 0 : i32
    %dma_wait3A_1270 = tpu.memref_slice %arg19[%dma_wait3A_1261, %dma_wait3A_1268, %dma_wait3A_1269] : memref<2x16x2048xf32, #tpu.memory_space<vmem>> -> memref<1x16x2048xf32, #tpu.memory_space<vmem>>
    %dma_wait3A_1271 = tpu.memref_squeeze %dma_wait3A_1270 : memref<1x16x2048xf32, #tpu.memory_space<vmem>> -> memref<16x2048xf32, #tpu.memory_space<vmem>>
    %dma_wait3A_1272 = arith.constant 0 : i32
    %dma_wait3A_1273 = tpu.memref_slice %arg2[%add3A_1171, %dma_wait3A_1272] : memref<8192x2048xf32, #tpu.memory_space<hbm>> -> memref<16x2048xf32, #tpu.memory_space<hbm>>
    tpu.wait_dma2 semaphore(%arg26 : memref<!tpu.dma_semaphore, #tpu.memory_space<semaphore_mem>>) src(%dma_wait3A_1273 : memref<16x2048xf32, #tpu.memory_space<hbm>>) dst(%dma_wait3A_1271 : memref<16x2048xf32, #tpu.memory_space<vmem>>)
    %dma_start3A_1274 = arith.constant 1 : i32
    %dma_start3A_1275 = arith.constant 22 : i32
    %dma_start3A_1276 = arith.constant 0 : i32
    %dma_start3A_1277 = arith.constant 0 : i32
    %dma_start3A_1278 = tpu.memref_slice %arg19[%dma_start3A_1274, %dma_start3A_1276, %dma_start3A_1277] : memref<2x16x2048xf32, #tpu.memory_space<vmem>> -> memref<1x16x2048xf32, #tpu.memory_space<vmem>>
    %dma_start3A_1279 = tpu.memref_squeeze %dma_start3A_1278 : memref<1x16x2048xf32, #tpu.memory_space<vmem>> -> memref<16x2048xf32, #tpu.memory_space<vmem>>
    %dma_start3A_1280 = arith.constant 0 : i32
    %dma_start3A_1281 = tpu.memref_slice %arg18[%dma_start3A_1275, %dma_start3A_1280] : memref<32x16xi32, #tpu.memory_space<vmem>> -> memref<1x16xi32, #tpu.memory_space<vmem>>
    %dma_start3A_1282 = tpu.memref_squeeze %dma_start3A_1281 : memref<1x16xi32, #tpu.memory_space<vmem>> -> memref<16xi32, #tpu.memory_space<vmem>>
    %dma_start3A_1283 = arith.constant 0 : i32
    %dma_start3A_1284 = arith.constant 0 : i32
    %dma_start3A_1285 = tpu.memref_slice %arg10[%dma_start3A_1283, %dma_start3A_1284] : memref<16384x2048xf32, #tpu.memory_space<hbm>> -> memref<16384x2048xf32, #tpu.memory_space<hbm>>
    tpu.enqueue_indirect_dma source(%dma_start3A_1279 : memref<16x2048xf32, #tpu.memory_space<vmem>>) target(%dma_start3A_1285 : memref<16384x2048xf32, #tpu.memory_space<hbm>>) offsets(%dma_start3A_1282 : memref<16xi32, #tpu.memory_space<vmem>>) semaphore(%arg28 : memref<!tpu.dma_semaphore, #tpu.memory_space<semaphore_mem>>)
    %dma_start3A_1286 = arith.constant 1 : i32
    %dma_start3A_1287 = arith.constant 23 : i32
    %dma_start3A_1288 = arith.constant 0 : i32
    %dma_start3A_1289 = arith.constant 0 : i32
    %dma_start3A_1290 = tpu.memref_slice %arg19[%dma_start3A_1286, %dma_start3A_1288, %dma_start3A_1289] : memref<2x16x2048xf32, #tpu.memory_space<vmem>> -> memref<1x16x2048xf32, #tpu.memory_space<vmem>>
    %dma_start3A_1291 = tpu.memref_squeeze %dma_start3A_1290 : memref<1x16x2048xf32, #tpu.memory_space<vmem>> -> memref<16x2048xf32, #tpu.memory_space<vmem>>
    %dma_start3A_1292 = arith.constant 0 : i32
    %dma_start3A_1293 = tpu.memref_slice %arg18[%dma_start3A_1287, %dma_start3A_1292] : memref<32x16xi32, #tpu.memory_space<vmem>> -> memref<1x16xi32, #tpu.memory_space<vmem>>
    %dma_start3A_1294 = tpu.memref_squeeze %dma_start3A_1293 : memref<1x16xi32, #tpu.memory_space<vmem>> -> memref<16xi32, #tpu.memory_space<vmem>>
    %dma_start3A_1295 = arith.constant 0 : i32
    %dma_start3A_1296 = arith.constant 0 : i32
    %dma_start3A_1297 = tpu.memref_slice %arg10[%dma_start3A_1295, %dma_start3A_1296] : memref<16384x2048xf32, #tpu.memory_space<hbm>> -> memref<16384x2048xf32, #tpu.memory_space<hbm>>
    tpu.enqueue_indirect_dma source(%dma_start3A_1291 : memref<16x2048xf32, #tpu.memory_space<vmem>>) target(%dma_start3A_1297 : memref<16384x2048xf32, #tpu.memory_space<hbm>>) offsets(%dma_start3A_1294 : memref<16xi32, #tpu.memory_space<vmem>>) semaphore(%arg30 : memref<!tpu.dma_semaphore, #tpu.memory_space<semaphore_mem>>)
    %dma_wait3A_1298 = arith.constant 1 : i32
    %dma_wait3A_1299 = arith.constant 22 : i32
    %dma_wait3A_1300 = arith.constant 0 : i32
    %dma_wait3A_1301 = arith.constant 0 : i32
    %dma_wait3A_1302 = tpu.memref_slice %arg19[%dma_wait3A_1298, %dma_wait3A_1300, %dma_wait3A_1301] : memref<2x16x2048xf32, #tpu.memory_space<vmem>> -> memref<1x16x2048xf32, #tpu.memory_space<vmem>>
    %dma_wait3A_1303 = tpu.memref_squeeze %dma_wait3A_1302 : memref<1x16x2048xf32, #tpu.memory_space<vmem>> -> memref<16x2048xf32, #tpu.memory_space<vmem>>
    %dma_wait3A_1304 = arith.constant 0 : i32
    %dma_wait3A_1305 = tpu.memref_slice %arg18[%dma_wait3A_1299, %dma_wait3A_1304] : memref<32x16xi32, #tpu.memory_space<vmem>> -> memref<1x16xi32, #tpu.memory_space<vmem>>
    %dma_wait3A_1306 = tpu.memref_squeeze %dma_wait3A_1305 : memref<1x16xi32, #tpu.memory_space<vmem>> -> memref<16xi32, #tpu.memory_space<vmem>>
    %dma_wait3A_1307 = arith.constant 0 : i32
    %dma_wait3A_1308 = arith.constant 0 : i32
    %dma_wait3A_1309 = tpu.memref_slice %arg10[%dma_wait3A_1307, %dma_wait3A_1308] : memref<16384x2048xf32, #tpu.memory_space<hbm>> -> memref<16384x2048xf32, #tpu.memory_space<hbm>>
    tpu.wait_indirect_dma semaphore(%arg28 : memref<!tpu.dma_semaphore, #tpu.memory_space<semaphore_mem>>) src(%dma_wait3A_1303 : memref<16x2048xf32, #tpu.memory_space<vmem>>) dst(%dma_wait3A_1309 : memref<16384x2048xf32, #tpu.memory_space<hbm>>)
    %dma_wait3A_1310 = arith.constant 1 : i32
    %dma_wait3A_1311 = arith.constant 23 : i32
    %dma_wait3A_1312 = arith.constant 0 : i32
    %dma_wait3A_1313 = arith.constant 0 : i32
    %dma_wait3A_1314 = tpu.memref_slice %arg19[%dma_wait3A_1310, %dma_wait3A_1312, %dma_wait3A_1313] : memref<2x16x2048xf32, #tpu.memory_space<vmem>> -> memref<1x16x2048xf32, #tpu.memory_space<vmem>>
    %dma_wait3A_1315 = tpu.memref_squeeze %dma_wait3A_1314 : memref<1x16x2048xf32, #tpu.memory_space<vmem>> -> memref<16x2048xf32, #tpu.memory_space<vmem>>
    %dma_wait3A_1316 = arith.constant 0 : i32
    %dma_wait3A_1317 = tpu.memref_slice %arg18[%dma_wait3A_1311, %dma_wait3A_1316] : memref<32x16xi32, #tpu.memory_space<vmem>> -> memref<1x16xi32, #tpu.memory_space<vmem>>
    %dma_wait3A_1318 = tpu.memref_squeeze %dma_wait3A_1317 : memref<1x16xi32, #tpu.memory_space<vmem>> -> memref<16xi32, #tpu.memory_space<vmem>>
    %dma_wait3A_1319 = arith.constant 0 : i32
    %dma_wait3A_1320 = arith.constant 0 : i32
    %dma_wait3A_1321 = tpu.memref_slice %arg10[%dma_wait3A_1319, %dma_wait3A_1320] : memref<16384x2048xf32, #tpu.memory_space<hbm>> -> memref<16384x2048xf32, #tpu.memory_space<hbm>>
    tpu.wait_indirect_dma semaphore(%arg30 : memref<!tpu.dma_semaphore, #tpu.memory_space<semaphore_mem>>) src(%dma_wait3A_1315 : memref<16x2048xf32, #tpu.memory_space<vmem>>) dst(%dma_wait3A_1321 : memref<16384x2048xf32, #tpu.memory_space<hbm>>)
    %add3A_1322 = arith.constant 208 : i32
    %add3A_1323 = arith.addi %mul3A_2, %add3A_1322 : i32
    %dma_start3A_1324 = arith.constant 1 : i32
    %dma_start3A_1325 = arith.constant 0 : i32
    %dma_start3A_1326 = arith.constant 0 : i32
    %dma_start3A_1327 = tpu.memref_slice %arg19[%dma_start3A_1324, %dma_start3A_1325, %dma_start3A_1326] : memref<2x16x2048xf32, #tpu.memory_space<vmem>> -> memref<1x16x2048xf32, #tpu.memory_space<vmem>>
    %dma_start3A_1328 = tpu.memref_squeeze %dma_start3A_1327 : memref<1x16x2048xf32, #tpu.memory_space<vmem>> -> memref<16x2048xf32, #tpu.memory_space<vmem>>
    %dma_start3A_1329 = arith.constant 0 : i32
    %dma_start3A_1330 = tpu.memref_slice %arg2[%add3A_1323, %dma_start3A_1329] : memref<8192x2048xf32, #tpu.memory_space<hbm>> -> memref<16x2048xf32, #tpu.memory_space<hbm>>
    %dma_start3A_1331 = arith.constant 0 : i32
    %dma_start3A_1332 = arith.constant 0 : i32
    %dma_start3A_1333 = tpu.memref_slice %arg19[%dma_start3A_1324, %dma_start3A_1331, %dma_start3A_1332] : memref<2x16x2048xf32, #tpu.memory_space<vmem>> -> memref<1x16x2048xf32, #tpu.memory_space<vmem>>
    %dma_start3A_1334 = tpu.memref_squeeze %dma_start3A_1333 : memref<1x16x2048xf32, #tpu.memory_space<vmem>> -> memref<16x2048xf32, #tpu.memory_space<vmem>>
    %dma_start3A_1335 = arith.constant 0 : i32
    %dma_start3A_1336 = tpu.memref_slice %arg2[%add3A_1323, %dma_start3A_1335] : memref<8192x2048xf32, #tpu.memory_space<hbm>> -> memref<16x2048xf32, #tpu.memory_space<hbm>>
    tpu.enqueue_dma source(%dma_start3A_1336 : memref<16x2048xf32, #tpu.memory_space<hbm>>) target(%dma_start3A_1334 : memref<16x2048xf32, #tpu.memory_space<vmem>>) target_semaphore(%arg26 : memref<!tpu.dma_semaphore, #tpu.memory_space<semaphore_mem>>)
    %dma_wait3A_1337 = arith.constant 0 : i32
    %dma_wait3A_1338 = arith.constant 0 : i32
    %dma_wait3A_1339 = arith.constant 0 : i32
    %dma_wait3A_1340 = tpu.memref_slice %arg19[%dma_wait3A_1337, %dma_wait3A_1338, %dma_wait3A_1339] : memref<2x16x2048xf32, #tpu.memory_space<vmem>> -> memref<1x16x2048xf32, #tpu.memory_space<vmem>>
    %dma_wait3A_1341 = tpu.memref_squeeze %dma_wait3A_1340 : memref<1x16x2048xf32, #tpu.memory_space<vmem>> -> memref<16x2048xf32, #tpu.memory_space<vmem>>
    %dma_wait3A_1342 = arith.constant 0 : i32
    %dma_wait3A_1343 = tpu.memref_slice %arg2[%add3A_1247, %dma_wait3A_1342] : memref<8192x2048xf32, #tpu.memory_space<hbm>> -> memref<16x2048xf32, #tpu.memory_space<hbm>>
    %dma_wait3A_1344 = arith.constant 0 : i32
    %dma_wait3A_1345 = arith.constant 0 : i32
    %dma_wait3A_1346 = tpu.memref_slice %arg19[%dma_wait3A_1337, %dma_wait3A_1344, %dma_wait3A_1345] : memref<2x16x2048xf32, #tpu.memory_space<vmem>> -> memref<1x16x2048xf32, #tpu.memory_space<vmem>>
    %dma_wait3A_1347 = tpu.memref_squeeze %dma_wait3A_1346 : memref<1x16x2048xf32, #tpu.memory_space<vmem>> -> memref<16x2048xf32, #tpu.memory_space<vmem>>
    %dma_wait3A_1348 = arith.constant 0 : i32
    %dma_wait3A_1349 = tpu.memref_slice %arg2[%add3A_1247, %dma_wait3A_1348] : memref<8192x2048xf32, #tpu.memory_space<hbm>> -> memref<16x2048xf32, #tpu.memory_space<hbm>>
    tpu.wait_dma2 semaphore(%arg25 : memref<!tpu.dma_semaphore, #tpu.memory_space<semaphore_mem>>) src(%dma_wait3A_1349 : memref<16x2048xf32, #tpu.memory_space<hbm>>) dst(%dma_wait3A_1347 : memref<16x2048xf32, #tpu.memory_space<vmem>>)
    %dma_start3A_1350 = arith.constant 0 : i32
    %dma_start3A_1351 = arith.constant 24 : i32
    %dma_start3A_1352 = arith.constant 0 : i32
    %dma_start3A_1353 = arith.constant 0 : i32
    %dma_start3A_1354 = tpu.memref_slice %arg19[%dma_start3A_1350, %dma_start3A_1352, %dma_start3A_1353] : memref<2x16x2048xf32, #tpu.memory_space<vmem>> -> memref<1x16x2048xf32, #tpu.memory_space<vmem>>
    %dma_start3A_1355 = tpu.memref_squeeze %dma_start3A_1354 : memref<1x16x2048xf32, #tpu.memory_space<vmem>> -> memref<16x2048xf32, #tpu.memory_space<vmem>>
    %dma_start3A_1356 = arith.constant 0 : i32
    %dma_start3A_1357 = tpu.memref_slice %arg18[%dma_start3A_1351, %dma_start3A_1356] : memref<32x16xi32, #tpu.memory_space<vmem>> -> memref<1x16xi32, #tpu.memory_space<vmem>>
    %dma_start3A_1358 = tpu.memref_squeeze %dma_start3A_1357 : memref<1x16xi32, #tpu.memory_space<vmem>> -> memref<16xi32, #tpu.memory_space<vmem>>
    %dma_start3A_1359 = arith.constant 0 : i32
    %dma_start3A_1360 = arith.constant 0 : i32
    %dma_start3A_1361 = tpu.memref_slice %arg10[%dma_start3A_1359, %dma_start3A_1360] : memref<16384x2048xf32, #tpu.memory_space<hbm>> -> memref<16384x2048xf32, #tpu.memory_space<hbm>>
    tpu.enqueue_indirect_dma source(%dma_start3A_1355 : memref<16x2048xf32, #tpu.memory_space<vmem>>) target(%dma_start3A_1361 : memref<16384x2048xf32, #tpu.memory_space<hbm>>) offsets(%dma_start3A_1358 : memref<16xi32, #tpu.memory_space<vmem>>) semaphore(%arg27 : memref<!tpu.dma_semaphore, #tpu.memory_space<semaphore_mem>>)
    %dma_start3A_1362 = arith.constant 0 : i32
    %dma_start3A_1363 = arith.constant 25 : i32
    %dma_start3A_1364 = arith.constant 0 : i32
    %dma_start3A_1365 = arith.constant 0 : i32
    %dma_start3A_1366 = tpu.memref_slice %arg19[%dma_start3A_1362, %dma_start3A_1364, %dma_start3A_1365] : memref<2x16x2048xf32, #tpu.memory_space<vmem>> -> memref<1x16x2048xf32, #tpu.memory_space<vmem>>
    %dma_start3A_1367 = tpu.memref_squeeze %dma_start3A_1366 : memref<1x16x2048xf32, #tpu.memory_space<vmem>> -> memref<16x2048xf32, #tpu.memory_space<vmem>>
    %dma_start3A_1368 = arith.constant 0 : i32
    %dma_start3A_1369 = tpu.memref_slice %arg18[%dma_start3A_1363, %dma_start3A_1368] : memref<32x16xi32, #tpu.memory_space<vmem>> -> memref<1x16xi32, #tpu.memory_space<vmem>>
    %dma_start3A_1370 = tpu.memref_squeeze %dma_start3A_1369 : memref<1x16xi32, #tpu.memory_space<vmem>> -> memref<16xi32, #tpu.memory_space<vmem>>
    %dma_start3A_1371 = arith.constant 0 : i32
    %dma_start3A_1372 = arith.constant 0 : i32
    %dma_start3A_1373 = tpu.memref_slice %arg10[%dma_start3A_1371, %dma_start3A_1372] : memref<16384x2048xf32, #tpu.memory_space<hbm>> -> memref<16384x2048xf32, #tpu.memory_space<hbm>>
    tpu.enqueue_indirect_dma source(%dma_start3A_1367 : memref<16x2048xf32, #tpu.memory_space<vmem>>) target(%dma_start3A_1373 : memref<16384x2048xf32, #tpu.memory_space<hbm>>) offsets(%dma_start3A_1370 : memref<16xi32, #tpu.memory_space<vmem>>) semaphore(%arg29 : memref<!tpu.dma_semaphore, #tpu.memory_space<semaphore_mem>>)
    %dma_wait3A_1374 = arith.constant 0 : i32
    %dma_wait3A_1375 = arith.constant 24 : i32
    %dma_wait3A_1376 = arith.constant 0 : i32
    %dma_wait3A_1377 = arith.constant 0 : i32
    %dma_wait3A_1378 = tpu.memref_slice %arg19[%dma_wait3A_1374, %dma_wait3A_1376, %dma_wait3A_1377] : memref<2x16x2048xf32, #tpu.memory_space<vmem>> -> memref<1x16x2048xf32, #tpu.memory_space<vmem>>
    %dma_wait3A_1379 = tpu.memref_squeeze %dma_wait3A_1378 : memref<1x16x2048xf32, #tpu.memory_space<vmem>> -> memref<16x2048xf32, #tpu.memory_space<vmem>>
    %dma_wait3A_1380 = arith.constant 0 : i32
    %dma_wait3A_1381 = tpu.memref_slice %arg18[%dma_wait3A_1375, %dma_wait3A_1380] : memref<32x16xi32, #tpu.memory_space<vmem>> -> memref<1x16xi32, #tpu.memory_space<vmem>>
    %dma_wait3A_1382 = tpu.memref_squeeze %dma_wait3A_1381 : memref<1x16xi32, #tpu.memory_space<vmem>> -> memref<16xi32, #tpu.memory_space<vmem>>
    %dma_wait3A_1383 = arith.constant 0 : i32
    %dma_wait3A_1384 = arith.constant 0 : i32
    %dma_wait3A_1385 = tpu.memref_slice %arg10[%dma_wait3A_1383, %dma_wait3A_1384] : memref<16384x2048xf32, #tpu.memory_space<hbm>> -> memref<16384x2048xf32, #tpu.memory_space<hbm>>
    tpu.wait_indirect_dma semaphore(%arg27 : memref<!tpu.dma_semaphore, #tpu.memory_space<semaphore_mem>>) src(%dma_wait3A_1379 : memref<16x2048xf32, #tpu.memory_space<vmem>>) dst(%dma_wait3A_1385 : memref<16384x2048xf32, #tpu.memory_space<hbm>>)
    %dma_wait3A_1386 = arith.constant 0 : i32
    %dma_wait3A_1387 = arith.constant 25 : i32
    %dma_wait3A_1388 = arith.constant 0 : i32
    %dma_wait3A_1389 = arith.constant 0 : i32
    %dma_wait3A_1390 = tpu.memref_slice %arg19[%dma_wait3A_1386, %dma_wait3A_1388, %dma_wait3A_1389] : memref<2x16x2048xf32, #tpu.memory_space<vmem>> -> memref<1x16x2048xf32, #tpu.memory_space<vmem>>
    %dma_wait3A_1391 = tpu.memref_squeeze %dma_wait3A_1390 : memref<1x16x2048xf32, #tpu.memory_space<vmem>> -> memref<16x2048xf32, #tpu.memory_space<vmem>>
    %dma_wait3A_1392 = arith.constant 0 : i32
    %dma_wait3A_1393 = tpu.memref_slice %arg18[%dma_wait3A_1387, %dma_wait3A_1392] : memref<32x16xi32, #tpu.memory_space<vmem>> -> memref<1x16xi32, #tpu.memory_space<vmem>>
    %dma_wait3A_1394 = tpu.memref_squeeze %dma_wait3A_1393 : memref<1x16xi32, #tpu.memory_space<vmem>> -> memref<16xi32, #tpu.memory_space<vmem>>
    %dma_wait3A_1395 = arith.constant 0 : i32
    %dma_wait3A_1396 = arith.constant 0 : i32
    %dma_wait3A_1397 = tpu.memref_slice %arg10[%dma_wait3A_1395, %dma_wait3A_1396] : memref<16384x2048xf32, #tpu.memory_space<hbm>> -> memref<16384x2048xf32, #tpu.memory_space<hbm>>
    tpu.wait_indirect_dma semaphore(%arg29 : memref<!tpu.dma_semaphore, #tpu.memory_space<semaphore_mem>>) src(%dma_wait3A_1391 : memref<16x2048xf32, #tpu.memory_space<vmem>>) dst(%dma_wait3A_1397 : memref<16384x2048xf32, #tpu.memory_space<hbm>>)
    %add3A_1398 = arith.constant 224 : i32
    %add3A_1399 = arith.addi %mul3A_2, %add3A_1398 : i32
    %dma_start3A_1400 = arith.constant 0 : i32
    %dma_start3A_1401 = arith.constant 0 : i32
    %dma_start3A_1402 = arith.constant 0 : i32
    %dma_start3A_1403 = tpu.memref_slice %arg19[%dma_start3A_1400, %dma_start3A_1401, %dma_start3A_1402] : memref<2x16x2048xf32, #tpu.memory_space<vmem>> -> memref<1x16x2048xf32, #tpu.memory_space<vmem>>
    %dma_start3A_1404 = tpu.memref_squeeze %dma_start3A_1403 : memref<1x16x2048xf32, #tpu.memory_space<vmem>> -> memref<16x2048xf32, #tpu.memory_space<vmem>>
    %dma_start3A_1405 = arith.constant 0 : i32
    %dma_start3A_1406 = tpu.memref_slice %arg2[%add3A_1399, %dma_start3A_1405] : memref<8192x2048xf32, #tpu.memory_space<hbm>> -> memref<16x2048xf32, #tpu.memory_space<hbm>>
    %dma_start3A_1407 = arith.constant 0 : i32
    %dma_start3A_1408 = arith.constant 0 : i32
    %dma_start3A_1409 = tpu.memref_slice %arg19[%dma_start3A_1400, %dma_start3A_1407, %dma_start3A_1408] : memref<2x16x2048xf32, #tpu.memory_space<vmem>> -> memref<1x16x2048xf32, #tpu.memory_space<vmem>>
    %dma_start3A_1410 = tpu.memref_squeeze %dma_start3A_1409 : memref<1x16x2048xf32, #tpu.memory_space<vmem>> -> memref<16x2048xf32, #tpu.memory_space<vmem>>
    %dma_start3A_1411 = arith.constant 0 : i32
    %dma_start3A_1412 = tpu.memref_slice %arg2[%add3A_1399, %dma_start3A_1411] : memref<8192x2048xf32, #tpu.memory_space<hbm>> -> memref<16x2048xf32, #tpu.memory_space<hbm>>
    tpu.enqueue_dma source(%dma_start3A_1412 : memref<16x2048xf32, #tpu.memory_space<hbm>>) target(%dma_start3A_1410 : memref<16x2048xf32, #tpu.memory_space<vmem>>) target_semaphore(%arg25 : memref<!tpu.dma_semaphore, #tpu.memory_space<semaphore_mem>>)
    %dma_wait3A_1413 = arith.constant 1 : i32
    %dma_wait3A_1414 = arith.constant 0 : i32
    %dma_wait3A_1415 = arith.constant 0 : i32
    %dma_wait3A_1416 = tpu.memref_slice %arg19[%dma_wait3A_1413, %dma_wait3A_1414, %dma_wait3A_1415] : memref<2x16x2048xf32, #tpu.memory_space<vmem>> -> memref<1x16x2048xf32, #tpu.memory_space<vmem>>
    %dma_wait3A_1417 = tpu.memref_squeeze %dma_wait3A_1416 : memref<1x16x2048xf32, #tpu.memory_space<vmem>> -> memref<16x2048xf32, #tpu.memory_space<vmem>>
    %dma_wait3A_1418 = arith.constant 0 : i32
    %dma_wait3A_1419 = tpu.memref_slice %arg2[%add3A_1323, %dma_wait3A_1418] : memref<8192x2048xf32, #tpu.memory_space<hbm>> -> memref<16x2048xf32, #tpu.memory_space<hbm>>
    %dma_wait3A_1420 = arith.constant 0 : i32
    %dma_wait3A_1421 = arith.constant 0 : i32
    %dma_wait3A_1422 = tpu.memref_slice %arg19[%dma_wait3A_1413, %dma_wait3A_1420, %dma_wait3A_1421] : memref<2x16x2048xf32, #tpu.memory_space<vmem>> -> memref<1x16x2048xf32, #tpu.memory_space<vmem>>
    %dma_wait3A_1423 = tpu.memref_squeeze %dma_wait3A_1422 : memref<1x16x2048xf32, #tpu.memory_space<vmem>> -> memref<16x2048xf32, #tpu.memory_space<vmem>>
    %dma_wait3A_1424 = arith.constant 0 : i32
    %dma_wait3A_1425 = tpu.memref_slice %arg2[%add3A_1323, %dma_wait3A_1424] : memref<8192x2048xf32, #tpu.memory_space<hbm>> -> memref<16x2048xf32, #tpu.memory_space<hbm>>
    tpu.wait_dma2 semaphore(%arg26 : memref<!tpu.dma_semaphore, #tpu.memory_space<semaphore_mem>>) src(%dma_wait3A_1425 : memref<16x2048xf32, #tpu.memory_space<hbm>>) dst(%dma_wait3A_1423 : memref<16x2048xf32, #tpu.memory_space<vmem>>)
    %dma_start3A_1426 = arith.constant 1 : i32
    %dma_start3A_1427 = arith.constant 26 : i32
    %dma_start3A_1428 = arith.constant 0 : i32
    %dma_start3A_1429 = arith.constant 0 : i32
    %dma_start3A_1430 = tpu.memref_slice %arg19[%dma_start3A_1426, %dma_start3A_1428, %dma_start3A_1429] : memref<2x16x2048xf32, #tpu.memory_space<vmem>> -> memref<1x16x2048xf32, #tpu.memory_space<vmem>>
    %dma_start3A_1431 = tpu.memref_squeeze %dma_start3A_1430 : memref<1x16x2048xf32, #tpu.memory_space<vmem>> -> memref<16x2048xf32, #tpu.memory_space<vmem>>
    %dma_start3A_1432 = arith.constant 0 : i32
    %dma_start3A_1433 = tpu.memref_slice %arg18[%dma_start3A_1427, %dma_start3A_1432] : memref<32x16xi32, #tpu.memory_space<vmem>> -> memref<1x16xi32, #tpu.memory_space<vmem>>
    %dma_start3A_1434 = tpu.memref_squeeze %dma_start3A_1433 : memref<1x16xi32, #tpu.memory_space<vmem>> -> memref<16xi32, #tpu.memory_space<vmem>>
    %dma_start3A_1435 = arith.constant 0 : i32
    %dma_start3A_1436 = arith.constant 0 : i32
    %dma_start3A_1437 = tpu.memref_slice %arg10[%dma_start3A_1435, %dma_start3A_1436] : memref<16384x2048xf32, #tpu.memory_space<hbm>> -> memref<16384x2048xf32, #tpu.memory_space<hbm>>
    tpu.enqueue_indirect_dma source(%dma_start3A_1431 : memref<16x2048xf32, #tpu.memory_space<vmem>>) target(%dma_start3A_1437 : memref<16384x2048xf32, #tpu.memory_space<hbm>>) offsets(%dma_start3A_1434 : memref<16xi32, #tpu.memory_space<vmem>>) semaphore(%arg28 : memref<!tpu.dma_semaphore, #tpu.memory_space<semaphore_mem>>)
    %dma_start3A_1438 = arith.constant 1 : i32
    %dma_start3A_1439 = arith.constant 27 : i32
    %dma_start3A_1440 = arith.constant 0 : i32
    %dma_start3A_1441 = arith.constant 0 : i32
    %dma_start3A_1442 = tpu.memref_slice %arg19[%dma_start3A_1438, %dma_start3A_1440, %dma_start3A_1441] : memref<2x16x2048xf32, #tpu.memory_space<vmem>> -> memref<1x16x2048xf32, #tpu.memory_space<vmem>>
    %dma_start3A_1443 = tpu.memref_squeeze %dma_start3A_1442 : memref<1x16x2048xf32, #tpu.memory_space<vmem>> -> memref<16x2048xf32, #tpu.memory_space<vmem>>
    %dma_start3A_1444 = arith.constant 0 : i32
    %dma_start3A_1445 = tpu.memref_slice %arg18[%dma_start3A_1439, %dma_start3A_1444] : memref<32x16xi32, #tpu.memory_space<vmem>> -> memref<1x16xi32, #tpu.memory_space<vmem>>
    %dma_start3A_1446 = tpu.memref_squeeze %dma_start3A_1445 : memref<1x16xi32, #tpu.memory_space<vmem>> -> memref<16xi32, #tpu.memory_space<vmem>>
    %dma_start3A_1447 = arith.constant 0 : i32
    %dma_start3A_1448 = arith.constant 0 : i32
    %dma_start3A_1449 = tpu.memref_slice %arg10[%dma_start3A_1447, %dma_start3A_1448] : memref<16384x2048xf32, #tpu.memory_space<hbm>> -> memref<16384x2048xf32, #tpu.memory_space<hbm>>
    tpu.enqueue_indirect_dma source(%dma_start3A_1443 : memref<16x2048xf32, #tpu.memory_space<vmem>>) target(%dma_start3A_1449 : memref<16384x2048xf32, #tpu.memory_space<hbm>>) offsets(%dma_start3A_1446 : memref<16xi32, #tpu.memory_space<vmem>>) semaphore(%arg30 : memref<!tpu.dma_semaphore, #tpu.memory_space<semaphore_mem>>)
    %dma_wait3A_1450 = arith.constant 1 : i32
    %dma_wait3A_1451 = arith.constant 26 : i32
    %dma_wait3A_1452 = arith.constant 0 : i32
    %dma_wait3A_1453 = arith.constant 0 : i32
    %dma_wait3A_1454 = tpu.memref_slice %arg19[%dma_wait3A_1450, %dma_wait3A_1452, %dma_wait3A_1453] : memref<2x16x2048xf32, #tpu.memory_space<vmem>> -> memref<1x16x2048xf32, #tpu.memory_space<vmem>>
    %dma_wait3A_1455 = tpu.memref_squeeze %dma_wait3A_1454 : memref<1x16x2048xf32, #tpu.memory_space<vmem>> -> memref<16x2048xf32, #tpu.memory_space<vmem>>
    %dma_wait3A_1456 = arith.constant 0 : i32
    %dma_wait3A_1457 = tpu.memref_slice %arg18[%dma_wait3A_1451, %dma_wait3A_1456] : memref<32x16xi32, #tpu.memory_space<vmem>> -> memref<1x16xi32, #tpu.memory_space<vmem>>
    %dma_wait3A_1458 = tpu.memref_squeeze %dma_wait3A_1457 : memref<1x16xi32, #tpu.memory_space<vmem>> -> memref<16xi32, #tpu.memory_space<vmem>>
    %dma_wait3A_1459 = arith.constant 0 : i32
    %dma_wait3A_1460 = arith.constant 0 : i32
    %dma_wait3A_1461 = tpu.memref_slice %arg10[%dma_wait3A_1459, %dma_wait3A_1460] : memref<16384x2048xf32, #tpu.memory_space<hbm>> -> memref<16384x2048xf32, #tpu.memory_space<hbm>>
    tpu.wait_indirect_dma semaphore(%arg28 : memref<!tpu.dma_semaphore, #tpu.memory_space<semaphore_mem>>) src(%dma_wait3A_1455 : memref<16x2048xf32, #tpu.memory_space<vmem>>) dst(%dma_wait3A_1461 : memref<16384x2048xf32, #tpu.memory_space<hbm>>)
    %dma_wait3A_1462 = arith.constant 1 : i32
    %dma_wait3A_1463 = arith.constant 27 : i32
    %dma_wait3A_1464 = arith.constant 0 : i32
    %dma_wait3A_1465 = arith.constant 0 : i32
    %dma_wait3A_1466 = tpu.memref_slice %arg19[%dma_wait3A_1462, %dma_wait3A_1464, %dma_wait3A_1465] : memref<2x16x2048xf32, #tpu.memory_space<vmem>> -> memref<1x16x2048xf32, #tpu.memory_space<vmem>>
    %dma_wait3A_1467 = tpu.memref_squeeze %dma_wait3A_1466 : memref<1x16x2048xf32, #tpu.memory_space<vmem>> -> memref<16x2048xf32, #tpu.memory_space<vmem>>
    %dma_wait3A_1468 = arith.constant 0 : i32
    %dma_wait3A_1469 = tpu.memref_slice %arg18[%dma_wait3A_1463, %dma_wait3A_1468] : memref<32x16xi32, #tpu.memory_space<vmem>> -> memref<1x16xi32, #tpu.memory_space<vmem>>
    %dma_wait3A_1470 = tpu.memref_squeeze %dma_wait3A_1469 : memref<1x16xi32, #tpu.memory_space<vmem>> -> memref<16xi32, #tpu.memory_space<vmem>>
    %dma_wait3A_1471 = arith.constant 0 : i32
    %dma_wait3A_1472 = arith.constant 0 : i32
    %dma_wait3A_1473 = tpu.memref_slice %arg10[%dma_wait3A_1471, %dma_wait3A_1472] : memref<16384x2048xf32, #tpu.memory_space<hbm>> -> memref<16384x2048xf32, #tpu.memory_space<hbm>>
    tpu.wait_indirect_dma semaphore(%arg30 : memref<!tpu.dma_semaphore, #tpu.memory_space<semaphore_mem>>) src(%dma_wait3A_1467 : memref<16x2048xf32, #tpu.memory_space<vmem>>) dst(%dma_wait3A_1473 : memref<16384x2048xf32, #tpu.memory_space<hbm>>)
    %add3A_1474 = arith.constant 240 : i32
    %add3A_1475 = arith.addi %mul3A_2, %add3A_1474 : i32
    %dma_start3A_1476 = arith.constant 1 : i32
    %dma_start3A_1477 = arith.constant 0 : i32
    %dma_start3A_1478 = arith.constant 0 : i32
    %dma_start3A_1479 = tpu.memref_slice %arg19[%dma_start3A_1476, %dma_start3A_1477, %dma_start3A_1478] : memref<2x16x2048xf32, #tpu.memory_space<vmem>> -> memref<1x16x2048xf32, #tpu.memory_space<vmem>>
    %dma_start3A_1480 = tpu.memref_squeeze %dma_start3A_1479 : memref<1x16x2048xf32, #tpu.memory_space<vmem>> -> memref<16x2048xf32, #tpu.memory_space<vmem>>
    %dma_start3A_1481 = arith.constant 0 : i32
    %dma_start3A_1482 = tpu.memref_slice %arg2[%add3A_1475, %dma_start3A_1481] : memref<8192x2048xf32, #tpu.memory_space<hbm>> -> memref<16x2048xf32, #tpu.memory_space<hbm>>
    %dma_start3A_1483 = arith.constant 0 : i32
    %dma_start3A_1484 = arith.constant 0 : i32
    %dma_start3A_1485 = tpu.memref_slice %arg19[%dma_start3A_1476, %dma_start3A_1483, %dma_start3A_1484] : memref<2x16x2048xf32, #tpu.memory_space<vmem>> -> memref<1x16x2048xf32, #tpu.memory_space<vmem>>
    %dma_start3A_1486 = tpu.memref_squeeze %dma_start3A_1485 : memref<1x16x2048xf32, #tpu.memory_space<vmem>> -> memref<16x2048xf32, #tpu.memory_space<vmem>>
    %dma_start3A_1487 = arith.constant 0 : i32
    %dma_start3A_1488 = tpu.memref_slice %arg2[%add3A_1475, %dma_start3A_1487] : memref<8192x2048xf32, #tpu.memory_space<hbm>> -> memref<16x2048xf32, #tpu.memory_space<hbm>>
    tpu.enqueue_dma source(%dma_start3A_1488 : memref<16x2048xf32, #tpu.memory_space<hbm>>) target(%dma_start3A_1486 : memref<16x2048xf32, #tpu.memory_space<vmem>>) target_semaphore(%arg26 : memref<!tpu.dma_semaphore, #tpu.memory_space<semaphore_mem>>)
    %dma_wait3A_1489 = arith.constant 0 : i32
    %dma_wait3A_1490 = arith.constant 0 : i32
    %dma_wait3A_1491 = arith.constant 0 : i32
    %dma_wait3A_1492 = tpu.memref_slice %arg19[%dma_wait3A_1489, %dma_wait3A_1490, %dma_wait3A_1491] : memref<2x16x2048xf32, #tpu.memory_space<vmem>> -> memref<1x16x2048xf32, #tpu.memory_space<vmem>>
    %dma_wait3A_1493 = tpu.memref_squeeze %dma_wait3A_1492 : memref<1x16x2048xf32, #tpu.memory_space<vmem>> -> memref<16x2048xf32, #tpu.memory_space<vmem>>
    %dma_wait3A_1494 = arith.constant 0 : i32
    %dma_wait3A_1495 = tpu.memref_slice %arg2[%add3A_1399, %dma_wait3A_1494] : memref<8192x2048xf32, #tpu.memory_space<hbm>> -> memref<16x2048xf32, #tpu.memory_space<hbm>>
    %dma_wait3A_1496 = arith.constant 0 : i32
    %dma_wait3A_1497 = arith.constant 0 : i32
    %dma_wait3A_1498 = tpu.memref_slice %arg19[%dma_wait3A_1489, %dma_wait3A_1496, %dma_wait3A_1497] : memref<2x16x2048xf32, #tpu.memory_space<vmem>> -> memref<1x16x2048xf32, #tpu.memory_space<vmem>>
    %dma_wait3A_1499 = tpu.memref_squeeze %dma_wait3A_1498 : memref<1x16x2048xf32, #tpu.memory_space<vmem>> -> memref<16x2048xf32, #tpu.memory_space<vmem>>
    %dma_wait3A_1500 = arith.constant 0 : i32
    %dma_wait3A_1501 = tpu.memref_slice %arg2[%add3A_1399, %dma_wait3A_1500] : memref<8192x2048xf32, #tpu.memory_space<hbm>> -> memref<16x2048xf32, #tpu.memory_space<hbm>>
    tpu.wait_dma2 semaphore(%arg25 : memref<!tpu.dma_semaphore, #tpu.memory_space<semaphore_mem>>) src(%dma_wait3A_1501 : memref<16x2048xf32, #tpu.memory_space<hbm>>) dst(%dma_wait3A_1499 : memref<16x2048xf32, #tpu.memory_space<vmem>>)
    %dma_start3A_1502 = arith.constant 0 : i32
    %dma_start3A_1503 = arith.constant 28 : i32
    %dma_start3A_1504 = arith.constant 0 : i32
    %dma_start3A_1505 = arith.constant 0 : i32
    %dma_start3A_1506 = tpu.memref_slice %arg19[%dma_start3A_1502, %dma_start3A_1504, %dma_start3A_1505] : memref<2x16x2048xf32, #tpu.memory_space<vmem>> -> memref<1x16x2048xf32, #tpu.memory_space<vmem>>
    %dma_start3A_1507 = tpu.memref_squeeze %dma_start3A_1506 : memref<1x16x2048xf32, #tpu.memory_space<vmem>> -> memref<16x2048xf32, #tpu.memory_space<vmem>>
    %dma_start3A_1508 = arith.constant 0 : i32
    %dma_start3A_1509 = tpu.memref_slice %arg18[%dma_start3A_1503, %dma_start3A_1508] : memref<32x16xi32, #tpu.memory_space<vmem>> -> memref<1x16xi32, #tpu.memory_space<vmem>>
    %dma_start3A_1510 = tpu.memref_squeeze %dma_start3A_1509 : memref<1x16xi32, #tpu.memory_space<vmem>> -> memref<16xi32, #tpu.memory_space<vmem>>
    %dma_start3A_1511 = arith.constant 0 : i32
    %dma_start3A_1512 = arith.constant 0 : i32
    %dma_start3A_1513 = tpu.memref_slice %arg10[%dma_start3A_1511, %dma_start3A_1512] : memref<16384x2048xf32, #tpu.memory_space<hbm>> -> memref<16384x2048xf32, #tpu.memory_space<hbm>>
    tpu.enqueue_indirect_dma source(%dma_start3A_1507 : memref<16x2048xf32, #tpu.memory_space<vmem>>) target(%dma_start3A_1513 : memref<16384x2048xf32, #tpu.memory_space<hbm>>) offsets(%dma_start3A_1510 : memref<16xi32, #tpu.memory_space<vmem>>) semaphore(%arg27 : memref<!tpu.dma_semaphore, #tpu.memory_space<semaphore_mem>>)
    %dma_start3A_1514 = arith.constant 0 : i32
    %dma_start3A_1515 = arith.constant 29 : i32
    %dma_start3A_1516 = arith.constant 0 : i32
    %dma_start3A_1517 = arith.constant 0 : i32
    %dma_start3A_1518 = tpu.memref_slice %arg19[%dma_start3A_1514, %dma_start3A_1516, %dma_start3A_1517] : memref<2x16x2048xf32, #tpu.memory_space<vmem>> -> memref<1x16x2048xf32, #tpu.memory_space<vmem>>
    %dma_start3A_1519 = tpu.memref_squeeze %dma_start3A_1518 : memref<1x16x2048xf32, #tpu.memory_space<vmem>> -> memref<16x2048xf32, #tpu.memory_space<vmem>>
    %dma_start3A_1520 = arith.constant 0 : i32
    %dma_start3A_1521 = tpu.memref_slice %arg18[%dma_start3A_1515, %dma_start3A_1520] : memref<32x16xi32, #tpu.memory_space<vmem>> -> memref<1x16xi32, #tpu.memory_space<vmem>>
    %dma_start3A_1522 = tpu.memref_squeeze %dma_start3A_1521 : memref<1x16xi32, #tpu.memory_space<vmem>> -> memref<16xi32, #tpu.memory_space<vmem>>
    %dma_start3A_1523 = arith.constant 0 : i32
    %dma_start3A_1524 = arith.constant 0 : i32
    %dma_start3A_1525 = tpu.memref_slice %arg10[%dma_start3A_1523, %dma_start3A_1524] : memref<16384x2048xf32, #tpu.memory_space<hbm>> -> memref<16384x2048xf32, #tpu.memory_space<hbm>>
    tpu.enqueue_indirect_dma source(%dma_start3A_1519 : memref<16x2048xf32, #tpu.memory_space<vmem>>) target(%dma_start3A_1525 : memref<16384x2048xf32, #tpu.memory_space<hbm>>) offsets(%dma_start3A_1522 : memref<16xi32, #tpu.memory_space<vmem>>) semaphore(%arg29 : memref<!tpu.dma_semaphore, #tpu.memory_space<semaphore_mem>>)
    %dma_wait3A_1526 = arith.constant 1 : i32
    %dma_wait3A_1527 = arith.constant 0 : i32
    %dma_wait3A_1528 = arith.constant 0 : i32
    %dma_wait3A_1529 = tpu.memref_slice %arg19[%dma_wait3A_1526, %dma_wait3A_1527, %dma_wait3A_1528] : memref<2x16x2048xf32, #tpu.memory_space<vmem>> -> memref<1x16x2048xf32, #tpu.memory_space<vmem>>
    %dma_wait3A_1530 = tpu.memref_squeeze %dma_wait3A_1529 : memref<1x16x2048xf32, #tpu.memory_space<vmem>> -> memref<16x2048xf32, #tpu.memory_space<vmem>>
    %dma_wait3A_1531 = arith.constant 0 : i32
    %dma_wait3A_1532 = tpu.memref_slice %arg2[%add3A_1475, %dma_wait3A_1531] : memref<8192x2048xf32, #tpu.memory_space<hbm>> -> memref<16x2048xf32, #tpu.memory_space<hbm>>
    %dma_wait3A_1533 = arith.constant 0 : i32
    %dma_wait3A_1534 = arith.constant 0 : i32
    %dma_wait3A_1535 = tpu.memref_slice %arg19[%dma_wait3A_1526, %dma_wait3A_1533, %dma_wait3A_1534] : memref<2x16x2048xf32, #tpu.memory_space<vmem>> -> memref<1x16x2048xf32, #tpu.memory_space<vmem>>
    %dma_wait3A_1536 = tpu.memref_squeeze %dma_wait3A_1535 : memref<1x16x2048xf32, #tpu.memory_space<vmem>> -> memref<16x2048xf32, #tpu.memory_space<vmem>>
    %dma_wait3A_1537 = arith.constant 0 : i32
    %dma_wait3A_1538 = tpu.memref_slice %arg2[%add3A_1475, %dma_wait3A_1537] : memref<8192x2048xf32, #tpu.memory_space<hbm>> -> memref<16x2048xf32, #tpu.memory_space<hbm>>
    tpu.wait_dma2 semaphore(%arg26 : memref<!tpu.dma_semaphore, #tpu.memory_space<semaphore_mem>>) src(%dma_wait3A_1538 : memref<16x2048xf32, #tpu.memory_space<hbm>>) dst(%dma_wait3A_1536 : memref<16x2048xf32, #tpu.memory_space<vmem>>)
    %dma_start3A_1539 = arith.constant 1 : i32
    %dma_start3A_1540 = arith.constant 30 : i32
    %dma_start3A_1541 = arith.constant 0 : i32
    %dma_start3A_1542 = arith.constant 0 : i32
    %dma_start3A_1543 = tpu.memref_slice %arg19[%dma_start3A_1539, %dma_start3A_1541, %dma_start3A_1542] : memref<2x16x2048xf32, #tpu.memory_space<vmem>> -> memref<1x16x2048xf32, #tpu.memory_space<vmem>>
    %dma_start3A_1544 = tpu.memref_squeeze %dma_start3A_1543 : memref<1x16x2048xf32, #tpu.memory_space<vmem>> -> memref<16x2048xf32, #tpu.memory_space<vmem>>
    %dma_start3A_1545 = arith.constant 0 : i32
    %dma_start3A_1546 = tpu.memref_slice %arg18[%dma_start3A_1540, %dma_start3A_1545] : memref<32x16xi32, #tpu.memory_space<vmem>> -> memref<1x16xi32, #tpu.memory_space<vmem>>
    %dma_start3A_1547 = tpu.memref_squeeze %dma_start3A_1546 : memref<1x16xi32, #tpu.memory_space<vmem>> -> memref<16xi32, #tpu.memory_space<vmem>>
    %dma_start3A_1548 = arith.constant 0 : i32
    %dma_start3A_1549 = arith.constant 0 : i32
    %dma_start3A_1550 = tpu.memref_slice %arg10[%dma_start3A_1548, %dma_start3A_1549] : memref<16384x2048xf32, #tpu.memory_space<hbm>> -> memref<16384x2048xf32, #tpu.memory_space<hbm>>
    tpu.enqueue_indirect_dma source(%dma_start3A_1544 : memref<16x2048xf32, #tpu.memory_space<vmem>>) target(%dma_start3A_1550 : memref<16384x2048xf32, #tpu.memory_space<hbm>>) offsets(%dma_start3A_1547 : memref<16xi32, #tpu.memory_space<vmem>>) semaphore(%arg28 : memref<!tpu.dma_semaphore, #tpu.memory_space<semaphore_mem>>)
    %dma_start3A_1551 = arith.constant 1 : i32
    %dma_start3A_1552 = arith.constant 31 : i32
    %dma_start3A_1553 = arith.constant 0 : i32
    %dma_start3A_1554 = arith.constant 0 : i32
    %dma_start3A_1555 = tpu.memref_slice %arg19[%dma_start3A_1551, %dma_start3A_1553, %dma_start3A_1554] : memref<2x16x2048xf32, #tpu.memory_space<vmem>> -> memref<1x16x2048xf32, #tpu.memory_space<vmem>>
    %dma_start3A_1556 = tpu.memref_squeeze %dma_start3A_1555 : memref<1x16x2048xf32, #tpu.memory_space<vmem>> -> memref<16x2048xf32, #tpu.memory_space<vmem>>
    %dma_start3A_1557 = arith.constant 0 : i32
    %dma_start3A_1558 = tpu.memref_slice %arg18[%dma_start3A_1552, %dma_start3A_1557] : memref<32x16xi32, #tpu.memory_space<vmem>> -> memref<1x16xi32, #tpu.memory_space<vmem>>
    %dma_start3A_1559 = tpu.memref_squeeze %dma_start3A_1558 : memref<1x16xi32, #tpu.memory_space<vmem>> -> memref<16xi32, #tpu.memory_space<vmem>>
    %dma_start3A_1560 = arith.constant 0 : i32
    %dma_start3A_1561 = arith.constant 0 : i32
    %dma_start3A_1562 = tpu.memref_slice %arg10[%dma_start3A_1560, %dma_start3A_1561] : memref<16384x2048xf32, #tpu.memory_space<hbm>> -> memref<16384x2048xf32, #tpu.memory_space<hbm>>
    tpu.enqueue_indirect_dma source(%dma_start3A_1556 : memref<16x2048xf32, #tpu.memory_space<vmem>>) target(%dma_start3A_1562 : memref<16384x2048xf32, #tpu.memory_space<hbm>>) offsets(%dma_start3A_1559 : memref<16xi32, #tpu.memory_space<vmem>>) semaphore(%arg30 : memref<!tpu.dma_semaphore, #tpu.memory_space<semaphore_mem>>)
    %dma_wait3A_1563 = arith.constant 0 : i32
    %dma_wait3A_1564 = arith.constant 28 : i32
    %dma_wait3A_1565 = arith.constant 0 : i32
    %dma_wait3A_1566 = arith.constant 0 : i32
    %dma_wait3A_1567 = tpu.memref_slice %arg19[%dma_wait3A_1563, %dma_wait3A_1565, %dma_wait3A_1566] : memref<2x16x2048xf32, #tpu.memory_space<vmem>> -> memref<1x16x2048xf32, #tpu.memory_space<vmem>>
    %dma_wait3A_1568 = tpu.memref_squeeze %dma_wait3A_1567 : memref<1x16x2048xf32, #tpu.memory_space<vmem>> -> memref<16x2048xf32, #tpu.memory_space<vmem>>
    %dma_wait3A_1569 = arith.constant 0 : i32
    %dma_wait3A_1570 = tpu.memref_slice %arg18[%dma_wait3A_1564, %dma_wait3A_1569] : memref<32x16xi32, #tpu.memory_space<vmem>> -> memref<1x16xi32, #tpu.memory_space<vmem>>
    %dma_wait3A_1571 = tpu.memref_squeeze %dma_wait3A_1570 : memref<1x16xi32, #tpu.memory_space<vmem>> -> memref<16xi32, #tpu.memory_space<vmem>>
    %dma_wait3A_1572 = arith.constant 0 : i32
    %dma_wait3A_1573 = arith.constant 0 : i32
    %dma_wait3A_1574 = tpu.memref_slice %arg10[%dma_wait3A_1572, %dma_wait3A_1573] : memref<16384x2048xf32, #tpu.memory_space<hbm>> -> memref<16384x2048xf32, #tpu.memory_space<hbm>>
    tpu.wait_indirect_dma semaphore(%arg27 : memref<!tpu.dma_semaphore, #tpu.memory_space<semaphore_mem>>) src(%dma_wait3A_1568 : memref<16x2048xf32, #tpu.memory_space<vmem>>) dst(%dma_wait3A_1574 : memref<16384x2048xf32, #tpu.memory_space<hbm>>)
    %dma_wait3A_1575 = arith.constant 0 : i32
    %dma_wait3A_1576 = arith.constant 29 : i32
    %dma_wait3A_1577 = arith.constant 0 : i32
    %dma_wait3A_1578 = arith.constant 0 : i32
    %dma_wait3A_1579 = tpu.memref_slice %arg19[%dma_wait3A_1575, %dma_wait3A_1577, %dma_wait3A_1578] : memref<2x16x2048xf32, #tpu.memory_space<vmem>> -> memref<1x16x2048xf32, #tpu.memory_space<vmem>>
    %dma_wait3A_1580 = tpu.memref_squeeze %dma_wait3A_1579 : memref<1x16x2048xf32, #tpu.memory_space<vmem>> -> memref<16x2048xf32, #tpu.memory_space<vmem>>
    %dma_wait3A_1581 = arith.constant 0 : i32
    %dma_wait3A_1582 = tpu.memref_slice %arg18[%dma_wait3A_1576, %dma_wait3A_1581] : memref<32x16xi32, #tpu.memory_space<vmem>> -> memref<1x16xi32, #tpu.memory_space<vmem>>
    %dma_wait3A_1583 = tpu.memref_squeeze %dma_wait3A_1582 : memref<1x16xi32, #tpu.memory_space<vmem>> -> memref<16xi32, #tpu.memory_space<vmem>>
    %dma_wait3A_1584 = arith.constant 0 : i32
    %dma_wait3A_1585 = arith.constant 0 : i32
    %dma_wait3A_1586 = tpu.memref_slice %arg10[%dma_wait3A_1584, %dma_wait3A_1585] : memref<16384x2048xf32, #tpu.memory_space<hbm>> -> memref<16384x2048xf32, #tpu.memory_space<hbm>>
    tpu.wait_indirect_dma semaphore(%arg29 : memref<!tpu.dma_semaphore, #tpu.memory_space<semaphore_mem>>) src(%dma_wait3A_1580 : memref<16x2048xf32, #tpu.memory_space<vmem>>) dst(%dma_wait3A_1586 : memref<16384x2048xf32, #tpu.memory_space<hbm>>)
    %dma_wait3A_1587 = arith.constant 1 : i32
    %dma_wait3A_1588 = arith.constant 30 : i32
    %dma_wait3A_1589 = arith.constant 0 : i32
    %dma_wait3A_1590 = arith.constant 0 : i32
    %dma_wait3A_1591 = tpu.memref_slice %arg19[%dma_wait3A_1587, %dma_wait3A_1589, %dma_wait3A_1590] : memref<2x16x2048xf32, #tpu.memory_space<vmem>> -> memref<1x16x2048xf32, #tpu.memory_space<vmem>>
    %dma_wait3A_1592 = tpu.memref_squeeze %dma_wait3A_1591 : memref<1x16x2048xf32, #tpu.memory_space<vmem>> -> memref<16x2048xf32, #tpu.memory_space<vmem>>
    %dma_wait3A_1593 = arith.constant 0 : i32
    %dma_wait3A_1594 = tpu.memref_slice %arg18[%dma_wait3A_1588, %dma_wait3A_1593] : memref<32x16xi32, #tpu.memory_space<vmem>> -> memref<1x16xi32, #tpu.memory_space<vmem>>
    %dma_wait3A_1595 = tpu.memref_squeeze %dma_wait3A_1594 : memref<1x16xi32, #tpu.memory_space<vmem>> -> memref<16xi32, #tpu.memory_space<vmem>>
    %dma_wait3A_1596 = arith.constant 0 : i32
    %dma_wait3A_1597 = arith.constant 0 : i32
    %dma_wait3A_1598 = tpu.memref_slice %arg10[%dma_wait3A_1596, %dma_wait3A_1597] : memref<16384x2048xf32, #tpu.memory_space<hbm>> -> memref<16384x2048xf32, #tpu.memory_space<hbm>>
    tpu.wait_indirect_dma semaphore(%arg28 : memref<!tpu.dma_semaphore, #tpu.memory_space<semaphore_mem>>) src(%dma_wait3A_1592 : memref<16x2048xf32, #tpu.memory_space<vmem>>) dst(%dma_wait3A_1598 : memref<16384x2048xf32, #tpu.memory_space<hbm>>)
    %dma_wait3A_1599 = arith.constant 1 : i32
    %dma_wait3A_1600 = arith.constant 31 : i32
    %dma_wait3A_1601 = arith.constant 0 : i32
    %dma_wait3A_1602 = arith.constant 0 : i32
    %dma_wait3A_1603 = tpu.memref_slice %arg19[%dma_wait3A_1599, %dma_wait3A_1601, %dma_wait3A_1602] : memref<2x16x2048xf32, #tpu.memory_space<vmem>> -> memref<1x16x2048xf32, #tpu.memory_space<vmem>>
    %dma_wait3A_1604 = tpu.memref_squeeze %dma_wait3A_1603 : memref<1x16x2048xf32, #tpu.memory_space<vmem>> -> memref<16x2048xf32, #tpu.memory_space<vmem>>
    %dma_wait3A_1605 = arith.constant 0 : i32
    %dma_wait3A_1606 = tpu.memref_slice %arg18[%dma_wait3A_1600, %dma_wait3A_1605] : memref<32x16xi32, #tpu.memory_space<vmem>> -> memref<1x16xi32, #tpu.memory_space<vmem>>
    %dma_wait3A_1607 = tpu.memref_squeeze %dma_wait3A_1606 : memref<1x16xi32, #tpu.memory_space<vmem>> -> memref<16xi32, #tpu.memory_space<vmem>>
    %dma_wait3A_1608 = arith.constant 0 : i32
    %dma_wait3A_1609 = arith.constant 0 : i32
    %dma_wait3A_1610 = tpu.memref_slice %arg10[%dma_wait3A_1608, %dma_wait3A_1609] : memref<16384x2048xf32, #tpu.memory_space<hbm>> -> memref<16384x2048xf32, #tpu.memory_space<hbm>>
    tpu.wait_indirect_dma semaphore(%arg30 : memref<!tpu.dma_semaphore, #tpu.memory_space<semaphore_mem>>) src(%dma_wait3A_1604 : memref<16x2048xf32, #tpu.memory_space<vmem>>) dst(%dma_wait3A_1610 : memref<16384x2048xf32, #tpu.memory_space<hbm>>)
    %eq3A_1611 = arith.constant 0 : i32
    %eq3A_1612 = arith.cmpi eq, %add3A, %eq3A_1611 : i32
    %convert_element_type3A_1613 = arith.extui %eq3A_1612 : i1 to i32
    %cond3A_1614 = arith.constant 0 : i32
    %cond3A_1615 = arith.cmpi ne, %convert_element_type3A_1613, %cond3A_1614 : i32
    scf.if %cond3A_1615 {
      "tpu.region"() ({
        %run_scoped3A = tpu.sem_alloc : memref<!tpu.dma_semaphore, #tpu.memory_space<semaphore_mem>>
        tpu.enqueue_dma source(%arg23 : memref<16384xi32, #tpu.memory_space<vmem>>) target(%arg11 : memref<16384xi32, #tpu.memory_space<hbm>>) target_semaphore(%run_scoped3A : memref<!tpu.dma_semaphore, #tpu.memory_space<semaphore_mem>>)
        tpu.wait_dma2 semaphore(%run_scoped3A : memref<!tpu.dma_semaphore, #tpu.memory_space<semaphore_mem>>) src(%arg23 : memref<16384xi32, #tpu.memory_space<vmem>>) dst(%arg11 : memref<16384xi32, #tpu.memory_space<hbm>>)
        tpu.yield
      }) : () -> ()
    } else {
    }
    %eq3A_1616 = arith.constant 1 : i32
    %eq3A_1617 = arith.cmpi eq, %add3A, %eq3A_1616 : i32
    %convert_element_type3A_1618 = arith.extui %eq3A_1617 : i1 to i32
    %cond3A_1619 = arith.constant 0 : i32
    %cond3A_1620 = arith.cmpi ne, %convert_element_type3A_1618, %cond3A_1619 : i32
    scf.if %cond3A_1620 {
      "tpu.region"() ({
        %run_scoped3A = tpu.sem_alloc : memref<!tpu.dma_semaphore, #tpu.memory_space<semaphore_mem>>
        tpu.enqueue_dma source(%arg24 : memref<16384xf32, #tpu.memory_space<vmem>>) target(%arg12 : memref<16384xf32, #tpu.memory_space<hbm>>) target_semaphore(%run_scoped3A : memref<!tpu.dma_semaphore, #tpu.memory_space<semaphore_mem>>)
        tpu.wait_dma2 semaphore(%run_scoped3A : memref<!tpu.dma_semaphore, #tpu.memory_space<semaphore_mem>>) src(%arg24 : memref<16384xf32, #tpu.memory_space<vmem>>) dst(%arg12 : memref<16384xf32, #tpu.memory_space<hbm>>)
        tpu.yield
      }) : () -> ()
    } else {
    }
    return
  }
}

module attributes {stable_mosaic.version = 14 : i64} {
  func.func @_tc_route_body(%arg0: i32, %arg1: memref<1024x16xf32, #tpu.memory_space<vmem>>, %arg2: memref<1024x16xf32, #tpu.memory_space<vmem>>, %arg3: memref<1024x16xf32, #tpu.memory_space<vmem>>, %arg4: memref<1024x16xf32, #tpu.memory_space<vmem>>, %arg5: memref<16xf32, #tpu.memory_space<vmem>>, %arg6: memref<16xi32, #tpu.memory_space<vmem>>, %arg7: memref<16x1xi32, #tpu.memory_space<vmem>>, %arg8: memref<16xi32, #tpu.memory_space<vmem>>, %arg9: memref<1024xi32, #tpu.memory_space<vmem>>, %arg10: memref<1024xi32, #tpu.memory_space<vmem>>, %arg11: memref<1024xi32, #tpu.memory_space<vmem>>, %arg12: memref<1024xi32, #tpu.memory_space<vmem>>, %arg13: memref<1024xf32, #tpu.memory_space<vmem>>, %arg14: memref<1024xf32, #tpu.memory_space<vmem>>, %arg15: memref<1024x1024xbf16, #tpu.memory_space<vmem>>) attributes {dimension_semantics = [#tpu.dimension_semantics<arbitrary>], iteration_bounds = array<i64: 8>, scalar_prefetch = 0 : i64, scratch_operands = 1 : i64, tpu.core_type = #tpu.core_type<tc>, window_params = [{transform_indices = @transform_0, window_bounds = array<i64: 1024, 16>}, {transform_indices = @transform_1, window_bounds = array<i64: 1024, 16>}, {transform_indices = @transform_2, window_bounds = array<i64: 1024, 16>}, {transform_indices = @transform_3, window_bounds = array<i64: 1024, 16>}, {pipeline_mode = #tpu.pipeline_mode<synchronous>, transform_indices = @transform_4, window_bounds = array<i64: 16>}, {pipeline_mode = #tpu.pipeline_mode<synchronous>, transform_indices = @transform_5, window_bounds = array<i64: 16>}, {pipeline_mode = #tpu.pipeline_mode<synchronous>, transform_indices = @transform_6, window_bounds = array<i64: 16, 1>}, {pipeline_mode = #tpu.pipeline_mode<synchronous>, transform_indices = @transform_7, window_bounds = array<i64: 16>}, {transform_indices = @transform_8, window_bounds = array<i64: 1024>}, {transform_indices = @transform_9, window_bounds = array<i64: 1024>}, {transform_indices = @transform_10, window_bounds = array<i64: 1024>}, {transform_indices = @transform_11, window_bounds = array<i64: 1024>}, {transform_indices = @transform_12, window_bounds = array<i64: 1024>}, {transform_indices = @transform_13, window_bounds = array<i64: 1024>}]} {
    %eq3A = arith.constant 0 : i32
    %eq3A_0 = arith.cmpi eq, %arg0, %eq3A : i32
    %convert_element_type3A = arith.extui %eq3A_0 : i1 to i32
    %cond3A = arith.constant 0 : i32
    %cond3A_1 = arith.cmpi ne, %convert_element_type3A, %cond3A : i32
    scf.if %cond3A_1 {
      %broadcast_in_dim3A_164 = arith.constant 0.000000e+00 : f32
      %broadcast_in_dim3A_165 = vector.broadcast %broadcast_in_dim3A_164 : f32 to vector<16xf32>
      %swap3A_166 = arith.constant 0 : index
      %swap3A_167 = vector.load %arg5[%swap3A_166] : memref<16xf32, #tpu.memory_space<vmem>>, vector<16xf32>
      tpu.vector_store %arg5[%swap3A_166], %broadcast_in_dim3A_165 {strides = array<i32>} : memref<16xf32, #tpu.memory_space<vmem>>, vector<16xf32>,
      %broadcast_in_dim3A_168 = arith.constant 0 : i32
      %broadcast_in_dim3A_169 = vector.broadcast %broadcast_in_dim3A_168 : i32 to vector<16xi32>
      %swap3A_170 = arith.constant 0 : index
      %swap3A_171 = vector.load %arg6[%swap3A_170] : memref<16xi32, #tpu.memory_space<vmem>>, vector<16xi32>
      tpu.vector_store %arg6[%swap3A_170], %broadcast_in_dim3A_169 {strides = array<i32>} : memref<16xi32, #tpu.memory_space<vmem>>, vector<16xi32>,
      %broadcast_in_dim3A_172 = arith.constant 0 : i32
      %broadcast_in_dim3A_173 = vector.broadcast %broadcast_in_dim3A_172 : i32 to vector<16x1xi32>
      %swap3A_174 = arith.constant 0 : index
      %swap3A_175 = arith.constant 0 : index
      %swap3A_176 = vector.load %arg7[%swap3A_174, %swap3A_175] : memref<16x1xi32, #tpu.memory_space<vmem>>, vector<16x1xi32>
      tpu.vector_store %arg7[%swap3A_174, %swap3A_175], %broadcast_in_dim3A_173 {strides = array<i32>} : memref<16x1xi32, #tpu.memory_space<vmem>>, vector<16x1xi32>,
      %iota3A_177 = tpu.iota {dimensions = array<i32: 0>} : vector<1024x1024xi32>
      %iota3A_178 = tpu.iota {dimensions = array<i32: 1>} : vector<1024x1024xi32>
      %lt3A_179 = arith.cmpi slt, %iota3A_177, %iota3A_178 : vector<1024x1024xi32>
      %convert_element_type3A_180 = arith.extui %lt3A_179 : vector<1024x1024xi1> to vector<1024x1024xi32>
      %convert_element_type3A_181 = arith.sitofp %convert_element_type3A_180 : vector<1024x1024xi32> to vector<1024x1024xf32>
      %convert_element_type3A_182 = arith.truncf %convert_element_type3A_181 : vector<1024x1024xf32> to vector<1024x1024xbf16>
      %swap3A_183 = arith.constant 0 : index
      %swap3A_184 = arith.constant 0 : index
      %swap3A_185 = vector.load %arg15[%swap3A_183, %swap3A_184] : memref<1024x1024xbf16, #tpu.memory_space<vmem>>, vector<1024x1024xbf16>
      tpu.vector_store %arg15[%swap3A_183, %swap3A_184], %convert_element_type3A_182 {strides = array<i32>} : memref<1024x1024xbf16, #tpu.memory_space<vmem>>, vector<1024x1024xbf16>,
    } else {
    }
    %get3A = arith.constant 0 : index
    %get3A_2 = arith.constant 0 : index
    %get3A_3 = vector.load %arg1[%get3A, %get3A_2] : memref<1024x16xf32, #tpu.memory_space<vmem>>, vector<1024x16xf32>
    %transpose3A = tpu.transpose %get3A_3, [1, 0] : vector<1024x16xf32> -> vector<16x1024xf32>
    %iota3A = tpu.iota {dimensions = array<i32: 0>} : vector<16x1024xi32>
    %reduce_max3A = arith.constant dense<0xFF800000> : vector<1024xf32>
    %reduce_max3A_4 = vector.multi_reduction <maximumf>, %transpose3A, %reduce_max3A [0] : vector<16x1024xf32> to vector<1024xf32>
    %broadcast_in_dim3A = vector.shape_cast %reduce_max3A_4 : vector<1024xf32> to vector<1x1024xf32>
    %eq3A_5 = vector.broadcast %broadcast_in_dim3A : vector<1x1024xf32> to vector<16x1024xf32>
    %eq3A_6 = arith.cmpf oeq, %transpose3A, %eq3A_5 : vector<16x1024xf32>
    %jit3A = arith.constant 16 : i32
    %broadcast_in_dim3A_7 = vector.broadcast %jit3A : i32 to vector<16x1024xi32>
    %select_n3A = arith.select %eq3A_6, %iota3A, %broadcast_in_dim3A_7 : vector<16x1024xi1>, vector<16x1024xi32>
    %reduce_min3A = arith.constant dense<2147483647> : vector<1024xi32>
    %reduce_min3A_8 = vector.multi_reduction <minsi>, %select_n3A, %reduce_min3A [0] : vector<16x1024xi32> to vector<1024xi32>
    %broadcast_in_dim3A_9 = vector.shape_cast %reduce_min3A_8 : vector<1024xi32> to vector<1x1024xi32>
    %eq3A_10 = vector.broadcast %broadcast_in_dim3A_9 : vector<1x1024xi32> to vector<16x1024xi32>
    %eq3A_11 = arith.cmpi eq, %iota3A, %eq3A_10 : vector<16x1024xi32>
    %jit3A_12 = arith.constant 0xFF800000 : f32
    %broadcast_in_dim3A_13 = vector.broadcast %jit3A_12 : f32 to vector<16x1024xf32>
    %select_n3A_14 = arith.select %eq3A_11, %broadcast_in_dim3A_13, %transpose3A : vector<16x1024xi1>, vector<16x1024xf32>
    %reduce_max3A_15 = arith.constant dense<0xFF800000> : vector<1024xf32>
    %reduce_max3A_16 = vector.multi_reduction <maximumf>, %select_n3A_14, %reduce_max3A_15 [0] : vector<16x1024xf32> to vector<1024xf32>
    %broadcast_in_dim3A_17 = vector.shape_cast %reduce_max3A_16 : vector<1024xf32> to vector<1x1024xf32>
    %eq3A_18 = vector.broadcast %broadcast_in_dim3A_17 : vector<1x1024xf32> to vector<16x1024xf32>
    %eq3A_19 = arith.cmpf oeq, %select_n3A_14, %eq3A_18 : vector<16x1024xf32>
    %jit3A_20 = arith.constant 16 : i32
    %broadcast_in_dim3A_21 = vector.broadcast %jit3A_20 : i32 to vector<16x1024xi32>
    %select_n3A_22 = arith.select %eq3A_19, %iota3A, %broadcast_in_dim3A_21 : vector<16x1024xi1>, vector<16x1024xi32>
    %reduce_min3A_23 = arith.constant dense<2147483647> : vector<1024xi32>
    %reduce_min3A_24 = vector.multi_reduction <minsi>, %select_n3A_22, %reduce_min3A_23 [0] : vector<16x1024xi32> to vector<1024xi32>
    %broadcast_in_dim3A_25 = vector.shape_cast %reduce_min3A_24 : vector<1024xi32> to vector<1x1024xi32>
    %eq3A_26 = vector.broadcast %broadcast_in_dim3A_25 : vector<1x1024xi32> to vector<16x1024xi32>
    %eq3A_27 = arith.cmpi eq, %iota3A, %eq3A_26 : vector<16x1024xi32>
    %jit3A_28 = arith.constant 0xFF800000 : f32
    %broadcast_in_dim3A_29 = vector.broadcast %jit3A_28 : f32 to vector<16x1024xf32>
    %select_n3A_30 = arith.select %eq3A_27, %broadcast_in_dim3A_29, %select_n3A_14 : vector<16x1024xi1>, vector<16x1024xf32>
    %reduce_max3A_31 = arith.constant dense<0xFF800000> : vector<1024xf32>
    %reduce_max3A_32 = vector.multi_reduction <maximumf>, %select_n3A_30, %reduce_max3A_31 [0] : vector<16x1024xf32> to vector<1024xf32>
    %broadcast_in_dim3A_33 = vector.shape_cast %reduce_max3A_32 : vector<1024xf32> to vector<1x1024xf32>
    %sub3A = arith.subf %broadcast_in_dim3A_17, %broadcast_in_dim3A : vector<1x1024xf32>
    %exp3A = math.exp %sub3A : vector<1x1024xf32>
    %add3A = arith.constant 1.000000e+00 : f32
    %add3A_34 = vector.broadcast %add3A : f32 to vector<1x1024xf32>
    %add3A_35 = arith.addf %add3A_34, %exp3A : vector<1x1024xf32>
    %div3A = arith.constant 1.000000e+00 : f32
    %div3A_36 = vector.broadcast %div3A : f32 to vector<1x1024xf32>
    %div3A_37 = arith.divf %div3A_36, %add3A_35 : vector<1x1024xf32>
    %add3A_38 = arith.constant 1.000000e+00 : f32
    %add3A_39 = vector.broadcast %add3A_38 : f32 to vector<1x1024xf32>
    %add3A_40 = arith.addf %add3A_39, %exp3A : vector<1x1024xf32>
    %div3A_41 = arith.divf %exp3A, %add3A_40 : vector<1x1024xf32>
    %get3A_42 = arith.constant 0 : index
    %get3A_43 = arith.constant 0 : index
    %get3A_44 = vector.load %arg2[%get3A_42, %get3A_43] : memref<1024x16xf32, #tpu.memory_space<vmem>>, vector<1024x16xf32>
    %transpose3A_45 = tpu.transpose %get3A_44, [1, 0] : vector<1024x16xf32> -> vector<16x1024xf32>
    %get3A_46 = arith.constant 0 : index
    %get3A_47 = arith.constant 0 : index
    %get3A_48 = vector.load %arg3[%get3A_46, %get3A_47] : memref<1024x16xf32, #tpu.memory_space<vmem>>, vector<1024x16xf32>
    %transpose3A_49 = tpu.transpose %get3A_48, [1, 0] : vector<1024x16xf32> -> vector<16x1024xf32>
    %gt3A = vector.broadcast %broadcast_in_dim3A_33 : vector<1x1024xf32> to vector<16x1024xf32>
    %gt3A_50 = arith.cmpf ogt, %transpose3A, %gt3A : vector<16x1024xf32>
    %broadcast_in_dim3A_51 = vector.shape_cast %broadcast_in_dim3A_33 : vector<1x1024xf32> to vector<1x1024xf32>
    %broadcast_in_dim3A_52 = vector.broadcast %broadcast_in_dim3A_51 : vector<1x1024xf32> to vector<16x1024xf32>
    %broadcast_in_dim3A_53 = vector.shape_cast %broadcast_in_dim3A_17 : vector<1x1024xf32> to vector<1x1024xf32>
    %broadcast_in_dim3A_54 = vector.broadcast %broadcast_in_dim3A_53 : vector<1x1024xf32> to vector<16x1024xf32>
    %select_n3A_55 = arith.select %gt3A_50, %broadcast_in_dim3A_52, %broadcast_in_dim3A_54 : vector<16x1024xi1>, vector<16x1024xf32>
    %sub3A_56 = arith.subf %transpose3A_45, %select_n3A_55 : vector<16x1024xf32>
    %div3A_57 = arith.divf %sub3A_56, %transpose3A_49 : vector<16x1024xf32>
    %mul3A = arith.constant 0.707106769 : f32
    %mul3A_58 = vector.broadcast %mul3A : f32 to vector<16x1024xf32>
    %mul3A_59 = arith.mulf %div3A_57, %mul3A_58 : vector<16x1024xf32>
    %erf3A = math.erf %mul3A_59 : vector<16x1024xf32>
    %add3A_60 = arith.constant 1.000000e+00 : f32
    %add3A_61 = vector.broadcast %add3A_60 : f32 to vector<16x1024xf32>
    %add3A_62 = arith.addf %add3A_61, %erf3A : vector<16x1024xf32>
    %mul3A_63 = arith.constant 5.000000e-01 : f32
    %mul3A_64 = vector.broadcast %mul3A_63 : f32 to vector<16x1024xf32>
    %mul3A_65 = arith.mulf %mul3A_64, %add3A_62 : vector<16x1024xf32>
    %get3A_66 = arith.constant 0 : index
    %get3A_67 = vector.load %arg5[%get3A_66] : memref<16xf32, #tpu.memory_space<vmem>>, vector<16xf32>
    %reduce_sum3A = arith.constant dense<0.000000e+00> : vector<16xf32>
    %reduce_sum3A_68 = vector.multi_reduction <add>, %mul3A_65, %reduce_sum3A [1] : vector<16x1024xf32> to vector<16xf32>
    %add3A_69 = arith.addf %get3A_67, %reduce_sum3A_68 : vector<16xf32>
    %swap3A = arith.constant 0 : index
    %swap3A_70 = vector.load %arg5[%swap3A] : memref<16xf32, #tpu.memory_space<vmem>>, vector<16xf32>
    tpu.vector_store %arg5[%swap3A], %add3A_69 {strides = array<i32>} : memref<16xf32, #tpu.memory_space<vmem>>, vector<16xf32>,
    %min3A = arith.minsi %broadcast_in_dim3A_9, %broadcast_in_dim3A_25 : vector<1x1024xi32>
    %max3A = arith.maxsi %broadcast_in_dim3A_9, %broadcast_in_dim3A_25 : vector<1x1024xi32>
    %lt3A = arith.cmpi slt, %broadcast_in_dim3A_9, %broadcast_in_dim3A_25 : vector<1x1024xi32>
    %select_n3A_71 = arith.select %lt3A, %div3A_37, %div3A_41 : vector<1x1024xi1>, vector<1x1024xf32>
    %select_n3A_72 = arith.select %lt3A, %div3A_41, %div3A_37 : vector<1x1024xi1>, vector<1x1024xf32>
    %eq3A_73 = vector.broadcast %min3A : vector<1x1024xi32> to vector<16x1024xi32>
    %eq3A_74 = arith.cmpi eq, %iota3A, %eq3A_73 : vector<16x1024xi32>
    %convert_element_type3A_75 = arith.extui %eq3A_74 : vector<16x1024xi1> to vector<16x1024xi32>
    %convert_element_type3A_76 = arith.sitofp %convert_element_type3A_75 : vector<16x1024xi32> to vector<16x1024xf32>
    %eq3A_77 = vector.broadcast %max3A : vector<1x1024xi32> to vector<16x1024xi32>
    %eq3A_78 = arith.cmpi eq, %iota3A, %eq3A_77 : vector<16x1024xi32>
    %convert_element_type3A_79 = arith.extui %eq3A_78 : vector<16x1024xi1> to vector<16x1024xi32>
    %convert_element_type3A_80 = arith.sitofp %convert_element_type3A_79 : vector<16x1024xi32> to vector<16x1024xf32>
    %add3A_81 = arith.addf %convert_element_type3A_76, %convert_element_type3A_80 : vector<16x1024xf32>
    %mul3A_82 = vector.broadcast %select_n3A_71 : vector<1x1024xf32> to vector<16x1024xf32>
    %mul3A_83 = arith.mulf %mul3A_82, %convert_element_type3A_76 : vector<16x1024xf32>
    %mul3A_84 = vector.broadcast %select_n3A_72 : vector<1x1024xf32> to vector<16x1024xf32>
    %mul3A_85 = arith.mulf %mul3A_84, %convert_element_type3A_80 : vector<16x1024xf32>
    %add3A_86 = arith.addf %mul3A_83, %mul3A_85 : vector<16x1024xf32>
    %transpose3A_87 = tpu.transpose %add3A_86, [1, 0] : vector<16x1024xf32> -> vector<1024x16xf32>
    %swap3A_88 = arith.constant 0 : index
    %swap3A_89 = arith.constant 0 : index
    %swap3A_90 = vector.load %arg4[%swap3A_88, %swap3A_89] : memref<1024x16xf32, #tpu.memory_space<vmem>>, vector<1024x16xf32>
    tpu.vector_store %arg4[%swap3A_88, %swap3A_89], %transpose3A_87 {strides = array<i32>} : memref<1024x16xf32, #tpu.memory_space<vmem>>, vector<1024x16xf32>,
    %gt3A_91 = arith.constant 0.000000e+00 : f32
    %gt3A_92 = vector.broadcast %gt3A_91 : f32 to vector<1x1024xf32>
    %gt3A_93 = arith.cmpf ogt, %select_n3A_71, %gt3A_92 : vector<1x1024xf32>
    %convert_element_type3A_94 = arith.extui %gt3A_93 : vector<1x1024xi1> to vector<1x1024xi32>
    %convert_element_type3A_95 = arith.sitofp %convert_element_type3A_94 : vector<1x1024xi32> to vector<1x1024xf32>
    %mul3A_96 = vector.broadcast %convert_element_type3A_95 : vector<1x1024xf32> to vector<16x1024xf32>
    %mul3A_97 = arith.mulf %mul3A_96, %convert_element_type3A_76 : vector<16x1024xf32>
    %gt3A_98 = arith.constant 0.000000e+00 : f32
    %gt3A_99 = vector.broadcast %gt3A_98 : f32 to vector<1x1024xf32>
    %gt3A_100 = arith.cmpf ogt, %select_n3A_72, %gt3A_99 : vector<1x1024xf32>
    %convert_element_type3A_101 = arith.extui %gt3A_100 : vector<1x1024xi1> to vector<1x1024xi32>
    %convert_element_type3A_102 = arith.sitofp %convert_element_type3A_101 : vector<1x1024xi32> to vector<1x1024xf32>
    %mul3A_103 = vector.broadcast %convert_element_type3A_102 : vector<1x1024xf32> to vector<16x1024xf32>
    %mul3A_104 = arith.mulf %mul3A_103, %convert_element_type3A_80 : vector<16x1024xf32>
    %add3A_105 = arith.addf %mul3A_97, %mul3A_104 : vector<16x1024xf32>
    %reduce_sum3A_106 = arith.constant dense<0.000000e+00> : vector<16xf32>
    %reduce_sum3A_107 = vector.multi_reduction <add>, %add3A_105, %reduce_sum3A_106 [1] : vector<16x1024xf32> to vector<16xf32>
    %get3A_108 = arith.constant 0 : index
    %get3A_109 = vector.load %arg6[%get3A_108] : memref<16xi32, #tpu.memory_space<vmem>>, vector<16xi32>
    %convert_element_type3A_110 = arith.fptosi %reduce_sum3A_107 : vector<16xf32> to vector<16xi32>
    %add3A_111 = arith.addi %get3A_109, %convert_element_type3A_110 : vector<16xi32>
    %swap3A_112 = arith.constant 0 : index
    %swap3A_113 = vector.load %arg6[%swap3A_112] : memref<16xi32, #tpu.memory_space<vmem>>, vector<16xi32>
    tpu.vector_store %arg6[%swap3A_112], %add3A_111 {strides = array<i32>} : memref<16xi32, #tpu.memory_space<vmem>>, vector<16xi32>,
    %convert_element_type3A_114 = arith.truncf %add3A_81 : vector<16x1024xf32> to vector<16x1024xbf16>
    %get3A_115 = arith.constant 0 : index
    %get3A_116 = arith.constant 0 : index
    %get3A_117 = vector.load %arg15[%get3A_115, %get3A_116] : memref<1024x1024xbf16, #tpu.memory_space<vmem>>, vector<1024x1024xbf16>
    %dot_general3A = arith.constant dense<0.000000e+00> : vector<16x1024xf32>
    %dot_general3A_118 = tpu.matmul %convert_element_type3A_114, %get3A_117, %dot_general3A {dimension_numbers = #tpu.dot_dimension_numbers<[1], [0], [0], [1], [0, 0, 1, 1], [], []>, transpose_lhs_hint = false} : vector<16x1024xbf16>, vector<1024x1024xbf16>, vector<16x1024xf32> -> vector<16x1024xf32>
    %get3A_119 = arith.constant 0 : index
    %get3A_120 = arith.constant 0 : index
    %get3A_121 = vector.load %arg7[%get3A_119, %get3A_120] : memref<16x1xi32, #tpu.memory_space<vmem>>, vector<16x1xi32>
    %convert_element_type3A_122 = arith.sitofp %get3A_121 : vector<16x1xi32> to vector<16x1xf32>
    %add3A_123 = vector.broadcast %convert_element_type3A_122 : vector<16x1xf32> to vector<16x1024xf32>
    %add3A_124 = arith.addf %dot_general3A_118, %add3A_123 : vector<16x1024xf32>
    %mul3A_125 = arith.mulf %convert_element_type3A_76, %add3A_124 : vector<16x1024xf32>
    %reduce_sum3A_126 = arith.constant dense<0.000000e+00> : vector<1024xf32>
    %reduce_sum3A_127 = vector.multi_reduction <add>, %mul3A_125, %reduce_sum3A_126 [0] : vector<16x1024xf32> to vector<1024xf32>
    %mul3A_128 = arith.mulf %convert_element_type3A_80, %add3A_124 : vector<16x1024xf32>
    %reduce_sum3A_129 = arith.constant dense<0.000000e+00> : vector<1024xf32>
    %reduce_sum3A_130 = vector.multi_reduction <add>, %mul3A_128, %reduce_sum3A_129 [0] : vector<16x1024xf32> to vector<1024xf32>
    %get3A_131 = arith.constant 0 : index
    %get3A_132 = arith.constant 0 : index
    %get3A_133 = vector.load %arg7[%get3A_131, %get3A_132] : memref<16x1xi32, #tpu.memory_space<vmem>>, vector<16x1xi32>
    %reduce_sum3A_134 = arith.constant dense<0.000000e+00> : vector<16xf32>
    %reduce_sum3A_135 = vector.multi_reduction <add>, %add3A_81, %reduce_sum3A_134 [1] : vector<16x1024xf32> to vector<16xf32>
    %broadcast_in_dim3A_136 = vector.shape_cast %reduce_sum3A_135 : vector<16xf32> to vector<16x1xf32>
    %convert_element_type3A_137 = arith.fptosi %broadcast_in_dim3A_136 : vector<16x1xf32> to vector<16x1xi32>
    %add3A_138 = arith.addi %get3A_133, %convert_element_type3A_137 : vector<16x1xi32>
    %swap3A_139 = arith.constant 0 : index
    %swap3A_140 = arith.constant 0 : index
    %swap3A_141 = vector.load %arg7[%swap3A_139, %swap3A_140] : memref<16x1xi32, #tpu.memory_space<vmem>>, vector<16x1xi32>
    tpu.vector_store %arg7[%swap3A_139, %swap3A_140], %add3A_138 {strides = array<i32>} : memref<16x1xi32, #tpu.memory_space<vmem>>, vector<16x1xi32>,
    %convert_element_type3A_142 = arith.fptosi %reduce_sum3A_127 : vector<1024xf32> to vector<1024xi32>
    %swap3A_143 = arith.constant 0 : index
    %swap3A_144 = vector.load %arg9[%swap3A_143] : memref<1024xi32, #tpu.memory_space<vmem>>, vector<1024xi32>
    tpu.vector_store %arg9[%swap3A_143], %convert_element_type3A_142 {strides = array<i32>} : memref<1024xi32, #tpu.memory_space<vmem>>, vector<1024xi32>,
    %convert_element_type3A_145 = arith.fptosi %reduce_sum3A_130 : vector<1024xf32> to vector<1024xi32>
    %swap3A_146 = arith.constant 0 : index
    %swap3A_147 = vector.load %arg10[%swap3A_146] : memref<1024xi32, #tpu.memory_space<vmem>>, vector<1024xi32>
    tpu.vector_store %arg10[%swap3A_146], %convert_element_type3A_145 {strides = array<i32>} : memref<1024xi32, #tpu.memory_space<vmem>>, vector<1024xi32>,
    %squeeze3A = vector.shape_cast %min3A : vector<1x1024xi32> to vector<1024xi32>
    %swap3A_148 = arith.constant 0 : index
    %swap3A_149 = vector.load %arg11[%swap3A_148] : memref<1024xi32, #tpu.memory_space<vmem>>, vector<1024xi32>
    tpu.vector_store %arg11[%swap3A_148], %squeeze3A {strides = array<i32>} : memref<1024xi32, #tpu.memory_space<vmem>>, vector<1024xi32>,
    %squeeze3A_150 = vector.shape_cast %max3A : vector<1x1024xi32> to vector<1024xi32>
    %swap3A_151 = arith.constant 0 : index
    %swap3A_152 = vector.load %arg12[%swap3A_151] : memref<1024xi32, #tpu.memory_space<vmem>>, vector<1024xi32>
    tpu.vector_store %arg12[%swap3A_151], %squeeze3A_150 {strides = array<i32>} : memref<1024xi32, #tpu.memory_space<vmem>>, vector<1024xi32>,
    %squeeze3A_153 = vector.shape_cast %select_n3A_71 : vector<1x1024xf32> to vector<1024xf32>
    %swap3A_154 = arith.constant 0 : index
    %swap3A_155 = vector.load %arg13[%swap3A_154] : memref<1024xf32, #tpu.memory_space<vmem>>, vector<1024xf32>
    tpu.vector_store %arg13[%swap3A_154], %squeeze3A_153 {strides = array<i32>} : memref<1024xf32, #tpu.memory_space<vmem>>, vector<1024xf32>,
    %squeeze3A_156 = vector.shape_cast %select_n3A_72 : vector<1x1024xf32> to vector<1024xf32>
    %swap3A_157 = arith.constant 0 : index
    %swap3A_158 = vector.load %arg14[%swap3A_157] : memref<1024xf32, #tpu.memory_space<vmem>>, vector<1024xf32>
    tpu.vector_store %arg14[%swap3A_157], %squeeze3A_156 {strides = array<i32>} : memref<1024xf32, #tpu.memory_space<vmem>>, vector<1024xf32>,
    %eq3A_159 = arith.constant 7 : i32
    %eq3A_160 = arith.cmpi eq, %arg0, %eq3A_159 : i32
    %convert_element_type3A_161 = arith.extui %eq3A_160 : i1 to i32
    %cond3A_162 = arith.constant 0 : i32
    %cond3A_163 = arith.cmpi ne, %convert_element_type3A_161, %cond3A_162 : i32
    scf.if %cond3A_163 {
      %get3A_164 = arith.constant 0 : index
      %get3A_165 = arith.constant 0 : index
      %get3A_166 = vector.load %arg7[%get3A_164, %get3A_165] : memref<16x1xi32, #tpu.memory_space<vmem>>, vector<16x1xi32>
      %broadcast_in_dim3A_167 = arith.constant 0 : i32
      %broadcast_in_dim3A_168 = vector.broadcast %broadcast_in_dim3A_167 : i32 to vector<16x1xi32>
      %slice3A = vector.extract_strided_slice %broadcast_in_dim3A_168 {offsets = [0, 0], sizes = [1, 1], strides = [1, 1]} : vector<16x1xi32> to vector<1x1xi32>
      %slice3A_169 = vector.extract_strided_slice %get3A_166 {offsets = [0, 0], sizes = [15, 1], strides = [1, 1]} : vector<16x1xi32> to vector<15x1xi32>
      %concatenate3A = tpu.concatenate %slice3A, %slice3A_169 in 0 : vector<1x1xi32>, vector<15x1xi32> -> vector<16x1xi32>
      %add3A_170 = arith.addi %get3A_166, %concatenate3A : vector<16x1xi32>
      %slice3A_171 = vector.extract_strided_slice %broadcast_in_dim3A_168 {offsets = [0, 0], sizes = [2, 1], strides = [1, 1]} : vector<16x1xi32> to vector<2x1xi32>
      %slice3A_172 = vector.extract_strided_slice %add3A_170 {offsets = [0, 0], sizes = [14, 1], strides = [1, 1]} : vector<16x1xi32> to vector<14x1xi32>
      %concatenate3A_173 = tpu.concatenate %slice3A_171, %slice3A_172 in 0 : vector<2x1xi32>, vector<14x1xi32> -> vector<16x1xi32>
      %add3A_174 = arith.addi %add3A_170, %concatenate3A_173 : vector<16x1xi32>
      %slice3A_175 = vector.extract_strided_slice %broadcast_in_dim3A_168 {offsets = [0, 0], sizes = [4, 1], strides = [1, 1]} : vector<16x1xi32> to vector<4x1xi32>
      %slice3A_176 = vector.extract_strided_slice %add3A_174 {offsets = [0, 0], sizes = [12, 1], strides = [1, 1]} : vector<16x1xi32> to vector<12x1xi32>
      %concatenate3A_177 = tpu.concatenate %slice3A_175, %slice3A_176 in 0 : vector<4x1xi32>, vector<12x1xi32> -> vector<16x1xi32>
      %add3A_178 = arith.addi %add3A_174, %concatenate3A_177 : vector<16x1xi32>
      %slice3A_179 = vector.extract_strided_slice %broadcast_in_dim3A_168 {offsets = [0, 0], sizes = [8, 1], strides = [1, 1]} : vector<16x1xi32> to vector<8x1xi32>
      %slice3A_180 = vector.extract_strided_slice %add3A_178 {offsets = [0, 0], sizes = [8, 1], strides = [1, 1]} : vector<16x1xi32> to vector<8x1xi32>
      %concatenate3A_181 = tpu.concatenate %slice3A_179, %slice3A_180 in 0 : vector<8x1xi32>, vector<8x1xi32> -> vector<16x1xi32>
      %add3A_182 = arith.addi %add3A_178, %concatenate3A_181 : vector<16x1xi32>
      %sub3A_183 = arith.subi %add3A_182, %get3A_166 : vector<16x1xi32>
      %squeeze3A_184 = vector.shape_cast %sub3A_183 : vector<16x1xi32> to vector<16xi32>
      %swap3A_185 = arith.constant 0 : index
      %swap3A_186 = vector.load %arg8[%swap3A_185] : memref<16xi32, #tpu.memory_space<vmem>>, vector<16xi32>
      tpu.vector_store %arg8[%swap3A_185], %squeeze3A_184 {strides = array<i32>} : memref<16xi32, #tpu.memory_space<vmem>>, vector<16xi32>,
    } else {
    }
    return
  }
  func.func @transform_0(%arg0: i32) -> (i32, i32) {
    %c0_i32 = arith.constant 0 : i32
    %c0_i32_0 = arith.constant 0 : i32
    return %arg0, %c0_i32 : i32, i32
  }
  func.func @transform_1(%arg0: i32) -> (i32, i32) {
    %c0_i32 = arith.constant 0 : i32
    %c0_i32_0 = arith.constant 0 : i32
    return %arg0, %c0_i32 : i32, i32
  }
  func.func @transform_2(%arg0: i32) -> (i32, i32) {
    %c0_i32 = arith.constant 0 : i32
    %c0_i32_0 = arith.constant 0 : i32
    return %arg0, %c0_i32 : i32, i32
  }
  func.func @transform_3(%arg0: i32) -> (i32, i32) {
    %c0_i32 = arith.constant 0 : i32
    %c0_i32_0 = arith.constant 0 : i32
    return %arg0, %c0_i32 : i32, i32
  }
  func.func @transform_4(%arg0: i32) -> i32 {
    %c0_i32 = arith.constant 0 : i32
    %c0_i32_0 = arith.constant 0 : i32
    return %c0_i32 : i32
  }
  func.func @transform_5(%arg0: i32) -> i32 {
    %c0_i32 = arith.constant 0 : i32
    %c0_i32_0 = arith.constant 0 : i32
    return %c0_i32 : i32
  }
  func.func @transform_6(%arg0: i32) -> (i32, i32) {
    %c0_i32 = arith.constant 0 : i32
    %c0_i32_0 = arith.constant 0 : i32
    %c0_i32_1 = arith.constant 0 : i32
    return %c0_i32, %c0_i32_0 : i32, i32
  }
  func.func @transform_7(%arg0: i32) -> i32 {
    %c0_i32 = arith.constant 0 : i32
    %c0_i32_0 = arith.constant 0 : i32
    return %c0_i32 : i32
  }
  func.func @transform_8(%arg0: i32) -> i32 {
    %c0_i32 = arith.constant 0 : i32
    return %arg0 : i32
  }
  func.func @transform_9(%arg0: i32) -> i32 {
    %c0_i32 = arith.constant 0 : i32
    return %arg0 : i32
  }
  func.func @transform_10(%arg0: i32) -> i32 {
    %c0_i32 = arith.constant 0 : i32
    return %arg0 : i32
  }
  func.func @transform_11(%arg0: i32) -> i32 {
    %c0_i32 = arith.constant 0 : i32
    return %arg0 : i32
  }
  func.func @transform_12(%arg0: i32) -> i32 {
    %c0_i32 = arith.constant 0 : i32
    return %arg0 : i32
  }
  func.func @transform_13(%arg0: i32) -> i32 {
    %c0_i32 = arith.constant 0 : i32
    return %arg0 : i32
  }
}

</mosaic_0001>

<sc_bundles>
// kernel: kernel.4.cloned.1.call-start
scs
__scs_entry_jumppad:
0x0: {  	(pc) =	sbr.rel $0x88, $3  }
0x1: {  	(tag) =	ssettag $0x0;
	lr =	simm.s32 $0x1  }
0x2: {  	[smem:$0x3F9D] =	sst lr;
	_ =	strace $0xD0000000  }
0x3: {  	_ = 	snop  }
0x4: {  	_ = 	snop  }
0x5: {  	_ = 	snop  }
0x6: {  	_ = 	snop  }
0x7: {  	_ = 	snop  }
__scs_overlays_trampoline_lowered:
0x8: {  	[smem:$0x3FAC] =	sst s0  }
0x9: {  	[smem:$0x3FAD] =	sst s1  }
0xa: {  	[smem:$0x3FAE] =	sst s2  }
0xb: {  	[smem:$0x3FAF] =	sst s3  }
0xc: {  	[smem:$0x3FB0] =	sst s4  }
0xd: {  	[smem:$0x3FB1] =	sst s5  }
0xe: {  	[smem:$0x3FB2] =	sst s6  }
0xf: {  	[smem:$0x3FB3] =	sst s7  }
0x10: {  	[smem:$0x3FB4] =	sst s8  }
0x11: {  	[smem:$0x3FB5] =	sst s9;
	s0 =	simm.s32 @!p0 $0x0  }
0x12: {  	s1 =	sld [smem:$0x3F9B];
	s0 =	simm.s32 @p0 $0x1  }
0x13: {  	[smem:$0x3FB6] =	sst s0;
	s0 =	simm.s32 @!p1 $0x0  }
0x14: {  	s2 =	sld [smem:$0x3F9A];
	s0 =	simm.s32 @p1 $0x1  }
0x15: {  	[smem:$0x3FB7] =	sst s0;
	s0 =	simm.s32 @!p2 $0x0  }
0x16: {  	s3 =	sld [smem:$0x3FDB];
	s0 =	simm.s32 @p2 $0x1  }
0x17: {  	s4 =	simm.s32 $0x1BF5;
	[smem:$0x3FB9] =	sst s0  }
0x18: {  	s0 =	sld [smem:$0x3F9C];
	_ =	swait.ge [sflag:s4], $0x0  }
0x19: {  	s7 =	sld [smem:$0x3F9D]  }
0x1a: {  	s8 =	sadd.s32 $0xFFFFE003, lr  }
0x1b: {  	s9 =	sadd.s32 $0xFFFFFEF7, lr;
	s5 =	simm.s32 $0xFFFFFFFF;
	p2 =	slt.u32 s8, $0xFFFFF086  }
0x1c: {  	p1 =	slt.u32 s9, $0xF7A;
	s5 =	simm.s32 @!p2 $0x0  }
0x1d: {  	s5 =	simm.s32 @p1 $0x1;
	p0 =	seq.s32 s7, s2  }
0x1e: {  	s7 =	smul.u32 @!p0 $0xF7A, s2;
	p2 =	seq.s32 @!p0 s5, $0x0  }
0x1f: {  	s9 =	smul.u32 $0xF7A, s1;
	s8 =	simm.s32 @!p0 $0x1BF5;
	p2 =	por !p2, p0  }
0x20: {  	[sflag:s8] =	ssyncset.s32 @!p0 $0xFFFFF086;
	s6 =	sadd.s32 @!p0 s3, s7;
	s7 =	simm.s32 @!p0 $0x108  }
0x21: {  	s3 =	sadd.s32 s3, s9;
	s6 =	sadd.s32 @!p0 $0x88, s6;
	s7 =	simm.s32 @p2 $0x1082  }
0x22: {  	[simem:s7], [sflag:s8] =	dma.local @!p0 [hbm:s6], $0xF7A  }
0x23: {  	s9 =	sor.u32 $0xD0000000, s2;
	s6 =	simm.s32 $0x108;
	_ =	swait.ge @!p0 [sflag:s8], $0x0  }
0x24: {  	s3 =	sadd.s32 $0x88, s3;
	s6 =	simm.s32 @!p1 $0x1082;
	[sflag:s4] =	ssyncset.s32 $0xFFFFF086  }
0x25: {  	[simem:s6], [sflag:s4] =	dma.local [hbm:s3], $0xF7A  }
0x26: {  	[smem:$0x3F9D] =	sst s1;
	(tag) =	ssettag s2;
	_ =	strace s9  }
0x27: {  	s1 =	sld [smem:$0x3FAD]  }
0x28: {  	s2 =	sld [smem:$0x3FAE]  }
0x29: {  	s4 =	sld [smem:$0x3FB0]  }
0x2a: {  	p0 =	seq.s32 s5, $0x0;
	s5 =	sld [smem:$0x3FB1]  }
0x2b: {  	s6 =	sld [smem:$0x3FB2]  }
0x2c: {  	s7 =	sld [smem:$0x3FB3]  }
0x2d: {  	s3 =	simm.s32 $0x108;
	s8 =	sld [smem:$0x3FB4]  }
0x2e: {  	s3 =	simm.s32 @!p0 $0x1082;
	s9 =	sld [smem:$0x3FB5]  }
0x2f: {  	lr =	sadd.s32 s0, s3;
	s0 =	sld [smem:$0x3FAC]  }
0x30: {  	s3 =	sld [smem:$0x3FAF]  }
0x31: {  	[smem:$0x3FB8] =	sst s10  }
0x32: {  	s10 =	sld [smem:$0x3FB6];
	_ =	sdelay $0x3  }
0x33: {  	p0 =	seq.s32 s10, $0x1;
	s10 =	sld [smem:$0x3FB8];
	_ =	sdelay $0x3  }
0x34: {  	[smem:$0x3FB8] =	sst s10  }
0x35: {  	s10 =	sld [smem:$0x3FB7];
	_ =	sdelay $0x3  }
0x36: {  	p1 =	seq.s32 s10, $0x1;
	s10 =	sld [smem:$0x3FB8];
	_ =	sdelay $0x3  }
0x37: {  	[smem:$0x3FB8] =	sst s10  }
0x38: {  	s10 =	sld [smem:$0x3FB9]  }
0x39: {  	_ = 	snop;
	(pc) =	sbr.ind lr, $3  }
0x3a: {  	_ = 	snop  }
0x3b: {  	_ = 	snop  }
0x3c: {  	p2 =	seq.s32 s10, $0x1;
	s10 =	sld [smem:$0x3FB8]  }
0x3d: {  	_ =	shalt  }
0x3e: {  	_ =	shalt  }
0x3f: {  	_ =	shalt  }
0x40: {  	_ =	shalt  }
0x41: {  	_ =	shalt  }
0x42: {  	_ =	shalt  }
0x43: {  	_ =	shalt  }
0x44: {  	_ =	shalt  }
0x45: {  	_ =	shalt  }
0x46: {  	_ =	shalt  }
0x47: {  	_ =	shalt  }
0x48: {  	_ =	shalt  }
0x49: {  	_ =	shalt  }
0x4a: {  	_ =	shalt  }
0x4b: {  	_ =	shalt  }
0x4c: {  	_ =	shalt  }
0x4d: {  	_ =	shalt  }
0x4e: {  	_ =	shalt  }
0x4f: {  	_ =	shalt  }
0x50: {  	_ =	shalt  }
0x51: {  	_ =	shalt  }
0x52: {  	_ =	shalt  }
0x53: {  	_ =	shalt  }
0x54: {  	_ =	shalt  }
0x55: {  	_ =	shalt  }
0x56: {  	_ =	shalt  }
0x57: {  	_ =	shalt  }
0x58: {  	_ =	shalt  }
0x59: {  	_ =	shalt  }
0x5a: {  	_ =	shalt  }
0x5b: {  	_ =	shalt  }
0x5c: {  	_ =	shalt  }
0x5d: {  	_ =	shalt  }
0x5e: {  	_ =	shalt  }
0x5f: {  	_ =	shalt  }
0x60: {  	_ =	shalt  }
0x61: {  	_ =	shalt  }
0x62: {  	_ =	shalt  }
0x63: {  	_ =	shalt  }
0x64: {  	_ =	shalt  }
0x65: {  	_ =	shalt  }
0x66: {  	_ =	shalt  }
0x67: {  	_ =	shalt  }
0x68: {  	_ =	shalt  }
0x69: {  	_ =	shalt  }
0x6a: {  	_ =	shalt  }
0x6b: {  	_ =	shalt  }
0x6c: {  	_ =	shalt  }
0x6d: {  	_ =	shalt  }
0x6e: {  	_ =	shalt  }
0x6f: {  	_ =	shalt  }
0x70: {  	_ =	shalt  }
0x71: {  	_ =	shalt  }
0x72: {  	_ =	shalt  }
0x73: {  	_ =	shalt  }
0x74: {  	_ =	shalt  }
0x75: {  	_ =	shalt  }
0x76: {  	_ =	shalt  }
0x77: {  	_ =	shalt  }
0x78: {  	_ =	shalt  }
0x79: {  	_ =	shalt  }
0x7a: {  	_ =	shalt  }
0x7b: {  	_ =	shalt  }
0x7c: {  	_ =	shalt  }
0x7d: {  	_ =	shalt  }
0x7e: {  	_ =	shalt  }
0x7f: {  	_ =	shalt  }
0x80: {  	_ =	shalt  }
0x81: {  	_ =	shalt  }
0x82: {  	_ =	shalt  }
0x83: {  	_ =	shalt  }
0x84: {  	_ =	shalt  }
0x85: {  	_ =	shalt  }
0x86: {  	_ =	shalt  }
0x87: {  	_ =	shalt  }
.Lfunc_end0:
.L_simem_size_0:
called_computation_lowered:
.L_overlay_start_0:
0x88: {  	s2 =	sld [smem:$0x3FD9]  }
0x89: {  	s3 =	sld [smem:$0x3FFE];
	_ =	sdelay $0x1  }
0x8a: {  	s1 =	srdreg.scid  }
0x8b: {  	s0 =	sand.u32 $0x1, s1  }
0x8c: {  	s14 =	sshll.u32 s0, $0xA;
	s2 =	sadd.s32 s3, s2  }
0x8d: {  	s2 =	sadd.s32 s2, s14  }
0x8e: {  	[smem:$0x3FC4] =	sst s2  }
0x8f: {  	_ = 	snop  }
0x90: {  	s2 =	sld [smem:$0x3FD0];
	_ =	sdelay $0x2  }
0x91: {  	s4 =	simm.s32 $0xA;
	s5 =	simm.s32 $0x10;
	s15 =	sld [smem:$0x3FC9]  }
0x92: {  	[smem:s5], [sflag:s4] =	dma.local [hbm:s2], $0x1  }
0x93: {  	_ =	swait.eq [sflag:s4], $0x1  }
0x94: {  	s16 =	sld [smem:$0x11];
	[sflag:s4] =	ssyncset.done $0x0  }
0x95: {  	s17 =	sld [smem:$0x12];
	[sflag:s4] =	ssyncadd.s32 $0xFFFFFFFF  }
0x96: {  	s18 =	sld [smem:$0x13];
	(tm) =	ssettm $0x1  }
0x97: {  	s6 =	sld [smem:$0x3FFB];
	_ =	sdelay $0x3  }
0x98: {  	_ =	strace s6  }
0x99: {  	s6 =	sld [smem:$0x3FFC];
	_ =	sdelay $0x3  }
0x9a: {  	_ =	strace s6  }
0x9b: {  	s6 =	sld [smem:$0x3FFD];
	_ =	sdelay $0x3  }
0x9c: {  	_ =	strace s6  }
0x9d: {  	_ =	strace $0x8FFFFFFF  }
0x9e: {  	s19 =	sld [smem:$0x3FDB];
	_ =	sdelay $0x1  }
0x9f: {  	s7 =	simm.s32 $_scs_section_size  }
0xa0: {  	s8 =	simm.s32 $_size__tile_overlayer_lowered;
	s9 =	simm.s32 $_tile_overlayer_lowered  }
0xa1: {  	s22 =	simm.s32 $0x1BFF;
	s21 =	sshll.u32 s9, $0x1;
	s6 =	sadd.s32 s7, s19  }
0xa2: {  	s10 =	simm.s32 $0x0;
	s20 =	sshll.u32 s8, $0x1;
	s8 =	sadd.s32 s21, s6  }
0xa3: {  	[timem:s10], [sflag:s22] =	dma.local [hbm:s8], s20  }
0xa4: {  	_ =	swait.ge [sflag:s22], s20  }
0xa5: {  	s7 =	ssub.s32 $0x0, s20;
	[sflag:s22] =	ssyncset.done $0x0  }
0xa6: {  	[sflag:s22] =	ssyncadd.s32 s7;
	_ =	sdelay $0x1  }
0xa7: {  	s23 =	simm.s32 $0x1B8B  }
0xa8: {  	_ =	swait.ge [sflag:s23], $0x1  }
0xa9: {  	[sflag:s23] =	ssyncset.done $0x0  }
0xaa: {  	s25 =	simm.s32 $0x1B8E;
	s24 =	sld [smem:$0x3FFE];
	[sflag:s23] =	ssyncadd.s32 $0xFFFFFFFF  }
0xab: {  	s26 =	simm.s32 $execute0_lowered;
	[smem:$0x3FD2] =	sst s25  }
0xac: {  	s8 =	sshll.u32 s26, $0x1;
	_ =	strace $0x80000046;
	[dreg:$0x1] =	wrdreg $0xFFFFFFFF  }
0xad: {  	s28 =	simm.s32 $_size_execute0_lowered;
	s6 =	sadd.s32 s6, s8;
	[dreg:$0x0] =	wrdreg $0x0  }
0xae: {  	s8 =	sshll.u32 s28, $0x1;
	[dreg:$0x2] =	wrdreg s6  }
0xaf: {  	[dreg:$0x3] =	wrdreg s8  }
0xb0: {  	[dreg:$0x4] =	wrdreg $0xC0  }
0xb1: {  	_ =	task [dreg:s10], $0x5FFFF  }
0xb2: {  	[dreg:$0x1] =	wrdreg $0xFFFFFFFF  }
0xb3: {  	[dreg:$0x0] =	wrdreg $0x60  }
0xb4: {  	[dreg:$0x2] =	wrdreg s15  }
0xb5: {  	[dreg:$0x3] =	wrdreg s24  }
0xb6: {  	[dreg:$0x4] =	wrdreg s16  }
0xb7: {  	[dreg:$0x5] =	wrdreg s17  }
0xb8: {  	[dreg:$0x6] =	wrdreg s18  }
0xb9: {  	[dreg:$0x7] =	wrdreg $0x9  }
0xba: {  	_ =	task.clear_ibuf [dreg:s10], $0x8FFFF;
	_ =	strace $0x90000046  }
0xbb: {  	s29 =	simm.s32 $0x9;
	_ =	strace $0x80000048  }
0xbc: {  	_ =	swait.ge [sflag:s29], $0x1  }
0xbd: {  	[sflag:s29] =	ssyncadd.s32 $0xFFFFFFFF  }
0xbe: {  	_ =	strace $0x90000048  }
0xbf: {  	_ =	sfence  }
0xc0: {  	s30 =	sld [smem:$0x0];
	_ =	sdelay $0x2  }
0xc1: {  	s31 =	sshll.u32 s1, $0xD;
	s1 =	sshrl.u32 s1, $0x2  }
0xc2: {  	s3 =	sand.u32 $0x4000, s31;
	s1 =	sadd.s32 s1, s30  }
0xc3: {  	s0 =	sor.u32 s3, s0;
	s1 =	sshll.u32 s1, $0x11  }
0xc4: {  	s0 =	sor.u32 s1, s0  }
0xc5: {  	s0 =	sadd.s32 $0x8F2B, s0  }
0xc6: {  	[sflag:s0] =	ssyncadd.remote.s32 $0x1  }
0xc7: {  	_ =	sfence.sel $0xFFFF  }
0xc8: {  	[dreg:$0x0] =	wrdreg $0xFFFFFFFF;
	(pc) =	sbr.abs _section_cstart, $3  }
0xc9: {  	[dreg:$0x1] =	wrdreg $0xFFFFFFFF  }
0xca: {  	_ =	task.clear_ibuf [dreg:s10], $0x2FFFF;
	_ =	strace $0x9FFFFFFF  }
0xcb: {  	(tm) =	ssettm $0x7FFFFFFF  }
tec
execute0_lowered:
.L_overlay_start_1:
0x0: {  	(tag) =	ssettag $0x1  }
0x1: {  	s0 =	rddreg [dreg:$0x0]  }
0x2: {  	s2 =	rddreg [dreg:$0x1]  }
0x3: {  	s15 =	rddreg [dreg:$0x2];
	s4 =	simm.s32 $0x0  }
0x4: {  	[smem:$0x7FF] =	sst s4;
	s3 =	sadd.s32 $0x3400, s2  }
0x5: {  	s6 =	sadd.s32 $0x2C00, s2;
	_ =	strace $0x80000047;
	[dreg:$0x6] =	wrdreg s3  }
0x6: {  	s29 =	sadd.s32 $0x3000, s2;
	[dreg:$0xa] =	wrdreg s6  }
0x7: {  	s8 =	sadd.s32 $0x1C00, s2;
	[dreg:$0xb] =	wrdreg s29  }
0x8: {  	s9 =	sadd.s32 $0x2000, s2;
	[dreg:$0x7] =	wrdreg s8  }
0x9: {  	s10 =	sadd.s32 $0x2400, s2;
	[dreg:$0x8] =	wrdreg s9  }
0xa: {  	s11 =	sadd.s32 $0x2800, s2;
	[dreg:$0x9] =	wrdreg s10  }
0xb: {  	s14 =	sadd.s32 $0x1D00, s2;
	[smem:$0x7ED] =	sst s11  }
0xc: {  	s16 =	sadd.s32 $0x2500, s2;
	[dreg:$0xc] =	wrdreg s14  }
0xd: {  	s17 =	sadd.s32 $0x2D00, s2;
	[dreg:$0xd] =	wrdreg s16  }
0xe: {  	s18 =	sadd.s32 $0x1E00, s2;
	[dreg:$0xe] =	wrdreg s17  }
0xf: {  	s19 =	sadd.s32 $0x2600, s2;
	[dreg:$0xf] =	wrdreg s18  }
0x10: {  	s20 =	sadd.s32 $0x2E00, s2;
	[dreg:$0x10] =	wrdreg s19  }
0x11: {  	s21 =	sadd.s32 $0x1F00, s2;
	[dreg:$0x11] =	wrdreg s20  }
0x12: {  	s26 =	srdreg.scid;
	s22 =	sadd.s32 $0x2700, s2;
	[dreg:$0x12] =	wrdreg s21  }
0x13: {  	s5 =	stileid.u32;
	s23 =	sadd.s32 $0x2F00, s2;
	[dreg:$0x13] =	wrdreg s22  }
0x14: {  	s5 =	sshll.u32 s5, $0x1;
	s24 =	sadd.s32 $0x2100, s2;
	[dreg:$0x14] =	wrdreg s23  }
0x15: {  	s25 =	sadd.s32 $0x2900, s2;
	s3 =	sand.u32 $0x1, s26;
	[dreg:$0x15] =	wrdreg s24  }
0x16: {  	[dreg:$0x16] =	wrdreg s25;
	s26 =	sadd.s32 $0x3100, s2;
	s29 =	sadd.s32 $0x2A00, s2  }
0x17: {  	s28 =	ssub.s32 $0x2, s3;
	s3 =	sor.u32 s3, s5;
	[dreg:$0x17] =	wrdreg s26  }
0x18: {  	[dreg:$0x19] =	wrdreg s29;
	s7 =	sshll.u32 s3, $0x5;
	s13 =	sshll.u32 s3, $0x10  }
0x19: {  	p0 =	seq.s32 s3, $0x1;
	p1 =	sne.s32 s3, $0x0;
	s3 =	sadd.s32 $0x2300, s2  }
0x1a: {  	s8 =	sadd.s32 s8, s7;
	[dreg:$0x1b] =	wrdreg s3  }
0x1b: {  	s9 =	sadd.s32 s9, s7;
	[smem:$0x7EA] =	sst s8  }
0x1c: {  	s10 =	sadd.s32 s10, s7;
	[smem:$0x7EB] =	sst s9  }
0x1d: {  	s1 =	sshrl.u32 s28, $0x1;
	s12 =	sadd.s32 s11, s7;
	[smem:$0x7EC] =	sst s10  }
0x1e: {  	s5 =	ssub.s32 s28, s1;
	s28 =	sadd.s32 $0x2200, s2;
	[smem:$0x7EE] =	sst s12  }
0x1f: {  	s1 =	sadd.s32 $0x3200, s2;
	[dreg:$0x18] =	wrdreg s28  }
0x20: {  	s7 =	sadd.s32 $0x2B00, s2;
	[dreg:$0x1a] =	wrdreg s1  }
0x21: {  	s2 =	sadd.s32 $0x3300, s2;
	[dreg:$0x1c] =	wrdreg s7  }
0x22: {  	s0 =	sadd.s32 s0, s13;
	[dreg:$0x1d] =	wrdreg s2  }
0x23: {  	s5 =	smax.u32 s5, $0x1;
	[smem:$0x7FC] =	sst s0  }
0x24: {  	s8 =	sadd.s32 $0x1000, s0;
	[dreg:$0x1e] =	wrdreg s5  }
0x25: {  	s9 =	sadd.s32 $0x2000, s0;
	[dreg:$0x1f] =	wrdreg s8  }
0x26: {  	s10 =	sadd.s32 $0x3000, s0;
	[smem:$0x7EF] =	sst s9  }
0x27: {  	s12 =	sadd.s32 $0x4000, s0;
	[smem:$0x7F0] =	sst s10  }
0x28: {  	s13 =	sadd.s32 $0x5000, s0;
	[smem:$0x7F1] =	sst s12  }
0x29: {  	s31 =	simm.s32 $0x7;
	s14 =	sadd.s32 $0x6000, s0;
	[smem:$0x7F2] =	sst s13  }
0x2a: {  	s30 =	sadd.s32 $0x300, s15;
	s16 =	sadd.s32 $0x7000, s0;
	[smem:$0x7F3] =	sst s14  }
0x2b: {  	s23 =	sadd.s32 $0x100, s15;
	s17 =	sadd.s32 $0x8000, s0;
	[smem:$0x7F4] =	sst s16  }
0x2c: {  	s6 =	sadd.s32 $0x400, s15;
	s20 =	sadd.s32 $0x9000, s0;
	[smem:$0x7F5] =	sst s17  }
0x2d: {  	s18 =	sadd.s32 $0x600, s15;
	s21 =	sadd.s32 $0xA000, s0;
	[smem:$0x7F6] =	sst s20  }
0x2e: {  	s19 =	sadd.s32 $0x700, s15;
	s22 =	sadd.s32 $0xB000, s0;
	[smem:$0x7F7] =	sst s21  }
0x2f: {  	s26 =	sadd.s32 $0x200, s15;
	s24 =	sadd.s32 $0xC000, s0;
	[smem:$0x7F8] =	sst s22  }
.Ltmp0:
0x30: {  	s25 =	sadd.s32 $0xD000, s0;
	[smem:$0x7F9] =	sst s24;
	(pc) =	sbr.rel .LBB2_1-.Ltmp0, $4  }
0x31: {  	s11 =	sadd.s32 $0x500, s15;
	s28 =	sadd.s32 $0xE000, s0;
	[smem:$0x7FA] =	sst s25  }
0x32: {  	v0 =	vlaneseq.u32;
	s29 =	sadd.s32 $0xF000, s0;
	s2 =	simm.s32 $0x1480;
	[smem:$0x7FB] =	sst s28  }
0x33: {  	vm0 =	vmmov $0xffff;
	v2 =	vshrl.u32 v0, $0x3;
	s1 =	simm.s32 $0x9480;
	s0 =	simm.s32 $0x0;
	[smem:$0x7FD] =	sst s29  }
0x34: {  	v1 =	vand.u32 $0x7, v0;
	v3 =	vor.u32 $0x8, v0;
	v2 =	vmul.u32 $0x8, v2;
	s17 =	simm.s32 $0x1;
	s20 =	simm.s32 $0x16C80;
	s21 =	simm.s32 $0x12C80  }
.LBB2_52:
0x35: {  	s22 =	rddreg [dreg:$0x4]  }
0x36: {  	s2 =	simm.s32 $0x1480;
	s0 =	sld [smem:$0x7E9]  }
0x37: {  	[hbm4b:s22+s4] =	stream.linear.scatter [tilespmem:s20], [sflag:$0x7], $0x4000, $0x38;
	[tilespmem:$0x1AC80] =	vst v63  }
.LBB2_53:
0x38: {  	_ =	swait.ge [sflag:s31], $0x4000  }
0x39: {  	[sflag:s31] =	ssyncset.done $0x0  }
0x3a: {  	[sflag:s31] =	ssyncadd.s32 $0xFFFFC000  }
.LBB2_54:
0x3b: {  	s0 =	sadd.s32 $0x1, s0;
	s7 =	rddreg [dreg:$0x1e]  }
0x3c: {  	p2 =	sne.s32 s0, s7  }
.Ltmp1:
0x3d: {  	_ = 	snop;
	(pc) =	sbr.rel @!p2 .LBB2_55-.Ltmp1, $1  }
0x3e: {  	_ =	sdelay $0x3  }
.LBB2_1:
0x3f: {  	[smem:$0x7E9] =	sst s0  }
0x40: {  	s22 =	rddreg [dreg:$0x6]  }
0x41: {  	[tilespmem:s4], [sflag:$0x7] =	stream.linear.gather [hbm4b:s22+s4], $0x80, $0x38;
	[tilespmem:$0x1AC80] =	vst v63  }
0x42: {  	_ =	swait.ge [sflag:s31], $0x80  }
0x43: {  	s13 =	sld [smem:$0x7EA]  }
0x44: {  	[sflag:s31] =	ssyncset.done $0x0  }
0x45: {  	s7 =	simm.s32 $0x80;
	[sflag:s31] =	ssyncadd.s32 $0xFFFFFF80  }
0x46: {  	[tilespmem:s7], [sflag:$0x7] =	stream.linear.gather [hbm4b:s13+s4], $0x100, $0x38;
	[tilespmem:$0x1AC80] =	vst v63  }
0x47: {  	_ =	swait.ge [sflag:s31], $0x100  }
0x48: {  	s16 =	sld [smem:$0x7EB]  }
0x49: {  	[sflag:s31] =	ssyncset.done $0x0  }
0x4a: {  	s14 =	simm.s32 $0x180;
	[sflag:s31] =	ssyncadd.s32 $0xFFFFFF00  }
0x4b: {  	[tilespmem:s14], [sflag:$0x7] =	stream.linear.gather [hbm4b:s16+s4], $0x100, $0x38;
	[tilespmem:$0x1AC80] =	vst v63  }
0x4c: {  	_ =	swait.ge [sflag:s31], $0x100  }
0x4d: {  	s25 =	sld [smem:$0x7EC]  }
0x4e: {  	[sflag:s31] =	ssyncset.done $0x0  }
0x4f: {  	s24 =	simm.s32 $0x280;
	[sflag:s31] =	ssyncadd.s32 $0xFFFFFF00  }
0x50: {  	[tilespmem:s24], [sflag:$0x7] =	stream.linear.gather [hbm4b:s25+s4], $0x100, $0x38;
	[tilespmem:$0x1AC80] =	vst v63  }
0x51: {  	_ =	swait.ge [sflag:s31], $0x100  }
0x52: {  	s29 =	sld [smem:$0x7EE]  }
0x53: {  	[sflag:s31] =	ssyncset.done $0x0  }
0x54: {  	s28 =	simm.s32 $0x380;
	[sflag:s31] =	ssyncadd.s32 $0xFFFFFF00  }
0x55: {  	[tilespmem:s28], [sflag:$0x7] =	stream.linear.gather [hbm4b:s29+s4], $0x100, $0x38;
	[tilespmem:$0x1AC80] =	vst v63  }
0x56: {  	_ =	swait.ge [sflag:s31], $0x100  }
0x57: {  	[sflag:s31] =	ssyncset.done $0x0  }
0x58: {  	[sflag:s31] =	ssyncadd.s32 $0xFFFFFF00  }
0x59: {  	v4 =	vld [tilespmem:$0x280];
	_ =	sdelay $0x5  }
0x5a: {  	v5 =	vld [tilespmem:$0x80]  }
0x5b: {  	v6 =	vld [tilespmem:$0x380]  }
0x5c: {  	v4 =	vld.idx.msk [tilespmem:v4+s4+$0x0], $0xffff;
	_ =	sdelay $0x4  }
0x5d: {  	v4 =	vadd.s32 v5, v4;
	v5 =	vld [tilespmem:$0x180]  }
0x5e: {  	[tilespmem:$0x480] =	vst v4;
	v4 =	vld [tilespmem:$0x290]  }
0x5f: {  	v6 =	vld.idx.msk [tilespmem:v6+s4+$0x0], $0xffff;
	_ =	sdelay $0x4  }
0x60: {  	v35 =	vld [tilespmem:$0x90];
	v5 =	vadd.s32 v5, v6  }
0x61: {  	[tilespmem:$0x500] =	vst v5;
	v5 =	vld [tilespmem:$0x390]  }
0x62: {  	v4 =	vld.idx.msk [tilespmem:v4+s4+$0x0], $0xffff;
	_ =	sdelay $0x4  }
0x63: {  	v36 =	vld [tilespmem:$0x190];
	v4 =	vadd.s32 v35, v4  }
0x64: {  	[tilespmem:$0x580] =	vst v4;
	v4 =	vld [tilespmem:$0x2A0]  }
0x65: {  	v5 =	vld.idx.msk [tilespmem:v5+s4+$0x0], $0xffff;
	_ =	sdelay $0x4  }
0x66: {  	v37 =	vld [tilespmem:$0xA0];
	v5 =	vadd.s32 v36, v5  }
0x67: {  	[tilespmem:$0x600] =	vst v5;
	v5 =	vld [tilespmem:$0x3A0]  }
0x68: {  	v4 =	vld.idx.msk [tilespmem:v4+s4+$0x0], $0xffff;
	_ =	sdelay $0x4  }
0x69: {  	v38 =	vld [tilespmem:$0x1A0];
	v4 =	vadd.s32 v37, v4  }
0x6a: {  	[tilespmem:$0x680] =	vst v4;
	v4 =	vld [tilespmem:$0x2B0]  }
0x6b: {  	v5 =	vld.idx.msk [tilespmem:v5+s4+$0x0], $0xffff;
	_ =	sdelay $0x4  }
0x6c: {  	v39 =	vld [tilespmem:$0xB0];
	v5 =	vadd.s32 v38, v5  }
0x6d: {  	[tilespmem:$0x700] =	vst v5;
	v5 =	vld [tilespmem:$0x3B0]  }
0x6e: {  	v4 =	vld.idx.msk [tilespmem:v4+s4+$0x0], $0xffff;
	_ =	sdelay $0x4  }
0x6f: {  	v40 =	vld [tilespmem:$0x1B0];
	v4 =	vadd.s32 v39, v4  }
0x70: {  	[tilespmem:$0x780] =	vst v4;
	v4 =	vld [tilespmem:$0x2C0]  }
0x71: {  	v5 =	vld.idx.msk [tilespmem:v5+s4+$0x0], $0xffff;
	_ =	sdelay $0x4  }
0x72: {  	v41 =	vld [tilespmem:$0xC0];
	v5 =	vadd.s32 v40, v5  }
0x73: {  	[tilespmem:$0x800] =	vst v5;
	v5 =	vld [tilespmem:$0x3C0]  }
0x74: {  	v4 =	vld.idx.msk [tilespmem:v4+s4+$0x0], $0xffff;
	_ =	sdelay $0x4  }
0x75: {  	v42 =	vld [tilespmem:$0x1C0];
	v4 =	vadd.s32 v41, v4  }
0x76: {  	[tilespmem:$0x880] =	vst v4;
	v4 =	vld [tilespmem:$0x2D0]  }
0x77: {  	v5 =	vld.idx.msk [tilespmem:v5+s4+$0x0], $0xffff;
	_ =	sdelay $0x4  }
0x78: {  	v43 =	vld [tilespmem:$0xD0];
	v5 =	vadd.s32 v42, v5  }
0x79: {  	[tilespmem:$0x900] =	vst v5;
	v5 =	vld [tilespmem:$0x3D0]  }
0x7a: {  	v4 =	vld.idx.msk [tilespmem:v4+s4+$0x0], $0xffff;
	_ =	sdelay $0x4  }
0x7b: {  	v44 =	vld [tilespmem:$0x1D0];
	v4 =	vadd.s32 v43, v4  }
0x7c: {  	[tilespmem:$0x980] =	vst v4;
	v4 =	vld [tilespmem:$0x2E0]  }
0x7d: {  	v5 =	vld.idx.msk [tilespmem:v5+s4+$0x0], $0xffff;
	_ =	sdelay $0x4  }
0x7e: {  	v45 =	vld [tilespmem:$0xE0];
	v5 =	vadd.s32 v44, v5  }
0x7f: {  	[tilespmem:$0xA00] =	vst v5;
	v5 =	vld [tilespmem:$0x3E0]  }
0x80: {  	v4 =	vld.idx.msk [tilespmem:v4+s4+$0x0], $0xffff;
	_ =	sdelay $0x4  }
0x81: {  	v46 =	vld [tilespmem:$0x1E0];
	v4 =	vadd.s32 v45, v4  }
0x82: {  	[tilespmem:$0xA80] =	vst v4;
	v4 =	vld [tilespmem:$0x2F0]  }
0x83: {  	v5 =	vld.idx.msk [tilespmem:v5+s4+$0x0], $0xffff;
	_ =	sdelay $0x4  }
0x84: {  	v47 =	vld [tilespmem:$0xF0];
	v5 =	vadd.s32 v46, v5  }
0x85: {  	[tilespmem:$0xB00] =	vst v5;
	v5 =	vld [tilespmem:$0x3F0]  }
0x86: {  	v4 =	vld.idx.msk [tilespmem:v4+s4+$0x0], $0xffff;
	_ =	sdelay $0x4  }
0x87: {  	v48 =	vld [tilespmem:$0x1F0];
	v4 =	vadd.s32 v47, v4  }
0x88: {  	[tilespmem:$0xB80] =	vst v4;
	v4 =	vld [tilespmem:$0x300]  }
0x89: {  	v5 =	vld.idx.msk [tilespmem:v5+s4+$0x0], $0xffff;
	_ =	sdelay $0x4  }
0x8a: {  	v49 =	vld [tilespmem:$0x100];
	v5 =	vadd.s32 v48, v5  }
0x8b: {  	[tilespmem:$0xC00] =	vst v5;
	v5 =	vld [tilespmem:$0x400]  }
0x8c: {  	v4 =	vld.idx.msk [tilespmem:v4+s4+$0x0], $0xffff;
	_ =	sdelay $0x4  }
0x8d: {  	v50 =	vld [tilespmem:$0x200];
	v4 =	vadd.s32 v49, v4  }
0x8e: {  	[tilespmem:$0xC80] =	vst v4;
	v4 =	vld [tilespmem:$0x310]  }
0x8f: {  	v5 =	vld.idx.msk [tilespmem:v5+s4+$0x0], $0xffff;
	_ =	sdelay $0x4  }
0x90: {  	v51 =	vld [tilespmem:$0x110];
	v5 =	vadd.s32 v50, v5  }
0x91: {  	[tilespmem:$0xD00] =	vst v5;
	v5 =	vld [tilespmem:$0x410]  }
0x92: {  	v4 =	vld.idx.msk [tilespmem:v4+s4+$0x0], $0xffff;
	_ =	sdelay $0x4  }
0x93: {  	v52 =	vld [tilespmem:$0x210];
	v4 =	vadd.s32 v51, v4  }
0x94: {  	[tilespmem:$0xD80] =	vst v4;
	v4 =	vld [tilespmem:$0x320]  }
0x95: {  	v5 =	vld.idx.msk [tilespmem:v5+s4+$0x0], $0xffff;
	_ =	sdelay $0x4  }
0x96: {  	v53 =	vld [tilespmem:$0x120];
	v5 =	vadd.s32 v52, v5  }
0x97: {  	[tilespmem:$0xE00] =	vst v5;
	v5 =	vld [tilespmem:$0x420]  }
0x98: {  	v4 =	vld.idx.msk [tilespmem:v4+s4+$0x0], $0xffff;
	_ =	sdelay $0x4  }
0x99: {  	v54 =	vld [tilespmem:$0x220];
	v4 =	vadd.s32 v53, v4  }
0x9a: {  	[tilespmem:$0xE80] =	vst v4;
	v4 =	vld [tilespmem:$0x330]  }
0x9b: {  	v5 =	vld.idx.msk [tilespmem:v5+s4+$0x0], $0xffff;
	_ =	sdelay $0x4  }
0x9c: {  	v55 =	vld [tilespmem:$0x130];
	v5 =	vadd.s32 v54, v5  }
0x9d: {  	[tilespmem:$0xF00] =	vst v5;
	v5 =	vld [tilespmem:$0x430]  }
0x9e: {  	v4 =	vld.idx.msk [tilespmem:v4+s4+$0x0], $0xffff;
	_ =	sdelay $0x4  }
0x9f: {  	v56 =	vld [tilespmem:$0x230];
	v4 =	vadd.s32 v55, v4  }
0xa0: {  	[tilespmem:$0xF80] =	vst v4;
	v4 =	vld [tilespmem:$0x340]  }
0xa1: {  	v5 =	vld.idx.msk [tilespmem:v5+s4+$0x0], $0xffff;
	_ =	sdelay $0x4  }
0xa2: {  	v57 =	vld [tilespmem:$0x140];
	v5 =	vadd.s32 v56, v5  }
0xa3: {  	[tilespmem:$0x1000] =	vst v5;
	v5 =	vld [tilespmem:$0x440]  }
0xa4: {  	v4 =	vld.idx.msk [tilespmem:v4+s4+$0x0], $0xffff;
	_ =	sdelay $0x4  }
0xa5: {  	v58 =	vld [tilespmem:$0x240];
	v4 =	vadd.s32 v57, v4  }
0xa6: {  	[tilespmem:$0x1080] =	vst v4;
	v4 =	vld [tilespmem:$0x350]  }
0xa7: {  	v5 =	vld.idx.msk [tilespmem:v5+s4+$0x0], $0xffff;
	_ =	sdelay $0x4  }
0xa8: {  	v59 =	vld [tilespmem:$0x150];
	v5 =	vadd.s32 v58, v5  }
0xa9: {  	[tilespmem:$0x1100] =	vst v5;
	v5 =	vld [tilespmem:$0x450]  }
0xaa: {  	v4 =	vld.idx.msk [tilespmem:v4+s4+$0x0], $0xffff;
	_ =	sdelay $0x4  }
0xab: {  	v60 =	vld [tilespmem:$0x250];
	v4 =	vadd.s32 v59, v4  }
0xac: {  	[tilespmem:$0x1180] =	vst v4;
	v4 =	vld [tilespmem:$0x360]  }
0xad: {  	v5 =	vld.idx.msk [tilespmem:v5+s4+$0x0], $0xffff;
	_ =	sdelay $0x4  }
0xae: {  	v61 =	vld [tilespmem:$0x160];
	v5 =	vadd.s32 v60, v5  }
0xaf: {  	[tilespmem:$0x1200] =	vst v5;
	v5 =	vld [tilespmem:$0x460]  }
0xb0: {  	v4 =	vld.idx.msk [tilespmem:v4+s4+$0x0], $0xffff;
	_ =	sdelay $0x4  }
0xb1: {  	v62 =	vld [tilespmem:$0x260];
	v4 =	vadd.s32 v61, v4  }
0xb2: {  	[tilespmem:$0x1280] =	vst v4;
	v4 =	vld [tilespmem:$0x370]  }
0xb3: {  	v5 =	vld.idx.msk [tilespmem:v5+s4+$0x0], $0xffff;
	_ =	sdelay $0x4  }
0xb4: {  	v63 =	vld [tilespmem:$0x170];
	v5 =	vadd.s32 v62, v5  }
0xb5: {  	[tilespmem:$0x1300] =	vst v5;
	v5 =	vld [tilespmem:$0x470]  }
0xb6: {  	v4 =	vld.idx.msk [tilespmem:v4+s4+$0x0], $0xffff;
	_ =	sdelay $0x4  }
0xb7: {  	v4 =	vadd.s32 v63, v4  }
0xb8: {  	[tilespmem:$0x1380] =	vst v4;
	v4 =	vld [tilespmem:$0x270]  }
0xb9: {  	v5 =	vld.idx.msk [tilespmem:v5+s4+$0x0], $0xffff;
	_ =	sdelay $0x3  }
0xba: {  	s31 =	sld [smem:$0x7FC]  }
0xbb: {  	v4 =	vadd.s32 v4, v5  }
0xbc: {  	[tilespmem:$0x1400] =	vst v4  }
0xbd: {  	[tilespmem:s2], [sflag:$0x1] =	stream.linear.gather [hbm4b:s31+s4], $0x8000, $0x38;
	[tilespmem:$0x1AC80] =	vst v63  }
0xbe: {  	s0 =	rddreg [dreg:$0x1f]  }
0xbf: {  	[tilespmem:s1], [sflag:$0x2] =	stream.linear.gather [hbm4b:s0+s4], $0x8000, $0x38;
	[tilespmem:$0x1AC80] =	vst v63  }
0xc0: {  	_ =	swait.ge [sflag:s17], $0x8000  }
0xc1: {  	[sflag:s17] =	ssyncset.done $0x0  }
0xc2: {  	[sflag:s17] =	ssyncadd.s32 $0xFFFF8000  }
0xc3: {  	v4 =	vld [tilespmem:$0x480];
	_ =	sdelay $0x4  }
0xc4: {  	v5 =	vshll.u32 v4, $0x4  }
0xc5: {  	v4 =	vand.u32 $0x7, v4;
	v5 =	vand.u32 $0xFFFFFF80, v5  }
0xc6: {  	v4 =	vor.u32 v4, v5  }
0xc7: {  	v5 =	vperm.xlane v4, v1;
	_ =	sdelay $0x1  }
0xc8: {  	v5 =	vadd.s32 v2, v5;
	_ =	sdelay $0x4  }
0xc9: {  	[hbm4b:s15+s4] =	stream.indirect_vreg.scatter [tilespmem:s2], [sflag:$0x3], $0x80, v5, vm0, $0xb8;
	[tilespmem:$0x1AC80] =	vst v63  }
0xca: {  	s2 =	simm.s32 $0x1C80  }
0xcb: {  	[hbm4b:s23+s4] =	stream.indirect_vreg.scatter [tilespmem:s2], [sflag:$0x3], $0x80, v5, vm0, $0xb8;
	[tilespmem:$0x1AC80] =	vst v63  }
0xcc: {  	s3 =	simm.s32 $0x2480  }
0xcd: {  	[hbm4b:s26+s4] =	stream.indirect_vreg.scatter [tilespmem:s3], [sflag:$0x3], $0x80, v5, vm0, $0xb8;
	[tilespmem:$0x1AC80] =	vst v63  }
0xce: {  	s25 =	simm.s32 $0x2C80  }
0xcf: {  	[hbm4b:s30+s4] =	stream.indirect_vreg.scatter [tilespmem:s25], [sflag:$0x3], $0x80, v5, vm0, $0xb8;
	[tilespmem:$0x1AC80] =	vst v63  }
0xd0: {  	s28 =	simm.s32 $0x3480  }
0xd1: {  	[hbm4b:s6+s4] =	stream.indirect_vreg.scatter [tilespmem:s28], [sflag:$0x3], $0x80, v5, vm0, $0xb8;
	[tilespmem:$0x1AC80] =	vst v63  }
0xd2: {  	s29 =	simm.s32 $0x3C80;
	v4 =	vperm.xlane v4, v3  }
0xd3: {  	[hbm4b:s11+s4] =	stream.indirect_vreg.scatter [tilespmem:s29], [sflag:$0x3], $0x80, v5, vm0, $0xb8;
	[tilespmem:$0x1AC80] =	vst v63  }
0xd4: {  	s5 =	simm.s32 $0x4480;
	v4 =	vadd.s32 v2, v4  }
0xd5: {  	[hbm4b:s18+s4] =	stream.indirect_vreg.scatter [tilespmem:s5], [sflag:$0x3], $0x80, v5, vm0, $0xb8;
	[tilespmem:$0x1AC80] =	vst v63  }
0xd6: {  	s7 =	simm.s32 $0x4C80  }
0xd7: {  	[hbm4b:s19+s4] =	stream.indirect_vreg.scatter [tilespmem:s7], [sflag:$0x3], $0x80, v5, vm0, $0xb8;
	[tilespmem:$0x1AC80] =	vst v63  }
0xd8: {  	s8 =	simm.s32 $0x5480  }
0xd9: {  	[hbm4b:s15+s4] =	stream.indirect_vreg.scatter [tilespmem:s8], [sflag:$0x3], $0x80, v4, vm0, $0xb8;
	[tilespmem:$0x1AC80] =	vst v63  }
0xda: {  	s9 =	simm.s32 $0x5C80  }
0xdb: {  	[hbm4b:s23+s4] =	stream.indirect_vreg.scatter [tilespmem:s9], [sflag:$0x3], $0x80, v4, vm0, $0xb8;
	[tilespmem:$0x1AC80] =	vst v63  }
0xdc: {  	s10 =	simm.s32 $0x6480  }
0xdd: {  	[hbm4b:s26+s4] =	stream.indirect_vreg.scatter [tilespmem:s10], [sflag:$0x3], $0x80, v4, vm0, $0xb8;
	[tilespmem:$0x1AC80] =	vst v63  }
0xde: {  	s12 =	simm.s32 $0x6C80  }
0xdf: {  	[hbm4b:s30+s4] =	stream.indirect_vreg.scatter [tilespmem:s12], [sflag:$0x3], $0x80, v4, vm0, $0xb8;
	[tilespmem:$0x1AC80] =	vst v63  }
0xe0: {  	s22 =	simm.s32 $0x7480  }
0xe1: {  	[hbm4b:s6+s4] =	stream.indirect_vreg.scatter [tilespmem:s22], [sflag:$0x3], $0x80, v4, vm0, $0xb8;
	[tilespmem:$0x1AC80] =	vst v63  }
0xe2: {  	s24 =	simm.s32 $0x7C80  }
0xe3: {  	[hbm4b:s11+s4] =	stream.indirect_vreg.scatter [tilespmem:s24], [sflag:$0x3], $0x80, v4, vm0, $0xb8;
	[tilespmem:$0x1AC80] =	vst v63  }
0xe4: {  	s13 =	simm.s32 $0x8480  }
0xe5: {  	[hbm4b:s18+s4] =	stream.indirect_vreg.scatter [tilespmem:s13], [sflag:$0x3], $0x80, v4, vm0, $0xb8;
	[tilespmem:$0x1AC80] =	vst v63  }
0xe6: {  	s14 =	simm.s32 $0x8C80  }
0xe7: {  	[hbm4b:s19+s4] =	stream.indirect_vreg.scatter [tilespmem:s14], [sflag:$0x3], $0x80, v4, vm0, $0xb8;
	[tilespmem:$0x1AC80] =	vst v63  }
0xe8: {  	v4 =	vld [tilespmem:$0x500];
	_ =	sdelay $0x4  }
0xe9: {  	v5 =	vshll.u32 v4, $0x4  }
0xea: {  	v4 =	vand.u32 $0x7, v4;
	v5 =	vand.u32 $0xFFFFFF80, v5  }
0xeb: {  	v4 =	vor.u32 v4, v5  }
0xec: {  	v5 =	vperm.xlane v4, v1;
	_ =	sdelay $0x1  }
0xed: {  	v5 =	vadd.s32 v2, v5;
	_ =	sdelay $0x3  }
0xee: {  	s17 =	simm.s32 $0x1480  }
0xef: {  	[hbm4b:s15+s4] =	stream.indirect_vreg.scatter [tilespmem:s17], [sflag:$0x5], $0x80, v5, vm0, $0xb8;
	[tilespmem:$0x1AC80] =	vst v63  }
0xf0: {  	s1 =	simm.s32 $0x1C80  }
0xf1: {  	[hbm4b:s23+s4] =	stream.indirect_vreg.scatter [tilespmem:s1], [sflag:$0x5], $0x80, v5, vm0, $0xb8;
	[tilespmem:$0x1AC80] =	vst v63  }
0xf2: {  	s2 =	simm.s32 $0x2480  }
0xf3: {  	[hbm4b:s26+s4] =	stream.indirect_vreg.scatter [tilespmem:s2], [sflag:$0x5], $0x80, v5, vm0, $0xb8;
	[tilespmem:$0x1AC80] =	vst v63  }
0xf4: {  	_ = 	snop  }
0xf5: {  	[hbm4b:s30+s4] =	stream.indirect_vreg.scatter [tilespmem:s25], [sflag:$0x5], $0x80, v5, vm0, $0xb8;
	[tilespmem:$0x1AC80] =	vst v63  }
0xf6: {  	_ = 	snop  }
0xf7: {  	[hbm4b:s6+s4] =	stream.indirect_vreg.scatter [tilespmem:s28], [sflag:$0x5], $0x80, v5, vm0, $0xb8;
	[tilespmem:$0x1AC80] =	vst v63  }
0xf8: {  	v4 =	vperm.xlane v4, v3  }
0xf9: {  	[hbm4b:s11+s4] =	stream.indirect_vreg.scatter [tilespmem:s29], [sflag:$0x5], $0x80, v5, vm0, $0xb8;
	[tilespmem:$0x1AC80] =	vst v63  }
0xfa: {  	s5 =	simm.s32 $0x4480;
	v4 =	vadd.s32 v2, v4  }
0xfb: {  	[hbm4b:s18+s4] =	stream.indirect_vreg.scatter [tilespmem:s5], [sflag:$0x5], $0x80, v5, vm0, $0xb8;
	[tilespmem:$0x1AC80] =	vst v63  }
0xfc: {  	s7 =	simm.s32 $0x4C80  }
0xfd: {  	[hbm4b:s19+s4] =	stream.indirect_vreg.scatter [tilespmem:s7], [sflag:$0x5], $0x80, v5, vm0, $0xb8;
	[tilespmem:$0x1AC80] =	vst v63  }
0xfe: {  	s8 =	simm.s32 $0x5480  }
0xff: {  	[hbm4b:s15+s4] =	stream.indirect_vreg.scatter [tilespmem:s8], [sflag:$0x5], $0x80, v4, vm0, $0xb8;
	[tilespmem:$0x1AC80] =	vst v63  }
0x100: {  	s9 =	simm.s32 $0x5C80  }
0x101: {  	[hbm4b:s23+s4] =	stream.indirect_vreg.scatter [tilespmem:s9], [sflag:$0x5], $0x80, v4, vm0, $0xb8;
	[tilespmem:$0x1AC80] =	vst v63  }
0x102: {  	s10 =	simm.s32 $0x6480  }
0x103: {  	[hbm4b:s26+s4] =	stream.indirect_vreg.scatter [tilespmem:s10], [sflag:$0x5], $0x80, v4, vm0, $0xb8;
	[tilespmem:$0x1AC80] =	vst v63  }
0x104: {  	s12 =	simm.s32 $0x6C80  }
0x105: {  	[hbm4b:s30+s4] =	stream.indirect_vreg.scatter [tilespmem:s12], [sflag:$0x5], $0x80, v4, vm0, $0xb8;
	[tilespmem:$0x1AC80] =	vst v63  }
0x106: {  	_ = 	snop  }
0x107: {  	[hbm4b:s6+s4] =	stream.indirect_vreg.scatter [tilespmem:s22], [sflag:$0x5], $0x80, v4, vm0, $0xb8;
	[tilespmem:$0x1AC80] =	vst v63  }
0x108: {  	_ = 	snop  }
0x109: {  	[hbm4b:s11+s4] =	stream.indirect_vreg.scatter [tilespmem:s24], [sflag:$0x5], $0x80, v4, vm0, $0xb8;
	[tilespmem:$0x1AC80] =	vst v63  }
0x10a: {  	s3 =	simm.s32 $0x8480  }
0x10b: {  	[hbm4b:s18+s4] =	stream.indirect_vreg.scatter [tilespmem:s3], [sflag:$0x5], $0x80, v4, vm0, $0xb8;
	[tilespmem:$0x1AC80] =	vst v63  }
0x10c: {  	s31 =	simm.s32 $0x8C80;
	s0 =	simm.s32 $0x3  }
0x10d: {  	[hbm4b:s19+s4] =	stream.indirect_vreg.scatter [tilespmem:s31], [sflag:$0x5], $0x80, v4, vm0, $0xb8;
	[tilespmem:$0x1AC80] =	vst v63  }
0x10e: {  	_ =	swait.ge [sflag:s0], $0x8000  }
0x10f: {  	[sflag:s0] =	ssyncset.done $0x0  }
0x110: {  	s1 =	simm.s32 $0x5;
	[sflag:s0] =	ssyncadd.s32 $0xFFFF8000  }
0x111: {  	_ =	swait.ge [sflag:s1], $0x8000  }
0x112: {  	s2 =	sld [smem:$0x7EF]  }
0x113: {  	[sflag:s1] =	ssyncset.done $0x0  }
0x114: {  	s3 =	simm.s32 $0x2;
	[sflag:s1] =	ssyncadd.s32 $0xFFFF8000  }
0x115: {  	[tilespmem:s17], [sflag:$0x1] =	stream.linear.gather [hbm4b:s2+s4], $0x8000, $0x38;
	[tilespmem:$0x1AC80] =	vst v63  }
0x116: {  	_ =	swait.ge [sflag:s3], $0x8000  }
0x117: {  	[sflag:s3] =	ssyncset.done $0x0  }
0x118: {  	[sflag:s3] =	ssyncadd.s32 $0xFFFF8000  }
0x119: {  	v4 =	vld [tilespmem:$0x580];
	_ =	sdelay $0x4  }
0x11a: {  	v5 =	vshll.u32 v4, $0x4  }
0x11b: {  	v4 =	vand.u32 $0x7, v4;
	v5 =	vand.u32 $0xFFFFFF80, v5  }
0x11c: {  	v4 =	vor.u32 v4, v5  }
0x11d: {  	v5 =	vperm.xlane v4, v1;
	_ =	sdelay $0x1  }
0x11e: {  	v5 =	vadd.s32 v2, v5;
	_ =	sdelay $0x3  }
0x11f: {  	s16 =	simm.s32 $0x9480  }
0x120: {  	[hbm4b:s15+s4] =	stream.indirect_vreg.scatter [tilespmem:s16], [sflag:$0x4], $0x80, v5, vm0, $0xb8;
	[tilespmem:$0x1AC80] =	vst v63  }
0x121: {  	s7 =	simm.s32 $0x9C80  }
0x122: {  	[hbm4b:s23+s4] =	stream.indirect_vreg.scatter [tilespmem:s7], [sflag:$0x4], $0x80, v5, vm0, $0xb8;
	[tilespmem:$0x1AC80] =	vst v63  }
0x123: {  	s9 =	simm.s32 $0xA480  }
0x124: {  	[hbm4b:s26+s4] =	stream.indirect_vreg.scatter [tilespmem:s9], [sflag:$0x4], $0x80, v5, vm0, $0xb8;
	[tilespmem:$0x1AC80] =	vst v63  }
0x125: {  	s5 =	simm.s32 $0xAC80  }
0x126: {  	[hbm4b:s30+s4] =	stream.indirect_vreg.scatter [tilespmem:s5], [sflag:$0x4], $0x80, v5, vm0, $0xb8;
	[tilespmem:$0x1AC80] =	vst v63  }
0x127: {  	s0 =	simm.s32 $0xB480  }
0x128: {  	[hbm4b:s6+s4] =	stream.indirect_vreg.scatter [tilespmem:s0], [sflag:$0x4], $0x80, v5, vm0, $0xb8;
	[tilespmem:$0x1AC80] =	vst v63  }
0x129: {  	s12 =	simm.s32 $0xBC80;
	v4 =	vperm.xlane v4, v3  }
0x12a: {  	[hbm4b:s11+s4] =	stream.indirect_vreg.scatter [tilespmem:s12], [sflag:$0x4], $0x80, v5, vm0, $0xb8;
	[tilespmem:$0x1AC80] =	vst v63  }
0x12b: {  	v4 =	vadd.s32 v2, v4;
	s5 =	simm.s32 $0xC480  }
0x12c: {  	[hbm4b:s18+s4] =	stream.indirect_vreg.scatter [tilespmem:s5], [sflag:$0x4], $0x80, v5, vm0, $0xb8;
	[tilespmem:$0x1AC80] =	vst v63  }
0x12d: {  	s14 =	simm.s32 $0xCC80  }
0x12e: {  	[hbm4b:s19+s4] =	stream.indirect_vreg.scatter [tilespmem:s14], [sflag:$0x4], $0x80, v5, vm0, $0xb8;
	[tilespmem:$0x1AC80] =	vst v63  }
0x12f: {  	s8 =	simm.s32 $0xD480  }
0x130: {  	[hbm4b:s15+s4] =	stream.indirect_vreg.scatter [tilespmem:s8], [sflag:$0x4], $0x80, v4, vm0, $0xb8;
	[tilespmem:$0x1AC80] =	vst v63  }
0x131: {  	s31 =	simm.s32 $0xDC80  }
0x132: {  	[hbm4b:s23+s4] =	stream.indirect_vreg.scatter [tilespmem:s31], [sflag:$0x4], $0x80, v4, vm0, $0xb8;
	[tilespmem:$0x1AC80] =	vst v63  }
0x133: {  	s1 =	simm.s32 $0xE480  }
0x134: {  	[hbm4b:s26+s4] =	stream.indirect_vreg.scatter [tilespmem:s1], [sflag:$0x4], $0x80, v4, vm0, $0xb8;
	[tilespmem:$0x1AC80] =	vst v63  }
0x135: {  	s2 =	simm.s32 $0xEC80  }
0x136: {  	[hbm4b:s30+s4] =	stream.indirect_vreg.scatter [tilespmem:s2], [sflag:$0x4], $0x80, v4, vm0, $0xb8;
	[tilespmem:$0x1AC80] =	vst v63  }
0x137: {  	s3 =	simm.s32 $0xF480  }
0x138: {  	[hbm4b:s6+s4] =	stream.indirect_vreg.scatter [tilespmem:s3], [sflag:$0x4], $0x80, v4, vm0, $0xb8;
	[tilespmem:$0x1AC80] =	vst v63  }
0x139: {  	s8 =	simm.s32 $0xFC80  }
0x13a: {  	[hbm4b:s11+s4] =	stream.indirect_vreg.scatter [tilespmem:s8], [sflag:$0x4], $0x80, v4, vm0, $0xb8;
	[tilespmem:$0x1AC80] =	vst v63  }
0x13b: {  	s10 =	simm.s32 $0x10480  }
0x13c: {  	[hbm4b:s18+s4] =	stream.indirect_vreg.scatter [tilespmem:s10], [sflag:$0x4], $0x80, v4, vm0, $0xb8;
	[tilespmem:$0x1AC80] =	vst v63  }
0x13d: {  	s13 =	simm.s32 $0x10C80  }
0x13e: {  	[hbm4b:s19+s4] =	stream.indirect_vreg.scatter [tilespmem:s13], [sflag:$0x4], $0x80, v4, vm0, $0xb8;
	[tilespmem:$0x1AC80] =	vst v63  }
0x13f: {  	v4 =	vld [tilespmem:$0x600];
	_ =	sdelay $0x4  }
0x140: {  	v5 =	vshll.u32 v4, $0x4  }
0x141: {  	v4 =	vand.u32 $0x7, v4;
	v5 =	vand.u32 $0xFFFFFF80, v5  }
0x142: {  	v4 =	vor.u32 v4, v5  }
0x143: {  	v5 =	vperm.xlane v4, v1;
	_ =	sdelay $0x1  }
0x144: {  	v5 =	vadd.s32 v2, v5;
	_ =	sdelay $0x4  }
0x145: {  	[hbm4b:s15+s4] =	stream.indirect_vreg.scatter [tilespmem:s16], [sflag:$0x6], $0x80, v5, vm0, $0xb8;
	[tilespmem:$0x1AC80] =	vst v63  }
0x146: {  	_ = 	snop  }
0x147: {  	[hbm4b:s23+s4] =	stream.indirect_vreg.scatter [tilespmem:s7], [sflag:$0x6], $0x80, v5, vm0, $0xb8;
	[tilespmem:$0x1AC80] =	vst v63  }
0x148: {  	_ = 	snop  }
0x149: {  	[hbm4b:s26+s4] =	stream.indirect_vreg.scatter [tilespmem:s9], [sflag:$0x6], $0x80, v5, vm0, $0xb8;
	[tilespmem:$0x1AC80] =	vst v63  }
0x14a: {  	s9 =	simm.s32 $0xAC80  }
0x14b: {  	[hbm4b:s30+s4] =	stream.indirect_vreg.scatter [tilespmem:s9], [sflag:$0x6], $0x80, v5, vm0, $0xb8;
	[tilespmem:$0x1AC80] =	vst v63  }
0x14c: {  	_ = 	snop  }
0x14d: {  	[hbm4b:s6+s4] =	stream.indirect_vreg.scatter [tilespmem:s0], [sflag:$0x6], $0x80, v5, vm0, $0xb8;
	[tilespmem:$0x1AC80] =	vst v63  }
0x14e: {  	v4 =	vperm.xlane v4, v3  }
0x14f: {  	[hbm4b:s11+s4] =	stream.indirect_vreg.scatter [tilespmem:s12], [sflag:$0x6], $0x80, v5, vm0, $0xb8;
	[tilespmem:$0x1AC80] =	vst v63  }
0x150: {  	v4 =	vadd.s32 v2, v4  }
0x151: {  	[hbm4b:s18+s4] =	stream.indirect_vreg.scatter [tilespmem:s5], [sflag:$0x6], $0x80, v5, vm0, $0xb8;
	[tilespmem:$0x1AC80] =	vst v63  }
0x152: {  	_ = 	snop  }
0x153: {  	[hbm4b:s19+s4] =	stream.indirect_vreg.scatter [tilespmem:s14], [sflag:$0x6], $0x80, v5, vm0, $0xb8;
	[tilespmem:$0x1AC80] =	vst v63  }
0x154: {  	s9 =	simm.s32 $0xD480  }
0x155: {  	[hbm4b:s15+s4] =	stream.indirect_vreg.scatter [tilespmem:s9], [sflag:$0x6], $0x80, v4, vm0, $0xb8;
	[tilespmem:$0x1AC80] =	vst v63  }
0x156: {  	_ = 	snop  }
0x157: {  	[hbm4b:s23+s4] =	stream.indirect_vreg.scatter [tilespmem:s31], [sflag:$0x6], $0x80, v4, vm0, $0xb8;
	[tilespmem:$0x1AC80] =	vst v63  }
0x158: {  	_ = 	snop  }
0x159: {  	[hbm4b:s26+s4] =	stream.indirect_vreg.scatter [tilespmem:s1], [sflag:$0x6], $0x80, v4, vm0, $0xb8;
	[tilespmem:$0x1AC80] =	vst v63  }
0x15a: {  	_ = 	snop  }
0x15b: {  	[hbm4b:s30+s4] =	stream.indirect_vreg.scatter [tilespmem:s2], [sflag:$0x6], $0x80, v4, vm0, $0xb8;
	[tilespmem:$0x1AC80] =	vst v63  }
0x15c: {  	_ = 	snop  }
0x15d: {  	[hbm4b:s6+s4] =	stream.indirect_vreg.scatter [tilespmem:s3], [sflag:$0x6], $0x80, v4, vm0, $0xb8;
	[tilespmem:$0x1AC80] =	vst v63  }
0x15e: {  	_ = 	snop  }
0x15f: {  	[hbm4b:s11+s4] =	stream.indirect_vreg.scatter [tilespmem:s8], [sflag:$0x6], $0x80, v4, vm0, $0xb8;
	[tilespmem:$0x1AC80] =	vst v63  }
0x160: {  	_ = 	snop  }
0x161: {  	[hbm4b:s18+s4] =	stream.indirect_vreg.scatter [tilespmem:s10], [sflag:$0x6], $0x80, v4, vm0, $0xb8;
	[tilespmem:$0x1AC80] =	vst v63  }
0x162: {  	s2 =	simm.s32 $0x4  }
0x163: {  	[hbm4b:s19+s4] =	stream.indirect_vreg.scatter [tilespmem:s13], [sflag:$0x6], $0x80, v4, vm0, $0xb8;
	[tilespmem:$0x1AC80] =	vst v63  }
0x164: {  	_ =	swait.ge [sflag:s2], $0x8000  }
0x165: {  	[sflag:s2] =	ssyncset.done $0x0  }
0x166: {  	s3 =	simm.s32 $0x6;
	[sflag:s2] =	ssyncadd.s32 $0xFFFF8000  }
0x167: {  	_ =	swait.ge [sflag:s3], $0x8000  }
0x168: {  	s5 =	sld [smem:$0x7F0]  }
0x169: {  	[sflag:s3] =	ssyncset.done $0x0  }
0x16a: {  	s1 =	simm.s32 $0x1;
	[sflag:s3] =	ssyncadd.s32 $0xFFFF8000  }
0x16b: {  	[tilespmem:s16], [sflag:$0x2] =	stream.linear.gather [hbm4b:s5+s4], $0x8000, $0x38;
	[tilespmem:$0x1AC80] =	vst v63  }
0x16c: {  	_ =	swait.ge [sflag:s1], $0x8000  }
0x16d: {  	[sflag:s1] =	ssyncset.done $0x0  }
0x16e: {  	[sflag:s1] =	ssyncadd.s32 $0xFFFF8000  }
0x16f: {  	v4 =	vld [tilespmem:$0x680];
	_ =	sdelay $0x4  }
0x170: {  	v5 =	vshll.u32 v4, $0x4  }
0x171: {  	v4 =	vand.u32 $0x7, v4;
	v5 =	vand.u32 $0xFFFFFF80, v5  }
0x172: {  	v4 =	vor.u32 v4, v5  }
0x173: {  	v5 =	vperm.xlane v4, v1;
	_ =	sdelay $0x1  }
0x174: {  	v5 =	vadd.s32 v2, v5;
	_ =	sdelay $0x4  }
0x175: {  	[hbm4b:s15+s4] =	stream.indirect_vreg.scatter [tilespmem:s17], [sflag:$0x3], $0x80, v5, vm0, $0xb8;
	[tilespmem:$0x1AC80] =	vst v63  }
0x176: {  	s7 =	simm.s32 $0x1C80  }
0x177: {  	[hbm4b:s23+s4] =	stream.indirect_vreg.scatter [tilespmem:s7], [sflag:$0x3], $0x80, v5, vm0, $0xb8;
	[tilespmem:$0x1AC80] =	vst v63  }
0x178: {  	s8 =	simm.s32 $0x2480  }
0x179: {  	[hbm4b:s26+s4] =	stream.indirect_vreg.scatter [tilespmem:s8], [sflag:$0x3], $0x80, v5, vm0, $0xb8;
	[tilespmem:$0x1AC80] =	vst v63  }
0x17a: {  	_ = 	snop  }
0x17b: {  	[hbm4b:s30+s4] =	stream.indirect_vreg.scatter [tilespmem:s25], [sflag:$0x3], $0x80, v5, vm0, $0xb8;
	[tilespmem:$0x1AC80] =	vst v63  }
0x17c: {  	_ = 	snop  }
0x17d: {  	[hbm4b:s6+s4] =	stream.indirect_vreg.scatter [tilespmem:s28], [sflag:$0x3], $0x80, v5, vm0, $0xb8;
	[tilespmem:$0x1AC80] =	vst v63  }
0x17e: {  	v4 =	vperm.xlane v4, v3  }
0x17f: {  	[hbm4b:s11+s4] =	stream.indirect_vreg.scatter [tilespmem:s29], [sflag:$0x3], $0x80, v5, vm0, $0xb8;
	[tilespmem:$0x1AC80] =	vst v63  }
0x180: {  	s10 =	simm.s32 $0x4480;
	v4 =	vadd.s32 v2, v4  }
0x181: {  	[hbm4b:s18+s4] =	stream.indirect_vreg.scatter [tilespmem:s10], [sflag:$0x3], $0x80, v5, vm0, $0xb8;
	[tilespmem:$0x1AC80] =	vst v63  }
0x182: {  	s12 =	simm.s32 $0x4C80  }
0x183: {  	[hbm4b:s19+s4] =	stream.indirect_vreg.scatter [tilespmem:s12], [sflag:$0x3], $0x80, v5, vm0, $0xb8;
	[tilespmem:$0x1AC80] =	vst v63  }
0x184: {  	s13 =	simm.s32 $0x5480  }
0x185: {  	[hbm4b:s15+s4] =	stream.indirect_vreg.scatter [tilespmem:s13], [sflag:$0x3], $0x80, v4, vm0, $0xb8;
	[tilespmem:$0x1AC80] =	vst v63  }
0x186: {  	s14 =	simm.s32 $0x5C80  }
0x187: {  	[hbm4b:s23+s4] =	stream.indirect_vreg.scatter [tilespmem:s14], [sflag:$0x3], $0x80, v4, vm0, $0xb8;
	[tilespmem:$0x1AC80] =	vst v63  }
0x188: {  	s3 =	simm.s32 $0x6480  }
0x189: {  	[hbm4b:s26+s4] =	stream.indirect_vreg.scatter [tilespmem:s3], [sflag:$0x3], $0x80, v4, vm0, $0xb8;
	[tilespmem:$0x1AC80] =	vst v63  }
0x18a: {  	s5 =	simm.s32 $0x6C80  }
0x18b: {  	[hbm4b:s30+s4] =	stream.indirect_vreg.scatter [tilespmem:s5], [sflag:$0x3], $0x80, v4, vm0, $0xb8;
	[tilespmem:$0x1AC80] =	vst v63  }
0x18c: {  	_ = 	snop  }
0x18d: {  	[hbm4b:s6+s4] =	stream.indirect_vreg.scatter [tilespmem:s22], [sflag:$0x3], $0x80, v4, vm0, $0xb8;
	[tilespmem:$0x1AC80] =	vst v63  }
0x18e: {  	_ = 	snop  }
0x18f: {  	[hbm4b:s11+s4] =	stream.indirect_vreg.scatter [tilespmem:s24], [sflag:$0x3], $0x80, v4, vm0, $0xb8;
	[tilespmem:$0x1AC80] =	vst v63  }
0x190: {  	s16 =	simm.s32 $0x8480  }
0x191: {  	[hbm4b:s18+s4] =	stream.indirect_vreg.scatter [tilespmem:s16], [sflag:$0x3], $0x80, v4, vm0, $0xb8;
	[tilespmem:$0x1AC80] =	vst v63  }
0x192: {  	s31 =	simm.s32 $0x8C80  }
0x193: {  	[hbm4b:s19+s4] =	stream.indirect_vreg.scatter [tilespmem:s31], [sflag:$0x3], $0x80, v4, vm0, $0xb8;
	[tilespmem:$0x1AC80] =	vst v63  }
0x194: {  	v4 =	vld [tilespmem:$0x700];
	_ =	sdelay $0x4  }
0x195: {  	v5 =	vshll.u32 v4, $0x4  }
0x196: {  	v4 =	vand.u32 $0x7, v4;
	v5 =	vand.u32 $0xFFFFFF80, v5  }
0x197: {  	v4 =	vor.u32 v4, v5  }
0x198: {  	v5 =	vperm.xlane v4, v1;
	_ =	sdelay $0x1  }
0x199: {  	v5 =	vadd.s32 v2, v5;
	_ =	sdelay $0x4  }
0x19a: {  	[hbm4b:s15+s4] =	stream.indirect_vreg.scatter [tilespmem:s17], [sflag:$0x5], $0x80, v5, vm0, $0xb8;
	[tilespmem:$0x1AC80] =	vst v63  }
0x19b: {  	_ = 	snop  }
0x19c: {  	[hbm4b:s23+s4] =	stream.indirect_vreg.scatter [tilespmem:s7], [sflag:$0x5], $0x80, v5, vm0, $0xb8;
	[tilespmem:$0x1AC80] =	vst v63  }
0x19d: {  	_ = 	snop  }
0x19e: {  	[hbm4b:s26+s4] =	stream.indirect_vreg.scatter [tilespmem:s8], [sflag:$0x5], $0x80, v5, vm0, $0xb8;
	[tilespmem:$0x1AC80] =	vst v63  }
0x19f: {  	_ = 	snop  }
0x1a0: {  	[hbm4b:s30+s4] =	stream.indirect_vreg.scatter [tilespmem:s25], [sflag:$0x5], $0x80, v5, vm0, $0xb8;
	[tilespmem:$0x1AC80] =	vst v63  }
0x1a1: {  	_ = 	snop  }
0x1a2: {  	[hbm4b:s6+s4] =	stream.indirect_vreg.scatter [tilespmem:s28], [sflag:$0x5], $0x80, v5, vm0, $0xb8;
	[tilespmem:$0x1AC80] =	vst v63  }
0x1a3: {  	v4 =	vperm.xlane v4, v3  }
0x1a4: {  	[hbm4b:s11+s4] =	stream.indirect_vreg.scatter [tilespmem:s29], [sflag:$0x5], $0x80, v5, vm0, $0xb8;
	[tilespmem:$0x1AC80] =	vst v63  }
0x1a5: {  	v4 =	vadd.s32 v2, v4  }
0x1a6: {  	[hbm4b:s18+s4] =	stream.indirect_vreg.scatter [tilespmem:s10], [sflag:$0x5], $0x80, v5, vm0, $0xb8;
	[tilespmem:$0x1AC80] =	vst v63  }
0x1a7: {  	_ = 	snop  }
0x1a8: {  	[hbm4b:s19+s4] =	stream.indirect_vreg.scatter [tilespmem:s12], [sflag:$0x5], $0x80, v5, vm0, $0xb8;
	[tilespmem:$0x1AC80] =	vst v63  }
0x1a9: {  	_ = 	snop  }
0x1aa: {  	[hbm4b:s15+s4] =	stream.indirect_vreg.scatter [tilespmem:s13], [sflag:$0x5], $0x80, v4, vm0, $0xb8;
	[tilespmem:$0x1AC80] =	vst v63  }
0x1ab: {  	_ = 	snop  }
0x1ac: {  	[hbm4b:s23+s4] =	stream.indirect_vreg.scatter [tilespmem:s14], [sflag:$0x5], $0x80, v4, vm0, $0xb8;
	[tilespmem:$0x1AC80] =	vst v63  }
0x1ad: {  	_ = 	snop  }
0x1ae: {  	[hbm4b:s26+s4] =	stream.indirect_vreg.scatter [tilespmem:s3], [sflag:$0x5], $0x80, v4, vm0, $0xb8;
	[tilespmem:$0x1AC80] =	vst v63  }
0x1af: {  	_ = 	snop  }
0x1b0: {  	[hbm4b:s30+s4] =	stream.indirect_vreg.scatter [tilespmem:s5], [sflag:$0x5], $0x80, v4, vm0, $0xb8;
	[tilespmem:$0x1AC80] =	vst v63  }
0x1b1: {  	_ = 	snop  }
0x1b2: {  	[hbm4b:s6+s4] =	stream.indirect_vreg.scatter [tilespmem:s22], [sflag:$0x5], $0x80, v4, vm0, $0xb8;
	[tilespmem:$0x1AC80] =	vst v63  }
0x1b3: {  	_ = 	snop  }
0x1b4: {  	[hbm4b:s11+s4] =	stream.indirect_vreg.scatter [tilespmem:s24], [sflag:$0x5], $0x80, v4, vm0, $0xb8;
	[tilespmem:$0x1AC80] =	vst v63  }
.Ltmp2:
0x1b5: {  	_ = 	snop;
	(pc) =	sbr.rel @p0 .LBB2_5-.Ltmp2, $4  }
0x1b6: {  	_ = 	snop  }
0x1b7: {  	[hbm4b:s18+s4] =	stream.indirect_vreg.scatter [tilespmem:s16], [sflag:$0x5], $0x80, v4, vm0, $0xb8;
	[tilespmem:$0x1AC80] =	vst v63  }
0x1b8: {  	_ = 	snop  }
0x1b9: {  	[hbm4b:s19+s4] =	stream.indirect_vreg.scatter [tilespmem:s31], [sflag:$0x5], $0x80, v4, vm0, $0xb8;
	[tilespmem:$0x1AC80] =	vst v63  }
.Ltmp3:
0x1ba: {  	(pc) =	sbr.rel @p1 .LBB2_7-.Ltmp3, $2  }
0x1bb: {  	_ =	sdelay $0x2  }
0x1bc: {  	s31 =	simm.s32 $0x7  }
0x1bd: {  	s22 =	simm.s32 $0x0;
	s24 =	simm.s32 $0x11480;
	s25 =	rddreg [dreg:$0x7]  }
0x1be: {  	[tilespmem:s24], [sflag:$0x7] =	stream.linear.gather [hbm4b:s25+s22], $0x800, $0x38;
	[tilespmem:$0x1AC80] =	vst v63  }
0x1bf: {  	_ =	swait.ge [sflag:s31], $0x800  }
0x1c0: {  	[sflag:s31] =	ssyncset.done $0x0  }
0x1c1: {  	s25 =	simm.s32 $0x11C80;
	s28 =	rddreg [dreg:$0x9];
	[sflag:s31] =	ssyncadd.s32 $0xFFFFF800  }
0x1c2: {  	[tilespmem:s25], [sflag:$0x7] =	stream.linear.gather [hbm4b:s28+s22], $0x800, $0x38;
	[tilespmem:$0x1AC80] =	vst v63  }
0x1c3: {  	_ =	swait.ge [sflag:s31], $0x800  }
0x1c4: {  	[sflag:s31] =	ssyncset.done $0x0  }
0x1c5: {  	[sflag:s31] =	ssyncadd.s32 $0xFFFFF800  }
.LBB2_4:
0x1c6: {  	v4 =	vld [tilespmem:s25+$0x0];
	_ =	sdelay $0x6  }
0x1c7: {  	v5 =	vld [tilespmem:s24+$0x0]  }
0x1c8: {  	v4 =	vld.idx.msk [tilespmem:v4+s4+$0x0], $0xffff;
	_ =	sdelay $0x4  }
0x1c9: {  	p2 =	seq.s32 s22, $0x7F0;
	v4 =	vadd.s32 v4, v5  }
.Ltmp4:
0x1ca: {  	_ = 	snop;
	(pc) =	sbr.rel @!p2 .LBB2_4-.Ltmp4, $3  }
0x1cb: {  	_ =	sdelay $0x1  }
0x1cc: {  	v5 =	vor.u32 s22, v0  }
0x1cd: {  	s25 =	sadd.s32 $0x10, s25;
	s24 =	sadd.s32 $0x10, s24;
	s22 =	sadd.s32 $0x10, s22;
	[tilespmem:v4+s21+$0x0] =	vst.idx.msk $0xffff, v5  }
.Ltmp5:
0x1ce: {  	_ = 	snop;
	(pc) =	sbr.rel .LBB2_7-.Ltmp5, $1  }
0x1cf: {  	_ =	sdelay $0x3  }
.LBB2_5:
0x1d0: {  	s22 =	simm.s32 $0x0  }
0x1d1: {  	s24 =	rddreg [dreg:$0x7];
	s0 =	simm.s32 $0x11480;
	s31 =	simm.s32 $0x7  }
0x1d2: {  	[tilespmem:s0], [sflag:$0x7] =	stream.linear.gather [hbm4b:s24+s22], $0x800, $0x38;
	[tilespmem:$0x1AC80] =	vst v63  }
0x1d3: {  	_ =	swait.ge [sflag:s31], $0x800  }
0x1d4: {  	[sflag:s31] =	ssyncset.done $0x0  }
0x1d5: {  	s25 =	simm.s32 $0x11C80;
	s17 =	rddreg [dreg:$0x9];
	[sflag:s31] =	ssyncadd.s32 $0xFFFFF800  }
0x1d6: {  	[tilespmem:s25], [sflag:$0x7] =	stream.linear.gather [hbm4b:s17+s22], $0x800, $0x38;
	[tilespmem:$0x1AC80] =	vst v63  }
0x1d7: {  	_ =	swait.ge [sflag:s31], $0x800  }
0x1d8: {  	[sflag:s31] =	ssyncset.done $0x0  }
0x1d9: {  	s29 =	simm.s32 $0x12480;
	s28 =	rddreg [dreg:$0xa];
	[sflag:s31] =	ssyncadd.s32 $0xFFFFF800  }
0x1da: {  	[tilespmem:s29], [sflag:$0x7] =	stream.linear.gather [hbm4b:s28+s22], $0x800, $0x38;
	[tilespmem:$0x1AC80] =	vst v63  }
0x1db: {  	_ =	swait.ge [sflag:s31], $0x800  }
0x1dc: {  	[sflag:s31] =	ssyncset.done $0x0  }
0x1dd: {  	[sflag:s31] =	ssyncadd.s32 $0xFFFFF800  }
.LBB2_6:
0x1de: {  	s24 =	sshra.s32 s22, $0x2  }
0x1df: {  	v4 =	vld [tilespmem:s24+$0x11C80];
	_ =	sdelay $0x6  }
0x1e0: {  	v5 =	vld [tilespmem:s24+$0x11480]  }
0x1e1: {  	v4 =	vld.idx.msk [tilespmem:v4+s4+$0x0], $0xffff;
	_ =	sdelay $0x4  }
0x1e2: {  	p2 =	sne.s32 s22, $0x1FC0;
	v4 =	vadd.s32 v4, v5;
	v5 =	vld [tilespmem:s24+$0x12480]  }
.Ltmp6:
0x1e3: {  	_ = 	snop;
	(pc) =	sbr.rel @p2 .LBB2_6-.Ltmp6, $2  }
0x1e4: {  	_ =	sdelay $0x2  }
0x1e5: {  	s22 =	sadd.s32 $0x40, s22;
	[tilespmem:v4+s20+$0x0] =	vst.idx.msk $0xffff, v5  }
.LBB2_7:
0x1e6: {  	s0 =	simm.s32 $0x3  }
0x1e7: {  	_ =	swait.ge [sflag:s0], $0x8000  }
0x1e8: {  	[sflag:s0] =	ssyncset.done $0x0  }
0x1e9: {  	s3 =	simm.s32 $0x5;
	[sflag:s0] =	ssyncadd.s32 $0xFFFF8000  }
0x1ea: {  	_ =	swait.ge [sflag:s3], $0x8000  }
0x1eb: {  	s7 =	sld [smem:$0x7F1]  }
0x1ec: {  	[sflag:s3] =	ssyncset.done $0x0  }
0x1ed: {  	s12 =	simm.s32 $0x1480;
	s5 =	simm.s32 $0x2;
	[sflag:s3] =	ssyncadd.s32 $0xFFFF8000  }
0x1ee: {  	[tilespmem:s12], [sflag:$0x1] =	stream.linear.gather [hbm4b:s7+s4], $0x8000, $0x38;
	[tilespmem:$0x1AC80] =	vst v63  }
0x1ef: {  	_ =	swait.ge [sflag:s5], $0x8000  }
0x1f0: {  	[sflag:s5] =	ssyncset.done $0x0  }
0x1f1: {  	[sflag:s5] =	ssyncadd.s32 $0xFFFF8000  }
0x1f2: {  	v4 =	vld [tilespmem:$0x780];
	_ =	sdelay $0x4  }
0x1f3: {  	v5 =	vshll.u32 v4, $0x4  }
0x1f4: {  	v4 =	vand.u32 $0x7, v4;
	v5 =	vand.u32 $0xFFFFFF80, v5  }
0x1f5: {  	v4 =	vor.u32 v4, v5  }
0x1f6: {  	v5 =	vperm.xlane v4, v1;
	_ =	sdelay $0x1  }
0x1f7: {  	v5 =	vadd.s32 v2, v5;
	_ =	sdelay $0x3  }
0x1f8: {  	s14 =	simm.s32 $0x9480  }
0x1f9: {  	[hbm4b:s15+s4] =	stream.indirect_vreg.scatter [tilespmem:s14], [sflag:$0x4], $0x80, v5, vm0, $0xb8;
	[tilespmem:$0x1AC80] =	vst v63  }
0x1fa: {  	s7 =	simm.s32 $0x9C80  }
0x1fb: {  	[hbm4b:s23+s4] =	stream.indirect_vreg.scatter [tilespmem:s7], [sflag:$0x4], $0x80, v5, vm0, $0xb8;
	[tilespmem:$0x1AC80] =	vst v63  }
0x1fc: {  	s2 =	simm.s32 $0xA480  }
0x1fd: {  	[hbm4b:s26+s4] =	stream.indirect_vreg.scatter [tilespmem:s2], [sflag:$0x4], $0x80, v5, vm0, $0xb8;
	[tilespmem:$0x1AC80] =	vst v63  }
0x1fe: {  	s28 =	simm.s32 $0xAC80  }
0x1ff: {  	[hbm4b:s30+s4] =	stream.indirect_vreg.scatter [tilespmem:s28], [sflag:$0x4], $0x80, v5, vm0, $0xb8;
	[tilespmem:$0x1AC80] =	vst v63  }
0x200: {  	s3 =	simm.s32 $0xB480  }
0x201: {  	[hbm4b:s6+s4] =	stream.indirect_vreg.scatter [tilespmem:s3], [sflag:$0x4], $0x80, v5, vm0, $0xb8;
	[tilespmem:$0x1AC80] =	vst v63  }
0x202: {  	s29 =	simm.s32 $0xBC80;
	v4 =	vperm.xlane v4, v3  }
0x203: {  	[hbm4b:s11+s4] =	stream.indirect_vreg.scatter [tilespmem:s29], [sflag:$0x4], $0x80, v5, vm0, $0xb8;
	[tilespmem:$0x1AC80] =	vst v63  }
0x204: {  	s5 =	simm.s32 $0xC480;
	v4 =	vadd.s32 v2, v4  }
0x205: {  	[hbm4b:s18+s4] =	stream.indirect_vreg.scatter [tilespmem:s5], [sflag:$0x4], $0x80, v5, vm0, $0xb8;
	[tilespmem:$0x1AC80] =	vst v63  }
0x206: {  	s8 =	simm.s32 $0xCC80  }
0x207: {  	[hbm4b:s19+s4] =	stream.indirect_vreg.scatter [tilespmem:s8], [sflag:$0x4], $0x80, v5, vm0, $0xb8;
	[tilespmem:$0x1AC80] =	vst v63  }
0x208: {  	_ = 	snop  }
0x209: {  	[hbm4b:s15+s4] =	stream.indirect_vreg.scatter [tilespmem:s9], [sflag:$0x4], $0x80, v4, vm0, $0xb8;
	[tilespmem:$0x1AC80] =	vst v63  }
0x20a: {  	s10 =	simm.s32 $0xDC80  }
0x20b: {  	[hbm4b:s23+s4] =	stream.indirect_vreg.scatter [tilespmem:s10], [sflag:$0x4], $0x80, v4, vm0, $0xb8;
	[tilespmem:$0x1AC80] =	vst v63  }
0x20c: {  	s13 =	simm.s32 $0xE480  }
0x20d: {  	[hbm4b:s26+s4] =	stream.indirect_vreg.scatter [tilespmem:s13], [sflag:$0x4], $0x80, v4, vm0, $0xb8;
	[tilespmem:$0x1AC80] =	vst v63  }
0x20e: {  	s16 =	simm.s32 $0xEC80  }
0x20f: {  	[hbm4b:s30+s4] =	stream.indirect_vreg.scatter [tilespmem:s16], [sflag:$0x4], $0x80, v4, vm0, $0xb8;
	[tilespmem:$0x1AC80] =	vst v63  }
0x210: {  	s17 =	simm.s32 $0xF480  }
0x211: {  	[hbm4b:s6+s4] =	stream.indirect_vreg.scatter [tilespmem:s17], [sflag:$0x4], $0x80, v4, vm0, $0xb8;
	[tilespmem:$0x1AC80] =	vst v63  }
0x212: {  	s22 =	simm.s32 $0xFC80  }
0x213: {  	[hbm4b:s11+s4] =	stream.indirect_vreg.scatter [tilespmem:s22], [sflag:$0x4], $0x80, v4, vm0, $0xb8;
	[tilespmem:$0x1AC80] =	vst v63  }
0x214: {  	s24 =	simm.s32 $0x10480  }
0x215: {  	[hbm4b:s18+s4] =	stream.indirect_vreg.scatter [tilespmem:s24], [sflag:$0x4], $0x80, v4, vm0, $0xb8;
	[tilespmem:$0x1AC80] =	vst v63  }
0x216: {  	s25 =	simm.s32 $0x10C80  }
0x217: {  	[hbm4b:s19+s4] =	stream.indirect_vreg.scatter [tilespmem:s25], [sflag:$0x4], $0x80, v4, vm0, $0xb8;
	[tilespmem:$0x1AC80] =	vst v63  }
0x218: {  	v4 =	vld [tilespmem:$0x800];
	_ =	sdelay $0x4  }
0x219: {  	v5 =	vshll.u32 v4, $0x4  }
0x21a: {  	v4 =	vand.u32 $0x7, v4;
	v5 =	vand.u32 $0xFFFFFF80, v5  }
0x21b: {  	v4 =	vor.u32 v4, v5  }
0x21c: {  	v5 =	vperm.xlane v4, v1;
	_ =	sdelay $0x1  }
0x21d: {  	v5 =	vadd.s32 v2, v5;
	_ =	sdelay $0x4  }
0x21e: {  	[hbm4b:s15+s4] =	stream.indirect_vreg.scatter [tilespmem:s14], [sflag:$0x6], $0x80, v5, vm0, $0xb8;
	[tilespmem:$0x1AC80] =	vst v63  }
0x21f: {  	_ = 	snop  }
0x220: {  	[hbm4b:s23+s4] =	stream.indirect_vreg.scatter [tilespmem:s7], [sflag:$0x6], $0x80, v5, vm0, $0xb8;
	[tilespmem:$0x1AC80] =	vst v63  }
0x221: {  	_ = 	snop  }
0x222: {  	[hbm4b:s26+s4] =	stream.indirect_vreg.scatter [tilespmem:s2], [sflag:$0x6], $0x80, v5, vm0, $0xb8;
	[tilespmem:$0x1AC80] =	vst v63  }
0x223: {  	_ = 	snop  }
0x224: {  	[hbm4b:s30+s4] =	stream.indirect_vreg.scatter [tilespmem:s28], [sflag:$0x6], $0x80, v5, vm0, $0xb8;
	[tilespmem:$0x1AC80] =	vst v63  }
0x225: {  	_ = 	snop  }
0x226: {  	[hbm4b:s6+s4] =	stream.indirect_vreg.scatter [tilespmem:s3], [sflag:$0x6], $0x80, v5, vm0, $0xb8;
	[tilespmem:$0x1AC80] =	vst v63  }
0x227: {  	v4 =	vperm.xlane v4, v3  }
0x228: {  	[hbm4b:s11+s4] =	stream.indirect_vreg.scatter [tilespmem:s29], [sflag:$0x6], $0x80, v5, vm0, $0xb8;
	[tilespmem:$0x1AC80] =	vst v63  }
0x229: {  	v4 =	vadd.s32 v2, v4  }
0x22a: {  	[hbm4b:s18+s4] =	stream.indirect_vreg.scatter [tilespmem:s5], [sflag:$0x6], $0x80, v5, vm0, $0xb8;
	[tilespmem:$0x1AC80] =	vst v63  }
0x22b: {  	_ = 	snop  }
0x22c: {  	[hbm4b:s19+s4] =	stream.indirect_vreg.scatter [tilespmem:s8], [sflag:$0x6], $0x80, v5, vm0, $0xb8;
	[tilespmem:$0x1AC80] =	vst v63  }
0x22d: {  	_ = 	snop  }
0x22e: {  	[hbm4b:s15+s4] =	stream.indirect_vreg.scatter [tilespmem:s9], [sflag:$0x6], $0x80, v4, vm0, $0xb8;
	[tilespmem:$0x1AC80] =	vst v63  }
0x22f: {  	_ = 	snop  }
0x230: {  	[hbm4b:s23+s4] =	stream.indirect_vreg.scatter [tilespmem:s10], [sflag:$0x6], $0x80, v4, vm0, $0xb8;
	[tilespmem:$0x1AC80] =	vst v63  }
0x231: {  	_ = 	snop  }
0x232: {  	[hbm4b:s26+s4] =	stream.indirect_vreg.scatter [tilespmem:s13], [sflag:$0x6], $0x80, v4, vm0, $0xb8;
	[tilespmem:$0x1AC80] =	vst v63  }
0x233: {  	_ = 	snop  }
0x234: {  	[hbm4b:s30+s4] =	stream.indirect_vreg.scatter [tilespmem:s16], [sflag:$0x6], $0x80, v4, vm0, $0xb8;
	[tilespmem:$0x1AC80] =	vst v63  }
0x235: {  	_ = 	snop  }
0x236: {  	[hbm4b:s6+s4] =	stream.indirect_vreg.scatter [tilespmem:s17], [sflag:$0x6], $0x80, v4, vm0, $0xb8;
	[tilespmem:$0x1AC80] =	vst v63  }
0x237: {  	_ = 	snop  }
0x238: {  	[hbm4b:s11+s4] =	stream.indirect_vreg.scatter [tilespmem:s22], [sflag:$0x6], $0x80, v4, vm0, $0xb8;
	[tilespmem:$0x1AC80] =	vst v63  }
.Ltmp7:
0x239: {  	_ = 	snop;
	(pc) =	sbr.rel @p0 .LBB2_11-.Ltmp7, $4  }
0x23a: {  	_ = 	snop  }
0x23b: {  	[hbm4b:s18+s4] =	stream.indirect_vreg.scatter [tilespmem:s24], [sflag:$0x6], $0x80, v4, vm0, $0xb8;
	[tilespmem:$0x1AC80] =	vst v63  }
0x23c: {  	_ = 	snop  }
0x23d: {  	[hbm4b:s19+s4] =	stream.indirect_vreg.scatter [tilespmem:s25], [sflag:$0x6], $0x80, v4, vm0, $0xb8;
	[tilespmem:$0x1AC80] =	vst v63  }
.Ltmp8:
0x23e: {  	(pc) =	sbr.rel @p1 .LBB2_13-.Ltmp8, $1  }
0x23f: {  	_ =	sdelay $0x3  }
0x240: {  	s22 =	simm.s32 $0x11480;
	s7 =	rddreg [dreg:$0xc]  }
0x241: {  	[tilespmem:s22], [sflag:$0x7] =	stream.linear.gather [hbm4b:s7+s4], $0x800, $0x38;
	[tilespmem:$0x1AC80] =	vst v63  }
0x242: {  	_ =	swait.ge [sflag:s31], $0x800  }
0x243: {  	[sflag:s31] =	ssyncset.done $0x0  }
0x244: {  	s24 =	simm.s32 $0x11C80;
	s29 =	rddreg [dreg:$0xd];
	[sflag:s31] =	ssyncadd.s32 $0xFFFFF800  }
0x245: {  	[tilespmem:s24], [sflag:$0x7] =	stream.linear.gather [hbm4b:s29+s4], $0x800, $0x38;
	[tilespmem:$0x1AC80] =	vst v63  }
0x246: {  	_ =	swait.ge [sflag:s31], $0x800  }
0x247: {  	[sflag:s31] =	ssyncset.done $0x0  }
0x248: {  	s25 =	simm.s32 $0x800;
	[sflag:s31] =	ssyncadd.s32 $0xFFFFF800  }
.LBB2_10:
0x249: {  	v4 =	vld [tilespmem:s24+$0x0];
	_ =	sdelay $0x6  }
0x24a: {  	v5 =	vld [tilespmem:s22+$0x0]  }
0x24b: {  	v4 =	vld.idx.msk [tilespmem:v4+s4+$0x0], $0xffff;
	_ =	sdelay $0x4  }
0x24c: {  	p2 =	seq.s32 s25, $0xFF0;
	v4 =	vadd.s32 v4, v5  }
.Ltmp9:
0x24d: {  	_ = 	snop;
	(pc) =	sbr.rel @!p2 .LBB2_10-.Ltmp9, $3  }
0x24e: {  	_ =	sdelay $0x1  }
0x24f: {  	v5 =	vor.u32 s25, v0  }
0x250: {  	s24 =	sadd.s32 $0x10, s24;
	s22 =	sadd.s32 $0x10, s22;
	s25 =	sadd.s32 $0x10, s25;
	[tilespmem:v4+s21+$0x0] =	vst.idx.msk $0xffff, v5  }
.Ltmp10:
0x251: {  	_ = 	snop;
	(pc) =	sbr.rel .LBB2_13-.Ltmp10, $1  }
0x252: {  	_ =	sdelay $0x3  }
.LBB2_11:
0x253: {  	s22 =	simm.s32 $0x0;
	s7 =	rddreg [dreg:$0xc];
	s0 =	simm.s32 $0x11480  }
0x254: {  	[tilespmem:s0], [sflag:$0x7] =	stream.linear.gather [hbm4b:s7+s22], $0x800, $0x38;
	[tilespmem:$0x1AC80] =	vst v63  }
0x255: {  	_ =	swait.ge [sflag:s31], $0x800  }
0x256: {  	[sflag:s31] =	ssyncset.done $0x0  }
0x257: {  	s25 =	simm.s32 $0x11C80;
	s24 =	rddreg [dreg:$0xd];
	[sflag:s31] =	ssyncadd.s32 $0xFFFFF800  }
0x258: {  	[tilespmem:s25], [sflag:$0x7] =	stream.linear.gather [hbm4b:s24+s22], $0x800, $0x38;
	[tilespmem:$0x1AC80] =	vst v63  }
0x259: {  	_ =	swait.ge [sflag:s31], $0x800  }
0x25a: {  	[sflag:s31] =	ssyncset.done $0x0  }
0x25b: {  	s29 =	simm.s32 $0x12480;
	s28 =	rddreg [dreg:$0xe];
	[sflag:s31] =	ssyncadd.s32 $0xFFFFF800  }
0x25c: {  	[tilespmem:s29], [sflag:$0x7] =	stream.linear.gather [hbm4b:s28+s22], $0x800, $0x38;
	[tilespmem:$0x1AC80] =	vst v63  }
0x25d: {  	_ =	swait.ge [sflag:s31], $0x800  }
0x25e: {  	[sflag:s31] =	ssyncset.done $0x0  }
0x25f: {  	[sflag:s31] =	ssyncadd.s32 $0xFFFFF800  }
.LBB2_12:
0x260: {  	s24 =	sshra.s32 s22, $0x2  }
0x261: {  	v4 =	vld [tilespmem:s24+$0x11C80];
	_ =	sdelay $0x6  }
0x262: {  	v5 =	vld [tilespmem:s24+$0x11480]  }
0x263: {  	v4 =	vld.idx.msk [tilespmem:v4+s4+$0x0], $0xffff;
	_ =	sdelay $0x4  }
0x264: {  	p2 =	sne.s32 s22, $0x1FC0;
	v4 =	vadd.s32 v4, v5;
	v5 =	vld [tilespmem:s24+$0x12480]  }
.Ltmp11:
0x265: {  	_ = 	snop;
	(pc) =	sbr.rel @p2 .LBB2_12-.Ltmp11, $2  }
0x266: {  	_ =	sdelay $0x2  }
0x267: {  	s22 =	sadd.s32 $0x40, s22;
	[tilespmem:v4+s20+$0x0] =	vst.idx.msk $0xffff, v5  }
.LBB2_13:
0x268: {  	s0 =	simm.s32 $0x4  }
0x269: {  	_ =	swait.ge [sflag:s0], $0x8000  }
0x26a: {  	[sflag:s0] =	ssyncset.done $0x0  }
0x26b: {  	s29 =	simm.s32 $0x6;
	[sflag:s0] =	ssyncadd.s32 $0xFFFF8000  }
0x26c: {  	_ =	swait.ge [sflag:s29], $0x8000  }
0x26d: {  	s7 =	sld [smem:$0x7F2]  }
0x26e: {  	[sflag:s29] =	ssyncset.done $0x0  }
0x26f: {  	[sflag:s29] =	ssyncadd.s32 $0xFFFF8000  }
0x270: {  	[tilespmem:s14], [sflag:$0x2] =	stream.linear.gather [hbm4b:s7+s4], $0x8000, $0x38;
	[tilespmem:$0x1AC80] =	vst v63  }
0x271: {  	_ =	swait.ge [sflag:s1], $0x8000  }
0x272: {  	[sflag:s1] =	ssyncset.done $0x0  }
0x273: {  	[sflag:s1] =	ssyncadd.s32 $0xFFFF8000  }
0x274: {  	v4 =	vld [tilespmem:$0x880];
	_ =	sdelay $0x4  }
0x275: {  	v5 =	vshll.u32 v4, $0x4  }
0x276: {  	v4 =	vand.u32 $0x7, v4;
	v5 =	vand.u32 $0xFFFFFF80, v5  }
0x277: {  	v4 =	vor.u32 v4, v5  }
0x278: {  	v5 =	vperm.xlane v4, v1;
	_ =	sdelay $0x1  }
0x279: {  	v5 =	vadd.s32 v2, v5;
	_ =	sdelay $0x4  }
0x27a: {  	[hbm4b:s15+s4] =	stream.indirect_vreg.scatter [tilespmem:s12], [sflag:$0x3], $0x80, v5, vm0, $0xb8;
	[tilespmem:$0x1AC80] =	vst v63  }
0x27b: {  	s7 =	simm.s32 $0x1C80  }
0x27c: {  	[hbm4b:s23+s4] =	stream.indirect_vreg.scatter [tilespmem:s7], [sflag:$0x3], $0x80, v5, vm0, $0xb8;
	[tilespmem:$0x1AC80] =	vst v63  }
0x27d: {  	s22 =	simm.s32 $0x2480  }
0x27e: {  	[hbm4b:s26+s4] =	stream.indirect_vreg.scatter [tilespmem:s22], [sflag:$0x3], $0x80, v5, vm0, $0xb8;
	[tilespmem:$0x1AC80] =	vst v63  }
0x27f: {  	s24 =	simm.s32 $0x2C80  }
0x280: {  	[hbm4b:s30+s4] =	stream.indirect_vreg.scatter [tilespmem:s24], [sflag:$0x3], $0x80, v5, vm0, $0xb8;
	[tilespmem:$0x1AC80] =	vst v63  }
0x281: {  	s25 =	simm.s32 $0x3480  }
0x282: {  	[hbm4b:s6+s4] =	stream.indirect_vreg.scatter [tilespmem:s25], [sflag:$0x3], $0x80, v5, vm0, $0xb8;
	[tilespmem:$0x1AC80] =	vst v63  }
0x283: {  	s28 =	simm.s32 $0x3C80;
	v4 =	vperm.xlane v4, v3  }
0x284: {  	[hbm4b:s11+s4] =	stream.indirect_vreg.scatter [tilespmem:s28], [sflag:$0x3], $0x80, v5, vm0, $0xb8;
	[tilespmem:$0x1AC80] =	vst v63  }
0x285: {  	s29 =	simm.s32 $0x4480;
	v4 =	vadd.s32 v2, v4  }
0x286: {  	[hbm4b:s18+s4] =	stream.indirect_vreg.scatter [tilespmem:s29], [sflag:$0x3], $0x80, v5, vm0, $0xb8;
	[tilespmem:$0x1AC80] =	vst v63  }
0x287: {  	s0 =	simm.s32 $0x4C80  }
0x288: {  	[hbm4b:s19+s4] =	stream.indirect_vreg.scatter [tilespmem:s0], [sflag:$0x3], $0x80, v5, vm0, $0xb8;
	[tilespmem:$0x1AC80] =	vst v63  }
0x289: {  	s2 =	simm.s32 $0x5480  }
0x28a: {  	[hbm4b:s15+s4] =	stream.indirect_vreg.scatter [tilespmem:s2], [sflag:$0x3], $0x80, v4, vm0, $0xb8;
	[tilespmem:$0x1AC80] =	vst v63  }
0x28b: {  	s3 =	simm.s32 $0x5C80  }
0x28c: {  	[hbm4b:s23+s4] =	stream.indirect_vreg.scatter [tilespmem:s3], [sflag:$0x3], $0x80, v4, vm0, $0xb8;
	[tilespmem:$0x1AC80] =	vst v63  }
0x28d: {  	s8 =	simm.s32 $0x6480  }
0x28e: {  	[hbm4b:s26+s4] =	stream.indirect_vreg.scatter [tilespmem:s8], [sflag:$0x3], $0x80, v4, vm0, $0xb8;
	[tilespmem:$0x1AC80] =	vst v63  }
0x28f: {  	s13 =	simm.s32 $0x6C80  }
0x290: {  	[hbm4b:s30+s4] =	stream.indirect_vreg.scatter [tilespmem:s13], [sflag:$0x3], $0x80, v4, vm0, $0xb8;
	[tilespmem:$0x1AC80] =	vst v63  }
0x291: {  	s5 =	simm.s32 $0x7480  }
0x292: {  	[hbm4b:s6+s4] =	stream.indirect_vreg.scatter [tilespmem:s5], [sflag:$0x3], $0x80, v4, vm0, $0xb8;
	[tilespmem:$0x1AC80] =	vst v63  }
0x293: {  	s10 =	simm.s32 $0x7C80  }
0x294: {  	[hbm4b:s11+s4] =	stream.indirect_vreg.scatter [tilespmem:s10], [sflag:$0x3], $0x80, v4, vm0, $0xb8;
	[tilespmem:$0x1AC80] =	vst v63  }
0x295: {  	s17 =	simm.s32 $0x8480  }
0x296: {  	[hbm4b:s18+s4] =	stream.indirect_vreg.scatter [tilespmem:s17], [sflag:$0x3], $0x80, v4, vm0, $0xb8;
	[tilespmem:$0x1AC80] =	vst v63  }
0x297: {  	s16 =	simm.s32 $0x8C80  }
0x298: {  	[hbm4b:s19+s4] =	stream.indirect_vreg.scatter [tilespmem:s16], [sflag:$0x3], $0x80, v4, vm0, $0xb8;
	[tilespmem:$0x1AC80] =	vst v63  }
0x299: {  	v4 =	vld [tilespmem:$0x900];
	_ =	sdelay $0x4  }
0x29a: {  	v5 =	vshll.u32 v4, $0x4  }
0x29b: {  	v4 =	vand.u32 $0x7, v4;
	v5 =	vand.u32 $0xFFFFFF80, v5  }
0x29c: {  	v4 =	vor.u32 v4, v5  }
0x29d: {  	v5 =	vperm.xlane v4, v1;
	_ =	sdelay $0x1  }
0x29e: {  	v5 =	vadd.s32 v2, v5;
	_ =	sdelay $0x4  }
0x29f: {  	[hbm4b:s15+s4] =	stream.indirect_vreg.scatter [tilespmem:s12], [sflag:$0x5], $0x80, v5, vm0, $0xb8;
	[tilespmem:$0x1AC80] =	vst v63  }
0x2a0: {  	_ = 	snop  }
0x2a1: {  	[hbm4b:s23+s4] =	stream.indirect_vreg.scatter [tilespmem:s7], [sflag:$0x5], $0x80, v5, vm0, $0xb8;
	[tilespmem:$0x1AC80] =	vst v63  }
0x2a2: {  	_ = 	snop  }
0x2a3: {  	[hbm4b:s26+s4] =	stream.indirect_vreg.scatter [tilespmem:s22], [sflag:$0x5], $0x80, v5, vm0, $0xb8;
	[tilespmem:$0x1AC80] =	vst v63  }
0x2a4: {  	_ = 	snop  }
0x2a5: {  	[hbm4b:s30+s4] =	stream.indirect_vreg.scatter [tilespmem:s24], [sflag:$0x5], $0x80, v5, vm0, $0xb8;
	[tilespmem:$0x1AC80] =	vst v63  }
0x2a6: {  	_ = 	snop  }
0x2a7: {  	[hbm4b:s6+s4] =	stream.indirect_vreg.scatter [tilespmem:s25], [sflag:$0x5], $0x80, v5, vm0, $0xb8;
	[tilespmem:$0x1AC80] =	vst v63  }
0x2a8: {  	v4 =	vperm.xlane v4, v3  }
0x2a9: {  	[hbm4b:s11+s4] =	stream.indirect_vreg.scatter [tilespmem:s28], [sflag:$0x5], $0x80, v5, vm0, $0xb8;
	[tilespmem:$0x1AC80] =	vst v63  }
0x2aa: {  	v4 =	vadd.s32 v2, v4  }
0x2ab: {  	[hbm4b:s18+s4] =	stream.indirect_vreg.scatter [tilespmem:s29], [sflag:$0x5], $0x80, v5, vm0, $0xb8;
	[tilespmem:$0x1AC80] =	vst v63  }
0x2ac: {  	_ = 	snop  }
0x2ad: {  	[hbm4b:s19+s4] =	stream.indirect_vreg.scatter [tilespmem:s0], [sflag:$0x5], $0x80, v5, vm0, $0xb8;
	[tilespmem:$0x1AC80] =	vst v63  }
0x2ae: {  	_ = 	snop  }
0x2af: {  	[hbm4b:s15+s4] =	stream.indirect_vreg.scatter [tilespmem:s2], [sflag:$0x5], $0x80, v4, vm0, $0xb8;
	[tilespmem:$0x1AC80] =	vst v63  }
0x2b0: {  	_ = 	snop  }
0x2b1: {  	[hbm4b:s23+s4] =	stream.indirect_vreg.scatter [tilespmem:s3], [sflag:$0x5], $0x80, v4, vm0, $0xb8;
	[tilespmem:$0x1AC80] =	vst v63  }
0x2b2: {  	_ = 	snop  }
0x2b3: {  	[hbm4b:s26+s4] =	stream.indirect_vreg.scatter [tilespmem:s8], [sflag:$0x5], $0x80, v4, vm0, $0xb8;
	[tilespmem:$0x1AC80] =	vst v63  }
0x2b4: {  	_ = 	snop  }
0x2b5: {  	[hbm4b:s30+s4] =	stream.indirect_vreg.scatter [tilespmem:s13], [sflag:$0x5], $0x80, v4, vm0, $0xb8;
	[tilespmem:$0x1AC80] =	vst v63  }
0x2b6: {  	_ = 	snop  }
0x2b7: {  	[hbm4b:s6+s4] =	stream.indirect_vreg.scatter [tilespmem:s5], [sflag:$0x5], $0x80, v4, vm0, $0xb8;
	[tilespmem:$0x1AC80] =	vst v63  }
0x2b8: {  	_ = 	snop  }
0x2b9: {  	[hbm4b:s11+s4] =	stream.indirect_vreg.scatter [tilespmem:s10], [sflag:$0x5], $0x80, v4, vm0, $0xb8;
	[tilespmem:$0x1AC80] =	vst v63  }
.Ltmp12:
0x2ba: {  	_ = 	snop;
	(pc) =	sbr.rel @p0 .LBB2_17-.Ltmp12, $4  }
0x2bb: {  	_ = 	snop  }
0x2bc: {  	[hbm4b:s18+s4] =	stream.indirect_vreg.scatter [tilespmem:s17], [sflag:$0x5], $0x80, v4, vm0, $0xb8;
	[tilespmem:$0x1AC80] =	vst v63  }
0x2bd: {  	_ = 	snop  }
0x2be: {  	[hbm4b:s19+s4] =	stream.indirect_vreg.scatter [tilespmem:s16], [sflag:$0x5], $0x80, v4, vm0, $0xb8;
	[tilespmem:$0x1AC80] =	vst v63  }
.Ltmp13:
0x2bf: {  	(pc) =	sbr.rel @p1 .LBB2_19-.Ltmp13, $1  }
0x2c0: {  	_ =	sdelay $0x3  }
0x2c1: {  	s22 =	simm.s32 $0x11480;
	s7 =	rddreg [dreg:$0xf]  }
0x2c2: {  	[tilespmem:s22], [sflag:$0x7] =	stream.linear.gather [hbm4b:s7+s4], $0x800, $0x38;
	[tilespmem:$0x1AC80] =	vst v63  }
0x2c3: {  	_ =	swait.ge [sflag:s31], $0x800  }
0x2c4: {  	[sflag:s31] =	ssyncset.done $0x0  }
0x2c5: {  	s24 =	simm.s32 $0x11C80;
	s29 =	rddreg [dreg:$0x10];
	[sflag:s31] =	ssyncadd.s32 $0xFFFFF800  }
0x2c6: {  	[tilespmem:s24], [sflag:$0x7] =	stream.linear.gather [hbm4b:s29+s4], $0x800, $0x38;
	[tilespmem:$0x1AC80] =	vst v63  }
0x2c7: {  	_ =	swait.ge [sflag:s31], $0x800  }
0x2c8: {  	[sflag:s31] =	ssyncset.done $0x0  }
0x2c9: {  	s25 =	simm.s32 $0x1000;
	[sflag:s31] =	ssyncadd.s32 $0xFFFFF800  }
.LBB2_16:
0x2ca: {  	v4 =	vld [tilespmem:s24+$0x0];
	_ =	sdelay $0x6  }
0x2cb: {  	v5 =	vld [tilespmem:s22+$0x0]  }
0x2cc: {  	v4 =	vld.idx.msk [tilespmem:v4+s4+$0x0], $0xffff;
	_ =	sdelay $0x4  }
0x2cd: {  	p2 =	seq.s32 s25, $0x17F0;
	v4 =	vadd.s32 v4, v5  }
.Ltmp14:
0x2ce: {  	_ = 	snop;
	(pc) =	sbr.rel @!p2 .LBB2_16-.Ltmp14, $3  }
0x2cf: {  	_ =	sdelay $0x1  }
0x2d0: {  	v5 =	vor.u32 s25, v0  }
0x2d1: {  	s24 =	sadd.s32 $0x10, s24;
	s22 =	sadd.s32 $0x10, s22;
	s25 =	sadd.s32 $0x10, s25;
	[tilespmem:v4+s21+$0x0] =	vst.idx.msk $0xffff, v5  }
.Ltmp15:
0x2d2: {  	_ = 	snop;
	(pc) =	sbr.rel .LBB2_19-.Ltmp15, $1  }
0x2d3: {  	_ =	sdelay $0x3  }
.LBB2_17:
0x2d4: {  	s22 =	simm.s32 $0x0;
	s7 =	rddreg [dreg:$0xf];
	s0 =	simm.s32 $0x11480  }
0x2d5: {  	[tilespmem:s0], [sflag:$0x7] =	stream.linear.gather [hbm4b:s7+s22], $0x800, $0x38;
	[tilespmem:$0x1AC80] =	vst v63  }
0x2d6: {  	_ =	swait.ge [sflag:s31], $0x800  }
0x2d7: {  	[sflag:s31] =	ssyncset.done $0x0  }
0x2d8: {  	s25 =	simm.s32 $0x11C80;
	s24 =	rddreg [dreg:$0x10];
	[sflag:s31] =	ssyncadd.s32 $0xFFFFF800  }
0x2d9: {  	[tilespmem:s25], [sflag:$0x7] =	stream.linear.gather [hbm4b:s24+s22], $0x800, $0x38;
	[tilespmem:$0x1AC80] =	vst v63  }
0x2da: {  	_ =	swait.ge [sflag:s31], $0x800  }
0x2db: {  	[sflag:s31] =	ssyncset.done $0x0  }
0x2dc: {  	s29 =	simm.s32 $0x12480;
	s28 =	rddreg [dreg:$0x11];
	[sflag:s31] =	ssyncadd.s32 $0xFFFFF800  }
0x2dd: {  	[tilespmem:s29], [sflag:$0x7] =	stream.linear.gather [hbm4b:s28+s22], $0x800, $0x38;
	[tilespmem:$0x1AC80] =	vst v63  }
0x2de: {  	_ =	swait.ge [sflag:s31], $0x800  }
0x2df: {  	[sflag:s31] =	ssyncset.done $0x0  }
0x2e0: {  	[sflag:s31] =	ssyncadd.s32 $0xFFFFF800  }
.LBB2_18:
0x2e1: {  	s24 =	sshra.s32 s22, $0x2  }
0x2e2: {  	v4 =	vld [tilespmem:s24+$0x11C80];
	_ =	sdelay $0x6  }
0x2e3: {  	v5 =	vld [tilespmem:s24+$0x11480]  }
0x2e4: {  	v4 =	vld.idx.msk [tilespmem:v4+s4+$0x0], $0xffff;
	_ =	sdelay $0x4  }
0x2e5: {  	p2 =	sne.s32 s22, $0x1FC0;
	v4 =	vadd.s32 v4, v5;
	v5 =	vld [tilespmem:s24+$0x12480]  }
.Ltmp16:
0x2e6: {  	_ = 	snop;
	(pc) =	sbr.rel @p2 .LBB2_18-.Ltmp16, $2  }
0x2e7: {  	_ =	sdelay $0x2  }
0x2e8: {  	s22 =	sadd.s32 $0x40, s22;
	[tilespmem:v4+s20+$0x0] =	vst.idx.msk $0xffff, v5  }
.LBB2_19:
0x2e9: {  	s0 =	simm.s32 $0x3  }
0x2ea: {  	_ =	swait.ge [sflag:s0], $0x8000  }
0x2eb: {  	[sflag:s0] =	ssyncset.done $0x0  }
0x2ec: {  	s3 =	simm.s32 $0x5;
	[sflag:s0] =	ssyncadd.s32 $0xFFFF8000  }
0x2ed: {  	_ =	swait.ge [sflag:s3], $0x8000  }
0x2ee: {  	s7 =	sld [smem:$0x7F3]  }
0x2ef: {  	[sflag:s3] =	ssyncset.done $0x0  }
0x2f0: {  	s5 =	simm.s32 $0x2;
	[sflag:s3] =	ssyncadd.s32 $0xFFFF8000  }
0x2f1: {  	[tilespmem:s12], [sflag:$0x1] =	stream.linear.gather [hbm4b:s7+s4], $0x8000, $0x38;
	[tilespmem:$0x1AC80] =	vst v63  }
0x2f2: {  	_ =	swait.ge [sflag:s5], $0x8000  }
0x2f3: {  	[sflag:s5] =	ssyncset.done $0x0  }
0x2f4: {  	[sflag:s5] =	ssyncadd.s32 $0xFFFF8000  }
0x2f5: {  	v4 =	vld [tilespmem:$0x980];
	_ =	sdelay $0x4  }
0x2f6: {  	v5 =	vshll.u32 v4, $0x4  }
0x2f7: {  	v4 =	vand.u32 $0x7, v4;
	v5 =	vand.u32 $0xFFFFFF80, v5  }
0x2f8: {  	v4 =	vor.u32 v4, v5  }
0x2f9: {  	v5 =	vperm.xlane v4, v1;
	_ =	sdelay $0x1  }
0x2fa: {  	v5 =	vadd.s32 v2, v5;
	_ =	sdelay $0x4  }
0x2fb: {  	[hbm4b:s15+s4] =	stream.indirect_vreg.scatter [tilespmem:s14], [sflag:$0x4], $0x80, v5, vm0, $0xb8;
	[tilespmem:$0x1AC80] =	vst v63  }
0x2fc: {  	s7 =	simm.s32 $0x9C80  }
0x2fd: {  	[hbm4b:s23+s4] =	stream.indirect_vreg.scatter [tilespmem:s7], [sflag:$0x4], $0x80, v5, vm0, $0xb8;
	[tilespmem:$0x1AC80] =	vst v63  }
0x2fe: {  	s2 =	simm.s32 $0xA480  }
0x2ff: {  	[hbm4b:s26+s4] =	stream.indirect_vreg.scatter [tilespmem:s2], [sflag:$0x4], $0x80, v5, vm0, $0xb8;
	[tilespmem:$0x1AC80] =	vst v63  }
0x300: {  	s28 =	simm.s32 $0xAC80  }
0x301: {  	[hbm4b:s30+s4] =	stream.indirect_vreg.scatter [tilespmem:s28], [sflag:$0x4], $0x80, v5, vm0, $0xb8;
	[tilespmem:$0x1AC80] =	vst v63  }
0x302: {  	s3 =	simm.s32 $0xB480  }
0x303: {  	[hbm4b:s6+s4] =	stream.indirect_vreg.scatter [tilespmem:s3], [sflag:$0x4], $0x80, v5, vm0, $0xb8;
	[tilespmem:$0x1AC80] =	vst v63  }
0x304: {  	s29 =	simm.s32 $0xBC80;
	v4 =	vperm.xlane v4, v3  }
0x305: {  	[hbm4b:s11+s4] =	stream.indirect_vreg.scatter [tilespmem:s29], [sflag:$0x4], $0x80, v5, vm0, $0xb8;
	[tilespmem:$0x1AC80] =	vst v63  }
0x306: {  	s5 =	simm.s32 $0xC480;
	v4 =	vadd.s32 v2, v4  }
0x307: {  	[hbm4b:s18+s4] =	stream.indirect_vreg.scatter [tilespmem:s5], [sflag:$0x4], $0x80, v5, vm0, $0xb8;
	[tilespmem:$0x1AC80] =	vst v63  }
0x308: {  	s8 =	simm.s32 $0xCC80  }
0x309: {  	[hbm4b:s19+s4] =	stream.indirect_vreg.scatter [tilespmem:s8], [sflag:$0x4], $0x80, v5, vm0, $0xb8;
	[tilespmem:$0x1AC80] =	vst v63  }
0x30a: {  	_ = 	snop  }
0x30b: {  	[hbm4b:s15+s4] =	stream.indirect_vreg.scatter [tilespmem:s9], [sflag:$0x4], $0x80, v4, vm0, $0xb8;
	[tilespmem:$0x1AC80] =	vst v63  }
0x30c: {  	s10 =	simm.s32 $0xDC80  }
0x30d: {  	[hbm4b:s23+s4] =	stream.indirect_vreg.scatter [tilespmem:s10], [sflag:$0x4], $0x80, v4, vm0, $0xb8;
	[tilespmem:$0x1AC80] =	vst v63  }
0x30e: {  	s13 =	simm.s32 $0xE480  }
0x30f: {  	[hbm4b:s26+s4] =	stream.indirect_vreg.scatter [tilespmem:s13], [sflag:$0x4], $0x80, v4, vm0, $0xb8;
	[tilespmem:$0x1AC80] =	vst v63  }
0x310: {  	s16 =	simm.s32 $0xEC80  }
0x311: {  	[hbm4b:s30+s4] =	stream.indirect_vreg.scatter [tilespmem:s16], [sflag:$0x4], $0x80, v4, vm0, $0xb8;
	[tilespmem:$0x1AC80] =	vst v63  }
0x312: {  	s17 =	simm.s32 $0xF480  }
0x313: {  	[hbm4b:s6+s4] =	stream.indirect_vreg.scatter [tilespmem:s17], [sflag:$0x4], $0x80, v4, vm0, $0xb8;
	[tilespmem:$0x1AC80] =	vst v63  }
0x314: {  	s22 =	simm.s32 $0xFC80  }
0x315: {  	[hbm4b:s11+s4] =	stream.indirect_vreg.scatter [tilespmem:s22], [sflag:$0x4], $0x80, v4, vm0, $0xb8;
	[tilespmem:$0x1AC80] =	vst v63  }
0x316: {  	s24 =	simm.s32 $0x10480  }
0x317: {  	[hbm4b:s18+s4] =	stream.indirect_vreg.scatter [tilespmem:s24], [sflag:$0x4], $0x80, v4, vm0, $0xb8;
	[tilespmem:$0x1AC80] =	vst v63  }
0x318: {  	s25 =	simm.s32 $0x10C80  }
0x319: {  	[hbm4b:s19+s4] =	stream.indirect_vreg.scatter [tilespmem:s25], [sflag:$0x4], $0x80, v4, vm0, $0xb8;
	[tilespmem:$0x1AC80] =	vst v63  }
0x31a: {  	v4 =	vld [tilespmem:$0xA00];
	_ =	sdelay $0x4  }
0x31b: {  	v5 =	vshll.u32 v4, $0x4  }
0x31c: {  	v4 =	vand.u32 $0x7, v4;
	v5 =	vand.u32 $0xFFFFFF80, v5  }
0x31d: {  	v4 =	vor.u32 v4, v5  }
0x31e: {  	v5 =	vperm.xlane v4, v1;
	_ =	sdelay $0x1  }
0x31f: {  	v5 =	vadd.s32 v2, v5;
	_ =	sdelay $0x4  }
0x320: {  	[hbm4b:s15+s4] =	stream.indirect_vreg.scatter [tilespmem:s14], [sflag:$0x6], $0x80, v5, vm0, $0xb8;
	[tilespmem:$0x1AC80] =	vst v63  }
0x321: {  	_ = 	snop  }
0x322: {  	[hbm4b:s23+s4] =	stream.indirect_vreg.scatter [tilespmem:s7], [sflag:$0x6], $0x80, v5, vm0, $0xb8;
	[tilespmem:$0x1AC80] =	vst v63  }
0x323: {  	_ = 	snop  }
0x324: {  	[hbm4b:s26+s4] =	stream.indirect_vreg.scatter [tilespmem:s2], [sflag:$0x6], $0x80, v5, vm0, $0xb8;
	[tilespmem:$0x1AC80] =	vst v63  }
0x325: {  	_ = 	snop  }
0x326: {  	[hbm4b:s30+s4] =	stream.indirect_vreg.scatter [tilespmem:s28], [sflag:$0x6], $0x80, v5, vm0, $0xb8;
	[tilespmem:$0x1AC80] =	vst v63  }
0x327: {  	_ = 	snop  }
0x328: {  	[hbm4b:s6+s4] =	stream.indirect_vreg.scatter [tilespmem:s3], [sflag:$0x6], $0x80, v5, vm0, $0xb8;
	[tilespmem:$0x1AC80] =	vst v63  }
0x329: {  	v4 =	vperm.xlane v4, v3  }
0x32a: {  	[hbm4b:s11+s4] =	stream.indirect_vreg.scatter [tilespmem:s29], [sflag:$0x6], $0x80, v5, vm0, $0xb8;
	[tilespmem:$0x1AC80] =	vst v63  }
0x32b: {  	v4 =	vadd.s32 v2, v4  }
0x32c: {  	[hbm4b:s18+s4] =	stream.indirect_vreg.scatter [tilespmem:s5], [sflag:$0x6], $0x80, v5, vm0, $0xb8;
	[tilespmem:$0x1AC80] =	vst v63  }
0x32d: {  	_ = 	snop  }
0x32e: {  	[hbm4b:s19+s4] =	stream.indirect_vreg.scatter [tilespmem:s8], [sflag:$0x6], $0x80, v5, vm0, $0xb8;
	[tilespmem:$0x1AC80] =	vst v63  }
0x32f: {  	_ = 	snop  }
0x330: {  	[hbm4b:s15+s4] =	stream.indirect_vreg.scatter [tilespmem:s9], [sflag:$0x6], $0x80, v4, vm0, $0xb8;
	[tilespmem:$0x1AC80] =	vst v63  }
0x331: {  	_ = 	snop  }
0x332: {  	[hbm4b:s23+s4] =	stream.indirect_vreg.scatter [tilespmem:s10], [sflag:$0x6], $0x80, v4, vm0, $0xb8;
	[tilespmem:$0x1AC80] =	vst v63  }
0x333: {  	_ = 	snop  }
0x334: {  	[hbm4b:s26+s4] =	stream.indirect_vreg.scatter [tilespmem:s13], [sflag:$0x6], $0x80, v4, vm0, $0xb8;
	[tilespmem:$0x1AC80] =	vst v63  }
0x335: {  	_ = 	snop  }
0x336: {  	[hbm4b:s30+s4] =	stream.indirect_vreg.scatter [tilespmem:s16], [sflag:$0x6], $0x80, v4, vm0, $0xb8;
	[tilespmem:$0x1AC80] =	vst v63  }
0x337: {  	_ = 	snop  }
0x338: {  	[hbm4b:s6+s4] =	stream.indirect_vreg.scatter [tilespmem:s17], [sflag:$0x6], $0x80, v4, vm0, $0xb8;
	[tilespmem:$0x1AC80] =	vst v63  }
0x339: {  	_ = 	snop  }
0x33a: {  	[hbm4b:s11+s4] =	stream.indirect_vreg.scatter [tilespmem:s22], [sflag:$0x6], $0x80, v4, vm0, $0xb8;
	[tilespmem:$0x1AC80] =	vst v63  }
.Ltmp17:
0x33b: {  	_ = 	snop;
	(pc) =	sbr.rel @p0 .LBB2_23-.Ltmp17, $4  }
0x33c: {  	_ = 	snop  }
0x33d: {  	[hbm4b:s18+s4] =	stream.indirect_vreg.scatter [tilespmem:s24], [sflag:$0x6], $0x80, v4, vm0, $0xb8;
	[tilespmem:$0x1AC80] =	vst v63  }
0x33e: {  	_ = 	snop  }
0x33f: {  	[hbm4b:s19+s4] =	stream.indirect_vreg.scatter [tilespmem:s25], [sflag:$0x6], $0x80, v4, vm0, $0xb8;
	[tilespmem:$0x1AC80] =	vst v63  }
.Ltmp18:
0x340: {  	(pc) =	sbr.rel @p1 .LBB2_25-.Ltmp18, $1  }
0x341: {  	_ =	sdelay $0x3  }
0x342: {  	s22 =	simm.s32 $0x11480;
	s7 =	rddreg [dreg:$0x12]  }
0x343: {  	[tilespmem:s22], [sflag:$0x7] =	stream.linear.gather [hbm4b:s7+s4], $0x800, $0x38;
	[tilespmem:$0x1AC80] =	vst v63  }
0x344: {  	_ =	swait.ge [sflag:s31], $0x800  }
0x345: {  	[sflag:s31] =	ssyncset.done $0x0  }
0x346: {  	s24 =	simm.s32 $0x11C80;
	s29 =	rddreg [dreg:$0x13];
	[sflag:s31] =	ssyncadd.s32 $0xFFFFF800  }
0x347: {  	[tilespmem:s24], [sflag:$0x7] =	stream.linear.gather [hbm4b:s29+s4], $0x800, $0x38;
	[tilespmem:$0x1AC80] =	vst v63  }
0x348: {  	_ =	swait.ge [sflag:s31], $0x800  }
0x349: {  	[sflag:s31] =	ssyncset.done $0x0  }
0x34a: {  	s25 =	simm.s32 $0x1800;
	[sflag:s31] =	ssyncadd.s32 $0xFFFFF800  }
.LBB2_22:
0x34b: {  	v4 =	vld [tilespmem:s24+$0x0];
	_ =	sdelay $0x6  }
0x34c: {  	v5 =	vld [tilespmem:s22+$0x0]  }
0x34d: {  	v4 =	vld.idx.msk [tilespmem:v4+s4+$0x0], $0xffff;
	_ =	sdelay $0x4  }
0x34e: {  	p2 =	seq.s32 s25, $0x1FF0;
	v4 =	vadd.s32 v4, v5  }
.Ltmp19:
0x34f: {  	_ = 	snop;
	(pc) =	sbr.rel @!p2 .LBB2_22-.Ltmp19, $3  }
0x350: {  	_ =	sdelay $0x1  }
0x351: {  	v5 =	vor.u32 s25, v0  }
0x352: {  	s24 =	sadd.s32 $0x10, s24;
	s22 =	sadd.s32 $0x10, s22;
	s25 =	sadd.s32 $0x10, s25;
	[tilespmem:v4+s21+$0x0] =	vst.idx.msk $0xffff, v5  }
.Ltmp20:
0x353: {  	_ = 	snop;
	(pc) =	sbr.rel .LBB2_25-.Ltmp20, $1  }
0x354: {  	_ =	sdelay $0x3  }
.LBB2_23:
0x355: {  	s22 =	simm.s32 $0x0;
	s7 =	rddreg [dreg:$0x12];
	s0 =	simm.s32 $0x11480  }
0x356: {  	[tilespmem:s0], [sflag:$0x7] =	stream.linear.gather [hbm4b:s7+s22], $0x800, $0x38;
	[tilespmem:$0x1AC80] =	vst v63  }
0x357: {  	_ =	swait.ge [sflag:s31], $0x800  }
0x358: {  	[sflag:s31] =	ssyncset.done $0x0  }
0x359: {  	s25 =	simm.s32 $0x11C80;
	s24 =	rddreg [dreg:$0x13];
	[sflag:s31] =	ssyncadd.s32 $0xFFFFF800  }
0x35a: {  	[tilespmem:s25], [sflag:$0x7] =	stream.linear.gather [hbm4b:s24+s22], $0x800, $0x38;
	[tilespmem:$0x1AC80] =	vst v63  }
0x35b: {  	_ =	swait.ge [sflag:s31], $0x800  }
0x35c: {  	[sflag:s31] =	ssyncset.done $0x0  }
0x35d: {  	s29 =	simm.s32 $0x12480;
	s28 =	rddreg [dreg:$0x14];
	[sflag:s31] =	ssyncadd.s32 $0xFFFFF800  }
0x35e: {  	[tilespmem:s29], [sflag:$0x7] =	stream.linear.gather [hbm4b:s28+s22], $0x800, $0x38;
	[tilespmem:$0x1AC80] =	vst v63  }
0x35f: {  	_ =	swait.ge [sflag:s31], $0x800  }
0x360: {  	[sflag:s31] =	ssyncset.done $0x0  }
0x361: {  	[sflag:s31] =	ssyncadd.s32 $0xFFFFF800  }
.LBB2_24:
0x362: {  	s24 =	sshra.s32 s22, $0x2  }
0x363: {  	v4 =	vld [tilespmem:s24+$0x11C80];
	_ =	sdelay $0x6  }
0x364: {  	v5 =	vld [tilespmem:s24+$0x11480]  }
0x365: {  	v4 =	vld.idx.msk [tilespmem:v4+s4+$0x0], $0xffff;
	_ =	sdelay $0x4  }
0x366: {  	p2 =	sne.s32 s22, $0x1FC0;
	v4 =	vadd.s32 v4, v5;
	v5 =	vld [tilespmem:s24+$0x12480]  }
.Ltmp21:
0x367: {  	_ = 	snop;
	(pc) =	sbr.rel @p2 .LBB2_24-.Ltmp21, $2  }
0x368: {  	_ =	sdelay $0x2  }
0x369: {  	s22 =	sadd.s32 $0x40, s22;
	[tilespmem:v4+s20+$0x0] =	vst.idx.msk $0xffff, v5  }
.LBB2_25:
0x36a: {  	s0 =	simm.s32 $0x4  }
0x36b: {  	_ =	swait.ge [sflag:s0], $0x8000  }
0x36c: {  	[sflag:s0] =	ssyncset.done $0x0  }
0x36d: {  	s29 =	simm.s32 $0x6;
	[sflag:s0] =	ssyncadd.s32 $0xFFFF8000  }
0x36e: {  	_ =	swait.ge [sflag:s29], $0x8000  }
0x36f: {  	s7 =	sld [smem:$0x7F4]  }
0x370: {  	[sflag:s29] =	ssyncset.done $0x0  }
0x371: {  	[sflag:s29] =	ssyncadd.s32 $0xFFFF8000  }
0x372: {  	[tilespmem:s14], [sflag:$0x2] =	stream.linear.gather [hbm4b:s7+s4], $0x8000, $0x38;
	[tilespmem:$0x1AC80] =	vst v63  }
0x373: {  	_ =	swait.ge [sflag:s1], $0x8000  }
0x374: {  	[sflag:s1] =	ssyncset.done $0x0  }
0x375: {  	[sflag:s1] =	ssyncadd.s32 $0xFFFF8000  }
0x376: {  	v4 =	vld [tilespmem:$0xA80];
	_ =	sdelay $0x4  }
0x377: {  	v5 =	vshll.u32 v4, $0x4  }
0x378: {  	v4 =	vand.u32 $0x7, v4;
	v5 =	vand.u32 $0xFFFFFF80, v5  }
0x379: {  	v4 =	vor.u32 v4, v5  }
0x37a: {  	v5 =	vperm.xlane v4, v1;
	_ =	sdelay $0x1  }
0x37b: {  	v5 =	vadd.s32 v2, v5;
	_ =	sdelay $0x4  }
0x37c: {  	[hbm4b:s15+s4] =	stream.indirect_vreg.scatter [tilespmem:s12], [sflag:$0x3], $0x80, v5, vm0, $0xb8;
	[tilespmem:$0x1AC80] =	vst v63  }
0x37d: {  	s7 =	simm.s32 $0x1C80  }
0x37e: {  	[hbm4b:s23+s4] =	stream.indirect_vreg.scatter [tilespmem:s7], [sflag:$0x3], $0x80, v5, vm0, $0xb8;
	[tilespmem:$0x1AC80] =	vst v63  }
0x37f: {  	s22 =	simm.s32 $0x2480  }
0x380: {  	[hbm4b:s26+s4] =	stream.indirect_vreg.scatter [tilespmem:s22], [sflag:$0x3], $0x80, v5, vm0, $0xb8;
	[tilespmem:$0x1AC80] =	vst v63  }
0x381: {  	s24 =	simm.s32 $0x2C80  }
0x382: {  	[hbm4b:s30+s4] =	stream.indirect_vreg.scatter [tilespmem:s24], [sflag:$0x3], $0x80, v5, vm0, $0xb8;
	[tilespmem:$0x1AC80] =	vst v63  }
0x383: {  	s25 =	simm.s32 $0x3480  }
0x384: {  	[hbm4b:s6+s4] =	stream.indirect_vreg.scatter [tilespmem:s25], [sflag:$0x3], $0x80, v5, vm0, $0xb8;
	[tilespmem:$0x1AC80] =	vst v63  }
0x385: {  	s28 =	simm.s32 $0x3C80;
	v4 =	vperm.xlane v4, v3  }
0x386: {  	[hbm4b:s11+s4] =	stream.indirect_vreg.scatter [tilespmem:s28], [sflag:$0x3], $0x80, v5, vm0, $0xb8;
	[tilespmem:$0x1AC80] =	vst v63  }
0x387: {  	s29 =	simm.s32 $0x4480;
	v4 =	vadd.s32 v2, v4  }
0x388: {  	[hbm4b:s18+s4] =	stream.indirect_vreg.scatter [tilespmem:s29], [sflag:$0x3], $0x80, v5, vm0, $0xb8;
	[tilespmem:$0x1AC80] =	vst v63  }
0x389: {  	s0 =	simm.s32 $0x4C80  }
0x38a: {  	[hbm4b:s19+s4] =	stream.indirect_vreg.scatter [tilespmem:s0], [sflag:$0x3], $0x80, v5, vm0, $0xb8;
	[tilespmem:$0x1AC80] =	vst v63  }
0x38b: {  	s2 =	simm.s32 $0x5480  }
0x38c: {  	[hbm4b:s15+s4] =	stream.indirect_vreg.scatter [tilespmem:s2], [sflag:$0x3], $0x80, v4, vm0, $0xb8;
	[tilespmem:$0x1AC80] =	vst v63  }
0x38d: {  	s3 =	simm.s32 $0x5C80  }
0x38e: {  	[hbm4b:s23+s4] =	stream.indirect_vreg.scatter [tilespmem:s3], [sflag:$0x3], $0x80, v4, vm0, $0xb8;
	[tilespmem:$0x1AC80] =	vst v63  }
0x38f: {  	s8 =	simm.s32 $0x6480  }
0x390: {  	[hbm4b:s26+s4] =	stream.indirect_vreg.scatter [tilespmem:s8], [sflag:$0x3], $0x80, v4, vm0, $0xb8;
	[tilespmem:$0x1AC80] =	vst v63  }
0x391: {  	s13 =	simm.s32 $0x6C80  }
0x392: {  	[hbm4b:s30+s4] =	stream.indirect_vreg.scatter [tilespmem:s13], [sflag:$0x3], $0x80, v4, vm0, $0xb8;
	[tilespmem:$0x1AC80] =	vst v63  }
0x393: {  	s5 =	simm.s32 $0x7480  }
0x394: {  	[hbm4b:s6+s4] =	stream.indirect_vreg.scatter [tilespmem:s5], [sflag:$0x3], $0x80, v4, vm0, $0xb8;
	[tilespmem:$0x1AC80] =	vst v63  }
0x395: {  	s10 =	simm.s32 $0x7C80  }
0x396: {  	[hbm4b:s11+s4] =	stream.indirect_vreg.scatter [tilespmem:s10], [sflag:$0x3], $0x80, v4, vm0, $0xb8;
	[tilespmem:$0x1AC80] =	vst v63  }
0x397: {  	s17 =	simm.s32 $0x8480  }
0x398: {  	[hbm4b:s18+s4] =	stream.indirect_vreg.scatter [tilespmem:s17], [sflag:$0x3], $0x80, v4, vm0, $0xb8;
	[tilespmem:$0x1AC80] =	vst v63  }
0x399: {  	s16 =	simm.s32 $0x8C80  }
0x39a: {  	[hbm4b:s19+s4] =	stream.indirect_vreg.scatter [tilespmem:s16], [sflag:$0x3], $0x80, v4, vm0, $0xb8;
	[tilespmem:$0x1AC80] =	vst v63  }
0x39b: {  	v4 =	vld [tilespmem:$0xB00];
	_ =	sdelay $0x4  }
0x39c: {  	v5 =	vshll.u32 v4, $0x4  }
0x39d: {  	v4 =	vand.u32 $0x7, v4;
	v5 =	vand.u32 $0xFFFFFF80, v5  }
0x39e: {  	v4 =	vor.u32 v4, v5  }
0x39f: {  	v5 =	vperm.xlane v4, v1;
	_ =	sdelay $0x1  }
0x3a0: {  	v5 =	vadd.s32 v2, v5;
	_ =	sdelay $0x4  }
0x3a1: {  	[hbm4b:s15+s4] =	stream.indirect_vreg.scatter [tilespmem:s12], [sflag:$0x5], $0x80, v5, vm0, $0xb8;
	[tilespmem:$0x1AC80] =	vst v63  }
0x3a2: {  	_ = 	snop  }
0x3a3: {  	[hbm4b:s23+s4] =	stream.indirect_vreg.scatter [tilespmem:s7], [sflag:$0x5], $0x80, v5, vm0, $0xb8;
	[tilespmem:$0x1AC80] =	vst v63  }
0x3a4: {  	_ = 	snop  }
0x3a5: {  	[hbm4b:s26+s4] =	stream.indirect_vreg.scatter [tilespmem:s22], [sflag:$0x5], $0x80, v5, vm0, $0xb8;
	[tilespmem:$0x1AC80] =	vst v63  }
0x3a6: {  	_ = 	snop  }
0x3a7: {  	[hbm4b:s30+s4] =	stream.indirect_vreg.scatter [tilespmem:s24], [sflag:$0x5], $0x80, v5, vm0, $0xb8;
	[tilespmem:$0x1AC80] =	vst v63  }
0x3a8: {  	_ = 	snop  }
0x3a9: {  	[hbm4b:s6+s4] =	stream.indirect_vreg.scatter [tilespmem:s25], [sflag:$0x5], $0x80, v5, vm0, $0xb8;
	[tilespmem:$0x1AC80] =	vst v63  }
0x3aa: {  	v4 =	vperm.xlane v4, v3  }
0x3ab: {  	[hbm4b:s11+s4] =	stream.indirect_vreg.scatter [tilespmem:s28], [sflag:$0x5], $0x80, v5, vm0, $0xb8;
	[tilespmem:$0x1AC80] =	vst v63  }
0x3ac: {  	v4 =	vadd.s32 v2, v4  }
0x3ad: {  	[hbm4b:s18+s4] =	stream.indirect_vreg.scatter [tilespmem:s29], [sflag:$0x5], $0x80, v5, vm0, $0xb8;
	[tilespmem:$0x1AC80] =	vst v63  }
0x3ae: {  	_ = 	snop  }
0x3af: {  	[hbm4b:s19+s4] =	stream.indirect_vreg.scatter [tilespmem:s0], [sflag:$0x5], $0x80, v5, vm0, $0xb8;
	[tilespmem:$0x1AC80] =	vst v63  }
0x3b0: {  	_ = 	snop  }
0x3b1: {  	[hbm4b:s15+s4] =	stream.indirect_vreg.scatter [tilespmem:s2], [sflag:$0x5], $0x80, v4, vm0, $0xb8;
	[tilespmem:$0x1AC80] =	vst v63  }
0x3b2: {  	_ = 	snop  }
0x3b3: {  	[hbm4b:s23+s4] =	stream.indirect_vreg.scatter [tilespmem:s3], [sflag:$0x5], $0x80, v4, vm0, $0xb8;
	[tilespmem:$0x1AC80] =	vst v63  }
0x3b4: {  	_ = 	snop  }
0x3b5: {  	[hbm4b:s26+s4] =	stream.indirect_vreg.scatter [tilespmem:s8], [sflag:$0x5], $0x80, v4, vm0, $0xb8;
	[tilespmem:$0x1AC80] =	vst v63  }
0x3b6: {  	_ = 	snop  }
0x3b7: {  	[hbm4b:s30+s4] =	stream.indirect_vreg.scatter [tilespmem:s13], [sflag:$0x5], $0x80, v4, vm0, $0xb8;
	[tilespmem:$0x1AC80] =	vst v63  }
0x3b8: {  	_ = 	snop  }
0x3b9: {  	[hbm4b:s6+s4] =	stream.indirect_vreg.scatter [tilespmem:s5], [sflag:$0x5], $0x80, v4, vm0, $0xb8;
	[tilespmem:$0x1AC80] =	vst v63  }
0x3ba: {  	_ = 	snop  }
0x3bb: {  	[hbm4b:s11+s4] =	stream.indirect_vreg.scatter [tilespmem:s10], [sflag:$0x5], $0x80, v4, vm0, $0xb8;
	[tilespmem:$0x1AC80] =	vst v63  }
.Ltmp22:
0x3bc: {  	_ = 	snop;
	(pc) =	sbr.rel @p0 .LBB2_29-.Ltmp22, $4  }
0x3bd: {  	_ = 	snop  }
0x3be: {  	[hbm4b:s18+s4] =	stream.indirect_vreg.scatter [tilespmem:s17], [sflag:$0x5], $0x80, v4, vm0, $0xb8;
	[tilespmem:$0x1AC80] =	vst v63  }
0x3bf: {  	_ = 	snop  }
0x3c0: {  	[hbm4b:s19+s4] =	stream.indirect_vreg.scatter [tilespmem:s16], [sflag:$0x5], $0x80, v4, vm0, $0xb8;
	[tilespmem:$0x1AC80] =	vst v63  }
.Ltmp23:
0x3c1: {  	(pc) =	sbr.rel @p1 .LBB2_31-.Ltmp23, $1  }
0x3c2: {  	_ =	sdelay $0x3  }
0x3c3: {  	s22 =	simm.s32 $0x0;
	s24 =	simm.s32 $0x11480;
	s25 =	rddreg [dreg:$0x8]  }
0x3c4: {  	[tilespmem:s24], [sflag:$0x7] =	stream.linear.gather [hbm4b:s25+s22], $0x800, $0x38;
	[tilespmem:$0x1AC80] =	vst v63  }
0x3c5: {  	_ =	swait.ge [sflag:s31], $0x800  }
0x3c6: {  	s7 =	sld [smem:$0x7ED]  }
0x3c7: {  	[sflag:s31] =	ssyncset.done $0x0  }
0x3c8: {  	s25 =	simm.s32 $0x11C80;
	[sflag:s31] =	ssyncadd.s32 $0xFFFFF800  }
0x3c9: {  	[tilespmem:s25], [sflag:$0x7] =	stream.linear.gather [hbm4b:s7+s22], $0x800, $0x38;
	[tilespmem:$0x1AC80] =	vst v63  }
0x3ca: {  	_ =	swait.ge [sflag:s31], $0x800  }
0x3cb: {  	[sflag:s31] =	ssyncset.done $0x0  }
0x3cc: {  	[sflag:s31] =	ssyncadd.s32 $0xFFFFF800  }
.LBB2_28:
0x3cd: {  	v4 =	vld [tilespmem:s25+$0x0];
	_ =	sdelay $0x6  }
0x3ce: {  	v5 =	vld [tilespmem:s24+$0x0]  }
0x3cf: {  	v4 =	vld.idx.msk [tilespmem:v4+s4+$0x0], $0xffff;
	_ =	sdelay $0x4  }
0x3d0: {  	p2 =	seq.s32 s22, $0x7F0;
	v4 =	vadd.s32 v4, v5  }
.Ltmp24:
0x3d1: {  	_ = 	snop;
	(pc) =	sbr.rel @!p2 .LBB2_28-.Ltmp24, $3  }
0x3d2: {  	_ =	sdelay $0x1  }
0x3d3: {  	v5 =	vor.u32 s22, v0  }
0x3d4: {  	s25 =	sadd.s32 $0x10, s25;
	s24 =	sadd.s32 $0x10, s24;
	s22 =	sadd.s32 $0x10, s22;
	[tilespmem:v4+s21+$0x0] =	vst.idx.msk $0xffff, v5  }
.Ltmp25:
0x3d5: {  	_ = 	snop;
	(pc) =	sbr.rel .LBB2_31-.Ltmp25, $1  }
0x3d6: {  	_ =	sdelay $0x3  }
.LBB2_29:
0x3d7: {  	s22 =	simm.s32 $0x0;
	s24 =	rddreg [dreg:$0x8];
	s0 =	simm.s32 $0x11480  }
0x3d8: {  	[tilespmem:s0], [sflag:$0x7] =	stream.linear.gather [hbm4b:s24+s22], $0x800, $0x38;
	[tilespmem:$0x1AC80] =	vst v63  }
0x3d9: {  	_ =	swait.ge [sflag:s31], $0x800  }
0x3da: {  	s7 =	sld [smem:$0x7ED]  }
0x3db: {  	[sflag:s31] =	ssyncset.done $0x0  }
0x3dc: {  	s25 =	simm.s32 $0x11C80;
	[sflag:s31] =	ssyncadd.s32 $0xFFFFF800  }
0x3dd: {  	[tilespmem:s25], [sflag:$0x7] =	stream.linear.gather [hbm4b:s7+s22], $0x800, $0x38;
	[tilespmem:$0x1AC80] =	vst v63  }
0x3de: {  	_ =	swait.ge [sflag:s31], $0x800  }
0x3df: {  	[sflag:s31] =	ssyncset.done $0x0  }
0x3e0: {  	s29 =	simm.s32 $0x12480;
	s28 =	rddreg [dreg:$0xb];
	[sflag:s31] =	ssyncadd.s32 $0xFFFFF800  }
0x3e1: {  	[tilespmem:s29], [sflag:$0x7] =	stream.linear.gather [hbm4b:s28+s22], $0x800, $0x38;
	[tilespmem:$0x1AC80] =	vst v63  }
0x3e2: {  	_ =	swait.ge [sflag:s31], $0x800  }
0x3e3: {  	[sflag:s31] =	ssyncset.done $0x0  }
0x3e4: {  	[sflag:s31] =	ssyncadd.s32 $0xFFFFF800  }
.LBB2_30:
0x3e5: {  	s24 =	sshra.s32 s22, $0x2  }
0x3e6: {  	v4 =	vld [tilespmem:s24+$0x11C80];
	_ =	sdelay $0x6  }
0x3e7: {  	v5 =	vld [tilespmem:s24+$0x11480]  }
0x3e8: {  	v4 =	vld.idx.msk [tilespmem:v4+s4+$0x0], $0xffff;
	_ =	sdelay $0x4  }
0x3e9: {  	p2 =	sne.s32 s22, $0x1FC0;
	v4 =	vadd.s32 v4, v5;
	v5 =	vld [tilespmem:s24+$0x12480]  }
.Ltmp26:
0x3ea: {  	_ = 	snop;
	(pc) =	sbr.rel @p2 .LBB2_30-.Ltmp26, $2  }
0x3eb: {  	_ =	sdelay $0x2  }
0x3ec: {  	s22 =	sadd.s32 $0x40, s22;
	[tilespmem:v4+s20+$0x0] =	vst.idx.msk $0xffff, v5  }
.LBB2_31:
0x3ed: {  	s0 =	simm.s32 $0x3  }
0x3ee: {  	_ =	swait.ge [sflag:s0], $0x8000  }
0x3ef: {  	[sflag:s0] =	ssyncset.done $0x0  }
0x3f0: {  	s3 =	simm.s32 $0x5;
	[sflag:s0] =	ssyncadd.s32 $0xFFFF8000  }
0x3f1: {  	_ =	swait.ge [sflag:s3], $0x8000  }
0x3f2: {  	s7 =	sld [smem:$0x7F5]  }
0x3f3: {  	[sflag:s3] =	ssyncset.done $0x0  }
0x3f4: {  	s5 =	simm.s32 $0x2;
	[sflag:s3] =	ssyncadd.s32 $0xFFFF8000  }
0x3f5: {  	[tilespmem:s12], [sflag:$0x1] =	stream.linear.gather [hbm4b:s7+s4], $0x8000, $0x38;
	[tilespmem:$0x1AC80] =	vst v63  }
0x3f6: {  	_ =	swait.ge [sflag:s5], $0x8000  }
0x3f7: {  	[sflag:s5] =	ssyncset.done $0x0  }
0x3f8: {  	[sflag:s5] =	ssyncadd.s32 $0xFFFF8000  }
0x3f9: {  	v4 =	vld [tilespmem:$0xB80];
	_ =	sdelay $0x4  }
0x3fa: {  	v5 =	vshll.u32 v4, $0x4  }
0x3fb: {  	v4 =	vand.u32 $0x7, v4;
	v5 =	vand.u32 $0xFFFFFF80, v5  }
0x3fc: {  	v4 =	vor.u32 v4, v5  }
0x3fd: {  	v5 =	vperm.xlane v4, v1;
	_ =	sdelay $0x1  }
0x3fe: {  	v5 =	vadd.s32 v2, v5;
	_ =	sdelay $0x4  }
0x3ff: {  	[hbm4b:s15+s4] =	stream.indirect_vreg.scatter [tilespmem:s14], [sflag:$0x4], $0x80, v5, vm0, $0xb8;
	[tilespmem:$0x1AC80] =	vst v63  }
0x400: {  	s7 =	simm.s32 $0x9C80  }
0x401: {  	[hbm4b:s23+s4] =	stream.indirect_vreg.scatter [tilespmem:s7], [sflag:$0x4], $0x80, v5, vm0, $0xb8;
	[tilespmem:$0x1AC80] =	vst v63  }
0x402: {  	s2 =	simm.s32 $0xA480  }
0x403: {  	[hbm4b:s26+s4] =	stream.indirect_vreg.scatter [tilespmem:s2], [sflag:$0x4], $0x80, v5, vm0, $0xb8;
	[tilespmem:$0x1AC80] =	vst v63  }
0x404: {  	s28 =	simm.s32 $0xAC80  }
0x405: {  	[hbm4b:s30+s4] =	stream.indirect_vreg.scatter [tilespmem:s28], [sflag:$0x4], $0x80, v5, vm0, $0xb8;
	[tilespmem:$0x1AC80] =	vst v63  }
0x406: {  	s3 =	simm.s32 $0xB480  }
0x407: {  	[hbm4b:s6+s4] =	stream.indirect_vreg.scatter [tilespmem:s3], [sflag:$0x4], $0x80, v5, vm0, $0xb8;
	[tilespmem:$0x1AC80] =	vst v63  }
0x408: {  	s29 =	simm.s32 $0xBC80;
	v4 =	vperm.xlane v4, v3  }
0x409: {  	[hbm4b:s11+s4] =	stream.indirect_vreg.scatter [tilespmem:s29], [sflag:$0x4], $0x80, v5, vm0, $0xb8;
	[tilespmem:$0x1AC80] =	vst v63  }
0x40a: {  	s5 =	simm.s32 $0xC480;
	v4 =	vadd.s32 v2, v4  }
0x40b: {  	[hbm4b:s18+s4] =	stream.indirect_vreg.scatter [tilespmem:s5], [sflag:$0x4], $0x80, v5, vm0, $0xb8;
	[tilespmem:$0x1AC80] =	vst v63  }
0x40c: {  	s8 =	simm.s32 $0xCC80  }
0x40d: {  	[hbm4b:s19+s4] =	stream.indirect_vreg.scatter [tilespmem:s8], [sflag:$0x4], $0x80, v5, vm0, $0xb8;
	[tilespmem:$0x1AC80] =	vst v63  }
0x40e: {  	_ = 	snop  }
0x40f: {  	[hbm4b:s15+s4] =	stream.indirect_vreg.scatter [tilespmem:s9], [sflag:$0x4], $0x80, v4, vm0, $0xb8;
	[tilespmem:$0x1AC80] =	vst v63  }
0x410: {  	s10 =	simm.s32 $0xDC80  }
0x411: {  	[hbm4b:s23+s4] =	stream.indirect_vreg.scatter [tilespmem:s10], [sflag:$0x4], $0x80, v4, vm0, $0xb8;
	[tilespmem:$0x1AC80] =	vst v63  }
0x412: {  	s13 =	simm.s32 $0xE480  }
0x413: {  	[hbm4b:s26+s4] =	stream.indirect_vreg.scatter [tilespmem:s13], [sflag:$0x4], $0x80, v4, vm0, $0xb8;
	[tilespmem:$0x1AC80] =	vst v63  }
0x414: {  	s16 =	simm.s32 $0xEC80  }
0x415: {  	[hbm4b:s30+s4] =	stream.indirect_vreg.scatter [tilespmem:s16], [sflag:$0x4], $0x80, v4, vm0, $0xb8;
	[tilespmem:$0x1AC80] =	vst v63  }
0x416: {  	s17 =	simm.s32 $0xF480  }
0x417: {  	[hbm4b:s6+s4] =	stream.indirect_vreg.scatter [tilespmem:s17], [sflag:$0x4], $0x80, v4, vm0, $0xb8;
	[tilespmem:$0x1AC80] =	vst v63  }
0x418: {  	s22 =	simm.s32 $0xFC80  }
0x419: {  	[hbm4b:s11+s4] =	stream.indirect_vreg.scatter [tilespmem:s22], [sflag:$0x4], $0x80, v4, vm0, $0xb8;
	[tilespmem:$0x1AC80] =	vst v63  }
0x41a: {  	s24 =	simm.s32 $0x10480  }
0x41b: {  	[hbm4b:s18+s4] =	stream.indirect_vreg.scatter [tilespmem:s24], [sflag:$0x4], $0x80, v4, vm0, $0xb8;
	[tilespmem:$0x1AC80] =	vst v63  }
0x41c: {  	s25 =	simm.s32 $0x10C80  }
0x41d: {  	[hbm4b:s19+s4] =	stream.indirect_vreg.scatter [tilespmem:s25], [sflag:$0x4], $0x80, v4, vm0, $0xb8;
	[tilespmem:$0x1AC80] =	vst v63  }
0x41e: {  	v4 =	vld [tilespmem:$0xC00];
	_ =	sdelay $0x4  }
0x41f: {  	v5 =	vshll.u32 v4, $0x4  }
0x420: {  	v4 =	vand.u32 $0x7, v4;
	v5 =	vand.u32 $0xFFFFFF80, v5  }
0x421: {  	v4 =	vor.u32 v4, v5  }
0x422: {  	v5 =	vperm.xlane v4, v1;
	_ =	sdelay $0x1  }
0x423: {  	v5 =	vadd.s32 v2, v5;
	_ =	sdelay $0x4  }
0x424: {  	[hbm4b:s15+s4] =	stream.indirect_vreg.scatter [tilespmem:s14], [sflag:$0x6], $0x80, v5, vm0, $0xb8;
	[tilespmem:$0x1AC80] =	vst v63  }
0x425: {  	_ = 	snop  }
0x426: {  	[hbm4b:s23+s4] =	stream.indirect_vreg.scatter [tilespmem:s7], [sflag:$0x6], $0x80, v5, vm0, $0xb8;
	[tilespmem:$0x1AC80] =	vst v63  }
0x427: {  	_ = 	snop  }
0x428: {  	[hbm4b:s26+s4] =	stream.indirect_vreg.scatter [tilespmem:s2], [sflag:$0x6], $0x80, v5, vm0, $0xb8;
	[tilespmem:$0x1AC80] =	vst v63  }
0x429: {  	_ = 	snop  }
0x42a: {  	[hbm4b:s30+s4] =	stream.indirect_vreg.scatter [tilespmem:s28], [sflag:$0x6], $0x80, v5, vm0, $0xb8;
	[tilespmem:$0x1AC80] =	vst v63  }
0x42b: {  	_ = 	snop  }
0x42c: {  	[hbm4b:s6+s4] =	stream.indirect_vreg.scatter [tilespmem:s3], [sflag:$0x6], $0x80, v5, vm0, $0xb8;
	[tilespmem:$0x1AC80] =	vst v63  }
0x42d: {  	v4 =	vperm.xlane v4, v3  }
0x42e: {  	[hbm4b:s11+s4] =	stream.indirect_vreg.scatter [tilespmem:s29], [sflag:$0x6], $0x80, v5, vm0, $0xb8;
	[tilespmem:$0x1AC80] =	vst v63  }
0x42f: {  	v4 =	vadd.s32 v2, v4  }
0x430: {  	[hbm4b:s18+s4] =	stream.indirect_vreg.scatter [tilespmem:s5], [sflag:$0x6], $0x80, v5, vm0, $0xb8;
	[tilespmem:$0x1AC80] =	vst v63  }
0x431: {  	_ = 	snop  }
0x432: {  	[hbm4b:s19+s4] =	stream.indirect_vreg.scatter [tilespmem:s8], [sflag:$0x6], $0x80, v5, vm0, $0xb8;
	[tilespmem:$0x1AC80] =	vst v63  }
0x433: {  	_ = 	snop  }
0x434: {  	[hbm4b:s15+s4] =	stream.indirect_vreg.scatter [tilespmem:s9], [sflag:$0x6], $0x80, v4, vm0, $0xb8;
	[tilespmem:$0x1AC80] =	vst v63  }
0x435: {  	_ = 	snop  }
0x436: {  	[hbm4b:s23+s4] =	stream.indirect_vreg.scatter [tilespmem:s10], [sflag:$0x6], $0x80, v4, vm0, $0xb8;
	[tilespmem:$0x1AC80] =	vst v63  }
0x437: {  	_ = 	snop  }
0x438: {  	[hbm4b:s26+s4] =	stream.indirect_vreg.scatter [tilespmem:s13], [sflag:$0x6], $0x80, v4, vm0, $0xb8;
	[tilespmem:$0x1AC80] =	vst v63  }
0x439: {  	_ = 	snop  }
0x43a: {  	[hbm4b:s30+s4] =	stream.indirect_vreg.scatter [tilespmem:s16], [sflag:$0x6], $0x80, v4, vm0, $0xb8;
	[tilespmem:$0x1AC80] =	vst v63  }
0x43b: {  	_ = 	snop  }
0x43c: {  	[hbm4b:s6+s4] =	stream.indirect_vreg.scatter [tilespmem:s17], [sflag:$0x6], $0x80, v4, vm0, $0xb8;
	[tilespmem:$0x1AC80] =	vst v63  }
0x43d: {  	_ = 	snop  }
0x43e: {  	[hbm4b:s11+s4] =	stream.indirect_vreg.scatter [tilespmem:s22], [sflag:$0x6], $0x80, v4, vm0, $0xb8;
	[tilespmem:$0x1AC80] =	vst v63  }
.Ltmp27:
0x43f: {  	_ = 	snop;
	(pc) =	sbr.rel @p0 .LBB2_35-.Ltmp27, $4  }
0x440: {  	_ = 	snop  }
0x441: {  	[hbm4b:s18+s4] =	stream.indirect_vreg.scatter [tilespmem:s24], [sflag:$0x6], $0x80, v4, vm0, $0xb8;
	[tilespmem:$0x1AC80] =	vst v63  }
0x442: {  	_ = 	snop  }
0x443: {  	[hbm4b:s19+s4] =	stream.indirect_vreg.scatter [tilespmem:s25], [sflag:$0x6], $0x80, v4, vm0, $0xb8;
	[tilespmem:$0x1AC80] =	vst v63  }
.Ltmp28:
0x444: {  	(pc) =	sbr.rel @p1 .LBB2_37-.Ltmp28, $1  }
0x445: {  	_ =	sdelay $0x3  }
0x446: {  	s22 =	simm.s32 $0x11480;
	s7 =	rddreg [dreg:$0x15]  }
0x447: {  	[tilespmem:s22], [sflag:$0x7] =	stream.linear.gather [hbm4b:s7+s4], $0x800, $0x38;
	[tilespmem:$0x1AC80] =	vst v63  }
0x448: {  	_ =	swait.ge [sflag:s31], $0x800  }
0x449: {  	[sflag:s31] =	ssyncset.done $0x0  }
0x44a: {  	s24 =	simm.s32 $0x11C80;
	s29 =	rddreg [dreg:$0x16];
	[sflag:s31] =	ssyncadd.s32 $0xFFFFF800  }
0x44b: {  	[tilespmem:s24], [sflag:$0x7] =	stream.linear.gather [hbm4b:s29+s4], $0x800, $0x38;
	[tilespmem:$0x1AC80] =	vst v63  }
0x44c: {  	_ =	swait.ge [sflag:s31], $0x800  }
0x44d: {  	[sflag:s31] =	ssyncset.done $0x0  }
0x44e: {  	s25 =	simm.s32 $0x800;
	[sflag:s31] =	ssyncadd.s32 $0xFFFFF800  }
.LBB2_34:
0x44f: {  	v4 =	vld [tilespmem:s24+$0x0];
	_ =	sdelay $0x6  }
0x450: {  	v5 =	vld [tilespmem:s22+$0x0]  }
0x451: {  	v4 =	vld.idx.msk [tilespmem:v4+s4+$0x0], $0xffff;
	_ =	sdelay $0x4  }
0x452: {  	p2 =	seq.s32 s25, $0xFF0;
	v4 =	vadd.s32 v4, v5  }
.Ltmp29:
0x453: {  	_ = 	snop;
	(pc) =	sbr.rel @!p2 .LBB2_34-.Ltmp29, $3  }
0x454: {  	_ =	sdelay $0x1  }
0x455: {  	v5 =	vor.u32 s25, v0  }
0x456: {  	s24 =	sadd.s32 $0x10, s24;
	s22 =	sadd.s32 $0x10, s22;
	s25 =	sadd.s32 $0x10, s25;
	[tilespmem:v4+s21+$0x0] =	vst.idx.msk $0xffff, v5  }
.Ltmp30:
0x457: {  	_ = 	snop;
	(pc) =	sbr.rel .LBB2_37-.Ltmp30, $1  }
0x458: {  	_ =	sdelay $0x3  }
.LBB2_35:
0x459: {  	s22 =	simm.s32 $0x0;
	s7 =	rddreg [dreg:$0x15];
	s0 =	simm.s32 $0x11480  }
0x45a: {  	[tilespmem:s0], [sflag:$0x7] =	stream.linear.gather [hbm4b:s7+s22], $0x800, $0x38;
	[tilespmem:$0x1AC80] =	vst v63  }
0x45b: {  	_ =	swait.ge [sflag:s31], $0x800  }
0x45c: {  	[sflag:s31] =	ssyncset.done $0x0  }
0x45d: {  	s25 =	simm.s32 $0x11C80;
	s24 =	rddreg [dreg:$0x16];
	[sflag:s31] =	ssyncadd.s32 $0xFFFFF800  }
0x45e: {  	[tilespmem:s25], [sflag:$0x7] =	stream.linear.gather [hbm4b:s24+s22], $0x800, $0x38;
	[tilespmem:$0x1AC80] =	vst v63  }
0x45f: {  	_ =	swait.ge [sflag:s31], $0x800  }
0x460: {  	[sflag:s31] =	ssyncset.done $0x0  }
0x461: {  	s29 =	simm.s32 $0x12480;
	s28 =	rddreg [dreg:$0x17];
	[sflag:s31] =	ssyncadd.s32 $0xFFFFF800  }
0x462: {  	[tilespmem:s29], [sflag:$0x7] =	stream.linear.gather [hbm4b:s28+s22], $0x800, $0x38;
	[tilespmem:$0x1AC80] =	vst v63  }
0x463: {  	_ =	swait.ge [sflag:s31], $0x800  }
0x464: {  	[sflag:s31] =	ssyncset.done $0x0  }
0x465: {  	[sflag:s31] =	ssyncadd.s32 $0xFFFFF800  }
.LBB2_36:
0x466: {  	s24 =	sshra.s32 s22, $0x2  }
0x467: {  	v4 =	vld [tilespmem:s24+$0x11C80];
	_ =	sdelay $0x6  }
0x468: {  	v5 =	vld [tilespmem:s24+$0x11480]  }
0x469: {  	v4 =	vld.idx.msk [tilespmem:v4+s4+$0x0], $0xffff;
	_ =	sdelay $0x4  }
0x46a: {  	p2 =	sne.s32 s22, $0x1FC0;
	v4 =	vadd.s32 v4, v5;
	v5 =	vld [tilespmem:s24+$0x12480]  }
.Ltmp31:
0x46b: {  	_ = 	snop;
	(pc) =	sbr.rel @p2 .LBB2_36-.Ltmp31, $2  }
0x46c: {  	_ =	sdelay $0x2  }
0x46d: {  	s22 =	sadd.s32 $0x40, s22;
	[tilespmem:v4+s20+$0x0] =	vst.idx.msk $0xffff, v5  }
.LBB2_37:
0x46e: {  	s0 =	simm.s32 $0x4  }
0x46f: {  	_ =	swait.ge [sflag:s0], $0x8000  }
0x470: {  	[sflag:s0] =	ssyncset.done $0x0  }
0x471: {  	s29 =	simm.s32 $0x6;
	[sflag:s0] =	ssyncadd.s32 $0xFFFF8000  }
0x472: {  	_ =	swait.ge [sflag:s29], $0x8000  }
0x473: {  	s7 =	sld [smem:$0x7F6]  }
0x474: {  	[sflag:s29] =	ssyncset.done $0x0  }
0x475: {  	[sflag:s29] =	ssyncadd.s32 $0xFFFF8000  }
0x476: {  	[tilespmem:s14], [sflag:$0x2] =	stream.linear.gather [hbm4b:s7+s4], $0x8000, $0x38;
	[tilespmem:$0x1AC80] =	vst v63  }
0x477: {  	_ =	swait.ge [sflag:s1], $0x8000  }
0x478: {  	[sflag:s1] =	ssyncset.done $0x0  }
0x479: {  	[sflag:s1] =	ssyncadd.s32 $0xFFFF8000  }
0x47a: {  	v4 =	vld [tilespmem:$0xC80];
	_ =	sdelay $0x4  }
0x47b: {  	v5 =	vshll.u32 v4, $0x4  }
0x47c: {  	v4 =	vand.u32 $0x7, v4;
	v5 =	vand.u32 $0xFFFFFF80, v5  }
0x47d: {  	v4 =	vor.u32 v4, v5  }
0x47e: {  	v5 =	vperm.xlane v4, v1;
	_ =	sdelay $0x1  }
0x47f: {  	v5 =	vadd.s32 v2, v5;
	_ =	sdelay $0x4  }
0x480: {  	[hbm4b:s15+s4] =	stream.indirect_vreg.scatter [tilespmem:s12], [sflag:$0x3], $0x80, v5, vm0, $0xb8;
	[tilespmem:$0x1AC80] =	vst v63  }
0x481: {  	s7 =	simm.s32 $0x1C80  }
0x482: {  	[hbm4b:s23+s4] =	stream.indirect_vreg.scatter [tilespmem:s7], [sflag:$0x3], $0x80, v5, vm0, $0xb8;
	[tilespmem:$0x1AC80] =	vst v63  }
0x483: {  	s22 =	simm.s32 $0x2480  }
0x484: {  	[hbm4b:s26+s4] =	stream.indirect_vreg.scatter [tilespmem:s22], [sflag:$0x3], $0x80, v5, vm0, $0xb8;
	[tilespmem:$0x1AC80] =	vst v63  }
0x485: {  	s24 =	simm.s32 $0x2C80  }
0x486: {  	[hbm4b:s30+s4] =	stream.indirect_vreg.scatter [tilespmem:s24], [sflag:$0x3], $0x80, v5, vm0, $0xb8;
	[tilespmem:$0x1AC80] =	vst v63  }
0x487: {  	s25 =	simm.s32 $0x3480  }
0x488: {  	[hbm4b:s6+s4] =	stream.indirect_vreg.scatter [tilespmem:s25], [sflag:$0x3], $0x80, v5, vm0, $0xb8;
	[tilespmem:$0x1AC80] =	vst v63  }
0x489: {  	s28 =	simm.s32 $0x3C80;
	v4 =	vperm.xlane v4, v3  }
0x48a: {  	[hbm4b:s11+s4] =	stream.indirect_vreg.scatter [tilespmem:s28], [sflag:$0x3], $0x80, v5, vm0, $0xb8;
	[tilespmem:$0x1AC80] =	vst v63  }
0x48b: {  	s29 =	simm.s32 $0x4480;
	v4 =	vadd.s32 v2, v4  }
0x48c: {  	[hbm4b:s18+s4] =	stream.indirect_vreg.scatter [tilespmem:s29], [sflag:$0x3], $0x80, v5, vm0, $0xb8;
	[tilespmem:$0x1AC80] =	vst v63  }
0x48d: {  	s0 =	simm.s32 $0x4C80  }
0x48e: {  	[hbm4b:s19+s4] =	stream.indirect_vreg.scatter [tilespmem:s0], [sflag:$0x3], $0x80, v5, vm0, $0xb8;
	[tilespmem:$0x1AC80] =	vst v63  }
0x48f: {  	s2 =	simm.s32 $0x5480  }
0x490: {  	[hbm4b:s15+s4] =	stream.indirect_vreg.scatter [tilespmem:s2], [sflag:$0x3], $0x80, v4, vm0, $0xb8;
	[tilespmem:$0x1AC80] =	vst v63  }
0x491: {  	s3 =	simm.s32 $0x5C80  }
0x492: {  	[hbm4b:s23+s4] =	stream.indirect_vreg.scatter [tilespmem:s3], [sflag:$0x3], $0x80, v4, vm0, $0xb8;
	[tilespmem:$0x1AC80] =	vst v63  }
0x493: {  	s8 =	simm.s32 $0x6480  }
0x494: {  	[hbm4b:s26+s4] =	stream.indirect_vreg.scatter [tilespmem:s8], [sflag:$0x3], $0x80, v4, vm0, $0xb8;
	[tilespmem:$0x1AC80] =	vst v63  }
0x495: {  	s13 =	simm.s32 $0x6C80  }
0x496: {  	[hbm4b:s30+s4] =	stream.indirect_vreg.scatter [tilespmem:s13], [sflag:$0x3], $0x80, v4, vm0, $0xb8;
	[tilespmem:$0x1AC80] =	vst v63  }
0x497: {  	s5 =	simm.s32 $0x7480  }
0x498: {  	[hbm4b:s6+s4] =	stream.indirect_vreg.scatter [tilespmem:s5], [sflag:$0x3], $0x80, v4, vm0, $0xb8;
	[tilespmem:$0x1AC80] =	vst v63  }
0x499: {  	s10 =	simm.s32 $0x7C80  }
0x49a: {  	[hbm4b:s11+s4] =	stream.indirect_vreg.scatter [tilespmem:s10], [sflag:$0x3], $0x80, v4, vm0, $0xb8;
	[tilespmem:$0x1AC80] =	vst v63  }
0x49b: {  	s17 =	simm.s32 $0x8480  }
0x49c: {  	[hbm4b:s18+s4] =	stream.indirect_vreg.scatter [tilespmem:s17], [sflag:$0x3], $0x80, v4, vm0, $0xb8;
	[tilespmem:$0x1AC80] =	vst v63  }
0x49d: {  	s16 =	simm.s32 $0x8C80  }
0x49e: {  	[hbm4b:s19+s4] =	stream.indirect_vreg.scatter [tilespmem:s16], [sflag:$0x3], $0x80, v4, vm0, $0xb8;
	[tilespmem:$0x1AC80] =	vst v63  }
0x49f: {  	v4 =	vld [tilespmem:$0xD00];
	_ =	sdelay $0x4  }
0x4a0: {  	v5 =	vshll.u32 v4, $0x4  }
0x4a1: {  	v4 =	vand.u32 $0x7, v4;
	v5 =	vand.u32 $0xFFFFFF80, v5  }
0x4a2: {  	v4 =	vor.u32 v4, v5  }
0x4a3: {  	v5 =	vperm.xlane v4, v1;
	_ =	sdelay $0x1  }
0x4a4: {  	v5 =	vadd.s32 v2, v5;
	_ =	sdelay $0x4  }
0x4a5: {  	[hbm4b:s15+s4] =	stream.indirect_vreg.scatter [tilespmem:s12], [sflag:$0x5], $0x80, v5, vm0, $0xb8;
	[tilespmem:$0x1AC80] =	vst v63  }
0x4a6: {  	_ = 	snop  }
0x4a7: {  	[hbm4b:s23+s4] =	stream.indirect_vreg.scatter [tilespmem:s7], [sflag:$0x5], $0x80, v5, vm0, $0xb8;
	[tilespmem:$0x1AC80] =	vst v63  }
0x4a8: {  	_ = 	snop  }
0x4a9: {  	[hbm4b:s26+s4] =	stream.indirect_vreg.scatter [tilespmem:s22], [sflag:$0x5], $0x80, v5, vm0, $0xb8;
	[tilespmem:$0x1AC80] =	vst v63  }
0x4aa: {  	_ = 	snop  }
0x4ab: {  	[hbm4b:s30+s4] =	stream.indirect_vreg.scatter [tilespmem:s24], [sflag:$0x5], $0x80, v5, vm0, $0xb8;
	[tilespmem:$0x1AC80] =	vst v63  }
0x4ac: {  	_ = 	snop  }
0x4ad: {  	[hbm4b:s6+s4] =	stream.indirect_vreg.scatter [tilespmem:s25], [sflag:$0x5], $0x80, v5, vm0, $0xb8;
	[tilespmem:$0x1AC80] =	vst v63  }
0x4ae: {  	v4 =	vperm.xlane v4, v3  }
0x4af: {  	[hbm4b:s11+s4] =	stream.indirect_vreg.scatter [tilespmem:s28], [sflag:$0x5], $0x80, v5, vm0, $0xb8;
	[tilespmem:$0x1AC80] =	vst v63  }
0x4b0: {  	v4 =	vadd.s32 v2, v4  }
0x4b1: {  	[hbm4b:s18+s4] =	stream.indirect_vreg.scatter [tilespmem:s29], [sflag:$0x5], $0x80, v5, vm0, $0xb8;
	[tilespmem:$0x1AC80] =	vst v63  }
0x4b2: {  	_ = 	snop  }
0x4b3: {  	[hbm4b:s19+s4] =	stream.indirect_vreg.scatter [tilespmem:s0], [sflag:$0x5], $0x80, v5, vm0, $0xb8;
	[tilespmem:$0x1AC80] =	vst v63  }
0x4b4: {  	_ = 	snop  }
0x4b5: {  	[hbm4b:s15+s4] =	stream.indirect_vreg.scatter [tilespmem:s2], [sflag:$0x5], $0x80, v4, vm0, $0xb8;
	[tilespmem:$0x1AC80] =	vst v63  }
0x4b6: {  	_ = 	snop  }
0x4b7: {  	[hbm4b:s23+s4] =	stream.indirect_vreg.scatter [tilespmem:s3], [sflag:$0x5], $0x80, v4, vm0, $0xb8;
	[tilespmem:$0x1AC80] =	vst v63  }
0x4b8: {  	_ = 	snop  }
0x4b9: {  	[hbm4b:s26+s4] =	stream.indirect_vreg.scatter [tilespmem:s8], [sflag:$0x5], $0x80, v4, vm0, $0xb8;
	[tilespmem:$0x1AC80] =	vst v63  }
0x4ba: {  	_ = 	snop  }
0x4bb: {  	[hbm4b:s30+s4] =	stream.indirect_vreg.scatter [tilespmem:s13], [sflag:$0x5], $0x80, v4, vm0, $0xb8;
	[tilespmem:$0x1AC80] =	vst v63  }
0x4bc: {  	_ = 	snop  }
0x4bd: {  	[hbm4b:s6+s4] =	stream.indirect_vreg.scatter [tilespmem:s5], [sflag:$0x5], $0x80, v4, vm0, $0xb8;
	[tilespmem:$0x1AC80] =	vst v63  }
0x4be: {  	_ = 	snop  }
0x4bf: {  	[hbm4b:s11+s4] =	stream.indirect_vreg.scatter [tilespmem:s10], [sflag:$0x5], $0x80, v4, vm0, $0xb8;
	[tilespmem:$0x1AC80] =	vst v63  }
.Ltmp32:
0x4c0: {  	_ = 	snop;
	(pc) =	sbr.rel @p0 .LBB2_41-.Ltmp32, $4  }
0x4c1: {  	_ = 	snop  }
0x4c2: {  	[hbm4b:s18+s4] =	stream.indirect_vreg.scatter [tilespmem:s17], [sflag:$0x5], $0x80, v4, vm0, $0xb8;
	[tilespmem:$0x1AC80] =	vst v63  }
0x4c3: {  	_ = 	snop  }
0x4c4: {  	[hbm4b:s19+s4] =	stream.indirect_vreg.scatter [tilespmem:s16], [sflag:$0x5], $0x80, v4, vm0, $0xb8;
	[tilespmem:$0x1AC80] =	vst v63  }
.Ltmp33:
0x4c5: {  	(pc) =	sbr.rel @p1 .LBB2_43-.Ltmp33, $1  }
0x4c6: {  	_ =	sdelay $0x3  }
0x4c7: {  	s22 =	simm.s32 $0x11480;
	s7 =	rddreg [dreg:$0x18]  }
0x4c8: {  	[tilespmem:s22], [sflag:$0x7] =	stream.linear.gather [hbm4b:s7+s4], $0x800, $0x38;
	[tilespmem:$0x1AC80] =	vst v63  }
0x4c9: {  	_ =	swait.ge [sflag:s31], $0x800  }
0x4ca: {  	[sflag:s31] =	ssyncset.done $0x0  }
0x4cb: {  	s24 =	simm.s32 $0x11C80;
	s29 =	rddreg [dreg:$0x19];
	[sflag:s31] =	ssyncadd.s32 $0xFFFFF800  }
0x4cc: {  	[tilespmem:s24], [sflag:$0x7] =	stream.linear.gather [hbm4b:s29+s4], $0x800, $0x38;
	[tilespmem:$0x1AC80] =	vst v63  }
0x4cd: {  	_ =	swait.ge [sflag:s31], $0x800  }
0x4ce: {  	[sflag:s31] =	ssyncset.done $0x0  }
0x4cf: {  	s25 =	simm.s32 $0x1000;
	[sflag:s31] =	ssyncadd.s32 $0xFFFFF800  }
.LBB2_40:
0x4d0: {  	v4 =	vld [tilespmem:s24+$0x0];
	_ =	sdelay $0x6  }
0x4d1: {  	v5 =	vld [tilespmem:s22+$0x0]  }
0x4d2: {  	v4 =	vld.idx.msk [tilespmem:v4+s4+$0x0], $0xffff;
	_ =	sdelay $0x4  }
0x4d3: {  	p2 =	seq.s32 s25, $0x17F0;
	v4 =	vadd.s32 v4, v5  }
.Ltmp34:
0x4d4: {  	_ = 	snop;
	(pc) =	sbr.rel @!p2 .LBB2_40-.Ltmp34, $3  }
0x4d5: {  	_ =	sdelay $0x1  }
0x4d6: {  	v5 =	vor.u32 s25, v0  }
0x4d7: {  	s24 =	sadd.s32 $0x10, s24;
	s22 =	sadd.s32 $0x10, s22;
	s25 =	sadd.s32 $0x10, s25;
	[tilespmem:v4+s21+$0x0] =	vst.idx.msk $0xffff, v5  }
.Ltmp35:
0x4d8: {  	_ = 	snop;
	(pc) =	sbr.rel .LBB2_43-.Ltmp35, $1  }
0x4d9: {  	_ =	sdelay $0x3  }
.LBB2_41:
0x4da: {  	s22 =	simm.s32 $0x0;
	s7 =	rddreg [dreg:$0x18];
	s0 =	simm.s32 $0x11480  }
0x4db: {  	[tilespmem:s0], [sflag:$0x7] =	stream.linear.gather [hbm4b:s7+s22], $0x800, $0x38;
	[tilespmem:$0x1AC80] =	vst v63  }
0x4dc: {  	_ =	swait.ge [sflag:s31], $0x800  }
0x4dd: {  	[sflag:s31] =	ssyncset.done $0x0  }
0x4de: {  	s25 =	simm.s32 $0x11C80;
	s24 =	rddreg [dreg:$0x19];
	[sflag:s31] =	ssyncadd.s32 $0xFFFFF800  }
0x4df: {  	[tilespmem:s25], [sflag:$0x7] =	stream.linear.gather [hbm4b:s24+s22], $0x800, $0x38;
	[tilespmem:$0x1AC80] =	vst v63  }
0x4e0: {  	_ =	swait.ge [sflag:s31], $0x800  }
0x4e1: {  	[sflag:s31] =	ssyncset.done $0x0  }
0x4e2: {  	s29 =	simm.s32 $0x12480;
	s28 =	rddreg [dreg:$0x1a];
	[sflag:s31] =	ssyncadd.s32 $0xFFFFF800  }
0x4e3: {  	[tilespmem:s29], [sflag:$0x7] =	stream.linear.gather [hbm4b:s28+s22], $0x800, $0x38;
	[tilespmem:$0x1AC80] =	vst v63  }
0x4e4: {  	_ =	swait.ge [sflag:s31], $0x800  }
0x4e5: {  	[sflag:s31] =	ssyncset.done $0x0  }
0x4e6: {  	[sflag:s31] =	ssyncadd.s32 $0xFFFFF800  }
.LBB2_42:
0x4e7: {  	s24 =	sshra.s32 s22, $0x2  }
0x4e8: {  	v4 =	vld [tilespmem:s24+$0x11C80];
	_ =	sdelay $0x6  }
0x4e9: {  	v5 =	vld [tilespmem:s24+$0x11480]  }
0x4ea: {  	v4 =	vld.idx.msk [tilespmem:v4+s4+$0x0], $0xffff;
	_ =	sdelay $0x4  }
0x4eb: {  	p2 =	sne.s32 s22, $0x1FC0;
	v4 =	vadd.s32 v4, v5;
	v5 =	vld [tilespmem:s24+$0x12480]  }
.Ltmp36:
0x4ec: {  	_ = 	snop;
	(pc) =	sbr.rel @p2 .LBB2_42-.Ltmp36, $2  }
0x4ed: {  	_ =	sdelay $0x2  }
0x4ee: {  	s22 =	sadd.s32 $0x40, s22;
	[tilespmem:v4+s20+$0x0] =	vst.idx.msk $0xffff, v5  }
.LBB2_43:
0x4ef: {  	s0 =	simm.s32 $0x3  }
0x4f0: {  	_ =	swait.ge [sflag:s0], $0x8000  }
0x4f1: {  	[sflag:s0] =	ssyncset.done $0x0  }
0x4f2: {  	s3 =	simm.s32 $0x5;
	[sflag:s0] =	ssyncadd.s32 $0xFFFF8000  }
0x4f3: {  	_ =	swait.ge [sflag:s3], $0x8000  }
0x4f4: {  	s7 =	sld [smem:$0x7F7]  }
0x4f5: {  	[sflag:s3] =	ssyncset.done $0x0  }
0x4f6: {  	s5 =	simm.s32 $0x2;
	[sflag:s3] =	ssyncadd.s32 $0xFFFF8000  }
0x4f7: {  	[tilespmem:s12], [sflag:$0x1] =	stream.linear.gather [hbm4b:s7+s4], $0x8000, $0x38;
	[tilespmem:$0x1AC80] =	vst v63  }
0x4f8: {  	_ =	swait.ge [sflag:s5], $0x8000  }
0x4f9: {  	[sflag:s5] =	ssyncset.done $0x0  }
0x4fa: {  	[sflag:s5] =	ssyncadd.s32 $0xFFFF8000  }
0x4fb: {  	v4 =	vld [tilespmem:$0xD80];
	_ =	sdelay $0x4  }
0x4fc: {  	v5 =	vshll.u32 v4, $0x4  }
0x4fd: {  	v4 =	vand.u32 $0x7, v4;
	v5 =	vand.u32 $0xFFFFFF80, v5  }
0x4fe: {  	v4 =	vor.u32 v4, v5  }
0x4ff: {  	v5 =	vperm.xlane v4, v1;
	_ =	sdelay $0x1  }
0x500: {  	v5 =	vadd.s32 v2, v5;
	_ =	sdelay $0x4  }
0x501: {  	[hbm4b:s15+s4] =	stream.indirect_vreg.scatter [tilespmem:s14], [sflag:$0x4], $0x80, v5, vm0, $0xb8;
	[tilespmem:$0x1AC80] =	vst v63  }
0x502: {  	s7 =	simm.s32 $0x9C80  }
0x503: {  	[hbm4b:s23+s4] =	stream.indirect_vreg.scatter [tilespmem:s7], [sflag:$0x4], $0x80, v5, vm0, $0xb8;
	[tilespmem:$0x1AC80] =	vst v63  }
0x504: {  	s2 =	simm.s32 $0xA480  }
0x505: {  	[hbm4b:s26+s4] =	stream.indirect_vreg.scatter [tilespmem:s2], [sflag:$0x4], $0x80, v5, vm0, $0xb8;
	[tilespmem:$0x1AC80] =	vst v63  }
0x506: {  	s28 =	simm.s32 $0xAC80  }
0x507: {  	[hbm4b:s30+s4] =	stream.indirect_vreg.scatter [tilespmem:s28], [sflag:$0x4], $0x80, v5, vm0, $0xb8;
	[tilespmem:$0x1AC80] =	vst v63  }
0x508: {  	s3 =	simm.s32 $0xB480  }
0x509: {  	[hbm4b:s6+s4] =	stream.indirect_vreg.scatter [tilespmem:s3], [sflag:$0x4], $0x80, v5, vm0, $0xb8;
	[tilespmem:$0x1AC80] =	vst v63  }
0x50a: {  	s5 =	simm.s32 $0xBC80;
	v4 =	vperm.xlane v4, v3  }
0x50b: {  	[hbm4b:s11+s4] =	stream.indirect_vreg.scatter [tilespmem:s5], [sflag:$0x4], $0x80, v5, vm0, $0xb8;
	[tilespmem:$0x1AC80] =	vst v63  }
0x50c: {  	s29 =	simm.s32 $0xC480;
	v4 =	vadd.s32 v2, v4  }
0x50d: {  	[hbm4b:s18+s4] =	stream.indirect_vreg.scatter [tilespmem:s29], [sflag:$0x4], $0x80, v5, vm0, $0xb8;
	[tilespmem:$0x1AC80] =	vst v63  }
0x50e: {  	s8 =	simm.s32 $0xCC80  }
0x50f: {  	[hbm4b:s19+s4] =	stream.indirect_vreg.scatter [tilespmem:s8], [sflag:$0x4], $0x80, v5, vm0, $0xb8;
	[tilespmem:$0x1AC80] =	vst v63  }
0x510: {  	_ = 	snop  }
0x511: {  	[hbm4b:s15+s4] =	stream.indirect_vreg.scatter [tilespmem:s9], [sflag:$0x4], $0x80, v4, vm0, $0xb8;
	[tilespmem:$0x1AC80] =	vst v63  }
0x512: {  	s10 =	simm.s32 $0xDC80  }
0x513: {  	[hbm4b:s23+s4] =	stream.indirect_vreg.scatter [tilespmem:s10], [sflag:$0x4], $0x80, v4, vm0, $0xb8;
	[tilespmem:$0x1AC80] =	vst v63  }
0x514: {  	s13 =	simm.s32 $0xE480  }
0x515: {  	[hbm4b:s26+s4] =	stream.indirect_vreg.scatter [tilespmem:s13], [sflag:$0x4], $0x80, v4, vm0, $0xb8;
	[tilespmem:$0x1AC80] =	vst v63  }
0x516: {  	s16 =	simm.s32 $0xEC80  }
0x517: {  	[hbm4b:s30+s4] =	stream.indirect_vreg.scatter [tilespmem:s16], [sflag:$0x4], $0x80, v4, vm0, $0xb8;
	[tilespmem:$0x1AC80] =	vst v63  }
0x518: {  	s17 =	simm.s32 $0xF480  }
0x519: {  	[hbm4b:s6+s4] =	stream.indirect_vreg.scatter [tilespmem:s17], [sflag:$0x4], $0x80, v4, vm0, $0xb8;
	[tilespmem:$0x1AC80] =	vst v63  }
0x51a: {  	s22 =	simm.s32 $0xFC80  }
0x51b: {  	[hbm4b:s11+s4] =	stream.indirect_vreg.scatter [tilespmem:s22], [sflag:$0x4], $0x80, v4, vm0, $0xb8;
	[tilespmem:$0x1AC80] =	vst v63  }
0x51c: {  	s24 =	simm.s32 $0x10480  }
0x51d: {  	[hbm4b:s18+s4] =	stream.indirect_vreg.scatter [tilespmem:s24], [sflag:$0x4], $0x80, v4, vm0, $0xb8;
	[tilespmem:$0x1AC80] =	vst v63  }
0x51e: {  	s25 =	simm.s32 $0x10C80  }
0x51f: {  	[hbm4b:s19+s4] =	stream.indirect_vreg.scatter [tilespmem:s25], [sflag:$0x4], $0x80, v4, vm0, $0xb8;
	[tilespmem:$0x1AC80] =	vst v63  }
0x520: {  	v4 =	vld [tilespmem:$0xE00];
	_ =	sdelay $0x4  }
0x521: {  	v5 =	vshll.u32 v4, $0x4  }
0x522: {  	v4 =	vand.u32 $0x7, v4;
	v5 =	vand.u32 $0xFFFFFF80, v5  }
0x523: {  	v4 =	vor.u32 v4, v5  }
0x524: {  	v5 =	vperm.xlane v4, v1;
	_ =	sdelay $0x1  }
0x525: {  	v5 =	vadd.s32 v2, v5;
	_ =	sdelay $0x4  }
0x526: {  	[hbm4b:s15+s4] =	stream.indirect_vreg.scatter [tilespmem:s14], [sflag:$0x6], $0x80, v5, vm0, $0xb8;
	[tilespmem:$0x1AC80] =	vst v63  }
0x527: {  	_ = 	snop  }
0x528: {  	[hbm4b:s23+s4] =	stream.indirect_vreg.scatter [tilespmem:s7], [sflag:$0x6], $0x80, v5, vm0, $0xb8;
	[tilespmem:$0x1AC80] =	vst v63  }
0x529: {  	_ = 	snop  }
0x52a: {  	[hbm4b:s26+s4] =	stream.indirect_vreg.scatter [tilespmem:s2], [sflag:$0x6], $0x80, v5, vm0, $0xb8;
	[tilespmem:$0x1AC80] =	vst v63  }
0x52b: {  	_ = 	snop  }
0x52c: {  	[hbm4b:s30+s4] =	stream.indirect_vreg.scatter [tilespmem:s28], [sflag:$0x6], $0x80, v5, vm0, $0xb8;
	[tilespmem:$0x1AC80] =	vst v63  }
0x52d: {  	_ = 	snop  }
0x52e: {  	[hbm4b:s6+s4] =	stream.indirect_vreg.scatter [tilespmem:s3], [sflag:$0x6], $0x80, v5, vm0, $0xb8;
	[tilespmem:$0x1AC80] =	vst v63  }
0x52f: {  	v4 =	vperm.xlane v4, v3  }
0x530: {  	[hbm4b:s11+s4] =	stream.indirect_vreg.scatter [tilespmem:s5], [sflag:$0x6], $0x80, v5, vm0, $0xb8;
	[tilespmem:$0x1AC80] =	vst v63  }
0x531: {  	v4 =	vadd.s32 v2, v4  }
0x532: {  	[hbm4b:s18+s4] =	stream.indirect_vreg.scatter [tilespmem:s29], [sflag:$0x6], $0x80, v5, vm0, $0xb8;
	[tilespmem:$0x1AC80] =	vst v63  }
0x533: {  	_ = 	snop  }
0x534: {  	[hbm4b:s19+s4] =	stream.indirect_vreg.scatter [tilespmem:s8], [sflag:$0x6], $0x80, v5, vm0, $0xb8;
	[tilespmem:$0x1AC80] =	vst v63  }
0x535: {  	_ = 	snop  }
0x536: {  	[hbm4b:s15+s4] =	stream.indirect_vreg.scatter [tilespmem:s9], [sflag:$0x6], $0x80, v4, vm0, $0xb8;
	[tilespmem:$0x1AC80] =	vst v63  }
0x537: {  	_ = 	snop  }
0x538: {  	[hbm4b:s23+s4] =	stream.indirect_vreg.scatter [tilespmem:s10], [sflag:$0x6], $0x80, v4, vm0, $0xb8;
	[tilespmem:$0x1AC80] =	vst v63  }
0x539: {  	_ = 	snop  }
0x53a: {  	[hbm4b:s26+s4] =	stream.indirect_vreg.scatter [tilespmem:s13], [sflag:$0x6], $0x80, v4, vm0, $0xb8;
	[tilespmem:$0x1AC80] =	vst v63  }
0x53b: {  	_ = 	snop  }
0x53c: {  	[hbm4b:s30+s4] =	stream.indirect_vreg.scatter [tilespmem:s16], [sflag:$0x6], $0x80, v4, vm0, $0xb8;
	[tilespmem:$0x1AC80] =	vst v63  }
0x53d: {  	_ = 	snop  }
0x53e: {  	[hbm4b:s6+s4] =	stream.indirect_vreg.scatter [tilespmem:s17], [sflag:$0x6], $0x80, v4, vm0, $0xb8;
	[tilespmem:$0x1AC80] =	vst v63  }
0x53f: {  	_ = 	snop  }
0x540: {  	[hbm4b:s11+s4] =	stream.indirect_vreg.scatter [tilespmem:s22], [sflag:$0x6], $0x80, v4, vm0, $0xb8;
	[tilespmem:$0x1AC80] =	vst v63  }
.Ltmp37:
0x541: {  	_ = 	snop;
	(pc) =	sbr.rel @p0 .LBB2_47-.Ltmp37, $4  }
0x542: {  	_ = 	snop  }
0x543: {  	[hbm4b:s18+s4] =	stream.indirect_vreg.scatter [tilespmem:s24], [sflag:$0x6], $0x80, v4, vm0, $0xb8;
	[tilespmem:$0x1AC80] =	vst v63  }
0x544: {  	_ = 	snop  }
0x545: {  	[hbm4b:s19+s4] =	stream.indirect_vreg.scatter [tilespmem:s25], [sflag:$0x6], $0x80, v4, vm0, $0xb8;
	[tilespmem:$0x1AC80] =	vst v63  }
.Ltmp38:
0x546: {  	(pc) =	sbr.rel @p1 .LBB2_49-.Ltmp38, $1  }
0x547: {  	_ =	sdelay $0x3  }
0x548: {  	s22 =	simm.s32 $0x11480;
	s7 =	rddreg [dreg:$0x1b]  }
0x549: {  	[tilespmem:s22], [sflag:$0x7] =	stream.linear.gather [hbm4b:s7+s4], $0x800, $0x38;
	[tilespmem:$0x1AC80] =	vst v63  }
0x54a: {  	_ =	swait.ge [sflag:s31], $0x800  }
0x54b: {  	[sflag:s31] =	ssyncset.done $0x0  }
0x54c: {  	s24 =	simm.s32 $0x11C80;
	s29 =	rddreg [dreg:$0x1c];
	[sflag:s31] =	ssyncadd.s32 $0xFFFFF800  }
0x54d: {  	[tilespmem:s24], [sflag:$0x7] =	stream.linear.gather [hbm4b:s29+s4], $0x800, $0x38;
	[tilespmem:$0x1AC80] =	vst v63  }
0x54e: {  	_ =	swait.ge [sflag:s31], $0x800  }
0x54f: {  	[sflag:s31] =	ssyncset.done $0x0  }
0x550: {  	s25 =	simm.s32 $0x1800;
	[sflag:s31] =	ssyncadd.s32 $0xFFFFF800  }
.LBB2_46:
0x551: {  	v4 =	vld [tilespmem:s24+$0x0];
	_ =	sdelay $0x6  }
0x552: {  	v5 =	vld [tilespmem:s22+$0x0]  }
0x553: {  	v4 =	vld.idx.msk [tilespmem:v4+s4+$0x0], $0xffff;
	_ =	sdelay $0x4  }
0x554: {  	p2 =	seq.s32 s25, $0x1FF0;
	v4 =	vadd.s32 v4, v5  }
.Ltmp39:
0x555: {  	_ = 	snop;
	(pc) =	sbr.rel @!p2 .LBB2_46-.Ltmp39, $3  }
0x556: {  	_ =	sdelay $0x1  }
0x557: {  	v5 =	vor.u32 s25, v0  }
0x558: {  	s24 =	sadd.s32 $0x10, s24;
	s22 =	sadd.s32 $0x10, s22;
	s25 =	sadd.s32 $0x10, s25;
	[tilespmem:v4+s21+$0x0] =	vst.idx.msk $0xffff, v5  }
.Ltmp40:
0x559: {  	_ = 	snop;
	(pc) =	sbr.rel .LBB2_49-.Ltmp40, $1  }
0x55a: {  	_ =	sdelay $0x3  }
.LBB2_47:
0x55b: {  	s22 =	simm.s32 $0x0;
	s7 =	rddreg [dreg:$0x1b];
	s0 =	simm.s32 $0x11480  }
0x55c: {  	[tilespmem:s0], [sflag:$0x7] =	stream.linear.gather [hbm4b:s7+s22], $0x800, $0x38;
	[tilespmem:$0x1AC80] =	vst v63  }
0x55d: {  	_ =	swait.ge [sflag:s31], $0x800  }
0x55e: {  	[sflag:s31] =	ssyncset.done $0x0  }
0x55f: {  	s25 =	simm.s32 $0x11C80;
	s24 =	rddreg [dreg:$0x1c];
	[sflag:s31] =	ssyncadd.s32 $0xFFFFF800  }
0x560: {  	[tilespmem:s25], [sflag:$0x7] =	stream.linear.gather [hbm4b:s24+s22], $0x800, $0x38;
	[tilespmem:$0x1AC80] =	vst v63  }
0x561: {  	_ =	swait.ge [sflag:s31], $0x800  }
0x562: {  	[sflag:s31] =	ssyncset.done $0x0  }
0x563: {  	s29 =	simm.s32 $0x12480;
	s28 =	rddreg [dreg:$0x1d];
	[sflag:s31] =	ssyncadd.s32 $0xFFFFF800  }
0x564: {  	[tilespmem:s29], [sflag:$0x7] =	stream.linear.gather [hbm4b:s28+s22], $0x800, $0x38;
	[tilespmem:$0x1AC80] =	vst v63  }
0x565: {  	_ =	swait.ge [sflag:s31], $0x800  }
0x566: {  	[sflag:s31] =	ssyncset.done $0x0  }
0x567: {  	[sflag:s31] =	ssyncadd.s32 $0xFFFFF800  }
.LBB2_48:
0x568: {  	s24 =	sshra.s32 s22, $0x2  }
0x569: {  	v4 =	vld [tilespmem:s24+$0x11C80];
	_ =	sdelay $0x6  }
0x56a: {  	v5 =	vld [tilespmem:s24+$0x11480]  }
0x56b: {  	v4 =	vld.idx.msk [tilespmem:v4+s4+$0x0], $0xffff;
	_ =	sdelay $0x4  }
0x56c: {  	p2 =	sne.s32 s22, $0x1FC0;
	v4 =	vadd.s32 v4, v5;
	v5 =	vld [tilespmem:s24+$0x12480]  }
.Ltmp41:
0x56d: {  	_ = 	snop;
	(pc) =	sbr.rel @p2 .LBB2_48-.Ltmp41, $2  }
0x56e: {  	_ =	sdelay $0x2  }
0x56f: {  	s22 =	sadd.s32 $0x40, s22;
	[tilespmem:v4+s20+$0x0] =	vst.idx.msk $0xffff, v5  }
.LBB2_49:
0x570: {  	s0 =	simm.s32 $0x4  }
0x571: {  	_ =	swait.ge [sflag:s0], $0x8000  }
0x572: {  	[sflag:s0] =	ssyncset.done $0x0  }
0x573: {  	s10 =	simm.s32 $0x6;
	[sflag:s0] =	ssyncadd.s32 $0xFFFF8000  }
0x574: {  	_ =	swait.ge [sflag:s10], $0x8000  }
0x575: {  	s7 =	sld [smem:$0x7F8]  }
0x576: {  	[sflag:s10] =	ssyncset.done $0x0  }
0x577: {  	[sflag:s10] =	ssyncadd.s32 $0xFFFF8000  }
0x578: {  	[tilespmem:s14], [sflag:$0x2] =	stream.linear.gather [hbm4b:s7+s4], $0x8000, $0x38;
	[tilespmem:$0x1AC80] =	vst v63  }
0x579: {  	_ =	swait.ge [sflag:s1], $0x8000  }
0x57a: {  	[sflag:s1] =	ssyncset.done $0x0  }
0x57b: {  	[sflag:s1] =	ssyncadd.s32 $0xFFFF8000  }
0x57c: {  	v4 =	vld [tilespmem:$0xE80];
	_ =	sdelay $0x4  }
0x57d: {  	v5 =	vshll.u32 v4, $0x4  }
0x57e: {  	v4 =	vand.u32 $0x7, v4;
	v5 =	vand.u32 $0xFFFFFF80, v5  }
0x57f: {  	v4 =	vor.u32 v4, v5  }
0x580: {  	v5 =	vperm.xlane v4, v1;
	_ =	sdelay $0x1  }
0x581: {  	v5 =	vadd.s32 v2, v5;
	_ =	sdelay $0x4  }
0x582: {  	[hbm4b:s15+s4] =	stream.indirect_vreg.scatter [tilespmem:s12], [sflag:$0x3], $0x80, v5, vm0, $0xb8;
	[tilespmem:$0x1AC80] =	vst v63  }
0x583: {  	s13 =	simm.s32 $0x1C80  }
0x584: {  	[hbm4b:s23+s4] =	stream.indirect_vreg.scatter [tilespmem:s13], [sflag:$0x3], $0x80, v5, vm0, $0xb8;
	[tilespmem:$0x1AC80] =	vst v63  }
0x585: {  	s14 =	simm.s32 $0x2480  }
0x586: {  	[hbm4b:s26+s4] =	stream.indirect_vreg.scatter [tilespmem:s14], [sflag:$0x3], $0x80, v5, vm0, $0xb8;
	[tilespmem:$0x1AC80] =	vst v63  }
0x587: {  	s16 =	simm.s32 $0x2C80  }
0x588: {  	[hbm4b:s30+s4] =	stream.indirect_vreg.scatter [tilespmem:s16], [sflag:$0x3], $0x80, v5, vm0, $0xb8;
	[tilespmem:$0x1AC80] =	vst v63  }
0x589: {  	s17 =	simm.s32 $0x3480  }
0x58a: {  	[hbm4b:s6+s4] =	stream.indirect_vreg.scatter [tilespmem:s17], [sflag:$0x3], $0x80, v5, vm0, $0xb8;
	[tilespmem:$0x1AC80] =	vst v63  }
0x58b: {  	s22 =	simm.s32 $0x3C80;
	v4 =	vperm.xlane v4, v3  }
0x58c: {  	[hbm4b:s11+s4] =	stream.indirect_vreg.scatter [tilespmem:s22], [sflag:$0x3], $0x80, v5, vm0, $0xb8;
	[tilespmem:$0x1AC80] =	vst v63  }
0x58d: {  	s24 =	simm.s32 $0x4480;
	v4 =	vadd.s32 v2, v4  }
0x58e: {  	[hbm4b:s18+s4] =	stream.indirect_vreg.scatter [tilespmem:s24], [sflag:$0x3], $0x80, v5, vm0, $0xb8;
	[tilespmem:$0x1AC80] =	vst v63  }
0x58f: {  	s25 =	simm.s32 $0x4C80  }
0x590: {  	[hbm4b:s19+s4] =	stream.indirect_vreg.scatter [tilespmem:s25], [sflag:$0x3], $0x80, v5, vm0, $0xb8;
	[tilespmem:$0x1AC80] =	vst v63  }
0x591: {  	s28 =	simm.s32 $0x5480  }
0x592: {  	[hbm4b:s15+s4] =	stream.indirect_vreg.scatter [tilespmem:s28], [sflag:$0x3], $0x80, v4, vm0, $0xb8;
	[tilespmem:$0x1AC80] =	vst v63  }
0x593: {  	s29 =	simm.s32 $0x5C80  }
0x594: {  	[hbm4b:s23+s4] =	stream.indirect_vreg.scatter [tilespmem:s29], [sflag:$0x3], $0x80, v4, vm0, $0xb8;
	[tilespmem:$0x1AC80] =	vst v63  }
0x595: {  	s3 =	simm.s32 $0x6480  }
0x596: {  	[hbm4b:s26+s4] =	stream.indirect_vreg.scatter [tilespmem:s3], [sflag:$0x3], $0x80, v4, vm0, $0xb8;
	[tilespmem:$0x1AC80] =	vst v63  }
0x597: {  	s7 =	simm.s32 $0x6C80  }
0x598: {  	[hbm4b:s30+s4] =	stream.indirect_vreg.scatter [tilespmem:s7], [sflag:$0x3], $0x80, v4, vm0, $0xb8;
	[tilespmem:$0x1AC80] =	vst v63  }
0x599: {  	s7 =	simm.s32 $0x7480  }
0x59a: {  	[hbm4b:s6+s4] =	stream.indirect_vreg.scatter [tilespmem:s7], [sflag:$0x3], $0x80, v4, vm0, $0xb8;
	[tilespmem:$0x1AC80] =	vst v63  }
0x59b: {  	s8 =	simm.s32 $0x7C80  }
0x59c: {  	[hbm4b:s11+s4] =	stream.indirect_vreg.scatter [tilespmem:s8], [sflag:$0x3], $0x80, v4, vm0, $0xb8;
	[tilespmem:$0x1AC80] =	vst v63  }
0x59d: {  	s9 =	simm.s32 $0x8480  }
0x59e: {  	[hbm4b:s18+s4] =	stream.indirect_vreg.scatter [tilespmem:s9], [sflag:$0x3], $0x80, v4, vm0, $0xb8;
	[tilespmem:$0x1AC80] =	vst v63  }
0x59f: {  	s14 =	simm.s32 $0x8C80  }
0x5a0: {  	[hbm4b:s19+s4] =	stream.indirect_vreg.scatter [tilespmem:s14], [sflag:$0x3], $0x80, v4, vm0, $0xb8;
	[tilespmem:$0x1AC80] =	vst v63  }
0x5a1: {  	v4 =	vld [tilespmem:$0xF00];
	_ =	sdelay $0x4  }
0x5a2: {  	v5 =	vshll.u32 v4, $0x4  }
0x5a3: {  	v4 =	vand.u32 $0x7, v4;
	v5 =	vand.u32 $0xFFFFFF80, v5  }
0x5a4: {  	v4 =	vor.u32 v4, v5  }
0x5a5: {  	v5 =	vperm.xlane v4, v1;
	_ =	sdelay $0x1  }
0x5a6: {  	v5 =	vadd.s32 v2, v5;
	_ =	sdelay $0x3  }
0x5a7: {  	s2 =	simm.s32 $0x1480  }
0x5a8: {  	[hbm4b:s15+s4] =	stream.indirect_vreg.scatter [tilespmem:s2], [sflag:$0x5], $0x80, v5, vm0, $0xb8;
	[tilespmem:$0x1AC80] =	vst v63  }
0x5a9: {  	s1 =	simm.s32 $0x1C80  }
0x5aa: {  	[hbm4b:s23+s4] =	stream.indirect_vreg.scatter [tilespmem:s1], [sflag:$0x5], $0x80, v5, vm0, $0xb8;
	[tilespmem:$0x1AC80] =	vst v63  }
0x5ab: {  	s5 =	simm.s32 $0x2480  }
0x5ac: {  	[hbm4b:s26+s4] =	stream.indirect_vreg.scatter [tilespmem:s5], [sflag:$0x5], $0x80, v5, vm0, $0xb8;
	[tilespmem:$0x1AC80] =	vst v63  }
0x5ad: {  	s10 =	simm.s32 $0x2C80  }
0x5ae: {  	[hbm4b:s30+s4] =	stream.indirect_vreg.scatter [tilespmem:s10], [sflag:$0x5], $0x80, v5, vm0, $0xb8;
	[tilespmem:$0x1AC80] =	vst v63  }
0x5af: {  	s12 =	simm.s32 $0x3480  }
0x5b0: {  	[hbm4b:s6+s4] =	stream.indirect_vreg.scatter [tilespmem:s12], [sflag:$0x5], $0x80, v5, vm0, $0xb8;
	[tilespmem:$0x1AC80] =	vst v63  }
0x5b1: {  	s13 =	simm.s32 $0x3C80;
	v4 =	vperm.xlane v4, v3  }
0x5b2: {  	[hbm4b:s11+s4] =	stream.indirect_vreg.scatter [tilespmem:s13], [sflag:$0x5], $0x80, v5, vm0, $0xb8;
	[tilespmem:$0x1AC80] =	vst v63  }
0x5b3: {  	s22 =	simm.s32 $0x4480;
	v4 =	vadd.s32 v2, v4  }
0x5b4: {  	[hbm4b:s18+s4] =	stream.indirect_vreg.scatter [tilespmem:s22], [sflag:$0x5], $0x80, v5, vm0, $0xb8;
	[tilespmem:$0x1AC80] =	vst v63  }
0x5b5: {  	s24 =	simm.s32 $0x4C80  }
0x5b6: {  	[hbm4b:s19+s4] =	stream.indirect_vreg.scatter [tilespmem:s24], [sflag:$0x5], $0x80, v5, vm0, $0xb8;
	[tilespmem:$0x1AC80] =	vst v63  }
0x5b7: {  	s25 =	simm.s32 $0x5480  }
0x5b8: {  	[hbm4b:s15+s4] =	stream.indirect_vreg.scatter [tilespmem:s25], [sflag:$0x5], $0x80, v4, vm0, $0xb8;
	[tilespmem:$0x1AC80] =	vst v63  }
0x5b9: {  	s28 =	simm.s32 $0x5C80  }
0x5ba: {  	[hbm4b:s23+s4] =	stream.indirect_vreg.scatter [tilespmem:s28], [sflag:$0x5], $0x80, v4, vm0, $0xb8;
	[tilespmem:$0x1AC80] =	vst v63  }
0x5bb: {  	s29 =	simm.s32 $0x6480  }
0x5bc: {  	[hbm4b:s26+s4] =	stream.indirect_vreg.scatter [tilespmem:s29], [sflag:$0x5], $0x80, v4, vm0, $0xb8;
	[tilespmem:$0x1AC80] =	vst v63  }
0x5bd: {  	s3 =	simm.s32 $0x6C80  }
0x5be: {  	[hbm4b:s30+s4] =	stream.indirect_vreg.scatter [tilespmem:s3], [sflag:$0x5], $0x80, v4, vm0, $0xb8;
	[tilespmem:$0x1AC80] =	vst v63  }
0x5bf: {  	_ = 	snop  }
0x5c0: {  	[hbm4b:s6+s4] =	stream.indirect_vreg.scatter [tilespmem:s7], [sflag:$0x5], $0x80, v4, vm0, $0xb8;
	[tilespmem:$0x1AC80] =	vst v63  }
0x5c1: {  	s17 =	simm.s32 $0x7C80  }
0x5c2: {  	[hbm4b:s11+s4] =	stream.indirect_vreg.scatter [tilespmem:s17], [sflag:$0x5], $0x80, v4, vm0, $0xb8;
	[tilespmem:$0x1AC80] =	vst v63  }
0x5c3: {  	s16 =	simm.s32 $0x8480  }
0x5c4: {  	[hbm4b:s18+s4] =	stream.indirect_vreg.scatter [tilespmem:s16], [sflag:$0x5], $0x80, v4, vm0, $0xb8;
	[tilespmem:$0x1AC80] =	vst v63  }
0x5c5: {  	s8 =	simm.s32 $0x8C80;
	s9 =	simm.s32 $0x3  }
0x5c6: {  	[hbm4b:s19+s4] =	stream.indirect_vreg.scatter [tilespmem:s8], [sflag:$0x5], $0x80, v4, vm0, $0xb8;
	[tilespmem:$0x1AC80] =	vst v63  }
0x5c7: {  	_ =	swait.ge [sflag:s9], $0x8000  }
0x5c8: {  	[sflag:s9] =	ssyncset.done $0x0  }
0x5c9: {  	s16 =	simm.s32 $0x5;
	[sflag:s9] =	ssyncadd.s32 $0xFFFF8000  }
0x5ca: {  	_ =	swait.ge [sflag:s16], $0x8000  }
0x5cb: {  	s10 =	sld [smem:$0x7F9]  }
0x5cc: {  	[sflag:s16] =	ssyncset.done $0x0  }
0x5cd: {  	s22 =	simm.s32 $0x2;
	[sflag:s16] =	ssyncadd.s32 $0xFFFF8000  }
0x5ce: {  	[tilespmem:s2], [sflag:$0x1] =	stream.linear.gather [hbm4b:s10+s4], $0x8000, $0x38;
	[tilespmem:$0x1AC80] =	vst v63  }
0x5cf: {  	_ =	swait.ge [sflag:s22], $0x8000  }
0x5d0: {  	[sflag:s22] =	ssyncset.done $0x0  }
0x5d1: {  	[sflag:s22] =	ssyncadd.s32 $0xFFFF8000  }
0x5d2: {  	v4 =	vld [tilespmem:$0xF80];
	_ =	sdelay $0x4  }
0x5d3: {  	v5 =	vshll.u32 v4, $0x4  }
0x5d4: {  	v4 =	vand.u32 $0x7, v4;
	v5 =	vand.u32 $0xFFFFFF80, v5  }
0x5d5: {  	v4 =	vor.u32 v4, v5  }
0x5d6: {  	v5 =	vperm.xlane v4, v1;
	_ =	sdelay $0x1  }
0x5d7: {  	v5 =	vadd.s32 v2, v5;
	_ =	sdelay $0x3  }
0x5d8: {  	s12 =	simm.s32 $0x9480  }
0x5d9: {  	[hbm4b:s15+s4] =	stream.indirect_vreg.scatter [tilespmem:s12], [sflag:$0x4], $0x80, v5, vm0, $0xb8;
	[tilespmem:$0x1AC80] =	vst v63  }
0x5da: {  	s13 =	simm.s32 $0x9C80  }
0x5db: {  	[hbm4b:s23+s4] =	stream.indirect_vreg.scatter [tilespmem:s13], [sflag:$0x4], $0x80, v5, vm0, $0xb8;
	[tilespmem:$0x1AC80] =	vst v63  }
0x5dc: {  	s14 =	simm.s32 $0xA480  }
0x5dd: {  	[hbm4b:s26+s4] =	stream.indirect_vreg.scatter [tilespmem:s14], [sflag:$0x4], $0x80, v5, vm0, $0xb8;
	[tilespmem:$0x1AC80] =	vst v63  }
0x5de: {  	s7 =	simm.s32 $0xAC80  }
0x5df: {  	[hbm4b:s30+s4] =	stream.indirect_vreg.scatter [tilespmem:s7], [sflag:$0x4], $0x80, v5, vm0, $0xb8;
	[tilespmem:$0x1AC80] =	vst v63  }
0x5e0: {  	s17 =	simm.s32 $0xB480  }
0x5e1: {  	[hbm4b:s6+s4] =	stream.indirect_vreg.scatter [tilespmem:s17], [sflag:$0x4], $0x80, v5, vm0, $0xb8;
	[tilespmem:$0x1AC80] =	vst v63  }
0x5e2: {  	s24 =	simm.s32 $0xBC80;
	v4 =	vperm.xlane v4, v3  }
0x5e3: {  	[hbm4b:s11+s4] =	stream.indirect_vreg.scatter [tilespmem:s24], [sflag:$0x4], $0x80, v5, vm0, $0xb8;
	[tilespmem:$0x1AC80] =	vst v63  }
0x5e4: {  	s25 =	simm.s32 $0xC480;
	v4 =	vadd.s32 v2, v4  }
0x5e5: {  	[hbm4b:s18+s4] =	stream.indirect_vreg.scatter [tilespmem:s25], [sflag:$0x4], $0x80, v5, vm0, $0xb8;
	[tilespmem:$0x1AC80] =	vst v63  }
0x5e6: {  	s0 =	simm.s32 $0xCC80  }
0x5e7: {  	[hbm4b:s19+s4] =	stream.indirect_vreg.scatter [tilespmem:s0], [sflag:$0x4], $0x80, v5, vm0, $0xb8;
	[tilespmem:$0x1AC80] =	vst v63  }
0x5e8: {  	s25 =	simm.s32 $0xD480  }
0x5e9: {  	[hbm4b:s15+s4] =	stream.indirect_vreg.scatter [tilespmem:s25], [sflag:$0x4], $0x80, v4, vm0, $0xb8;
	[tilespmem:$0x1AC80] =	vst v63  }
0x5ea: {  	s5 =	simm.s32 $0xDC80  }
0x5eb: {  	[hbm4b:s23+s4] =	stream.indirect_vreg.scatter [tilespmem:s5], [sflag:$0x4], $0x80, v4, vm0, $0xb8;
	[tilespmem:$0x1AC80] =	vst v63  }
0x5ec: {  	s8 =	simm.s32 $0xE480  }
0x5ed: {  	[hbm4b:s26+s4] =	stream.indirect_vreg.scatter [tilespmem:s8], [sflag:$0x4], $0x80, v4, vm0, $0xb8;
	[tilespmem:$0x1AC80] =	vst v63  }
0x5ee: {  	s9 =	simm.s32 $0xEC80  }
0x5ef: {  	[hbm4b:s30+s4] =	stream.indirect_vreg.scatter [tilespmem:s9], [sflag:$0x4], $0x80, v4, vm0, $0xb8;
	[tilespmem:$0x1AC80] =	vst v63  }
0x5f0: {  	s10 =	simm.s32 $0xF480  }
0x5f1: {  	[hbm4b:s6+s4] =	stream.indirect_vreg.scatter [tilespmem:s10], [sflag:$0x4], $0x80, v4, vm0, $0xb8;
	[tilespmem:$0x1AC80] =	vst v63  }
0x5f2: {  	s12 =	simm.s32 $0xFC80  }
0x5f3: {  	[hbm4b:s11+s4] =	stream.indirect_vreg.scatter [tilespmem:s12], [sflag:$0x4], $0x80, v4, vm0, $0xb8;
	[tilespmem:$0x1AC80] =	vst v63  }
0x5f4: {  	s17 =	simm.s32 $0x10480  }
0x5f5: {  	[hbm4b:s18+s4] =	stream.indirect_vreg.scatter [tilespmem:s17], [sflag:$0x4], $0x80, v4, vm0, $0xb8;
	[tilespmem:$0x1AC80] =	vst v63  }
0x5f6: {  	s0 =	simm.s32 $0x10C80  }
0x5f7: {  	[hbm4b:s19+s4] =	stream.indirect_vreg.scatter [tilespmem:s0], [sflag:$0x4], $0x80, v4, vm0, $0xb8;
	[tilespmem:$0x1AC80] =	vst v63  }
0x5f8: {  	v4 =	vld [tilespmem:$0x1000];
	_ =	sdelay $0x4  }
0x5f9: {  	v5 =	vshll.u32 v4, $0x4  }
0x5fa: {  	v4 =	vand.u32 $0x7, v4;
	v5 =	vand.u32 $0xFFFFFF80, v5  }
0x5fb: {  	v4 =	vor.u32 v4, v5  }
0x5fc: {  	v5 =	vperm.xlane v4, v1;
	_ =	sdelay $0x1  }
0x5fd: {  	v5 =	vadd.s32 v2, v5;
	_ =	sdelay $0x3  }
0x5fe: {  	s17 =	simm.s32 $0x9480  }
0x5ff: {  	[hbm4b:s15+s4] =	stream.indirect_vreg.scatter [tilespmem:s17], [sflag:$0x6], $0x80, v5, vm0, $0xb8;
	[tilespmem:$0x1AC80] =	vst v63  }
0x600: {  	s3 =	simm.s32 $0x9C80  }
0x601: {  	[hbm4b:s23+s4] =	stream.indirect_vreg.scatter [tilespmem:s3], [sflag:$0x6], $0x80, v5, vm0, $0xb8;
	[tilespmem:$0x1AC80] =	vst v63  }
0x602: {  	s2 =	simm.s32 $0xA480  }
0x603: {  	[hbm4b:s26+s4] =	stream.indirect_vreg.scatter [tilespmem:s2], [sflag:$0x6], $0x80, v5, vm0, $0xb8;
	[tilespmem:$0x1AC80] =	vst v63  }
0x604: {  	_ = 	snop  }
0x605: {  	[hbm4b:s30+s4] =	stream.indirect_vreg.scatter [tilespmem:s7], [sflag:$0x6], $0x80, v5, vm0, $0xb8;
	[tilespmem:$0x1AC80] =	vst v63  }
0x606: {  	s28 =	simm.s32 $0xB480  }
0x607: {  	[hbm4b:s6+s4] =	stream.indirect_vreg.scatter [tilespmem:s28], [sflag:$0x6], $0x80, v5, vm0, $0xb8;
	[tilespmem:$0x1AC80] =	vst v63  }
0x608: {  	s29 =	simm.s32 $0xBC80;
	v4 =	vperm.xlane v4, v3  }
0x609: {  	[hbm4b:s11+s4] =	stream.indirect_vreg.scatter [tilespmem:s29], [sflag:$0x6], $0x80, v5, vm0, $0xb8;
	[tilespmem:$0x1AC80] =	vst v63  }
0x60a: {  	s14 =	simm.s32 $0xC480;
	v4 =	vadd.s32 v2, v4  }
0x60b: {  	[hbm4b:s18+s4] =	stream.indirect_vreg.scatter [tilespmem:s14], [sflag:$0x6], $0x80, v5, vm0, $0xb8;
	[tilespmem:$0x1AC80] =	vst v63  }
0x60c: {  	s13 =	simm.s32 $0xCC80  }
0x60d: {  	[hbm4b:s19+s4] =	stream.indirect_vreg.scatter [tilespmem:s13], [sflag:$0x6], $0x80, v5, vm0, $0xb8;
	[tilespmem:$0x1AC80] =	vst v63  }
0x60e: {  	_ = 	snop  }
0x60f: {  	[hbm4b:s15+s4] =	stream.indirect_vreg.scatter [tilespmem:s25], [sflag:$0x6], $0x80, v4, vm0, $0xb8;
	[tilespmem:$0x1AC80] =	vst v63  }
0x610: {  	s5 =	simm.s32 $0xDC80  }
0x611: {  	[hbm4b:s23+s4] =	stream.indirect_vreg.scatter [tilespmem:s5], [sflag:$0x6], $0x80, v4, vm0, $0xb8;
	[tilespmem:$0x1AC80] =	vst v63  }
0x612: {  	s8 =	simm.s32 $0xE480  }
0x613: {  	[hbm4b:s26+s4] =	stream.indirect_vreg.scatter [tilespmem:s8], [sflag:$0x6], $0x80, v4, vm0, $0xb8;
	[tilespmem:$0x1AC80] =	vst v63  }
0x614: {  	s9 =	simm.s32 $0xEC80  }
0x615: {  	[hbm4b:s30+s4] =	stream.indirect_vreg.scatter [tilespmem:s9], [sflag:$0x6], $0x80, v4, vm0, $0xb8;
	[tilespmem:$0x1AC80] =	vst v63  }
0x616: {  	s24 =	simm.s32 $0xF480  }
0x617: {  	[hbm4b:s6+s4] =	stream.indirect_vreg.scatter [tilespmem:s24], [sflag:$0x6], $0x80, v4, vm0, $0xb8;
	[tilespmem:$0x1AC80] =	vst v63  }
0x618: {  	s12 =	simm.s32 $0xFC80  }
0x619: {  	[hbm4b:s11+s4] =	stream.indirect_vreg.scatter [tilespmem:s12], [sflag:$0x6], $0x80, v4, vm0, $0xb8;
	[tilespmem:$0x1AC80] =	vst v63  }
0x61a: {  	s1 =	simm.s32 $0x10480  }
0x61b: {  	[hbm4b:s18+s4] =	stream.indirect_vreg.scatter [tilespmem:s1], [sflag:$0x6], $0x80, v4, vm0, $0xb8;
	[tilespmem:$0x1AC80] =	vst v63  }
0x61c: {  	s0 =	simm.s32 $0x10C80;
	s7 =	simm.s32 $0x4  }
0x61d: {  	[hbm4b:s19+s4] =	stream.indirect_vreg.scatter [tilespmem:s0], [sflag:$0x6], $0x80, v4, vm0, $0xb8;
	[tilespmem:$0x1AC80] =	vst v63  }
0x61e: {  	_ =	swait.ge [sflag:s7], $0x8000  }
0x61f: {  	[sflag:s7] =	ssyncset.done $0x0  }
0x620: {  	s8 =	simm.s32 $0x6;
	[sflag:s7] =	ssyncadd.s32 $0xFFFF8000  }
0x621: {  	_ =	swait.ge [sflag:s8], $0x8000  }
0x622: {  	s9 =	sld [smem:$0x7FA]  }
0x623: {  	[sflag:s8] =	ssyncset.done $0x0  }
0x624: {  	s10 =	simm.s32 $0x9480;
	s12 =	simm.s32 $0x1;
	[sflag:s8] =	ssyncadd.s32 $0xFFFF8000  }
0x625: {  	[tilespmem:s10], [sflag:$0x2] =	stream.linear.gather [hbm4b:s9+s4], $0x8000, $0x38;
	[tilespmem:$0x1AC80] =	vst v63  }
0x626: {  	s13 =	simm.s32 $0x1;
	_ =	swait.ge [sflag:s12], $0x8000  }
0x627: {  	s14 =	simm.s32 $0x1;
	[sflag:s13] =	ssyncset.done $0x0  }
0x628: {  	[sflag:s14] =	ssyncadd.s32 $0xFFFF8000  }
0x629: {  	v4 =	vld [tilespmem:$0x1080];
	_ =	sdelay $0x4  }
0x62a: {  	v5 =	vshll.u32 v4, $0x4  }
0x62b: {  	v4 =	vand.u32 $0x7, v4;
	v5 =	vand.u32 $0xFFFFFF80, v5  }
0x62c: {  	v4 =	vor.u32 v4, v5  }
0x62d: {  	v5 =	vperm.xlane v4, v1;
	_ =	sdelay $0x1  }
0x62e: {  	v5 =	vadd.s32 v2, v5;
	_ =	sdelay $0x3  }
0x62f: {  	s1 =	simm.s32 $0x1480  }
0x630: {  	[hbm4b:s15+s4] =	stream.indirect_vreg.scatter [tilespmem:s1], [sflag:$0x3], $0x80, v5, vm0, $0xb8;
	[tilespmem:$0x1AC80] =	vst v63  }
0x631: {  	s7 =	simm.s32 $0x1C80  }
0x632: {  	[hbm4b:s23+s4] =	stream.indirect_vreg.scatter [tilespmem:s7], [sflag:$0x3], $0x80, v5, vm0, $0xb8;
	[tilespmem:$0x1AC80] =	vst v63  }
0x633: {  	s2 =	simm.s32 $0x2480  }
0x634: {  	[hbm4b:s26+s4] =	stream.indirect_vreg.scatter [tilespmem:s2], [sflag:$0x3], $0x80, v5, vm0, $0xb8;
	[tilespmem:$0x1AC80] =	vst v63  }
0x635: {  	s14 =	simm.s32 $0x2C80  }
0x636: {  	[hbm4b:s30+s4] =	stream.indirect_vreg.scatter [tilespmem:s14], [sflag:$0x3], $0x80, v5, vm0, $0xb8;
	[tilespmem:$0x1AC80] =	vst v63  }
0x637: {  	s0 =	simm.s32 $0x3480  }
0x638: {  	[hbm4b:s6+s4] =	stream.indirect_vreg.scatter [tilespmem:s0], [sflag:$0x3], $0x80, v5, vm0, $0xb8;
	[tilespmem:$0x1AC80] =	vst v63  }
0x639: {  	s3 =	simm.s32 $0x3C80;
	v4 =	vperm.xlane v4, v3  }
0x63a: {  	[hbm4b:s11+s4] =	stream.indirect_vreg.scatter [tilespmem:s3], [sflag:$0x3], $0x80, v5, vm0, $0xb8;
	[tilespmem:$0x1AC80] =	vst v63  }
0x63b: {  	s10 =	simm.s32 $0x4480;
	v4 =	vadd.s32 v2, v4  }
0x63c: {  	[hbm4b:s18+s4] =	stream.indirect_vreg.scatter [tilespmem:s10], [sflag:$0x3], $0x80, v5, vm0, $0xb8;
	[tilespmem:$0x1AC80] =	vst v63  }
0x63d: {  	s24 =	simm.s32 $0x4C80  }
0x63e: {  	[hbm4b:s19+s4] =	stream.indirect_vreg.scatter [tilespmem:s24], [sflag:$0x3], $0x80, v5, vm0, $0xb8;
	[tilespmem:$0x1AC80] =	vst v63  }
0x63f: {  	s28 =	simm.s32 $0x5480  }
0x640: {  	[hbm4b:s15+s4] =	stream.indirect_vreg.scatter [tilespmem:s28], [sflag:$0x3], $0x80, v4, vm0, $0xb8;
	[tilespmem:$0x1AC80] =	vst v63  }
0x641: {  	s29 =	simm.s32 $0x5C80  }
0x642: {  	[hbm4b:s23+s4] =	stream.indirect_vreg.scatter [tilespmem:s29], [sflag:$0x3], $0x80, v4, vm0, $0xb8;
	[tilespmem:$0x1AC80] =	vst v63  }
0x643: {  	s12 =	simm.s32 $0x6480  }
0x644: {  	[hbm4b:s26+s4] =	stream.indirect_vreg.scatter [tilespmem:s12], [sflag:$0x3], $0x80, v4, vm0, $0xb8;
	[tilespmem:$0x1AC80] =	vst v63  }
0x645: {  	s13 =	simm.s32 $0x6C80  }
0x646: {  	[hbm4b:s30+s4] =	stream.indirect_vreg.scatter [tilespmem:s13], [sflag:$0x3], $0x80, v4, vm0, $0xb8;
	[tilespmem:$0x1AC80] =	vst v63  }
0x647: {  	s17 =	simm.s32 $0x7480  }
0x648: {  	[hbm4b:s6+s4] =	stream.indirect_vreg.scatter [tilespmem:s17], [sflag:$0x3], $0x80, v4, vm0, $0xb8;
	[tilespmem:$0x1AC80] =	vst v63  }
0x649: {  	s9 =	simm.s32 $0x7C80  }
0x64a: {  	[hbm4b:s11+s4] =	stream.indirect_vreg.scatter [tilespmem:s9], [sflag:$0x3], $0x80, v4, vm0, $0xb8;
	[tilespmem:$0x1AC80] =	vst v63  }
0x64b: {  	s8 =	simm.s32 $0x8480  }
0x64c: {  	[hbm4b:s18+s4] =	stream.indirect_vreg.scatter [tilespmem:s8], [sflag:$0x3], $0x80, v4, vm0, $0xb8;
	[tilespmem:$0x1AC80] =	vst v63  }
0x64d: {  	s5 =	simm.s32 $0x8C80  }
0x64e: {  	[hbm4b:s19+s4] =	stream.indirect_vreg.scatter [tilespmem:s5], [sflag:$0x3], $0x80, v4, vm0, $0xb8;
	[tilespmem:$0x1AC80] =	vst v63  }
0x64f: {  	v4 =	vld [tilespmem:$0x1100];
	_ =	sdelay $0x4  }
0x650: {  	v5 =	vshll.u32 v4, $0x4  }
0x651: {  	v4 =	vand.u32 $0x7, v4;
	v5 =	vand.u32 $0xFFFFFF80, v5  }
0x652: {  	v4 =	vor.u32 v4, v5  }
0x653: {  	v5 =	vperm.xlane v4, v1;
	_ =	sdelay $0x1  }
0x654: {  	v5 =	vadd.s32 v2, v5;
	_ =	sdelay $0x4  }
0x655: {  	[hbm4b:s15+s4] =	stream.indirect_vreg.scatter [tilespmem:s1], [sflag:$0x5], $0x80, v5, vm0, $0xb8;
	[tilespmem:$0x1AC80] =	vst v63  }
0x656: {  	_ = 	snop  }
0x657: {  	[hbm4b:s23+s4] =	stream.indirect_vreg.scatter [tilespmem:s7], [sflag:$0x5], $0x80, v5, vm0, $0xb8;
	[tilespmem:$0x1AC80] =	vst v63  }
0x658: {  	_ = 	snop  }
0x659: {  	[hbm4b:s26+s4] =	stream.indirect_vreg.scatter [tilespmem:s2], [sflag:$0x5], $0x80, v5, vm0, $0xb8;
	[tilespmem:$0x1AC80] =	vst v63  }
0x65a: {  	_ = 	snop  }
0x65b: {  	[hbm4b:s30+s4] =	stream.indirect_vreg.scatter [tilespmem:s14], [sflag:$0x5], $0x80, v5, vm0, $0xb8;
	[tilespmem:$0x1AC80] =	vst v63  }
0x65c: {  	_ = 	snop  }
0x65d: {  	[hbm4b:s6+s4] =	stream.indirect_vreg.scatter [tilespmem:s0], [sflag:$0x5], $0x80, v5, vm0, $0xb8;
	[tilespmem:$0x1AC80] =	vst v63  }
0x65e: {  	v4 =	vperm.xlane v4, v3  }
0x65f: {  	[hbm4b:s11+s4] =	stream.indirect_vreg.scatter [tilespmem:s3], [sflag:$0x5], $0x80, v5, vm0, $0xb8;
	[tilespmem:$0x1AC80] =	vst v63  }
0x660: {  	v4 =	vadd.s32 v2, v4  }
0x661: {  	[hbm4b:s18+s4] =	stream.indirect_vreg.scatter [tilespmem:s10], [sflag:$0x5], $0x80, v5, vm0, $0xb8;
	[tilespmem:$0x1AC80] =	vst v63  }
0x662: {  	_ = 	snop  }
0x663: {  	[hbm4b:s19+s4] =	stream.indirect_vreg.scatter [tilespmem:s24], [sflag:$0x5], $0x80, v5, vm0, $0xb8;
	[tilespmem:$0x1AC80] =	vst v63  }
0x664: {  	_ = 	snop  }
0x665: {  	[hbm4b:s15+s4] =	stream.indirect_vreg.scatter [tilespmem:s28], [sflag:$0x5], $0x80, v4, vm0, $0xb8;
	[tilespmem:$0x1AC80] =	vst v63  }
0x666: {  	_ = 	snop  }
0x667: {  	[hbm4b:s23+s4] =	stream.indirect_vreg.scatter [tilespmem:s29], [sflag:$0x5], $0x80, v4, vm0, $0xb8;
	[tilespmem:$0x1AC80] =	vst v63  }
0x668: {  	_ = 	snop  }
0x669: {  	[hbm4b:s26+s4] =	stream.indirect_vreg.scatter [tilespmem:s12], [sflag:$0x5], $0x80, v4, vm0, $0xb8;
	[tilespmem:$0x1AC80] =	vst v63  }
0x66a: {  	_ = 	snop  }
0x66b: {  	[hbm4b:s30+s4] =	stream.indirect_vreg.scatter [tilespmem:s13], [sflag:$0x5], $0x80, v4, vm0, $0xb8;
	[tilespmem:$0x1AC80] =	vst v63  }
0x66c: {  	s17 =	simm.s32 $0x7480  }
0x66d: {  	[hbm4b:s6+s4] =	stream.indirect_vreg.scatter [tilespmem:s17], [sflag:$0x5], $0x80, v4, vm0, $0xb8;
	[tilespmem:$0x1AC80] =	vst v63  }
0x66e: {  	_ = 	snop  }
0x66f: {  	[hbm4b:s11+s4] =	stream.indirect_vreg.scatter [tilespmem:s9], [sflag:$0x5], $0x80, v4, vm0, $0xb8;
	[tilespmem:$0x1AC80] =	vst v63  }
0x670: {  	_ = 	snop  }
0x671: {  	[hbm4b:s18+s4] =	stream.indirect_vreg.scatter [tilespmem:s8], [sflag:$0x5], $0x80, v4, vm0, $0xb8;
	[tilespmem:$0x1AC80] =	vst v63  }
0x672: {  	s2 =	simm.s32 $0x3  }
0x673: {  	[hbm4b:s19+s4] =	stream.indirect_vreg.scatter [tilespmem:s5], [sflag:$0x5], $0x80, v4, vm0, $0xb8;
	[tilespmem:$0x1AC80] =	vst v63  }
0x674: {  	_ =	swait.ge [sflag:s2], $0x8000  }
0x675: {  	[sflag:s2] =	ssyncset.done $0x0  }
0x676: {  	[sflag:s2] =	ssyncadd.s32 $0xFFFF8000  }
0x677: {  	_ =	swait.ge [sflag:s16], $0x8000  }
0x678: {  	s3 =	sld [smem:$0x7FB]  }
0x679: {  	[sflag:s16] =	ssyncset.done $0x0  }
0x67a: {  	s1 =	simm.s32 $0x1480;
	[sflag:s16] =	ssyncadd.s32 $0xFFFF8000  }
0x67b: {  	[tilespmem:s1], [sflag:$0x1] =	stream.linear.gather [hbm4b:s3+s4], $0x8000, $0x38;
	[tilespmem:$0x1AC80] =	vst v63  }
0x67c: {  	_ =	swait.ge [sflag:s22], $0x8000  }
0x67d: {  	[sflag:s22] =	ssyncset.done $0x0  }
0x67e: {  	[sflag:s22] =	ssyncadd.s32 $0xFFFF8000  }
0x67f: {  	v4 =	vld [tilespmem:$0x1180];
	_ =	sdelay $0x4  }
0x680: {  	v5 =	vshll.u32 v4, $0x4  }
0x681: {  	v4 =	vand.u32 $0x7, v4;
	v5 =	vand.u32 $0xFFFFFF80, v5  }
0x682: {  	v4 =	vor.u32 v4, v5  }
0x683: {  	v5 =	vperm.xlane v4, v1;
	_ =	sdelay $0x1  }
0x684: {  	v5 =	vadd.s32 v2, v5;
	_ =	sdelay $0x3  }
0x685: {  	s5 =	simm.s32 $0x9480  }
0x686: {  	[hbm4b:s15+s4] =	stream.indirect_vreg.scatter [tilespmem:s5], [sflag:$0x4], $0x80, v5, vm0, $0xb8;
	[tilespmem:$0x1AC80] =	vst v63  }
0x687: {  	s8 =	simm.s32 $0x9C80  }
0x688: {  	[hbm4b:s23+s4] =	stream.indirect_vreg.scatter [tilespmem:s8], [sflag:$0x4], $0x80, v5, vm0, $0xb8;
	[tilespmem:$0x1AC80] =	vst v63  }
0x689: {  	s0 =	simm.s32 $0xA480  }
0x68a: {  	[hbm4b:s26+s4] =	stream.indirect_vreg.scatter [tilespmem:s0], [sflag:$0x4], $0x80, v5, vm0, $0xb8;
	[tilespmem:$0x1AC80] =	vst v63  }
0x68b: {  	s13 =	simm.s32 $0xAC80  }
0x68c: {  	[hbm4b:s30+s4] =	stream.indirect_vreg.scatter [tilespmem:s13], [sflag:$0x4], $0x80, v5, vm0, $0xb8;
	[tilespmem:$0x1AC80] =	vst v63  }
0x68d: {  	s24 =	simm.s32 $0xB480  }
0x68e: {  	[hbm4b:s6+s4] =	stream.indirect_vreg.scatter [tilespmem:s24], [sflag:$0x4], $0x80, v5, vm0, $0xb8;
	[tilespmem:$0x1AC80] =	vst v63  }
0x68f: {  	s7 =	simm.s32 $0xBC80;
	v4 =	vperm.xlane v4, v3  }
0x690: {  	[hbm4b:s11+s4] =	stream.indirect_vreg.scatter [tilespmem:s7], [sflag:$0x4], $0x80, v5, vm0, $0xb8;
	[tilespmem:$0x1AC80] =	vst v63  }
0x691: {  	v4 =	vadd.s32 v2, v4;
	s5 =	simm.s32 $0xC480  }
0x692: {  	[hbm4b:s18+s4] =	stream.indirect_vreg.scatter [tilespmem:s5], [sflag:$0x4], $0x80, v5, vm0, $0xb8;
	[tilespmem:$0x1AC80] =	vst v63  }
0x693: {  	s9 =	simm.s32 $0xCC80  }
0x694: {  	[hbm4b:s19+s4] =	stream.indirect_vreg.scatter [tilespmem:s9], [sflag:$0x4], $0x80, v5, vm0, $0xb8;
	[tilespmem:$0x1AC80] =	vst v63  }
0x695: {  	_ = 	snop  }
0x696: {  	[hbm4b:s15+s4] =	stream.indirect_vreg.scatter [tilespmem:s25], [sflag:$0x4], $0x80, v4, vm0, $0xb8;
	[tilespmem:$0x1AC80] =	vst v63  }
0x697: {  	s10 =	simm.s32 $0xDC80  }
0x698: {  	[hbm4b:s23+s4] =	stream.indirect_vreg.scatter [tilespmem:s10], [sflag:$0x4], $0x80, v4, vm0, $0xb8;
	[tilespmem:$0x1AC80] =	vst v63  }
0x699: {  	s14 =	simm.s32 $0xE480  }
0x69a: {  	[hbm4b:s26+s4] =	stream.indirect_vreg.scatter [tilespmem:s14], [sflag:$0x4], $0x80, v4, vm0, $0xb8;
	[tilespmem:$0x1AC80] =	vst v63  }
0x69b: {  	s3 =	simm.s32 $0xEC80  }
0x69c: {  	[hbm4b:s30+s4] =	stream.indirect_vreg.scatter [tilespmem:s3], [sflag:$0x4], $0x80, v4, vm0, $0xb8;
	[tilespmem:$0x1AC80] =	vst v63  }
0x69d: {  	s12 =	simm.s32 $0xF480  }
0x69e: {  	[hbm4b:s6+s4] =	stream.indirect_vreg.scatter [tilespmem:s12], [sflag:$0x4], $0x80, v4, vm0, $0xb8;
	[tilespmem:$0x1AC80] =	vst v63  }
0x69f: {  	s1 =	simm.s32 $0xFC80  }
0x6a0: {  	[hbm4b:s11+s4] =	stream.indirect_vreg.scatter [tilespmem:s1], [sflag:$0x4], $0x80, v4, vm0, $0xb8;
	[tilespmem:$0x1AC80] =	vst v63  }
0x6a1: {  	s16 =	simm.s32 $0x10480  }
0x6a2: {  	[hbm4b:s18+s4] =	stream.indirect_vreg.scatter [tilespmem:s16], [sflag:$0x4], $0x80, v4, vm0, $0xb8;
	[tilespmem:$0x1AC80] =	vst v63  }
0x6a3: {  	s17 =	simm.s32 $0x10C80  }
0x6a4: {  	[hbm4b:s19+s4] =	stream.indirect_vreg.scatter [tilespmem:s17], [sflag:$0x4], $0x80, v4, vm0, $0xb8;
	[tilespmem:$0x1AC80] =	vst v63  }
0x6a5: {  	v4 =	vld [tilespmem:$0x1200];
	_ =	sdelay $0x4  }
0x6a6: {  	v5 =	vshll.u32 v4, $0x4  }
0x6a7: {  	v4 =	vand.u32 $0x7, v4;
	v5 =	vand.u32 $0xFFFFFF80, v5  }
0x6a8: {  	v4 =	vor.u32 v4, v5  }
0x6a9: {  	v5 =	vperm.xlane v4, v1;
	_ =	sdelay $0x1  }
0x6aa: {  	v5 =	vadd.s32 v2, v5;
	_ =	sdelay $0x3  }
0x6ab: {  	s29 =	simm.s32 $0x9480  }
0x6ac: {  	[hbm4b:s15+s4] =	stream.indirect_vreg.scatter [tilespmem:s29], [sflag:$0x6], $0x80, v5, vm0, $0xb8;
	[tilespmem:$0x1AC80] =	vst v63  }
0x6ad: {  	_ = 	snop  }
0x6ae: {  	[hbm4b:s23+s4] =	stream.indirect_vreg.scatter [tilespmem:s8], [sflag:$0x6], $0x80, v5, vm0, $0xb8;
	[tilespmem:$0x1AC80] =	vst v63  }
0x6af: {  	_ = 	snop  }
0x6b0: {  	[hbm4b:s26+s4] =	stream.indirect_vreg.scatter [tilespmem:s0], [sflag:$0x6], $0x80, v5, vm0, $0xb8;
	[tilespmem:$0x1AC80] =	vst v63  }
0x6b1: {  	_ = 	snop  }
0x6b2: {  	[hbm4b:s30+s4] =	stream.indirect_vreg.scatter [tilespmem:s13], [sflag:$0x6], $0x80, v5, vm0, $0xb8;
	[tilespmem:$0x1AC80] =	vst v63  }
0x6b3: {  	_ = 	snop  }
0x6b4: {  	[hbm4b:s6+s4] =	stream.indirect_vreg.scatter [tilespmem:s24], [sflag:$0x6], $0x80, v5, vm0, $0xb8;
	[tilespmem:$0x1AC80] =	vst v63  }
0x6b5: {  	v4 =	vperm.xlane v4, v3  }
0x6b6: {  	[hbm4b:s11+s4] =	stream.indirect_vreg.scatter [tilespmem:s7], [sflag:$0x6], $0x80, v5, vm0, $0xb8;
	[tilespmem:$0x1AC80] =	vst v63  }
0x6b7: {  	v4 =	vadd.s32 v2, v4  }
0x6b8: {  	[hbm4b:s18+s4] =	stream.indirect_vreg.scatter [tilespmem:s5], [sflag:$0x6], $0x80, v5, vm0, $0xb8;
	[tilespmem:$0x1AC80] =	vst v63  }
0x6b9: {  	_ = 	snop  }
0x6ba: {  	[hbm4b:s19+s4] =	stream.indirect_vreg.scatter [tilespmem:s9], [sflag:$0x6], $0x80, v5, vm0, $0xb8;
	[tilespmem:$0x1AC80] =	vst v63  }
0x6bb: {  	_ = 	snop  }
0x6bc: {  	[hbm4b:s15+s4] =	stream.indirect_vreg.scatter [tilespmem:s25], [sflag:$0x6], $0x80, v4, vm0, $0xb8;
	[tilespmem:$0x1AC80] =	vst v63  }
0x6bd: {  	_ = 	snop  }
0x6be: {  	[hbm4b:s23+s4] =	stream.indirect_vreg.scatter [tilespmem:s10], [sflag:$0x6], $0x80, v4, vm0, $0xb8;
	[tilespmem:$0x1AC80] =	vst v63  }
0x6bf: {  	_ = 	snop  }
0x6c0: {  	[hbm4b:s26+s4] =	stream.indirect_vreg.scatter [tilespmem:s14], [sflag:$0x6], $0x80, v4, vm0, $0xb8;
	[tilespmem:$0x1AC80] =	vst v63  }
0x6c1: {  	_ = 	snop  }
0x6c2: {  	[hbm4b:s30+s4] =	stream.indirect_vreg.scatter [tilespmem:s3], [sflag:$0x6], $0x80, v4, vm0, $0xb8;
	[tilespmem:$0x1AC80] =	vst v63  }
0x6c3: {  	_ = 	snop  }
0x6c4: {  	[hbm4b:s6+s4] =	stream.indirect_vreg.scatter [tilespmem:s12], [sflag:$0x6], $0x80, v4, vm0, $0xb8;
	[tilespmem:$0x1AC80] =	vst v63  }
0x6c5: {  	_ = 	snop  }
0x6c6: {  	[hbm4b:s11+s4] =	stream.indirect_vreg.scatter [tilespmem:s1], [sflag:$0x6], $0x80, v4, vm0, $0xb8;
	[tilespmem:$0x1AC80] =	vst v63  }
0x6c7: {  	_ = 	snop  }
0x6c8: {  	[hbm4b:s18+s4] =	stream.indirect_vreg.scatter [tilespmem:s16], [sflag:$0x6], $0x80, v4, vm0, $0xb8;
	[tilespmem:$0x1AC80] =	vst v63  }
0x6c9: {  	_ = 	snop  }
0x6ca: {  	[hbm4b:s19+s4] =	stream.indirect_vreg.scatter [tilespmem:s17], [sflag:$0x6], $0x80, v4, vm0, $0xb8;
	[tilespmem:$0x1AC80] =	vst v63  }
0x6cb: {  	s17 =	simm.s32 $0x4  }
0x6cc: {  	_ =	swait.ge [sflag:s17], $0x8000  }
0x6cd: {  	[sflag:s17] =	ssyncset.done $0x0  }
0x6ce: {  	s24 =	simm.s32 $0x6;
	[sflag:s17] =	ssyncadd.s32 $0xFFFF8000  }
0x6cf: {  	_ =	swait.ge [sflag:s24], $0x8000  }
0x6d0: {  	s25 =	sld [smem:$0x7FD]  }
0x6d1: {  	[sflag:s24] =	ssyncset.done $0x0  }
0x6d2: {  	s29 =	simm.s32 $0x9480;
	s17 =	simm.s32 $0x1;
	[sflag:s24] =	ssyncadd.s32 $0xFFFF8000  }
0x6d3: {  	[tilespmem:s29], [sflag:$0x2] =	stream.linear.gather [hbm4b:s25+s4], $0x8000, $0x38;
	[tilespmem:$0x1AC80] =	vst v63  }
0x6d4: {  	_ =	swait.ge [sflag:s17], $0x8000  }
0x6d5: {  	[sflag:s17] =	ssyncset.done $0x0  }
0x6d6: {  	[sflag:s17] =	ssyncadd.s32 $0xFFFF8000  }
0x6d7: {  	v4 =	vld [tilespmem:$0x1280];
	_ =	sdelay $0x4  }
0x6d8: {  	v5 =	vshll.u32 v4, $0x4  }
0x6d9: {  	v4 =	vand.u32 $0x7, v4;
	v5 =	vand.u32 $0xFFFFFF80, v5  }
0x6da: {  	v4 =	vor.u32 v4, v5  }
0x6db: {  	v5 =	vperm.xlane v4, v1;
	_ =	sdelay $0x1  }
0x6dc: {  	v5 =	vadd.s32 v2, v5;
	_ =	sdelay $0x3  }
0x6dd: {  	s2 =	simm.s32 $0x1480  }
0x6de: {  	[hbm4b:s15+s4] =	stream.indirect_vreg.scatter [tilespmem:s2], [sflag:$0x3], $0x80, v5, vm0, $0xb8;
	[tilespmem:$0x1AC80] =	vst v63  }
0x6df: {  	s3 =	simm.s32 $0x1C80  }
0x6e0: {  	[hbm4b:s23+s4] =	stream.indirect_vreg.scatter [tilespmem:s3], [sflag:$0x3], $0x80, v5, vm0, $0xb8;
	[tilespmem:$0x1AC80] =	vst v63  }
0x6e1: {  	s12 =	simm.s32 $0x2480  }
0x6e2: {  	[hbm4b:s26+s4] =	stream.indirect_vreg.scatter [tilespmem:s12], [sflag:$0x3], $0x80, v5, vm0, $0xb8;
	[tilespmem:$0x1AC80] =	vst v63  }
0x6e3: {  	s13 =	simm.s32 $0x2C80  }
0x6e4: {  	[hbm4b:s30+s4] =	stream.indirect_vreg.scatter [tilespmem:s13], [sflag:$0x3], $0x80, v5, vm0, $0xb8;
	[tilespmem:$0x1AC80] =	vst v63  }
0x6e5: {  	s14 =	simm.s32 $0x3480  }
0x6e6: {  	[hbm4b:s6+s4] =	stream.indirect_vreg.scatter [tilespmem:s14], [sflag:$0x3], $0x80, v5, vm0, $0xb8;
	[tilespmem:$0x1AC80] =	vst v63  }
0x6e7: {  	s0 =	simm.s32 $0x3C80;
	v4 =	vperm.xlane v4, v3  }
0x6e8: {  	[hbm4b:s11+s4] =	stream.indirect_vreg.scatter [tilespmem:s0], [sflag:$0x3], $0x80, v5, vm0, $0xb8;
	[tilespmem:$0x1AC80] =	vst v63  }
0x6e9: {  	s25 =	simm.s32 $0x4480;
	v4 =	vadd.s32 v2, v4  }
0x6ea: {  	[hbm4b:s18+s4] =	stream.indirect_vreg.scatter [tilespmem:s25], [sflag:$0x3], $0x80, v5, vm0, $0xb8;
	[tilespmem:$0x1AC80] =	vst v63  }
0x6eb: {  	s5 =	simm.s32 $0x4C80  }
0x6ec: {  	[hbm4b:s19+s4] =	stream.indirect_vreg.scatter [tilespmem:s5], [sflag:$0x3], $0x80, v5, vm0, $0xb8;
	[tilespmem:$0x1AC80] =	vst v63  }
0x6ed: {  	s8 =	simm.s32 $0x5480  }
0x6ee: {  	[hbm4b:s15+s4] =	stream.indirect_vreg.scatter [tilespmem:s8], [sflag:$0x3], $0x80, v4, vm0, $0xb8;
	[tilespmem:$0x1AC80] =	vst v63  }
0x6ef: {  	s9 =	simm.s32 $0x5C80  }
0x6f0: {  	[hbm4b:s23+s4] =	stream.indirect_vreg.scatter [tilespmem:s9], [sflag:$0x3], $0x80, v4, vm0, $0xb8;
	[tilespmem:$0x1AC80] =	vst v63  }
0x6f1: {  	s29 =	simm.s32 $0x6480  }
0x6f2: {  	[hbm4b:s26+s4] =	stream.indirect_vreg.scatter [tilespmem:s29], [sflag:$0x3], $0x80, v4, vm0, $0xb8;
	[tilespmem:$0x1AC80] =	vst v63  }
0x6f3: {  	s7 =	simm.s32 $0x6C80  }
0x6f4: {  	[hbm4b:s30+s4] =	stream.indirect_vreg.scatter [tilespmem:s7], [sflag:$0x3], $0x80, v4, vm0, $0xb8;
	[tilespmem:$0x1AC80] =	vst v63  }
0x6f5: {  	s24 =	simm.s32 $0x7480  }
0x6f6: {  	[hbm4b:s6+s4] =	stream.indirect_vreg.scatter [tilespmem:s24], [sflag:$0x3], $0x80, v4, vm0, $0xb8;
	[tilespmem:$0x1AC80] =	vst v63  }
0x6f7: {  	s10 =	simm.s32 $0x7C80  }
0x6f8: {  	[hbm4b:s11+s4] =	stream.indirect_vreg.scatter [tilespmem:s10], [sflag:$0x3], $0x80, v4, vm0, $0xb8;
	[tilespmem:$0x1AC80] =	vst v63  }
0x6f9: {  	s1 =	simm.s32 $0x8480  }
0x6fa: {  	[hbm4b:s18+s4] =	stream.indirect_vreg.scatter [tilespmem:s1], [sflag:$0x3], $0x80, v4, vm0, $0xb8;
	[tilespmem:$0x1AC80] =	vst v63  }
0x6fb: {  	s16 =	simm.s32 $0x8C80  }
0x6fc: {  	[hbm4b:s19+s4] =	stream.indirect_vreg.scatter [tilespmem:s16], [sflag:$0x3], $0x80, v4, vm0, $0xb8;
	[tilespmem:$0x1AC80] =	vst v63  }
0x6fd: {  	v4 =	vld [tilespmem:$0x1300];
	_ =	sdelay $0x4  }
0x6fe: {  	v5 =	vshll.u32 v4, $0x4  }
0x6ff: {  	v4 =	vand.u32 $0x7, v4;
	v5 =	vand.u32 $0xFFFFFF80, v5  }
0x700: {  	v4 =	vor.u32 v4, v5  }
0x701: {  	v5 =	vperm.xlane v4, v1;
	_ =	sdelay $0x1  }
0x702: {  	v5 =	vadd.s32 v2, v5;
	_ =	sdelay $0x4  }
0x703: {  	[hbm4b:s15+s4] =	stream.indirect_vreg.scatter [tilespmem:s2], [sflag:$0x5], $0x80, v5, vm0, $0xb8;
	[tilespmem:$0x1AC80] =	vst v63  }
0x704: {  	_ = 	snop  }
0x705: {  	[hbm4b:s23+s4] =	stream.indirect_vreg.scatter [tilespmem:s3], [sflag:$0x5], $0x80, v5, vm0, $0xb8;
	[tilespmem:$0x1AC80] =	vst v63  }
0x706: {  	_ = 	snop  }
0x707: {  	[hbm4b:s26+s4] =	stream.indirect_vreg.scatter [tilespmem:s12], [sflag:$0x5], $0x80, v5, vm0, $0xb8;
	[tilespmem:$0x1AC80] =	vst v63  }
0x708: {  	_ = 	snop  }
0x709: {  	[hbm4b:s30+s4] =	stream.indirect_vreg.scatter [tilespmem:s13], [sflag:$0x5], $0x80, v5, vm0, $0xb8;
	[tilespmem:$0x1AC80] =	vst v63  }
0x70a: {  	_ = 	snop  }
0x70b: {  	[hbm4b:s6+s4] =	stream.indirect_vreg.scatter [tilespmem:s14], [sflag:$0x5], $0x80, v5, vm0, $0xb8;
	[tilespmem:$0x1AC80] =	vst v63  }
0x70c: {  	v4 =	vperm.xlane v4, v3  }
0x70d: {  	[hbm4b:s11+s4] =	stream.indirect_vreg.scatter [tilespmem:s0], [sflag:$0x5], $0x80, v5, vm0, $0xb8;
	[tilespmem:$0x1AC80] =	vst v63  }
0x70e: {  	v4 =	vadd.s32 v2, v4  }
0x70f: {  	[hbm4b:s18+s4] =	stream.indirect_vreg.scatter [tilespmem:s25], [sflag:$0x5], $0x80, v5, vm0, $0xb8;
	[tilespmem:$0x1AC80] =	vst v63  }
0x710: {  	_ = 	snop  }
0x711: {  	[hbm4b:s19+s4] =	stream.indirect_vreg.scatter [tilespmem:s5], [sflag:$0x5], $0x80, v5, vm0, $0xb8;
	[tilespmem:$0x1AC80] =	vst v63  }
0x712: {  	_ = 	snop  }
0x713: {  	[hbm4b:s15+s4] =	stream.indirect_vreg.scatter [tilespmem:s8], [sflag:$0x5], $0x80, v4, vm0, $0xb8;
	[tilespmem:$0x1AC80] =	vst v63  }
0x714: {  	_ = 	snop  }
0x715: {  	[hbm4b:s23+s4] =	stream.indirect_vreg.scatter [tilespmem:s9], [sflag:$0x5], $0x80, v4, vm0, $0xb8;
	[tilespmem:$0x1AC80] =	vst v63  }
0x716: {  	_ = 	snop  }
0x717: {  	[hbm4b:s26+s4] =	stream.indirect_vreg.scatter [tilespmem:s29], [sflag:$0x5], $0x80, v4, vm0, $0xb8;
	[tilespmem:$0x1AC80] =	vst v63  }
0x718: {  	_ = 	snop  }
0x719: {  	[hbm4b:s30+s4] =	stream.indirect_vreg.scatter [tilespmem:s7], [sflag:$0x5], $0x80, v4, vm0, $0xb8;
	[tilespmem:$0x1AC80] =	vst v63  }
0x71a: {  	_ = 	snop  }
0x71b: {  	[hbm4b:s6+s4] =	stream.indirect_vreg.scatter [tilespmem:s24], [sflag:$0x5], $0x80, v4, vm0, $0xb8;
	[tilespmem:$0x1AC80] =	vst v63  }
0x71c: {  	_ = 	snop  }
0x71d: {  	[hbm4b:s11+s4] =	stream.indirect_vreg.scatter [tilespmem:s10], [sflag:$0x5], $0x80, v4, vm0, $0xb8;
	[tilespmem:$0x1AC80] =	vst v63  }
0x71e: {  	_ = 	snop  }
0x71f: {  	[hbm4b:s18+s4] =	stream.indirect_vreg.scatter [tilespmem:s1], [sflag:$0x5], $0x80, v4, vm0, $0xb8;
	[tilespmem:$0x1AC80] =	vst v63  }
0x720: {  	_ = 	snop  }
0x721: {  	[hbm4b:s19+s4] =	stream.indirect_vreg.scatter [tilespmem:s16], [sflag:$0x5], $0x80, v4, vm0, $0xb8;
	[tilespmem:$0x1AC80] =	vst v63  }
0x722: {  	_ =	swait.ge [sflag:s22], $0x8000  }
0x723: {  	[sflag:s22] =	ssyncset.done $0x0  }
0x724: {  	[sflag:s22] =	ssyncadd.s32 $0xFFFF8000  }
0x725: {  	v4 =	vld [tilespmem:$0x1380];
	_ =	sdelay $0x4  }
0x726: {  	v5 =	vshll.u32 v4, $0x4  }
0x727: {  	v4 =	vand.u32 $0x7, v4;
	v5 =	vand.u32 $0xFFFFFF80, v5  }
0x728: {  	v4 =	vor.u32 v4, v5  }
0x729: {  	v5 =	vperm.xlane v4, v1;
	_ =	sdelay $0x1  }
0x72a: {  	v5 =	vadd.s32 v2, v5;
	_ =	sdelay $0x3  }
0x72b: {  	s1 =	simm.s32 $0x9480  }
0x72c: {  	[hbm4b:s15+s4] =	stream.indirect_vreg.scatter [tilespmem:s1], [sflag:$0x4], $0x80, v5, vm0, $0xb8;
	[tilespmem:$0x1AC80] =	vst v63  }
0x72d: {  	s0 =	simm.s32 $0x9C80  }
0x72e: {  	[hbm4b:s23+s4] =	stream.indirect_vreg.scatter [tilespmem:s0], [sflag:$0x4], $0x80, v5, vm0, $0xb8;
	[tilespmem:$0x1AC80] =	vst v63  }
0x72f: {  	s25 =	simm.s32 $0xA480  }
0x730: {  	[hbm4b:s26+s4] =	stream.indirect_vreg.scatter [tilespmem:s25], [sflag:$0x4], $0x80, v5, vm0, $0xb8;
	[tilespmem:$0x1AC80] =	vst v63  }
0x731: {  	s3 =	simm.s32 $0xAC80  }
0x732: {  	[hbm4b:s30+s4] =	stream.indirect_vreg.scatter [tilespmem:s3], [sflag:$0x4], $0x80, v5, vm0, $0xb8;
	[tilespmem:$0x1AC80] =	vst v63  }
0x733: {  	s5 =	simm.s32 $0xB480  }
0x734: {  	[hbm4b:s6+s4] =	stream.indirect_vreg.scatter [tilespmem:s5], [sflag:$0x4], $0x80, v5, vm0, $0xb8;
	[tilespmem:$0x1AC80] =	vst v63  }
0x735: {  	s9 =	simm.s32 $0xBC80;
	v4 =	vperm.xlane v4, v3  }
0x736: {  	[hbm4b:s11+s4] =	stream.indirect_vreg.scatter [tilespmem:s9], [sflag:$0x4], $0x80, v5, vm0, $0xb8;
	[tilespmem:$0x1AC80] =	vst v63  }
0x737: {  	s10 =	simm.s32 $0xC480;
	v4 =	vadd.s32 v2, v4  }
0x738: {  	[hbm4b:s18+s4] =	stream.indirect_vreg.scatter [tilespmem:s10], [sflag:$0x4], $0x80, v5, vm0, $0xb8;
	[tilespmem:$0x1AC80] =	vst v63  }
0x739: {  	s13 =	simm.s32 $0xCC80  }
0x73a: {  	[hbm4b:s19+s4] =	stream.indirect_vreg.scatter [tilespmem:s13], [sflag:$0x4], $0x80, v5, vm0, $0xb8;
	[tilespmem:$0x1AC80] =	vst v63  }
0x73b: {  	s2 =	simm.s32 $0xD480  }
0x73c: {  	[hbm4b:s15+s4] =	stream.indirect_vreg.scatter [tilespmem:s2], [sflag:$0x4], $0x80, v4, vm0, $0xb8;
	[tilespmem:$0x1AC80] =	vst v63  }
0x73d: {  	s14 =	simm.s32 $0xDC80  }
0x73e: {  	[hbm4b:s23+s4] =	stream.indirect_vreg.scatter [tilespmem:s14], [sflag:$0x4], $0x80, v4, vm0, $0xb8;
	[tilespmem:$0x1AC80] =	vst v63  }
0x73f: {  	s16 =	simm.s32 $0xE480  }
0x740: {  	[hbm4b:s26+s4] =	stream.indirect_vreg.scatter [tilespmem:s16], [sflag:$0x4], $0x80, v4, vm0, $0xb8;
	[tilespmem:$0x1AC80] =	vst v63  }
0x741: {  	s22 =	simm.s32 $0xEC80  }
0x742: {  	[hbm4b:s30+s4] =	stream.indirect_vreg.scatter [tilespmem:s22], [sflag:$0x4], $0x80, v4, vm0, $0xb8;
	[tilespmem:$0x1AC80] =	vst v63  }
0x743: {  	s24 =	simm.s32 $0xF480  }
0x744: {  	[hbm4b:s6+s4] =	stream.indirect_vreg.scatter [tilespmem:s24], [sflag:$0x4], $0x80, v4, vm0, $0xb8;
	[tilespmem:$0x1AC80] =	vst v63  }
0x745: {  	s8 =	simm.s32 $0xFC80  }
0x746: {  	[hbm4b:s11+s4] =	stream.indirect_vreg.scatter [tilespmem:s8], [sflag:$0x4], $0x80, v4, vm0, $0xb8;
	[tilespmem:$0x1AC80] =	vst v63  }
0x747: {  	s7 =	simm.s32 $0x10480  }
0x748: {  	[hbm4b:s18+s4] =	stream.indirect_vreg.scatter [tilespmem:s7], [sflag:$0x4], $0x80, v4, vm0, $0xb8;
	[tilespmem:$0x1AC80] =	vst v63  }
0x749: {  	s29 =	simm.s32 $0x10C80  }
0x74a: {  	[hbm4b:s19+s4] =	stream.indirect_vreg.scatter [tilespmem:s29], [sflag:$0x4], $0x80, v4, vm0, $0xb8;
	[tilespmem:$0x1AC80] =	vst v63  }
0x74b: {  	v4 =	vld [tilespmem:$0x1400];
	_ =	sdelay $0x4  }
0x74c: {  	v5 =	vshll.u32 v4, $0x4  }
0x74d: {  	v4 =	vand.u32 $0x7, v4;
	v5 =	vand.u32 $0xFFFFFF80, v5  }
0x74e: {  	v4 =	vor.u32 v4, v5  }
0x74f: {  	v5 =	vperm.xlane v4, v1;
	_ =	sdelay $0x1  }
0x750: {  	v5 =	vadd.s32 v2, v5;
	_ =	sdelay $0x4  }
0x751: {  	[hbm4b:s15+s4] =	stream.indirect_vreg.scatter [tilespmem:s1], [sflag:$0x6], $0x80, v5, vm0, $0xb8;
	[tilespmem:$0x1AC80] =	vst v63  }
0x752: {  	_ = 	snop  }
0x753: {  	[hbm4b:s23+s4] =	stream.indirect_vreg.scatter [tilespmem:s0], [sflag:$0x6], $0x80, v5, vm0, $0xb8;
	[tilespmem:$0x1AC80] =	vst v63  }
0x754: {  	_ = 	snop  }
0x755: {  	[hbm4b:s26+s4] =	stream.indirect_vreg.scatter [tilespmem:s25], [sflag:$0x6], $0x80, v5, vm0, $0xb8;
	[tilespmem:$0x1AC80] =	vst v63  }
0x756: {  	_ = 	snop  }
0x757: {  	[hbm4b:s30+s4] =	stream.indirect_vreg.scatter [tilespmem:s3], [sflag:$0x6], $0x80, v5, vm0, $0xb8;
	[tilespmem:$0x1AC80] =	vst v63  }
0x758: {  	_ = 	snop  }
0x759: {  	[hbm4b:s6+s4] =	stream.indirect_vreg.scatter [tilespmem:s5], [sflag:$0x6], $0x80, v5, vm0, $0xb8;
	[tilespmem:$0x1AC80] =	vst v63  }
0x75a: {  	v4 =	vperm.xlane v4, v3  }
0x75b: {  	[hbm4b:s11+s4] =	stream.indirect_vreg.scatter [tilespmem:s9], [sflag:$0x6], $0x80, v5, vm0, $0xb8;
	[tilespmem:$0x1AC80] =	vst v63  }
0x75c: {  	v4 =	vadd.s32 v2, v4  }
0x75d: {  	[hbm4b:s18+s4] =	stream.indirect_vreg.scatter [tilespmem:s10], [sflag:$0x6], $0x80, v5, vm0, $0xb8;
	[tilespmem:$0x1AC80] =	vst v63  }
0x75e: {  	_ = 	snop  }
0x75f: {  	[hbm4b:s19+s4] =	stream.indirect_vreg.scatter [tilespmem:s13], [sflag:$0x6], $0x80, v5, vm0, $0xb8;
	[tilespmem:$0x1AC80] =	vst v63  }
0x760: {  	_ = 	snop  }
0x761: {  	[hbm4b:s15+s4] =	stream.indirect_vreg.scatter [tilespmem:s2], [sflag:$0x6], $0x80, v4, vm0, $0xb8;
	[tilespmem:$0x1AC80] =	vst v63  }
0x762: {  	_ = 	snop  }
0x763: {  	[hbm4b:s23+s4] =	stream.indirect_vreg.scatter [tilespmem:s14], [sflag:$0x6], $0x80, v4, vm0, $0xb8;
	[tilespmem:$0x1AC80] =	vst v63  }
0x764: {  	_ = 	snop  }
0x765: {  	[hbm4b:s26+s4] =	stream.indirect_vreg.scatter [tilespmem:s16], [sflag:$0x6], $0x80, v4, vm0, $0xb8;
	[tilespmem:$0x1AC80] =	vst v63  }
0x766: {  	_ = 	snop  }
0x767: {  	[hbm4b:s30+s4] =	stream.indirect_vreg.scatter [tilespmem:s22], [sflag:$0x6], $0x80, v4, vm0, $0xb8;
	[tilespmem:$0x1AC80] =	vst v63  }
0x768: {  	_ = 	snop  }
0x769: {  	[hbm4b:s6+s4] =	stream.indirect_vreg.scatter [tilespmem:s24], [sflag:$0x6], $0x80, v4, vm0, $0xb8;
	[tilespmem:$0x1AC80] =	vst v63  }
0x76a: {  	_ = 	snop  }
0x76b: {  	[hbm4b:s11+s4] =	stream.indirect_vreg.scatter [tilespmem:s8], [sflag:$0x6], $0x80, v4, vm0, $0xb8;
	[tilespmem:$0x1AC80] =	vst v63  }
0x76c: {  	_ = 	snop  }
0x76d: {  	[hbm4b:s18+s4] =	stream.indirect_vreg.scatter [tilespmem:s7], [sflag:$0x6], $0x80, v4, vm0, $0xb8;
	[tilespmem:$0x1AC80] =	vst v63  }
0x76e: {  	s24 =	simm.s32 $0x3  }
0x76f: {  	[hbm4b:s19+s4] =	stream.indirect_vreg.scatter [tilespmem:s29], [sflag:$0x6], $0x80, v4, vm0, $0xb8;
	[tilespmem:$0x1AC80] =	vst v63  }
0x770: {  	_ =	swait.ge [sflag:s24], $0x8000  }
0x771: {  	[sflag:s24] =	ssyncset.done $0x0  }
0x772: {  	s25 =	simm.s32 $0x5;
	[sflag:s24] =	ssyncadd.s32 $0xFFFF8000  }
0x773: {  	_ =	swait.ge [sflag:s25], $0x8000  }
0x774: {  	[sflag:s25] =	ssyncset.done $0x0  }
0x775: {  	s28 =	simm.s32 $0x4;
	[sflag:s25] =	ssyncadd.s32 $0xFFFF8000  }
0x776: {  	_ =	swait.ge [sflag:s28], $0x8000  }
.Ltmp42:
0x777: {  	[sflag:s28] =	ssyncset.done $0x0;
	(pc) =	sbr.rel @p0 .LBB2_52-.Ltmp42, $4  }
0x778: {  	s29 =	simm.s32 $0x6;
	[sflag:s28] =	ssyncadd.s32 $0xFFFF8000  }
0x779: {  	_ =	swait.ge [sflag:s29], $0x8000  }
0x77a: {  	[sflag:s29] =	ssyncset.done $0x0  }
0x77b: {  	[sflag:s29] =	ssyncadd.s32 $0xFFFF8000  }
.Ltmp43:
0x77c: {  	(pc) =	sbr.rel @p1 .LBB2_54-.Ltmp43, $3  }
0x77d: {  	_ = 	snop  }
0x77e: {  	s0 =	sld [smem:$0x7E9];
	_ =	sdelay $0x1  }
0x77f: {  	s2 =	simm.s32 $0x1480  }
.Ltmp44:
0x780: {  	(pc) =	sbr.rel .LBB2_53-.Ltmp44, $3  }
0x781: {  	_ =	sdelay $0x1  }
0x782: {  	s22 =	rddreg [dreg:$0x3]  }
0x783: {  	[hbm4b:s22+s4] =	stream.linear.scatter [tilespmem:s21], [sflag:$0x7], $0x4000, $0x38;
	[tilespmem:$0x1AC80] =	vst v63  }
.LBB2_55:
0x784: {  	_ =	sfence.sel $0x180000  }
0x785: {  	[bflag:$0x0] =	sbarrier.arrive $0xFFFF  }
0x786: {  	_ =	strace $0x90000047  }
0x787: {  	s0 =	stileid.u32;
	[bflag:$0x2] =	sbarrier.arrive $0xFFFF  }
0x788: {  	p0 =	sne.s32 s0, $0x0;
	s0 =	rddreg [dreg:$0x5]  }
0x789: {  	s0 =	sadd.s32 @!p0 $0x100000, s0  }
0x78a: {  	[sflag:s0] =	ssyncadd.tile.s32 @!p0 $0x1;
	_ =	shalt  }
.Lfunc_end2:
_tile_overlayer_lowered:
.L_overlay_start_2:
0x78b: {  	(tag) =	ssettag $0x2  }
0x78c: {  	s0 =	rddreg [dreg:$0x0];
	s2 =	stileid.u32  }
0x78d: {  	s1 =	rddreg [dreg:$0x1];
	p0 =	sne.s32 s2, $0x0  }
0x78e: {  	s3 =	rddreg [dreg:$0x2];
	[bflag:$0x3] =	sbarrier.arrive $0xFFFF;
	s2 =	simm.s32 @!p0 $0x1C07  }
0x78f: {  	[timem:s3], [sflag:s2] =	dma.local @!p0 [hbm:s0], s1  }
0x790: {  	s0 =	simm.s32 @!p0 $0x7  }
0x791: {  	_ =	swait.ge @!p0 [sflag:s0], s1  }
0x792: {  	s1 =	ssub.s32 @!p0 $0x0, s1;
	[sflag:s0] =	ssyncset.done @!p0 $0x0  }
0x793: {  	[sflag:s0] =	ssyncadd.s32 @!p0 s1  }
0x794: {  	[bflag:$0x3] =	sbarrier.arrive $0xFFFF  }
0x795: {  	_ =	shalt  }

</sc_bundles>
